<compile_context>
chip_gen: v7x
topology: tpu7x:2x2x1
jax: 0.10.2.dev20260603
libtpu: 0.0.44.dev20260713+nightly
codegen_flags: <defaults>
</compile_context>

<pallas_src>
import functools

import numpy as np
import jax
import jax.numpy as jnp
from jax import lax
from jax.experimental import pallas as pl
from jax.experimental.pallas import tpu as pltpu
from jax.experimental.pallas import tpu_sc as plsc

_N_NODES = 10000
_N_EDGES = 320000
_DF = 128
_N_POSSIBLE = _N_NODES * _N_NODES - _N_NODES
_NEG_SCALE = (_N_POSSIBLE - _N_EDGES) / _N_EDGES
_EPS = float(-np.log(1.0 - _N_EDGES / _N_POSSIBLE))

_C = 128
_NCHUNK = _N_EDGES // _C
_NW = 32
_NS = 16
_L = 16
_NT_BIG, _NT_SMALL = 80, 78
_IO_CHUNKS = 32
_IO_RELOAD = 16
_IDXN = _IO_CHUNKS * _C
_E_PAD = (_NCHUNK + 2) * _C
_N_NODES_PAD = 10240
_ROWS_PER_SUB = _N_NODES_PAD // _NS
_SLAB = 128

_LN2 = 0.6931471805599453
_SQRT2 = 1.4142135623730951


def _log16(y):
    bits = lax.bitcast_convert_type(y, jnp.int32)
    e = ((bits >> 23) & 0xFF) - 127
    m = lax.bitcast_convert_type(
        (bits & 0x007FFFFF) | 0x3F800000, jnp.float32)
    big = m > _SQRT2
    m = jnp.where(big, m * 0.5, m)
    e = jnp.where(big, e + 1, e)
    t = (m - 1.0) / (m + 1.0)
    t2 = t * t
    p = t * (2.0 + t2 * (2.0 / 3.0 + t2 * (2.0 / 5.0 + t2 * (2.0 / 7.0))))
    return e.astype(jnp.float32) * _LN2 + p


def _row_dot_partial(r1_v, r2_v, e):
    acc = r1_v[e, pl.ds(0, _L)] * r2_v[e, pl.ds(0, _L)]
    for k in range(1, _DF // _L):
        acc = acc + r1_v[e, pl.ds(k * _L, _L)] * r2_v[e, pl.ds(k * _L, _L)]
    return acc


def _row_dot_mixed(r1_v, r2p_v, e):
    acc = None
    for k in range(_DF // (2 * _L)):
        w2 = r2p_v[e, pl.ds(k * _L, _L)]
        lo2 = lax.bitcast_convert_type(w2 << 16, jnp.float32)
        hi2 = lax.bitcast_convert_type(w2 & jnp.int32(-65536), jnp.float32)
        a_lo = r1_v[e, pl.ds(k * _L, _L)]
        a_hi = r1_v[e, pl.ds(_DF // 2 + k * _L, _L)]
        p = a_lo * lo2 + a_hi * hi2
        acc = p if acc is None else acc + p
    return acc


_GATHER_DNUMS = lax.GatherDimensionNumbers(
    offset_dims=(), collapsed_slice_dims=(0,), start_index_map=(0,))


def _permute(x, perm):
    return lax.gather(
        x, perm[:, None], dimension_numbers=_GATHER_DNUMS,
        slice_sizes=(1,), mode=lax.GatherScatterMode.PROMISE_IN_BOUNDS)


def _merge(a, b, s, lane):
    m = (lane & s) == 0
    return (jnp.where(m, a, b)
            + jnp.where(m, _permute(a, lane ^ s), _permute(b, lane ^ s)))


def _hsum_bcast(x, lane):
    for s in (1, 2, 4, 8):
        x = x + _permute(x, lane ^ s)
    return x


def _build_berpo_sc():
    mesh = plsc.VectorSubcoreMesh(core_axis_name="c", subcore_axis_name="s")
    return functools.partial(
        pl.kernel,
        out_type=[
            jax.ShapeDtypeStruct((_NW, _L), jnp.float32),
            jax.ShapeDtypeStruct((2, _N_NODES_PAD, _DF), jnp.bfloat16),
        ],
        mesh=mesh,
        compiler_params=pltpu.CompilerParams(use_tc_tiling_on_sc=False),
        scratch_types=[
            pltpu.VMEM((_IDXN,), jnp.int32),
            pltpu.VMEM((_IDXN,), jnp.int32),
            pltpu.VMEM((_C,), jnp.int32),
            pltpu.VMEM((_C,), jnp.int32),
            pltpu.VMEM((_C,), jnp.int32),
            pltpu.VMEM((_C,), jnp.int32),
            pltpu.VMEM((_C, _DF), jnp.float32),
            pltpu.VMEM((_C, _DF // 2), jnp.int32),
            pltpu.VMEM((_C, _DF), jnp.float32),
            pltpu.VMEM((_C, _DF // 2), jnp.int32),
            pltpu.VMEM((_C, _DF), jnp.bfloat16),
            pltpu.VMEM_SHARED((_N_NODES_PAD, _DF), jnp.bfloat16),
            pltpu.VMEM((_L,), jnp.float32),
            pltpu.SemaphoreType.DMA,
            pltpu.SemaphoreType.DMA,
            pltpu.SemaphoreType.DMA,
            pltpu.SemaphoreType.DMA,
            pltpu.SemaphoreType.DMA,
            pltpu.SemaphoreType.DMA,
        ],
    )(_berpo_body)


def _berpo_body(e1, e2, ne1, ne2, emb, embp, embz, out_ones, out_g,
                io1_v, io2_v, zi1e_v, zi2e_v, zi1o_v, zi2o_v,
                ra1_v, ra2_v, rc1_v, rc2_v, zb_v, g_sh, stage_v,
                sem_a, sem_d, sem_b, sem_ze, sem_zo, sem_s):
    cid = lax.axis_index("c")
    sid = lax.axis_index("s")
    wid = sid * 2 + cid
    nt = jnp.where(wid < 2, _NT_BIG, _NT_SMALL)
    base = jnp.where(wid < 2, wid * _NT_BIG,
                     2 * _NT_BIG + (wid - 2) * _NT_SMALL)

    lane = lax.iota(jnp.int32, _L)

    pltpu.sync_copy(e1.at[pl.ds(base * _C, _IDXN)], io1_v)
    pltpu.sync_copy(e2.at[pl.ds(base * _C, _IDXN)], io2_v)

    def lt_of(t):
        return t & (_IO_CHUNKS - 1)

    def start_ones(t, d1, d2, sem):
        lt = lt_of(t)
        pltpu.async_copy(emb.at[io1_v.at[pl.ds(lt * _C, _C)]], d1, sem)
        pltpu.async_copy(embp.at[io2_v.at[pl.ds(lt * _C, _C)]], d2, sem)

    def wait_ones(t, d1, d2, sem):
        lt = lt_of(t)
        pltpu.make_async_copy(
            emb.at[io1_v.at[pl.ds(lt * _C, _C)]], d1, sem).wait()
        pltpu.make_async_copy(
            embp.at[io2_v.at[pl.ds(lt * _C, _C)]], d2, sem).wait()

    def start_zidx(t, z1, z2, sem):
        pltpu.async_copy(ne1.at[pl.ds((base + t) * _C, _C)], z1, sem)
        pltpu.async_copy(ne2.at[pl.ds((base + t) * _C, _C)], z2, sem)

    def wait_zidx(t, z1, z2, sem):
        pltpu.make_async_copy(ne1.at[pl.ds((base + t) * _C, _C)], z1, sem).wait()
        pltpu.make_async_copy(ne2.at[pl.ds((base + t) * _C, _C)], z2, sem).wait()

    start_zidx(0, zi1e_v, zi2e_v, sem_ze)
    start_zidx(1, zi1o_v, zi2o_v, sem_zo)
    start_ones(0, ra1_v, ra2_v, sem_a)
    start_ones(1, rc1_v, rc2_v, sem_d)

    def zero_row(r, _):
        for c in range(_DF // (2 * _L)):
            zb_v[r, pl.ds(c * 2 * _L, 2 * _L)] = jnp.zeros(
                (2 * _L,), jnp.bfloat16)
        return 0
    lax.fori_loop(0, _SLAB, zero_row, 0)
    for k in range(_ROWS_PER_SUB // _SLAB):
        pltpu.sync_copy(
            zb_v, g_sh.at[pl.ds(sid * _ROWS_PER_SUB + k * _SLAB, _SLAB)])
    plsc.subcore_barrier()

    wait_zidx(0, zi1e_v, zi2e_v, sem_ze)
    pltpu.async_copy(embz.at[zi2e_v], zb_v, sem_b)

    sets = (
        (ra1_v, ra2_v, sem_a, zi1e_v, zi2e_v, sem_ze),
        (rc1_v, rc2_v, sem_d, zi1o_v, zi2o_v, sem_zo),
    )

    def body(t2, s1):
        for b in range(2):
            d1, d2, sem, z1, z2, sem_z = sets[b]
            oz1, oz2, osem_z = sets[1 - b][3], sets[1 - b][4], sets[1 - b][5]
            t = 2 * t2 + b

            wait_ones(t, d1, d2, sem)
            pltpu.make_async_copy(embz.at[z2], zb_v, sem_b).wait()
            pltpu.async_copy(zb_v, g_sh.at[z1], sem_s, add=True)

            if b == 0:
                for t2_re, chunk0, row0 in ((9, 32, 0), (17, 48, 16),
                                            (25, 64, 0)):
                    @pl.when(t2 == t2_re)
                    def _(chunk0=chunk0, row0=row0):
                        src0 = (base + chunk0) * _C
                        n_re = _IO_RELOAD * _C
                        pltpu.sync_copy(
                            e1.at[pl.ds(src0, n_re)],
                            io1_v.at[pl.ds(row0 * _C, n_re)])
                        pltpu.sync_copy(
                            e2.at[pl.ds(src0, n_re)],
                            io2_v.at[pl.ds(row0 * _C, n_re)])

            def ones_group(g, acc_s1):
                def edge(j, dv):
                    part = _row_dot_mixed(d1, d2, g * _L + j)
                    return jnp.where(lane == j, _hsum_bcast(part, lane), dv)
                d = lax.fori_loop(0, _L, edge,
                                  jnp.zeros((_L,), jnp.float32), unroll=4)
                y = 1.0 - jnp.exp(-_EPS - d)
                return acc_s1 + _log16(y)
            s1 = lax.fori_loop(0, _C // _L, ones_group, s1)

            @pl.when(t + 2 < nt)
            def _():
                start_ones(t + 2, d1, d2, sem)

            pltpu.make_async_copy(zb_v, g_sh.at[z1], sem_s).wait()

            @pl.when(t + 2 < nt)
            def _():
                start_zidx(t + 2, z1, z2, sem_z)

            @pl.when(t + 1 < nt)
            def _():
                wait_zidx(t + 1, oz1, oz2, osem_z)
                pltpu.async_copy(embz.at[oz2], zb_v, sem_b)
        return s1

    s1 = lax.fori_loop(0, nt // 2, body, jnp.zeros((_L,), jnp.float32))

    plsc.subcore_barrier()

    stage_v[:] = s1
    pltpu.sync_copy(stage_v, out_ones.at[wid])
    for k in range(_ROWS_PER_SUB // _SLAB):
        row0 = sid * _ROWS_PER_SUB + k * _SLAB
        pltpu.sync_copy(g_sh.at[pl.ds(row0, _SLAB)],
                        out_g.at[cid, pl.ds(row0, _SLAB)])


@functools.cache
def _get_berpo_sc():
    return _build_berpo_sc()


def _tc_dense_body(emb_ref, g_ref, o_ref):
    g = (g_ref[0, : _N_NODES, :].astype(jnp.float32)
         + g_ref[1, : _N_NODES, :].astype(jnp.float32))
    o_ref[...] = jnp.reshape(jnp.sum(emb_ref[...] * g), (1, 1))


@functools.cache
def _get_tc_dense():
    return pl.pallas_call(
        _tc_dense_body,
        out_shape=jax.ShapeDtypeStruct((1, 1), jnp.float32),
    )


def kernel(emb, ones_idx, zeros_idx):
    pad = _E_PAD - _N_EDGES
    ones_p = jnp.pad(ones_idx, ((0, pad), (0, 0)))
    zeros_p = jnp.pad(zeros_idx, ((0, pad), (0, 0)))
    e1 = jnp.asarray(ones_p[:, 0])
    e2 = jnp.asarray(ones_p[:, 1])
    ne1 = jnp.asarray(zeros_p[:, 0])
    ne2 = jnp.asarray(zeros_p[:, 1])
    embz = emb.astype(jnp.bfloat16)
    embp = lax.bitcast_convert_type(
        jnp.stack([embz[:, : _DF // 2], embz[:, _DF // 2:]], axis=-1),
        jnp.int32)
    log_sums, g_acc = _get_berpo_sc()(e1, e2, ne1, ne2, emb, embp, embz)
    s0 = _get_tc_dense()(emb, g_acc)[0, 0]
    loss_edges = -(jnp.sum(log_sums) / _N_EDGES)
    loss_nonedges = s0 / _N_EDGES
    return (loss_edges + _NEG_SCALE * loss_nonedges) / (1.0 + _NEG_SCALE)

# --- scband reference (transcript-rebuilt; emitter-appended) ---
"""Pipeline reference for scband-berpo-decoder-21096879358178 (READ-ONLY COPY).

The authoritative reference and input builder live on the scoring server;
editing this copy changes nothing except your own understanding.
"""

import jax, jax.numpy as jnp
import numpy as np

NUM_NODES = 10000
NUM_EDGES = 320000
D_FEAT = 128
NUM_POSSIBLE_EDGES = NUM_NODES ** 2 - NUM_NODES
NUM_NONEDGES = NUM_POSSIBLE_EDGES - NUM_EDGES
BALANCE_LOSS = False
EPS = -np.log(1.0 - NUM_EDGES / (NUM_NODES ** 2 - NUM_NODES))


def setup_inputs(seed: int = 0) -> dict:
    key = jax.random.key(seed)
    k1, k2, k3 = jax.random.split(key, 3)
    # BerPo embeddings are nonnegative; uniform [0,1) keeps log(-expm1(...)) well-defined
    emb = jax.random.uniform(k1, (NUM_NODES, D_FEAT), dtype=jnp.float32)
    ones_idx = jax.random.randint(k2, (NUM_EDGES, 2), 0, NUM_NODES, dtype=jnp.int32)
    zeros_idx = jax.random.randint(k3, (NUM_EDGES, 2), 0, NUM_NODES, dtype=jnp.int32)
    return {"emb": emb, "ones_idx": ones_idx, "zeros_idx": zeros_idx}


def reference(emb, ones_idx, zeros_idx):
    # loss_batch of BerpoDecoder
    e1 = ones_idx[:, 0]
    e2 = ones_idx[:, 1]
    edge_dots = jnp.sum(jnp.take(emb, e1, axis=0) * jnp.take(emb, e2, axis=0), axis=1)
    loss_edges = -jnp.mean(jnp.log(-jnp.expm1(-EPS - edge_dots)))
    ne1 = zeros_idx[:, 0]
    ne2 = zeros_idx[:, 1]
    loss_nonedges = jnp.mean(jnp.sum(jnp.take(emb, ne1, axis=0) * jnp.take(emb, ne2, axis=0), axis=1))
    if BALANCE_LOSS:
        neg_scale = 1.0
    else:
        neg_scale = NUM_NONEDGES / NUM_EDGES
    return (loss_edges + neg_scale * loss_nonedges) / (1.0 + neg_scale)

if __name__ == "__main__":
    import jax
    _d = setup_inputs()
    print(jax.jit(kernel)(*tuple(_d.values())))

</pallas_src>

<mosaic_0001>
#map = affine_map<(d0, d1) -> (0)>
#map1 = affine_map<(d0, d1) -> (0, 0)>
#map2 = affine_map<(d0, d1) -> (0, 0, 0)>
module attributes {stable_mosaic.version = 14 : i64} {
  func.func @_berpo_body(%arg0: i32, %arg1: i32, %arg2: memref<320256xi32, #tpu.memory_space<hbm>>, %arg3: memref<320256xi32, #tpu.memory_space<hbm>>, %arg4: memref<320256xi32, #tpu.memory_space<hbm>>, %arg5: memref<320256xi32, #tpu.memory_space<hbm>>, %arg6: memref<10000x128xf32, #tpu.memory_space<hbm>>, %arg7: memref<10000x64xi32, #tpu.memory_space<hbm>>, %arg8: memref<10000x128xbf16, #tpu.memory_space<hbm>>, %arg9: memref<32x16xf32, #tpu.memory_space<hbm>>, %arg10: memref<2x10240x128xbf16, #tpu.memory_space<hbm>>, %arg11: memref<4096xi32, #tpu.memory_space<vmem>>, %arg12: memref<4096xi32, #tpu.memory_space<vmem>>, %arg13: memref<128xi32, #tpu.memory_space<vmem>>, %arg14: memref<128xi32, #tpu.memory_space<vmem>>, %arg15: memref<128xi32, #tpu.memory_space<vmem>>, %arg16: memref<128xi32, #tpu.memory_space<vmem>>, %arg17: memref<128x128xf32, #tpu.memory_space<vmem>>, %arg18: memref<128x64xi32, #tpu.memory_space<vmem>>, %arg19: memref<128x128xf32, #tpu.memory_space<vmem>>, %arg20: memref<128x64xi32, #tpu.memory_space<vmem>>, %arg21: memref<128x128xbf16, #tpu.memory_space<vmem>>, %arg22: memref<10240x128xbf16, #tpu.memory_space<vmem_shared>>, %arg23: memref<16xf32, #tpu.memory_space<vmem>>, %arg24: memref<!tpu.dma_semaphore, #tpu.memory_space<semaphore_mem>>, %arg25: memref<!tpu.dma_semaphore, #tpu.memory_space<semaphore_mem>>, %arg26: memref<!tpu.dma_semaphore, #tpu.memory_space<semaphore_mem>>, %arg27: memref<!tpu.dma_semaphore, #tpu.memory_space<semaphore_mem>>, %arg28: memref<!tpu.dma_semaphore, #tpu.memory_space<semaphore_mem>>, %arg29: memref<!tpu.dma_semaphore, #tpu.memory_space<semaphore_mem>>) attributes {dimension_semantics = [#tpu.dimension_semantics<core_parallel>, #tpu.dimension_semantics<subcore_parallel>], iteration_bounds = array<i64: 2, 16>, scalar_prefetch = 0 : i64, scratch_operands = 19 : i64, tpu.core_type = #tpu.core_type<sc_vector_subcore>, window_params = [{transform_indices = #map}, {transform_indices = #map}, {transform_indices = #map}, {transform_indices = #map}, {transform_indices = #map1}, {transform_indices = #map1}, {transform_indices = #map1}, {transform_indices = #map1}, {transform_indices = #map2}]} {
    %mul3A = arith.constant 2 : i32
    %mul3A_0 = arith.muli %arg1, %mul3A : i32
    %add3A = arith.addi %mul3A_0, %arg0 : i32
    %lt3A = arith.constant 2 : i32
    %lt3A_1 = arith.cmpi slt, %add3A, %lt3A : i32
    %jit3A = arith.constant 80 : i32
    %jit3A_2 = arith.constant 78 : i32
    %select_n3A = arith.select %lt3A_1, %jit3A, %jit3A_2 : i32
    %lt3A_3 = arith.constant 2 : i32
    %lt3A_4 = arith.cmpi slt, %add3A, %lt3A_3 : i32
    %mul3A_5 = arith.constant 80 : i32
    %mul3A_6 = arith.muli %add3A, %mul3A_5 : i32
    %sub3A = arith.constant 2 : i32
    %sub3A_7 = arith.subi %add3A, %sub3A : i32
    %mul3A_8 = arith.constant 78 : i32
    %mul3A_9 = arith.muli %sub3A_7, %mul3A_8 : i32
    %add3A_10 = arith.constant 160 : i32
    %add3A_11 = arith.addi %add3A_10, %mul3A_9 : i32
    %select_n3A_12 = arith.select %lt3A_4, %mul3A_6, %add3A_11 : i32
    %iota3A = tpu.iota {dimensions = array<i32: 0>} : vector<16xi32>
    %mul3A_13 = arith.constant 128 : i32
    %mul3A_14 = arith.muli %select_n3A_12, %mul3A_13 : i32
    "tpu.region"() ({
      %run_scoped3A = tpu.sem_alloc : memref<!tpu.dma_semaphore, #tpu.memory_space<semaphore_mem>>
      %dma_start3A_154 = tpu.memref_slice %arg2[%mul3A_14] : memref<320256xi32, #tpu.memory_space<hbm>> -> memref<4096xi32, #tpu.memory_space<hbm>>
      %dma_start3A_155 = tpu.memref_slice %arg2[%mul3A_14] : memref<320256xi32, #tpu.memory_space<hbm>> -> memref<4096xi32, #tpu.memory_space<hbm>>
      tpu.enqueue_dma source(%dma_start3A_155 : memref<4096xi32, #tpu.memory_space<hbm>>) target(%arg11 : memref<4096xi32, #tpu.memory_space<vmem>>) target_semaphore(%run_scoped3A : memref<!tpu.dma_semaphore, #tpu.memory_space<semaphore_mem>>)
      %dma_wait3A_156 = tpu.memref_slice %arg2[%mul3A_14] : memref<320256xi32, #tpu.memory_space<hbm>> -> memref<4096xi32, #tpu.memory_space<hbm>>
      %dma_wait3A_157 = tpu.memref_slice %arg2[%mul3A_14] : memref<320256xi32, #tpu.memory_space<hbm>> -> memref<4096xi32, #tpu.memory_space<hbm>>
      tpu.wait_dma2 semaphore(%run_scoped3A : memref<!tpu.dma_semaphore, #tpu.memory_space<semaphore_mem>>) src(%dma_wait3A_157 : memref<4096xi32, #tpu.memory_space<hbm>>) dst(%arg11 : memref<4096xi32, #tpu.memory_space<vmem>>)
      tpu.yield
    }) : () -> ()
    %mul3A_15 = arith.constant 128 : i32
    %mul3A_16 = arith.muli %select_n3A_12, %mul3A_15 : i32
    "tpu.region"() ({
      %run_scoped3A = tpu.sem_alloc : memref<!tpu.dma_semaphore, #tpu.memory_space<semaphore_mem>>
      %dma_start3A_154 = tpu.memref_slice %arg3[%mul3A_16] : memref<320256xi32, #tpu.memory_space<hbm>> -> memref<4096xi32, #tpu.memory_space<hbm>>
      %dma_start3A_155 = tpu.memref_slice %arg3[%mul3A_16] : memref<320256xi32, #tpu.memory_space<hbm>> -> memref<4096xi32, #tpu.memory_space<hbm>>
      tpu.enqueue_dma source(%dma_start3A_155 : memref<4096xi32, #tpu.memory_space<hbm>>) target(%arg12 : memref<4096xi32, #tpu.memory_space<vmem>>) target_semaphore(%run_scoped3A : memref<!tpu.dma_semaphore, #tpu.memory_space<semaphore_mem>>)
      %dma_wait3A_156 = tpu.memref_slice %arg3[%mul3A_16] : memref<320256xi32, #tpu.memory_space<hbm>> -> memref<4096xi32, #tpu.memory_space<hbm>>
      %dma_wait3A_157 = tpu.memref_slice %arg3[%mul3A_16] : memref<320256xi32, #tpu.memory_space<hbm>> -> memref<4096xi32, #tpu.memory_space<hbm>>
      tpu.wait_dma2 semaphore(%run_scoped3A : memref<!tpu.dma_semaphore, #tpu.memory_space<semaphore_mem>>) src(%dma_wait3A_157 : memref<4096xi32, #tpu.memory_space<hbm>>) dst(%arg12 : memref<4096xi32, #tpu.memory_space<vmem>>)
      tpu.yield
    }) : () -> ()
    %add3A_17 = arith.constant 0 : i32
    %add3A_18 = arith.addi %select_n3A_12, %add3A_17 : i32
    %mul3A_19 = arith.constant 128 : i32
    %mul3A_20 = arith.muli %add3A_18, %mul3A_19 : i32
    %dma_start3A = tpu.memref_slice %arg4[%mul3A_20] : memref<320256xi32, #tpu.memory_space<hbm>> -> memref<128xi32, #tpu.memory_space<hbm>>
    %dma_start3A_21 = tpu.memref_slice %arg4[%mul3A_20] : memref<320256xi32, #tpu.memory_space<hbm>> -> memref<128xi32, #tpu.memory_space<hbm>>
    tpu.enqueue_dma source(%dma_start3A_21 : memref<128xi32, #tpu.memory_space<hbm>>) target(%arg13 : memref<128xi32, #tpu.memory_space<vmem>>) target_semaphore(%arg27 : memref<!tpu.dma_semaphore, #tpu.memory_space<semaphore_mem>>)
    %add3A_22 = arith.constant 0 : i32
    %add3A_23 = arith.addi %select_n3A_12, %add3A_22 : i32
    %mul3A_24 = arith.constant 128 : i32
    %mul3A_25 = arith.muli %add3A_23, %mul3A_24 : i32
    %dma_start3A_26 = tpu.memref_slice %arg5[%mul3A_25] : memref<320256xi32, #tpu.memory_space<hbm>> -> memref<128xi32, #tpu.memory_space<hbm>>
    %dma_start3A_27 = tpu.memref_slice %arg5[%mul3A_25] : memref<320256xi32, #tpu.memory_space<hbm>> -> memref<128xi32, #tpu.memory_space<hbm>>
    tpu.enqueue_dma source(%dma_start3A_27 : memref<128xi32, #tpu.memory_space<hbm>>) target(%arg14 : memref<128xi32, #tpu.memory_space<vmem>>) target_semaphore(%arg27 : memref<!tpu.dma_semaphore, #tpu.memory_space<semaphore_mem>>)
    %add3A_28 = arith.constant 1 : i32
    %add3A_29 = arith.addi %select_n3A_12, %add3A_28 : i32
    %mul3A_30 = arith.constant 128 : i32
    %mul3A_31 = arith.muli %add3A_29, %mul3A_30 : i32
    %dma_start3A_32 = tpu.memref_slice %arg4[%mul3A_31] : memref<320256xi32, #tpu.memory_space<hbm>> -> memref<128xi32, #tpu.memory_space<hbm>>
    %dma_start3A_33 = tpu.memref_slice %arg4[%mul3A_31] : memref<320256xi32, #tpu.memory_space<hbm>> -> memref<128xi32, #tpu.memory_space<hbm>>
    tpu.enqueue_dma source(%dma_start3A_33 : memref<128xi32, #tpu.memory_space<hbm>>) target(%arg15 : memref<128xi32, #tpu.memory_space<vmem>>) target_semaphore(%arg28 : memref<!tpu.dma_semaphore, #tpu.memory_space<semaphore_mem>>)
    %add3A_34 = arith.constant 1 : i32
    %add3A_35 = arith.addi %select_n3A_12, %add3A_34 : i32
    %mul3A_36 = arith.constant 128 : i32
    %mul3A_37 = arith.muli %add3A_35, %mul3A_36 : i32
    %dma_start3A_38 = tpu.memref_slice %arg5[%mul3A_37] : memref<320256xi32, #tpu.memory_space<hbm>> -> memref<128xi32, #tpu.memory_space<hbm>>
    %dma_start3A_39 = tpu.memref_slice %arg5[%mul3A_37] : memref<320256xi32, #tpu.memory_space<hbm>> -> memref<128xi32, #tpu.memory_space<hbm>>
    tpu.enqueue_dma source(%dma_start3A_39 : memref<128xi32, #tpu.memory_space<hbm>>) target(%arg16 : memref<128xi32, #tpu.memory_space<vmem>>) target_semaphore(%arg28 : memref<!tpu.dma_semaphore, #tpu.memory_space<semaphore_mem>>)
    %dma_start3A_40 = arith.constant 0 : i32
    %dma_start3A_41 = tpu.memref_slice %arg11[%dma_start3A_40] : memref<4096xi32, #tpu.memory_space<vmem>> -> memref<128xi32, #tpu.memory_space<vmem>>
    %dma_start3A_42 = arith.constant 0 : i32
    %dma_start3A_43 = arith.constant 0 : i32
    %dma_start3A_44 = tpu.memref_slice %arg6[%dma_start3A_42, %dma_start3A_43] : memref<10000x128xf32, #tpu.memory_space<hbm>> -> memref<10000x128xf32, #tpu.memory_space<hbm>>
    tpu.enqueue_indirect_dma source(%dma_start3A_44 : memref<10000x128xf32, #tpu.memory_space<hbm>>) target(%arg17 : memref<128x128xf32, #tpu.memory_space<vmem>>) offsets(%dma_start3A_41 : memref<128xi32, #tpu.memory_space<vmem>>) semaphore(%arg24 : memref<!tpu.dma_semaphore, #tpu.memory_space<semaphore_mem>>)
    %dma_start3A_45 = arith.constant 0 : i32
    %dma_start3A_46 = tpu.memref_slice %arg12[%dma_start3A_45] : memref<4096xi32, #tpu.memory_space<vmem>> -> memref<128xi32, #tpu.memory_space<vmem>>
    %dma_start3A_47 = arith.constant 0 : i32
    %dma_start3A_48 = arith.constant 0 : i32
    %dma_start3A_49 = tpu.memref_slice %arg7[%dma_start3A_47, %dma_start3A_48] : memref<10000x64xi32, #tpu.memory_space<hbm>> -> memref<10000x64xi32, #tpu.memory_space<hbm>>
    tpu.enqueue_indirect_dma source(%dma_start3A_49 : memref<10000x64xi32, #tpu.memory_space<hbm>>) target(%arg18 : memref<128x64xi32, #tpu.memory_space<vmem>>) offsets(%dma_start3A_46 : memref<128xi32, #tpu.memory_space<vmem>>) semaphore(%arg24 : memref<!tpu.dma_semaphore, #tpu.memory_space<semaphore_mem>>)
    %dma_start3A_50 = arith.constant 128 : i32
    %dma_start3A_51 = tpu.memref_slice %arg11[%dma_start3A_50] : memref<4096xi32, #tpu.memory_space<vmem>> -> memref<128xi32, #tpu.memory_space<vmem>>
    %dma_start3A_52 = arith.constant 0 : i32
    %dma_start3A_53 = arith.constant 0 : i32
    %dma_start3A_54 = tpu.memref_slice %arg6[%dma_start3A_52, %dma_start3A_53] : memref<10000x128xf32, #tpu.memory_space<hbm>> -> memref<10000x128xf32, #tpu.memory_space<hbm>>
    tpu.enqueue_indirect_dma source(%dma_start3A_54 : memref<10000x128xf32, #tpu.memory_space<hbm>>) target(%arg19 : memref<128x128xf32, #tpu.memory_space<vmem>>) offsets(%dma_start3A_51 : memref<128xi32, #tpu.memory_space<vmem>>) semaphore(%arg25 : memref<!tpu.dma_semaphore, #tpu.memory_space<semaphore_mem>>)
    %dma_start3A_55 = arith.constant 128 : i32
    %dma_start3A_56 = tpu.memref_slice %arg12[%dma_start3A_55] : memref<4096xi32, #tpu.memory_space<vmem>> -> memref<128xi32, #tpu.memory_space<vmem>>
    %dma_start3A_57 = arith.constant 0 : i32
    %dma_start3A_58 = arith.constant 0 : i32
    %dma_start3A_59 = tpu.memref_slice %arg7[%dma_start3A_57, %dma_start3A_58] : memref<10000x64xi32, #tpu.memory_space<hbm>> -> memref<10000x64xi32, #tpu.memory_space<hbm>>
    tpu.enqueue_indirect_dma source(%dma_start3A_59 : memref<10000x64xi32, #tpu.memory_space<hbm>>) target(%arg20 : memref<128x64xi32, #tpu.memory_space<vmem>>) offsets(%dma_start3A_56 : memref<128xi32, #tpu.memory_space<vmem>>) semaphore(%arg25 : memref<!tpu.dma_semaphore, #tpu.memory_space<semaphore_mem>>)
    %scan3A = arith.constant 0 : i32
    %scan3A_60 = arith.constant 0 : i32
    %scan3A_61 = arith.constant 128 : i32
    %scan3A_62 = arith.addi %scan3A_60, %scan3A_61 : i32
    %scan3A_63 = arith.constant 1 : i32
    %scan3A_64 = scf.for %scan3A_154 = %scan3A_60 to %scan3A_62 step %scan3A_63 iter_args(%scan3A_155 = %scan3A) -> (i32)  : i32 {
      %broadcast_in_dim3A_156 = arith.constant 0.000000e+00 : bf16
      %broadcast_in_dim3A_157 = vector.broadcast %broadcast_in_dim3A_156 : bf16 to vector<32xbf16>
      %swap3A_158 = arith.index_cast %scan3A_154 : i32 to index
      %swap3A_159 = arith.constant 0 : index
      %swap3A_160 = tpu.vector_load %arg21[%swap3A_158, %swap3A_159] {strides = array<i32>} : memref<128x128xbf16, #tpu.memory_space<vmem>>, vector<1x32xbf16>,
      %swap3A_161 = vector.shape_cast %swap3A_160 : vector<1x32xbf16> to vector<32xbf16>
      %swap3A_162 = vector.shape_cast %broadcast_in_dim3A_157 : vector<32xbf16> to vector<1x32xbf16>
      tpu.vector_store %arg21[%swap3A_158, %swap3A_159], %swap3A_162 {strides = array<i32>} : memref<128x128xbf16, #tpu.memory_space<vmem>>, vector<1x32xbf16>,
      %broadcast_in_dim3A_163 = arith.constant 0.000000e+00 : bf16
      %broadcast_in_dim3A_164 = vector.broadcast %broadcast_in_dim3A_163 : bf16 to vector<32xbf16>
      %swap3A_165 = arith.index_cast %scan3A_154 : i32 to index
      %swap3A_166 = arith.constant 32 : index
      %swap3A_167 = tpu.vector_load %arg21[%swap3A_165, %swap3A_166] {strides = array<i32>} : memref<128x128xbf16, #tpu.memory_space<vmem>>, vector<1x32xbf16>,
      %swap3A_168 = vector.shape_cast %swap3A_167 : vector<1x32xbf16> to vector<32xbf16>
      %swap3A_169 = vector.shape_cast %broadcast_in_dim3A_164 : vector<32xbf16> to vector<1x32xbf16>
      tpu.vector_store %arg21[%swap3A_165, %swap3A_166], %swap3A_169 {strides = array<i32>} : memref<128x128xbf16, #tpu.memory_space<vmem>>, vector<1x32xbf16>,
      %broadcast_in_dim3A_170 = arith.constant 0.000000e+00 : bf16
      %broadcast_in_dim3A_171 = vector.broadcast %broadcast_in_dim3A_170 : bf16 to vector<32xbf16>
      %swap3A_172 = arith.index_cast %scan3A_154 : i32 to index
      %swap3A_173 = arith.constant 64 : index
      %swap3A_174 = tpu.vector_load %arg21[%swap3A_172, %swap3A_173] {strides = array<i32>} : memref<128x128xbf16, #tpu.memory_space<vmem>>, vector<1x32xbf16>,
      %swap3A_175 = vector.shape_cast %swap3A_174 : vector<1x32xbf16> to vector<32xbf16>
      %swap3A_176 = vector.shape_cast %broadcast_in_dim3A_171 : vector<32xbf16> to vector<1x32xbf16>
      tpu.vector_store %arg21[%swap3A_172, %swap3A_173], %swap3A_176 {strides = array<i32>} : memref<128x128xbf16, #tpu.memory_space<vmem>>, vector<1x32xbf16>,
      %broadcast_in_dim3A_177 = arith.constant 0.000000e+00 : bf16
      %broadcast_in_dim3A_178 = vector.broadcast %broadcast_in_dim3A_177 : bf16 to vector<32xbf16>
      %swap3A_179 = arith.index_cast %scan3A_154 : i32 to index
      %swap3A_180 = arith.constant 96 : index
      %swap3A_181 = tpu.vector_load %arg21[%swap3A_179, %swap3A_180] {strides = array<i32>} : memref<128x128xbf16, #tpu.memory_space<vmem>>, vector<1x32xbf16>,
      %swap3A_182 = vector.shape_cast %swap3A_181 : vector<1x32xbf16> to vector<32xbf16>
      %swap3A_183 = vector.shape_cast %broadcast_in_dim3A_178 : vector<32xbf16> to vector<1x32xbf16>
      tpu.vector_store %arg21[%swap3A_179, %swap3A_180], %swap3A_183 {strides = array<i32>} : memref<128x128xbf16, #tpu.memory_space<vmem>>, vector<1x32xbf16>,
      %scan3A_184 = arith.constant 0 : i32
      scf.yield %scan3A_184 : i32
    }
    %scan3A_65 = arith.constant 128 : i32
    %mul3A_66 = arith.constant 640 : i32
    %mul3A_67 = arith.muli %arg1, %mul3A_66 : i32
    %add3A_68 = arith.constant 0 : i32
    %add3A_69 = arith.addi %mul3A_67, %add3A_68 : i32
    "tpu.region"() ({
      %run_scoped3A = tpu.sem_alloc : memref<!tpu.dma_semaphore, #tpu.memory_space<semaphore_mem>>
      %dma_start3A_154 = arith.constant 0 : i32
      %dma_start3A_155 = tpu.memref_slice %arg22[%add3A_69, %dma_start3A_154] : memref<10240x128xbf16, #tpu.memory_space<vmem_shared>> -> memref<128x128xbf16, #tpu.memory_space<vmem_shared>>
      %dma_start3A_156 = arith.constant 0 : i32
      %dma_start3A_157 = tpu.memref_slice %arg22[%add3A_69, %dma_start3A_156] : memref<10240x128xbf16, #tpu.memory_space<vmem_shared>> -> memref<128x128xbf16, #tpu.memory_space<vmem_shared>>
      tpu.enqueue_dma source(%arg21 : memref<128x128xbf16, #tpu.memory_space<vmem>>) target(%dma_start3A_157 : memref<128x128xbf16, #tpu.memory_space<vmem_shared>>) target_semaphore(%run_scoped3A : memref<!tpu.dma_semaphore, #tpu.memory_space<semaphore_mem>>)
      %dma_wait3A_158 = arith.constant 0 : i32
      %dma_wait3A_159 = tpu.memref_slice %arg22[%add3A_69, %dma_wait3A_158] : memref<10240x128xbf16, #tpu.memory_space<vmem_shared>> -> memref<128x128xbf16, #tpu.memory_space<vmem_shared>>
      %dma_wait3A_160 = arith.constant 0 : i32
      %dma_wait3A_161 = tpu.memref_slice %arg22[%add3A_69, %dma_wait3A_160] : memref<10240x128xbf16, #tpu.memory_space<vmem_shared>> -> memref<128x128xbf16, #tpu.memory_space<vmem_shared>>
      tpu.wait_dma2 semaphore(%run_scoped3A : memref<!tpu.dma_semaphore, #tpu.memory_space<semaphore_mem>>) src(%arg21 : memref<128x128xbf16, #tpu.memory_space<vmem>>) dst(%dma_wait3A_161 : memref<128x128xbf16, #tpu.memory_space<vmem_shared>>)
      tpu.yield
    }) : () -> ()
    %mul3A_70 = arith.constant 640 : i32
    %mul3A_71 = arith.muli %arg1, %mul3A_70 : i32
    %add3A_72 = arith.constant 128 : i32
    %add3A_73 = arith.addi %mul3A_71, %add3A_72 : i32
    "tpu.region"() ({
      %run_scoped3A = tpu.sem_alloc : memref<!tpu.dma_semaphore, #tpu.memory_space<semaphore_mem>>
      %dma_start3A_154 = arith.constant 0 : i32
      %dma_start3A_155 = tpu.memref_slice %arg22[%add3A_73, %dma_start3A_154] : memref<10240x128xbf16, #tpu.memory_space<vmem_shared>> -> memref<128x128xbf16, #tpu.memory_space<vmem_shared>>
      %dma_start3A_156 = arith.constant 0 : i32
      %dma_start3A_157 = tpu.memref_slice %arg22[%add3A_73, %dma_start3A_156] : memref<10240x128xbf16, #tpu.memory_space<vmem_shared>> -> memref<128x128xbf16, #tpu.memory_space<vmem_shared>>
      tpu.enqueue_dma source(%arg21 : memref<128x128xbf16, #tpu.memory_space<vmem>>) target(%dma_start3A_157 : memref<128x128xbf16, #tpu.memory_space<vmem_shared>>) target_semaphore(%run_scoped3A : memref<!tpu.dma_semaphore, #tpu.memory_space<semaphore_mem>>)
      %dma_wait3A_158 = arith.constant 0 : i32
      %dma_wait3A_159 = tpu.memref_slice %arg22[%add3A_73, %dma_wait3A_158] : memref<10240x128xbf16, #tpu.memory_space<vmem_shared>> -> memref<128x128xbf16, #tpu.memory_space<vmem_shared>>
      %dma_wait3A_160 = arith.constant 0 : i32
      %dma_wait3A_161 = tpu.memref_slice %arg22[%add3A_73, %dma_wait3A_160] : memref<10240x128xbf16, #tpu.memory_space<vmem_shared>> -> memref<128x128xbf16, #tpu.memory_space<vmem_shared>>
      tpu.wait_dma2 semaphore(%run_scoped3A : memref<!tpu.dma_semaphore, #tpu.memory_space<semaphore_mem>>) src(%arg21 : memref<128x128xbf16, #tpu.memory_space<vmem>>) dst(%dma_wait3A_161 : memref<128x128xbf16, #tpu.memory_space<vmem_shared>>)
      tpu.yield
    }) : () -> ()
    %mul3A_74 = arith.constant 640 : i32
    %mul3A_75 = arith.muli %arg1, %mul3A_74 : i32
    %add3A_76 = arith.constant 256 : i32
    %add3A_77 = arith.addi %mul3A_75, %add3A_76 : i32
    "tpu.region"() ({
      %run_scoped3A = tpu.sem_alloc : memref<!tpu.dma_semaphore, #tpu.memory_space<semaphore_mem>>
      %dma_start3A_154 = arith.constant 0 : i32
      %dma_start3A_155 = tpu.memref_slice %arg22[%add3A_77, %dma_start3A_154] : memref<10240x128xbf16, #tpu.memory_space<vmem_shared>> -> memref<128x128xbf16, #tpu.memory_space<vmem_shared>>
      %dma_start3A_156 = arith.constant 0 : i32
      %dma_start3A_157 = tpu.memref_slice %arg22[%add3A_77, %dma_start3A_156] : memref<10240x128xbf16, #tpu.memory_space<vmem_shared>> -> memref<128x128xbf16, #tpu.memory_space<vmem_shared>>
      tpu.enqueue_dma source(%arg21 : memref<128x128xbf16, #tpu.memory_space<vmem>>) target(%dma_start3A_157 : memref<128x128xbf16, #tpu.memory_space<vmem_shared>>) target_semaphore(%run_scoped3A : memref<!tpu.dma_semaphore, #tpu.memory_space<semaphore_mem>>)
      %dma_wait3A_158 = arith.constant 0 : i32
      %dma_wait3A_159 = tpu.memref_slice %arg22[%add3A_77, %dma_wait3A_158] : memref<10240x128xbf16, #tpu.memory_space<vmem_shared>> -> memref<128x128xbf16, #tpu.memory_space<vmem_shared>>
      %dma_wait3A_160 = arith.constant 0 : i32
      %dma_wait3A_161 = tpu.memref_slice %arg22[%add3A_77, %dma_wait3A_160] : memref<10240x128xbf16, #tpu.memory_space<vmem_shared>> -> memref<128x128xbf16, #tpu.memory_space<vmem_shared>>
      tpu.wait_dma2 semaphore(%run_scoped3A : memref<!tpu.dma_semaphore, #tpu.memory_space<semaphore_mem>>) src(%arg21 : memref<128x128xbf16, #tpu.memory_space<vmem>>) dst(%dma_wait3A_161 : memref<128x128xbf16, #tpu.memory_space<vmem_shared>>)
      tpu.yield
    }) : () -> ()
    %mul3A_78 = arith.constant 640 : i32
    %mul3A_79 = arith.muli %arg1, %mul3A_78 : i32
    %add3A_80 = arith.constant 384 : i32
    %add3A_81 = arith.addi %mul3A_79, %add3A_80 : i32
    "tpu.region"() ({
      %run_scoped3A = tpu.sem_alloc : memref<!tpu.dma_semaphore, #tpu.memory_space<semaphore_mem>>
      %dma_start3A_154 = arith.constant 0 : i32
      %dma_start3A_155 = tpu.memref_slice %arg22[%add3A_81, %dma_start3A_154] : memref<10240x128xbf16, #tpu.memory_space<vmem_shared>> -> memref<128x128xbf16, #tpu.memory_space<vmem_shared>>
      %dma_start3A_156 = arith.constant 0 : i32
      %dma_start3A_157 = tpu.memref_slice %arg22[%add3A_81, %dma_start3A_156] : memref<10240x128xbf16, #tpu.memory_space<vmem_shared>> -> memref<128x128xbf16, #tpu.memory_space<vmem_shared>>
      tpu.enqueue_dma source(%arg21 : memref<128x128xbf16, #tpu.memory_space<vmem>>) target(%dma_start3A_157 : memref<128x128xbf16, #tpu.memory_space<vmem_shared>>) target_semaphore(%run_scoped3A : memref<!tpu.dma_semaphore, #tpu.memory_space<semaphore_mem>>)
      %dma_wait3A_158 = arith.constant 0 : i32
      %dma_wait3A_159 = tpu.memref_slice %arg22[%add3A_81, %dma_wait3A_158] : memref<10240x128xbf16, #tpu.memory_space<vmem_shared>> -> memref<128x128xbf16, #tpu.memory_space<vmem_shared>>
      %dma_wait3A_160 = arith.constant 0 : i32
      %dma_wait3A_161 = tpu.memref_slice %arg22[%add3A_81, %dma_wait3A_160] : memref<10240x128xbf16, #tpu.memory_space<vmem_shared>> -> memref<128x128xbf16, #tpu.memory_space<vmem_shared>>
      tpu.wait_dma2 semaphore(%run_scoped3A : memref<!tpu.dma_semaphore, #tpu.memory_space<semaphore_mem>>) src(%arg21 : memref<128x128xbf16, #tpu.memory_space<vmem>>) dst(%dma_wait3A_161 : memref<128x128xbf16, #tpu.memory_space<vmem_shared>>)
      tpu.yield
    }) : () -> ()
    %mul3A_82 = arith.constant 640 : i32
    %mul3A_83 = arith.muli %arg1, %mul3A_82 : i32
    %add3A_84 = arith.constant 512 : i32
    %add3A_85 = arith.addi %mul3A_83, %add3A_84 : i32
    "tpu.region"() ({
      %run_scoped3A = tpu.sem_alloc : memref<!tpu.dma_semaphore, #tpu.memory_space<semaphore_mem>>
      %dma_start3A_154 = arith.constant 0 : i32
      %dma_start3A_155 = tpu.memref_slice %arg22[%add3A_85, %dma_start3A_154] : memref<10240x128xbf16, #tpu.memory_space<vmem_shared>> -> memref<128x128xbf16, #tpu.memory_space<vmem_shared>>
      %dma_start3A_156 = arith.constant 0 : i32
      %dma_start3A_157 = tpu.memref_slice %arg22[%add3A_85, %dma_start3A_156] : memref<10240x128xbf16, #tpu.memory_space<vmem_shared>> -> memref<128x128xbf16, #tpu.memory_space<vmem_shared>>
      tpu.enqueue_dma source(%arg21 : memref<128x128xbf16, #tpu.memory_space<vmem>>) target(%dma_start3A_157 : memref<128x128xbf16, #tpu.memory_space<vmem_shared>>) target_semaphore(%run_scoped3A : memref<!tpu.dma_semaphore, #tpu.memory_space<semaphore_mem>>)
      %dma_wait3A_158 = arith.constant 0 : i32
      %dma_wait3A_159 = tpu.memref_slice %arg22[%add3A_85, %dma_wait3A_158] : memref<10240x128xbf16, #tpu.memory_space<vmem_shared>> -> memref<128x128xbf16, #tpu.memory_space<vmem_shared>>
      %dma_wait3A_160 = arith.constant 0 : i32
      %dma_wait3A_161 = tpu.memref_slice %arg22[%add3A_85, %dma_wait3A_160] : memref<10240x128xbf16, #tpu.memory_space<vmem_shared>> -> memref<128x128xbf16, #tpu.memory_space<vmem_shared>>
      tpu.wait_dma2 semaphore(%run_scoped3A : memref<!tpu.dma_semaphore, #tpu.memory_space<semaphore_mem>>) src(%arg21 : memref<128x128xbf16, #tpu.memory_space<vmem>>) dst(%dma_wait3A_161 : memref<128x128xbf16, #tpu.memory_space<vmem_shared>>)
      tpu.yield
    }) : () -> ()
    %barrier3A = arith.constant 0 : index
    tpu.barrier barrier_id(%barrier3A)
    %add3A_86 = arith.constant 0 : i32
    %add3A_87 = arith.addi %select_n3A_12, %add3A_86 : i32
    %mul3A_88 = arith.constant 128 : i32
    %mul3A_89 = arith.muli %add3A_87, %mul3A_88 : i32
    %dma_wait3A = tpu.memref_slice %arg4[%mul3A_89] : memref<320256xi32, #tpu.memory_space<hbm>> -> memref<128xi32, #tpu.memory_space<hbm>>
    %dma_wait3A_90 = tpu.memref_slice %arg4[%mul3A_89] : memref<320256xi32, #tpu.memory_space<hbm>> -> memref<128xi32, #tpu.memory_space<hbm>>
    tpu.wait_dma2 semaphore(%arg27 : memref<!tpu.dma_semaphore, #tpu.memory_space<semaphore_mem>>) src(%dma_wait3A_90 : memref<128xi32, #tpu.memory_space<hbm>>) dst(%arg13 : memref<128xi32, #tpu.memory_space<vmem>>)
    %add3A_91 = arith.constant 0 : i32
    %add3A_92 = arith.addi %select_n3A_12, %add3A_91 : i32
    %mul3A_93 = arith.constant 128 : i32
    %mul3A_94 = arith.muli %add3A_92, %mul3A_93 : i32
    %dma_wait3A_95 = tpu.memref_slice %arg5[%mul3A_94] : memref<320256xi32, #tpu.memory_space<hbm>> -> memref<128xi32, #tpu.memory_space<hbm>>
    %dma_wait3A_96 = tpu.memref_slice %arg5[%mul3A_94] : memref<320256xi32, #tpu.memory_space<hbm>> -> memref<128xi32, #tpu.memory_space<hbm>>
    tpu.wait_dma2 semaphore(%arg27 : memref<!tpu.dma_semaphore, #tpu.memory_space<semaphore_mem>>) src(%dma_wait3A_96 : memref<128xi32, #tpu.memory_space<hbm>>) dst(%arg14 : memref<128xi32, #tpu.memory_space<vmem>>)
    %dma_start3A_97 = arith.constant 0 : i32
    %dma_start3A_98 = arith.constant 0 : i32
    %dma_start3A_99 = tpu.memref_slice %arg8[%dma_start3A_97, %dma_start3A_98] : memref<10000x128xbf16, #tpu.memory_space<hbm>> -> memref<10000x128xbf16, #tpu.memory_space<hbm>>
    tpu.enqueue_indirect_dma source(%dma_start3A_99 : memref<10000x128xbf16, #tpu.memory_space<hbm>>) target(%arg21 : memref<128x128xbf16, #tpu.memory_space<vmem>>) offsets(%arg14 : memref<128xi32, #tpu.memory_space<vmem>>) semaphore(%arg26 : memref<!tpu.dma_semaphore, #tpu.memory_space<semaphore_mem>>)
    %jit3A_100 = arith.constant 2 : i32
    %div3A = arith.divsi %select_n3A, %jit3A_100 : i32
    %sign3A = arith.constant 0 : i32
    %sign3A_101 = arith.cmpi sgt, %select_n3A, %sign3A : i32
    %sign3A_102 = arith.extui %sign3A_101 : i1 to i32
    %sign3A_103 = arith.constant 0 : i32
    %sign3A_104 = arith.cmpi slt, %select_n3A, %sign3A_103 : i32
    %sign3A_105 = arith.extui %sign3A_104 : i1 to i32
    %sign3A_106 = arith.subi %sign3A_102, %sign3A_105 : i32
    %sign3A_107 = arith.constant 0 : i32
    %sign3A_108 = arith.cmpi sgt, %jit3A_100, %sign3A_107 : i32
    %sign3A_109 = arith.extui %sign3A_108 : i1 to i32
    %sign3A_110 = arith.constant 0 : i32
    %sign3A_111 = arith.cmpi slt, %jit3A_100, %sign3A_110 : i32
    %sign3A_112 = arith.extui %sign3A_111 : i1 to i32
    %sign3A_113 = arith.subi %sign3A_109, %sign3A_112 : i32
    %ne3A = arith.cmpi ne, %sign3A_106, %sign3A_113 : i32
    %rem3A = arith.remsi %select_n3A, %jit3A_100 : i32
    %ne3A_114 = arith.constant 0 : i32
    %ne3A_115 = arith.cmpi ne, %rem3A, %ne3A_114 : i32
    %and3A = arith.andi %ne3A, %ne3A_115 : i1
    %sub3A_116 = arith.constant 1 : i32
    %sub3A_117 = arith.subi %div3A, %sub3A_116 : i32
    %select_n3A_118 = arith.select %and3A, %sub3A_117, %div3A : i32
    %broadcast_in_dim3A = arith.constant 0.000000e+00 : f32
    %broadcast_in_dim3A_119 = vector.broadcast %broadcast_in_dim3A : f32 to vector<16xf32>
    %while3A = arith.constant 0 : i32
    %while3A_120 = arith.subi %select_n3A_118, %while3A : i32
    %while3A_121 = arith.addi %while3A, %while3A_120 : i32
    %while3A_122 = arith.constant 1 : i32
    %while3A_123 = arith.divsi %while3A_120, %while3A_122 : i32
    %while3A_124 = arith.muli %while3A_123, %while3A_122 : i32
    %while3A_125 = arith.addi %while3A, %while3A_124 : i32
    %while3A_126 = arith.constant 1 : i32
    %while3A_127 = scf.for %while3A_154 = %while3A to %while3A_125 step %while3A_126 iter_args(%while3A_155 = %broadcast_in_dim3A_119) -> (vector<16xf32>)  : i32 {
      %mul3A_156 = arith.constant 2 : i32
      %mul3A_157 = arith.muli %mul3A_156, %while3A_154 : i32
      %add3A_158 = arith.constant 0 : i32
      %add3A_159 = arith.addi %mul3A_157, %add3A_158 : i32
      %and3A_160 = arith.constant 31 : i32
      %and3A_161 = arith.andi %add3A_159, %and3A_160 : i32
      %mul3A_162 = arith.constant 128 : i32
      %mul3A_163 = arith.muli %and3A_161, %mul3A_162 : i32
      %dma_wait3A_164 = tpu.memref_slice %arg11[%mul3A_163] : memref<4096xi32, #tpu.memory_space<vmem>> -> memref<128xi32, #tpu.memory_space<vmem>>
      %dma_wait3A_165 = arith.constant 0 : i32
      %dma_wait3A_166 = arith.constant 0 : i32
      %dma_wait3A_167 = tpu.memref_slice %arg6[%dma_wait3A_165, %dma_wait3A_166] : memref<10000x128xf32, #tpu.memory_space<hbm>> -> memref<10000x128xf32, #tpu.memory_space<hbm>>
      tpu.wait_indirect_dma semaphore(%arg24 : memref<!tpu.dma_semaphore, #tpu.memory_space<semaphore_mem>>) src(%dma_wait3A_167 : memref<10000x128xf32, #tpu.memory_space<hbm>>) dst(%arg17 : memref<128x128xf32, #tpu.memory_space<vmem>>)
      %mul3A_168 = arith.constant 128 : i32
      %mul3A_169 = arith.muli %and3A_161, %mul3A_168 : i32
      %dma_wait3A_170 = tpu.memref_slice %arg12[%mul3A_169] : memref<4096xi32, #tpu.memory_space<vmem>> -> memref<128xi32, #tpu.memory_space<vmem>>
      %dma_wait3A_171 = arith.constant 0 : i32
      %dma_wait3A_172 = arith.constant 0 : i32
      %dma_wait3A_173 = tpu.memref_slice %arg7[%dma_wait3A_171, %dma_wait3A_172] : memref<10000x64xi32, #tpu.memory_space<hbm>> -> memref<10000x64xi32, #tpu.memory_space<hbm>>
      tpu.wait_indirect_dma semaphore(%arg24 : memref<!tpu.dma_semaphore, #tpu.memory_space<semaphore_mem>>) src(%dma_wait3A_173 : memref<10000x64xi32, #tpu.memory_space<hbm>>) dst(%arg18 : memref<128x64xi32, #tpu.memory_space<vmem>>)
      %dma_wait3A_174 = arith.constant 0 : i32
      %dma_wait3A_175 = arith.constant 0 : i32
      %dma_wait3A_176 = tpu.memref_slice %arg8[%dma_wait3A_174, %dma_wait3A_175] : memref<10000x128xbf16, #tpu.memory_space<hbm>> -> memref<10000x128xbf16, #tpu.memory_space<hbm>>
      tpu.wait_indirect_dma semaphore(%arg26 : memref<!tpu.dma_semaphore, #tpu.memory_space<semaphore_mem>>) src(%dma_wait3A_176 : memref<10000x128xbf16, #tpu.memory_space<hbm>>) dst(%arg21 : memref<128x128xbf16, #tpu.memory_space<vmem>>)
      %dma_start3A_177 = arith.constant 0 : i32
      %dma_start3A_178 = arith.constant 0 : i32
      %dma_start3A_179 = tpu.memref_slice %arg22[%dma_start3A_177, %dma_start3A_178] : memref<10240x128xbf16, #tpu.memory_space<vmem_shared>> -> memref<10240x128xbf16, #tpu.memory_space<vmem_shared>>
      tpu.enqueue_indirect_dma source(%arg21 : memref<128x128xbf16, #tpu.memory_space<vmem>>) target(%dma_start3A_179 : memref<10240x128xbf16, #tpu.memory_space<vmem_shared>>) offsets(%arg13 : memref<128xi32, #tpu.memory_space<vmem>>) semaphore(%arg29 : memref<!tpu.dma_semaphore, #tpu.memory_space<semaphore_mem>>) {add = true}
      %eq3A = arith.constant 9 : i32
      %eq3A_180 = arith.cmpi eq, %while3A_154, %eq3A : i32
      %convert_element_type3A = arith.extui %eq3A_180 : i1 to i32
      %cond3A = arith.constant 0 : i32
      %cond3A_181 = arith.cmpi ne, %convert_element_type3A, %cond3A : i32
      scf.if %cond3A_181 {
        %add3A_270 = arith.constant 32 : i32
        %add3A_271 = arith.addi %select_n3A_12, %add3A_270 : i32
        %mul3A_272 = arith.constant 128 : i32
        %mul3A_273 = arith.muli %add3A_271, %mul3A_272 : i32
        "tpu.region"() ({
          %run_scoped3A = tpu.sem_alloc : memref<!tpu.dma_semaphore, #tpu.memory_space<semaphore_mem>>
          %dma_start3A_274 = arith.constant 0 : i32
          %dma_start3A_275 = tpu.memref_slice %arg11[%dma_start3A_274] : memref<4096xi32, #tpu.memory_space<vmem>> -> memref<2048xi32, #tpu.memory_space<vmem>>
          %dma_start3A_276 = tpu.memref_slice %arg2[%mul3A_273] : memref<320256xi32, #tpu.memory_space<hbm>> -> memref<2048xi32, #tpu.memory_space<hbm>>
          %dma_start3A_277 = arith.constant 0 : i32
          %dma_start3A_278 = tpu.memref_slice %arg11[%dma_start3A_277] : memref<4096xi32, #tpu.memory_space<vmem>> -> memref<2048xi32, #tpu.memory_space<vmem>>
          %dma_start3A_279 = tpu.memref_slice %arg2[%mul3A_273] : memref<320256xi32, #tpu.memory_space<hbm>> -> memref<2048xi32, #tpu.memory_space<hbm>>
          tpu.enqueue_dma source(%dma_start3A_279 : memref<2048xi32, #tpu.memory_space<hbm>>) target(%dma_start3A_278 : memref<2048xi32, #tpu.memory_space<vmem>>) target_semaphore(%run_scoped3A : memref<!tpu.dma_semaphore, #tpu.memory_space<semaphore_mem>>)
          %dma_wait3A_280 = arith.constant 0 : i32
          %dma_wait3A_281 = tpu.memref_slice %arg11[%dma_wait3A_280] : memref<4096xi32, #tpu.memory_space<vmem>> -> memref<2048xi32, #tpu.memory_space<vmem>>
          %dma_wait3A_282 = tpu.memref_slice %arg2[%mul3A_273] : memref<320256xi32, #tpu.memory_space<hbm>> -> memref<2048xi32, #tpu.memory_space<hbm>>
          %dma_wait3A_283 = arith.constant 0 : i32
          %dma_wait3A_284 = tpu.memref_slice %arg11[%dma_wait3A_283] : memref<4096xi32, #tpu.memory_space<vmem>> -> memref<2048xi32, #tpu.memory_space<vmem>>
          %dma_wait3A_285 = tpu.memref_slice %arg2[%mul3A_273] : memref<320256xi32, #tpu.memory_space<hbm>> -> memref<2048xi32, #tpu.memory_space<hbm>>
          tpu.wait_dma2 semaphore(%run_scoped3A : memref<!tpu.dma_semaphore, #tpu.memory_space<semaphore_mem>>) src(%dma_wait3A_285 : memref<2048xi32, #tpu.memory_space<hbm>>) dst(%dma_wait3A_284 : memref<2048xi32, #tpu.memory_space<vmem>>)
          tpu.yield
        }) : () -> ()
        "tpu.region"() ({
          %run_scoped3A = tpu.sem_alloc : memref<!tpu.dma_semaphore, #tpu.memory_space<semaphore_mem>>
          %dma_start3A_274 = arith.constant 0 : i32
          %dma_start3A_275 = tpu.memref_slice %arg12[%dma_start3A_274] : memref<4096xi32, #tpu.memory_space<vmem>> -> memref<2048xi32, #tpu.memory_space<vmem>>
          %dma_start3A_276 = tpu.memref_slice %arg3[%mul3A_273] : memref<320256xi32, #tpu.memory_space<hbm>> -> memref<2048xi32, #tpu.memory_space<hbm>>
          %dma_start3A_277 = arith.constant 0 : i32
          %dma_start3A_278 = tpu.memref_slice %arg12[%dma_start3A_277] : memref<4096xi32, #tpu.memory_space<vmem>> -> memref<2048xi32, #tpu.memory_space<vmem>>
          %dma_start3A_279 = tpu.memref_slice %arg3[%mul3A_273] : memref<320256xi32, #tpu.memory_space<hbm>> -> memref<2048xi32, #tpu.memory_space<hbm>>
          tpu.enqueue_dma source(%dma_start3A_279 : memref<2048xi32, #tpu.memory_space<hbm>>) target(%dma_start3A_278 : memref<2048xi32, #tpu.memory_space<vmem>>) target_semaphore(%run_scoped3A : memref<!tpu.dma_semaphore, #tpu.memory_space<semaphore_mem>>)
          %dma_wait3A_280 = arith.constant 0 : i32
          %dma_wait3A_281 = tpu.memref_slice %arg12[%dma_wait3A_280] : memref<4096xi32, #tpu.memory_space<vmem>> -> memref<2048xi32, #tpu.memory_space<vmem>>
          %dma_wait3A_282 = tpu.memref_slice %arg3[%mul3A_273] : memref<320256xi32, #tpu.memory_space<hbm>> -> memref<2048xi32, #tpu.memory_space<hbm>>
          %dma_wait3A_283 = arith.constant 0 : i32
          %dma_wait3A_284 = tpu.memref_slice %arg12[%dma_wait3A_283] : memref<4096xi32, #tpu.memory_space<vmem>> -> memref<2048xi32, #tpu.memory_space<vmem>>
          %dma_wait3A_285 = tpu.memref_slice %arg3[%mul3A_273] : memref<320256xi32, #tpu.memory_space<hbm>> -> memref<2048xi32, #tpu.memory_space<hbm>>
          tpu.wait_dma2 semaphore(%run_scoped3A : memref<!tpu.dma_semaphore, #tpu.memory_space<semaphore_mem>>) src(%dma_wait3A_285 : memref<2048xi32, #tpu.memory_space<hbm>>) dst(%dma_wait3A_284 : memref<2048xi32, #tpu.memory_space<vmem>>)
          tpu.yield
        }) : () -> ()
      } else {
      }
      %eq3A_182 = arith.constant 17 : i32
      %eq3A_183 = arith.cmpi eq, %while3A_154, %eq3A_182 : i32
      %convert_element_type3A_184 = arith.extui %eq3A_183 : i1 to i32
      %cond3A_185 = arith.constant 0 : i32
      %cond3A_186 = arith.cmpi ne, %convert_element_type3A_184, %cond3A_185 : i32
      scf.if %cond3A_186 {
        %add3A_270 = arith.constant 48 : i32
        %add3A_271 = arith.addi %select_n3A_12, %add3A_270 : i32
        %mul3A_272 = arith.constant 128 : i32
        %mul3A_273 = arith.muli %add3A_271, %mul3A_272 : i32
        "tpu.region"() ({
          %run_scoped3A = tpu.sem_alloc : memref<!tpu.dma_semaphore, #tpu.memory_space<semaphore_mem>>
          %dma_start3A_274 = arith.constant 2048 : i32
          %dma_start3A_275 = tpu.memref_slice %arg11[%dma_start3A_274] : memref<4096xi32, #tpu.memory_space<vmem>> -> memref<2048xi32, #tpu.memory_space<vmem>>
          %dma_start3A_276 = tpu.memref_slice %arg2[%mul3A_273] : memref<320256xi32, #tpu.memory_space<hbm>> -> memref<2048xi32, #tpu.memory_space<hbm>>
          %dma_start3A_277 = arith.constant 2048 : i32
          %dma_start3A_278 = tpu.memref_slice %arg11[%dma_start3A_277] : memref<4096xi32, #tpu.memory_space<vmem>> -> memref<2048xi32, #tpu.memory_space<vmem>>
          %dma_start3A_279 = tpu.memref_slice %arg2[%mul3A_273] : memref<320256xi32, #tpu.memory_space<hbm>> -> memref<2048xi32, #tpu.memory_space<hbm>>
          tpu.enqueue_dma source(%dma_start3A_279 : memref<2048xi32, #tpu.memory_space<hbm>>) target(%dma_start3A_278 : memref<2048xi32, #tpu.memory_space<vmem>>) target_semaphore(%run_scoped3A : memref<!tpu.dma_semaphore, #tpu.memory_space<semaphore_mem>>)
          %dma_wait3A_280 = arith.constant 2048 : i32
          %dma_wait3A_281 = tpu.memref_slice %arg11[%dma_wait3A_280] : memref<4096xi32, #tpu.memory_space<vmem>> -> memref<2048xi32, #tpu.memory_space<vmem>>
          %dma_wait3A_282 = tpu.memref_slice %arg2[%mul3A_273] : memref<320256xi32, #tpu.memory_space<hbm>> -> memref<2048xi32, #tpu.memory_space<hbm>>
          %dma_wait3A_283 = arith.constant 2048 : i32
          %dma_wait3A_284 = tpu.memref_slice %arg11[%dma_wait3A_283] : memref<4096xi32, #tpu.memory_space<vmem>> -> memref<2048xi32, #tpu.memory_space<vmem>>
          %dma_wait3A_285 = tpu.memref_slice %arg2[%mul3A_273] : memref<320256xi32, #tpu.memory_space<hbm>> -> memref<2048xi32, #tpu.memory_space<hbm>>
          tpu.wait_dma2 semaphore(%run_scoped3A : memref<!tpu.dma_semaphore, #tpu.memory_space<semaphore_mem>>) src(%dma_wait3A_285 : memref<2048xi32, #tpu.memory_space<hbm>>) dst(%dma_wait3A_284 : memref<2048xi32, #tpu.memory_space<vmem>>)
          tpu.yield
        }) : () -> ()
        "tpu.region"() ({
          %run_scoped3A = tpu.sem_alloc : memref<!tpu.dma_semaphore, #tpu.memory_space<semaphore_mem>>
          %dma_start3A_274 = arith.constant 2048 : i32
          %dma_start3A_275 = tpu.memref_slice %arg12[%dma_start3A_274] : memref<4096xi32, #tpu.memory_space<vmem>> -> memref<2048xi32, #tpu.memory_space<vmem>>
          %dma_start3A_276 = tpu.memref_slice %arg3[%mul3A_273] : memref<320256xi32, #tpu.memory_space<hbm>> -> memref<2048xi32, #tpu.memory_space<hbm>>
          %dma_start3A_277 = arith.constant 2048 : i32
          %dma_start3A_278 = tpu.memref_slice %arg12[%dma_start3A_277] : memref<4096xi32, #tpu.memory_space<vmem>> -> memref<2048xi32, #tpu.memory_space<vmem>>
          %dma_start3A_279 = tpu.memref_slice %arg3[%mul3A_273] : memref<320256xi32, #tpu.memory_space<hbm>> -> memref<2048xi32, #tpu.memory_space<hbm>>
          tpu.enqueue_dma source(%dma_start3A_279 : memref<2048xi32, #tpu.memory_space<hbm>>) target(%dma_start3A_278 : memref<2048xi32, #tpu.memory_space<vmem>>) target_semaphore(%run_scoped3A : memref<!tpu.dma_semaphore, #tpu.memory_space<semaphore_mem>>)
          %dma_wait3A_280 = arith.constant 2048 : i32
          %dma_wait3A_281 = tpu.memref_slice %arg12[%dma_wait3A_280] : memref<4096xi32, #tpu.memory_space<vmem>> -> memref<2048xi32, #tpu.memory_space<vmem>>
          %dma_wait3A_282 = tpu.memref_slice %arg3[%mul3A_273] : memref<320256xi32, #tpu.memory_space<hbm>> -> memref<2048xi32, #tpu.memory_space<hbm>>
          %dma_wait3A_283 = arith.constant 2048 : i32
          %dma_wait3A_284 = tpu.memref_slice %arg12[%dma_wait3A_283] : memref<4096xi32, #tpu.memory_space<vmem>> -> memref<2048xi32, #tpu.memory_space<vmem>>
          %dma_wait3A_285 = tpu.memref_slice %arg3[%mul3A_273] : memref<320256xi32, #tpu.memory_space<hbm>> -> memref<2048xi32, #tpu.memory_space<hbm>>
          tpu.wait_dma2 semaphore(%run_scoped3A : memref<!tpu.dma_semaphore, #tpu.memory_space<semaphore_mem>>) src(%dma_wait3A_285 : memref<2048xi32, #tpu.memory_space<hbm>>) dst(%dma_wait3A_284 : memref<2048xi32, #tpu.memory_space<vmem>>)
          tpu.yield
        }) : () -> ()
      } else {
      }
      %eq3A_187 = arith.constant 25 : i32
      %eq3A_188 = arith.cmpi eq, %while3A_154, %eq3A_187 : i32
      %convert_element_type3A_189 = arith.extui %eq3A_188 : i1 to i32
      %cond3A_190 = arith.constant 0 : i32
      %cond3A_191 = arith.cmpi ne, %convert_element_type3A_189, %cond3A_190 : i32
      scf.if %cond3A_191 {
        %add3A_270 = arith.constant 64 : i32
        %add3A_271 = arith.addi %select_n3A_12, %add3A_270 : i32
        %mul3A_272 = arith.constant 128 : i32
        %mul3A_273 = arith.muli %add3A_271, %mul3A_272 : i32
        "tpu.region"() ({
          %run_scoped3A = tpu.sem_alloc : memref<!tpu.dma_semaphore, #tpu.memory_space<semaphore_mem>>
          %dma_start3A_274 = arith.constant 0 : i32
          %dma_start3A_275 = tpu.memref_slice %arg11[%dma_start3A_274] : memref<4096xi32, #tpu.memory_space<vmem>> -> memref<2048xi32, #tpu.memory_space<vmem>>
          %dma_start3A_276 = tpu.memref_slice %arg2[%mul3A_273] : memref<320256xi32, #tpu.memory_space<hbm>> -> memref<2048xi32, #tpu.memory_space<hbm>>
          %dma_start3A_277 = arith.constant 0 : i32
          %dma_start3A_278 = tpu.memref_slice %arg11[%dma_start3A_277] : memref<4096xi32, #tpu.memory_space<vmem>> -> memref<2048xi32, #tpu.memory_space<vmem>>
          %dma_start3A_279 = tpu.memref_slice %arg2[%mul3A_273] : memref<320256xi32, #tpu.memory_space<hbm>> -> memref<2048xi32, #tpu.memory_space<hbm>>
          tpu.enqueue_dma source(%dma_start3A_279 : memref<2048xi32, #tpu.memory_space<hbm>>) target(%dma_start3A_278 : memref<2048xi32, #tpu.memory_space<vmem>>) target_semaphore(%run_scoped3A : memref<!tpu.dma_semaphore, #tpu.memory_space<semaphore_mem>>)
          %dma_wait3A_280 = arith.constant 0 : i32
          %dma_wait3A_281 = tpu.memref_slice %arg11[%dma_wait3A_280] : memref<4096xi32, #tpu.memory_space<vmem>> -> memref<2048xi32, #tpu.memory_space<vmem>>
          %dma_wait3A_282 = tpu.memref_slice %arg2[%mul3A_273] : memref<320256xi32, #tpu.memory_space<hbm>> -> memref<2048xi32, #tpu.memory_space<hbm>>
          %dma_wait3A_283 = arith.constant 0 : i32
          %dma_wait3A_284 = tpu.memref_slice %arg11[%dma_wait3A_283] : memref<4096xi32, #tpu.memory_space<vmem>> -> memref<2048xi32, #tpu.memory_space<vmem>>
          %dma_wait3A_285 = tpu.memref_slice %arg2[%mul3A_273] : memref<320256xi32, #tpu.memory_space<hbm>> -> memref<2048xi32, #tpu.memory_space<hbm>>
          tpu.wait_dma2 semaphore(%run_scoped3A : memref<!tpu.dma_semaphore, #tpu.memory_space<semaphore_mem>>) src(%dma_wait3A_285 : memref<2048xi32, #tpu.memory_space<hbm>>) dst(%dma_wait3A_284 : memref<2048xi32, #tpu.memory_space<vmem>>)
          tpu.yield
        }) : () -> ()
        "tpu.region"() ({
          %run_scoped3A = tpu.sem_alloc : memref<!tpu.dma_semaphore, #tpu.memory_space<semaphore_mem>>
          %dma_start3A_274 = arith.constant 0 : i32
          %dma_start3A_275 = tpu.memref_slice %arg12[%dma_start3A_274] : memref<4096xi32, #tpu.memory_space<vmem>> -> memref<2048xi32, #tpu.memory_space<vmem>>
          %dma_start3A_276 = tpu.memref_slice %arg3[%mul3A_273] : memref<320256xi32, #tpu.memory_space<hbm>> -> memref<2048xi32, #tpu.memory_space<hbm>>
          %dma_start3A_277 = arith.constant 0 : i32
          %dma_start3A_278 = tpu.memref_slice %arg12[%dma_start3A_277] : memref<4096xi32, #tpu.memory_space<vmem>> -> memref<2048xi32, #tpu.memory_space<vmem>>
          %dma_start3A_279 = tpu.memref_slice %arg3[%mul3A_273] : memref<320256xi32, #tpu.memory_space<hbm>> -> memref<2048xi32, #tpu.memory_space<hbm>>
          tpu.enqueue_dma source(%dma_start3A_279 : memref<2048xi32, #tpu.memory_space<hbm>>) target(%dma_start3A_278 : memref<2048xi32, #tpu.memory_space<vmem>>) target_semaphore(%run_scoped3A : memref<!tpu.dma_semaphore, #tpu.memory_space<semaphore_mem>>)
          %dma_wait3A_280 = arith.constant 0 : i32
          %dma_wait3A_281 = tpu.memref_slice %arg12[%dma_wait3A_280] : memref<4096xi32, #tpu.memory_space<vmem>> -> memref<2048xi32, #tpu.memory_space<vmem>>
          %dma_wait3A_282 = tpu.memref_slice %arg3[%mul3A_273] : memref<320256xi32, #tpu.memory_space<hbm>> -> memref<2048xi32, #tpu.memory_space<hbm>>
          %dma_wait3A_283 = arith.constant 0 : i32
          %dma_wait3A_284 = tpu.memref_slice %arg12[%dma_wait3A_283] : memref<4096xi32, #tpu.memory_space<vmem>> -> memref<2048xi32, #tpu.memory_space<vmem>>
          %dma_wait3A_285 = tpu.memref_slice %arg3[%mul3A_273] : memref<320256xi32, #tpu.memory_space<hbm>> -> memref<2048xi32, #tpu.memory_space<hbm>>
          tpu.wait_dma2 semaphore(%run_scoped3A : memref<!tpu.dma_semaphore, #tpu.memory_space<semaphore_mem>>) src(%dma_wait3A_285 : memref<2048xi32, #tpu.memory_space<hbm>>) dst(%dma_wait3A_284 : memref<2048xi32, #tpu.memory_space<vmem>>)
          tpu.yield
        }) : () -> ()
      } else {
      }
      %scan3A_192 = arith.constant 0 : i32
      %scan3A_193 = arith.constant 8 : i32
      %scan3A_194 = arith.addi %scan3A_192, %scan3A_193 : i32
      %scan3A_195 = arith.constant 1 : i32
      %scan3A_196 = scf.for %scan3A_270 = %scan3A_192 to %scan3A_194 step %scan3A_195 iter_args(%scan3A_271 = %while3A_155) -> (vector<16xf32>)  : i32 {
        %broadcast_in_dim3A_272 = arith.constant 0.000000e+00 : f32
        %broadcast_in_dim3A_273 = vector.broadcast %broadcast_in_dim3A_272 : f32 to vector<16xf32>
        %scan3A_274 = arith.constant 0 : i32
        %scan3A_275 = arith.constant 16 : i32
        %scan3A_276 = arith.addi %scan3A_274, %scan3A_275 : i32
        %scan3A_277 = arith.constant 4 : i32
        %scan3A_278 = scf.for %scan3A_339 = %scan3A_274 to %scan3A_276 step %scan3A_277 iter_args(%scan3A_340 = %broadcast_in_dim3A_273) -> (vector<16xf32>)  : i32 {
          %mul3A_341 = arith.constant 16 : i32
          %mul3A_342 = arith.muli %scan3A_270, %mul3A_341 : i32
          %add3A_343 = arith.addi %mul3A_342, %scan3A_339 : i32
          %get3A = arith.index_cast %add3A_343 : i32 to index
          %get3A_344 = arith.constant 0 : index
          %get3A_345 = tpu.vector_load %arg18[%get3A, %get3A_344] {strides = array<i32>} : memref<128x64xi32, #tpu.memory_space<vmem>>, vector<1x16xi32>,
          %get3A_346 = vector.shape_cast %get3A_345 : vector<1x16xi32> to vector<16xi32>
          %shift_left3A = arith.constant 16 : i32
          %shift_left3A_347 = vector.broadcast %shift_left3A : i32 to vector<16xi32>
          %shift_left3A_348 = arith.shli %get3A_346, %shift_left3A_347 : vector<16xi32>
          %bitcast_convert_type3A_349 = tpu.bitcast %shift_left3A_348 : vector<16xi32> -> vector<16xf32>
          %and3A_350 = arith.constant -65536 : i32
          %and3A_351 = vector.broadcast %and3A_350 : i32 to vector<16xi32>
          %and3A_352 = arith.andi %get3A_346, %and3A_351 : vector<16xi32>
          %bitcast_convert_type3A_353 = tpu.bitcast %and3A_352 : vector<16xi32> -> vector<16xf32>
          %get3A_354 = arith.index_cast %add3A_343 : i32 to index
          %get3A_355 = arith.constant 0 : index
          %get3A_356 = tpu.vector_load %arg17[%get3A_354, %get3A_355] {strides = array<i32>} : memref<128x128xf32, #tpu.memory_space<vmem>>, vector<1x16xf32>,
          %get3A_357 = vector.shape_cast %get3A_356 : vector<1x16xf32> to vector<16xf32>
          %get3A_358 = arith.index_cast %add3A_343 : i32 to index
          %get3A_359 = arith.constant 64 : index
          %get3A_360 = tpu.vector_load %arg17[%get3A_358, %get3A_359] {strides = array<i32>} : memref<128x128xf32, #tpu.memory_space<vmem>>, vector<1x16xf32>,
          %get3A_361 = vector.shape_cast %get3A_360 : vector<1x16xf32> to vector<16xf32>
          %mul3A_362 = arith.mulf %get3A_357, %bitcast_convert_type3A_349 : vector<16xf32>
          %mul3A_363 = arith.mulf %get3A_361, %bitcast_convert_type3A_353 : vector<16xf32>
          %add3A_364 = arith.addf %mul3A_362, %mul3A_363 : vector<16xf32>
          %get3A_365 = arith.index_cast %add3A_343 : i32 to index
          %get3A_366 = arith.constant 16 : index
          %get3A_367 = tpu.vector_load %arg18[%get3A_365, %get3A_366] {strides = array<i32>} : memref<128x64xi32, #tpu.memory_space<vmem>>, vector<1x16xi32>,
          %get3A_368 = vector.shape_cast %get3A_367 : vector<1x16xi32> to vector<16xi32>
          %shift_left3A_369 = arith.constant 16 : i32
          %shift_left3A_370 = vector.broadcast %shift_left3A_369 : i32 to vector<16xi32>
          %shift_left3A_371 = arith.shli %get3A_368, %shift_left3A_370 : vector<16xi32>
          %bitcast_convert_type3A_372 = tpu.bitcast %shift_left3A_371 : vector<16xi32> -> vector<16xf32>
          %and3A_373 = arith.constant -65536 : i32
          %and3A_374 = vector.broadcast %and3A_373 : i32 to vector<16xi32>
          %and3A_375 = arith.andi %get3A_368, %and3A_374 : vector<16xi32>
          %bitcast_convert_type3A_376 = tpu.bitcast %and3A_375 : vector<16xi32> -> vector<16xf32>
          %get3A_377 = arith.index_cast %add3A_343 : i32 to index
          %get3A_378 = arith.constant 16 : index
          %get3A_379 = tpu.vector_load %arg17[%get3A_377, %get3A_378] {strides = array<i32>} : memref<128x128xf32, #tpu.memory_space<vmem>>, vector<1x16xf32>,
          %get3A_380 = vector.shape_cast %get3A_379 : vector<1x16xf32> to vector<16xf32>
          %get3A_381 = arith.index_cast %add3A_343 : i32 to index
          %get3A_382 = arith.constant 80 : index
          %get3A_383 = tpu.vector_load %arg17[%get3A_381, %get3A_382] {strides = array<i32>} : memref<128x128xf32, #tpu.memory_space<vmem>>, vector<1x16xf32>,
          %get3A_384 = vector.shape_cast %get3A_383 : vector<1x16xf32> to vector<16xf32>
          %mul3A_385 = arith.mulf %get3A_380, %bitcast_convert_type3A_372 : vector<16xf32>
          %mul3A_386 = arith.mulf %get3A_384, %bitcast_convert_type3A_376 : vector<16xf32>
          %add3A_387 = arith.addf %mul3A_385, %mul3A_386 : vector<16xf32>
          %add3A_388 = arith.addf %add3A_364, %add3A_387 : vector<16xf32>
          %get3A_389 = arith.index_cast %add3A_343 : i32 to index
          %get3A_390 = arith.constant 32 : index
          %get3A_391 = tpu.vector_load %arg18[%get3A_389, %get3A_390] {strides = array<i32>} : memref<128x64xi32, #tpu.memory_space<vmem>>, vector<1x16xi32>,
          %get3A_392 = vector.shape_cast %get3A_391 : vector<1x16xi32> to vector<16xi32>
          %shift_left3A_393 = arith.constant 16 : i32
          %shift_left3A_394 = vector.broadcast %shift_left3A_393 : i32 to vector<16xi32>
          %shift_left3A_395 = arith.shli %get3A_392, %shift_left3A_394 : vector<16xi32>
          %bitcast_convert_type3A_396 = tpu.bitcast %shift_left3A_395 : vector<16xi32> -> vector<16xf32>
          %and3A_397 = arith.constant -65536 : i32
          %and3A_398 = vector.broadcast %and3A_397 : i32 to vector<16xi32>
          %and3A_399 = arith.andi %get3A_392, %and3A_398 : vector<16xi32>
          %bitcast_convert_type3A_400 = tpu.bitcast %and3A_399 : vector<16xi32> -> vector<16xf32>
          %get3A_401 = arith.index_cast %add3A_343 : i32 to index
          %get3A_402 = arith.constant 32 : index
          %get3A_403 = tpu.vector_load %arg17[%get3A_401, %get3A_402] {strides = array<i32>} : memref<128x128xf32, #tpu.memory_space<vmem>>, vector<1x16xf32>,
          %get3A_404 = vector.shape_cast %get3A_403 : vector<1x16xf32> to vector<16xf32>
          %get3A_405 = arith.index_cast %add3A_343 : i32 to index
          %get3A_406 = arith.constant 96 : index
          %get3A_407 = tpu.vector_load %arg17[%get3A_405, %get3A_406] {strides = array<i32>} : memref<128x128xf32, #tpu.memory_space<vmem>>, vector<1x16xf32>,
          %get3A_408 = vector.shape_cast %get3A_407 : vector<1x16xf32> to vector<16xf32>
          %mul3A_409 = arith.mulf %get3A_404, %bitcast_convert_type3A_396 : vector<16xf32>
          %mul3A_410 = arith.mulf %get3A_408, %bitcast_convert_type3A_400 : vector<16xf32>
          %add3A_411 = arith.addf %mul3A_409, %mul3A_410 : vector<16xf32>
          %add3A_412 = arith.addf %add3A_388, %add3A_411 : vector<16xf32>
          %get3A_413 = arith.index_cast %add3A_343 : i32 to index
          %get3A_414 = arith.constant 48 : index
          %get3A_415 = tpu.vector_load %arg18[%get3A_413, %get3A_414] {strides = array<i32>} : memref<128x64xi32, #tpu.memory_space<vmem>>, vector<1x16xi32>,
          %get3A_416 = vector.shape_cast %get3A_415 : vector<1x16xi32> to vector<16xi32>
          %shift_left3A_417 = arith.constant 16 : i32
          %shift_left3A_418 = vector.broadcast %shift_left3A_417 : i32 to vector<16xi32>
          %shift_left3A_419 = arith.shli %get3A_416, %shift_left3A_418 : vector<16xi32>
          %bitcast_convert_type3A_420 = tpu.bitcast %shift_left3A_419 : vector<16xi32> -> vector<16xf32>
          %and3A_421 = arith.constant -65536 : i32
          %and3A_422 = vector.broadcast %and3A_421 : i32 to vector<16xi32>
          %and3A_423 = arith.andi %get3A_416, %and3A_422 : vector<16xi32>
          %bitcast_convert_type3A_424 = tpu.bitcast %and3A_423 : vector<16xi32> -> vector<16xf32>
          %get3A_425 = arith.index_cast %add3A_343 : i32 to index
          %get3A_426 = arith.constant 48 : index
          %get3A_427 = tpu.vector_load %arg17[%get3A_425, %get3A_426] {strides = array<i32>} : memref<128x128xf32, #tpu.memory_space<vmem>>, vector<1x16xf32>,
          %get3A_428 = vector.shape_cast %get3A_427 : vector<1x16xf32> to vector<16xf32>
          %get3A_429 = arith.index_cast %add3A_343 : i32 to index
          %get3A_430 = arith.constant 112 : index
          %get3A_431 = tpu.vector_load %arg17[%get3A_429, %get3A_430] {strides = array<i32>} : memref<128x128xf32, #tpu.memory_space<vmem>>, vector<1x16xf32>,
          %get3A_432 = vector.shape_cast %get3A_431 : vector<1x16xf32> to vector<16xf32>
          %mul3A_433 = arith.mulf %get3A_428, %bitcast_convert_type3A_420 : vector<16xf32>
          %mul3A_434 = arith.mulf %get3A_432, %bitcast_convert_type3A_424 : vector<16xf32>
          %add3A_435 = arith.addf %mul3A_433, %mul3A_434 : vector<16xf32>
          %add3A_436 = arith.addf %add3A_412, %add3A_435 : vector<16xf32>
          %eq3A_437 = vector.broadcast %scan3A_339 : i32 to vector<16xi32>
          %eq3A_438 = arith.cmpi eq, %iota3A, %eq3A_437 : vector<16xi32>
          %xor3A = arith.constant 1 : i32
          %xor3A_439 = vector.broadcast %xor3A : i32 to vector<16xi32>
          %xor3A_440 = arith.xori %iota3A, %xor3A_439 : vector<16xi32>
          %broadcast_in_dim3A_441 = vector.shape_cast %xor3A_440 : vector<16xi32> to vector<16x1xi32>
          %gather3A = vector.shape_cast %broadcast_in_dim3A_441 : vector<16x1xi32> to vector<16xi32>
          %gather3A_442 = tpu.dynamic_gather %add3A_436[%gather3A] in [0] : vector<16xf32>, vector<16xi32> -> vector<16xf32>
          %add3A_443 = arith.addf %add3A_436, %gather3A_442 : vector<16xf32>
          %xor3A_444 = arith.constant 2 : i32
          %xor3A_445 = vector.broadcast %xor3A_444 : i32 to vector<16xi32>
          %xor3A_446 = arith.xori %iota3A, %xor3A_445 : vector<16xi32>
          %broadcast_in_dim3A_447 = vector.shape_cast %xor3A_446 : vector<16xi32> to vector<16x1xi32>
          %gather3A_448 = vector.shape_cast %broadcast_in_dim3A_447 : vector<16x1xi32> to vector<16xi32>
          %gather3A_449 = tpu.dynamic_gather %add3A_443[%gather3A_448] in [0] : vector<16xf32>, vector<16xi32> -> vector<16xf32>
          %add3A_450 = arith.addf %add3A_443, %gather3A_449 : vector<16xf32>
          %xor3A_451 = arith.constant 4 : i32
          %xor3A_452 = vector.broadcast %xor3A_451 : i32 to vector<16xi32>
          %xor3A_453 = arith.xori %iota3A, %xor3A_452 : vector<16xi32>
          %broadcast_in_dim3A_454 = vector.shape_cast %xor3A_453 : vector<16xi32> to vector<16x1xi32>
          %gather3A_455 = vector.shape_cast %broadcast_in_dim3A_454 : vector<16x1xi32> to vector<16xi32>
          %gather3A_456 = tpu.dynamic_gather %add3A_450[%gather3A_455] in [0] : vector<16xf32>, vector<16xi32> -> vector<16xf32>
          %add3A_457 = arith.addf %add3A_450, %gather3A_456 : vector<16xf32>
          %xor3A_458 = arith.constant 8 : i32
          %xor3A_459 = vector.broadcast %xor3A_458 : i32 to vector<16xi32>
          %xor3A_460 = arith.xori %iota3A, %xor3A_459 : vector<16xi32>
          %broadcast_in_dim3A_461 = vector.shape_cast %xor3A_460 : vector<16xi32> to vector<16x1xi32>
          %gather3A_462 = vector.shape_cast %broadcast_in_dim3A_461 : vector<16x1xi32> to vector<16xi32>
          %gather3A_463 = tpu.dynamic_gather %add3A_457[%gather3A_462] in [0] : vector<16xf32>, vector<16xi32> -> vector<16xf32>
          %add3A_464 = arith.addf %add3A_457, %gather3A_463 : vector<16xf32>
          %select_n3A_465 = arith.select %eq3A_438, %add3A_464, %scan3A_340 : vector<16xi1>, vector<16xf32>
          %scan3A_466 = arith.constant 1 : i32
          %scan3A_467 = arith.addi %scan3A_339, %scan3A_466 : i32
          %mul3A_468 = arith.constant 16 : i32
          %mul3A_469 = arith.muli %scan3A_270, %mul3A_468 : i32
          %add3A_470 = arith.addi %mul3A_469, %scan3A_467 : i32
          %get3A_471 = arith.index_cast %add3A_470 : i32 to index
          %get3A_472 = arith.constant 0 : index
          %get3A_473 = tpu.vector_load %arg18[%get3A_471, %get3A_472] {strides = array<i32>} : memref<128x64xi32, #tpu.memory_space<vmem>>, vector<1x16xi32>,
          %get3A_474 = vector.shape_cast %get3A_473 : vector<1x16xi32> to vector<16xi32>
          %shift_left3A_475 = arith.constant 16 : i32
          %shift_left3A_476 = vector.broadcast %shift_left3A_475 : i32 to vector<16xi32>
          %shift_left3A_477 = arith.shli %get3A_474, %shift_left3A_476 : vector<16xi32>
          %bitcast_convert_type3A_478 = tpu.bitcast %shift_left3A_477 : vector<16xi32> -> vector<16xf32>
          %and3A_479 = arith.constant -65536 : i32
          %and3A_480 = vector.broadcast %and3A_479 : i32 to vector<16xi32>
          %and3A_481 = arith.andi %get3A_474, %and3A_480 : vector<16xi32>
          %bitcast_convert_type3A_482 = tpu.bitcast %and3A_481 : vector<16xi32> -> vector<16xf32>
          %get3A_483 = arith.index_cast %add3A_470 : i32 to index
          %get3A_484 = arith.constant 0 : index
          %get3A_485 = tpu.vector_load %arg17[%get3A_483, %get3A_484] {strides = array<i32>} : memref<128x128xf32, #tpu.memory_space<vmem>>, vector<1x16xf32>,
          %get3A_486 = vector.shape_cast %get3A_485 : vector<1x16xf32> to vector<16xf32>
          %get3A_487 = arith.index_cast %add3A_470 : i32 to index
          %get3A_488 = arith.constant 64 : index
          %get3A_489 = tpu.vector_load %arg17[%get3A_487, %get3A_488] {strides = array<i32>} : memref<128x128xf32, #tpu.memory_space<vmem>>, vector<1x16xf32>,
          %get3A_490 = vector.shape_cast %get3A_489 : vector<1x16xf32> to vector<16xf32>
          %mul3A_491 = arith.mulf %get3A_486, %bitcast_convert_type3A_478 : vector<16xf32>
          %mul3A_492 = arith.mulf %get3A_490, %bitcast_convert_type3A_482 : vector<16xf32>
          %add3A_493 = arith.addf %mul3A_491, %mul3A_492 : vector<16xf32>
          %get3A_494 = arith.index_cast %add3A_470 : i32 to index
          %get3A_495 = arith.constant 16 : index
          %get3A_496 = tpu.vector_load %arg18[%get3A_494, %get3A_495] {strides = array<i32>} : memref<128x64xi32, #tpu.memory_space<vmem>>, vector<1x16xi32>,
          %get3A_497 = vector.shape_cast %get3A_496 : vector<1x16xi32> to vector<16xi32>
          %shift_left3A_498 = arith.constant 16 : i32
          %shift_left3A_499 = vector.broadcast %shift_left3A_498 : i32 to vector<16xi32>
          %shift_left3A_500 = arith.shli %get3A_497, %shift_left3A_499 : vector<16xi32>
          %bitcast_convert_type3A_501 = tpu.bitcast %shift_left3A_500 : vector<16xi32> -> vector<16xf32>
          %and3A_502 = arith.constant -65536 : i32
          %and3A_503 = vector.broadcast %and3A_502 : i32 to vector<16xi32>
          %and3A_504 = arith.andi %get3A_497, %and3A_503 : vector<16xi32>
          %bitcast_convert_type3A_505 = tpu.bitcast %and3A_504 : vector<16xi32> -> vector<16xf32>
          %get3A_506 = arith.index_cast %add3A_470 : i32 to index
          %get3A_507 = arith.constant 16 : index
          %get3A_508 = tpu.vector_load %arg17[%get3A_506, %get3A_507] {strides = array<i32>} : memref<128x128xf32, #tpu.memory_space<vmem>>, vector<1x16xf32>,
          %get3A_509 = vector.shape_cast %get3A_508 : vector<1x16xf32> to vector<16xf32>
          %get3A_510 = arith.index_cast %add3A_470 : i32 to index
          %get3A_511 = arith.constant 80 : index
          %get3A_512 = tpu.vector_load %arg17[%get3A_510, %get3A_511] {strides = array<i32>} : memref<128x128xf32, #tpu.memory_space<vmem>>, vector<1x16xf32>,
          %get3A_513 = vector.shape_cast %get3A_512 : vector<1x16xf32> to vector<16xf32>
          %mul3A_514 = arith.mulf %get3A_509, %bitcast_convert_type3A_501 : vector<16xf32>
          %mul3A_515 = arith.mulf %get3A_513, %bitcast_convert_type3A_505 : vector<16xf32>
          %add3A_516 = arith.addf %mul3A_514, %mul3A_515 : vector<16xf32>
          %add3A_517 = arith.addf %add3A_493, %add3A_516 : vector<16xf32>
          %get3A_518 = arith.index_cast %add3A_470 : i32 to index
          %get3A_519 = arith.constant 32 : index
          %get3A_520 = tpu.vector_load %arg18[%get3A_518, %get3A_519] {strides = array<i32>} : memref<128x64xi32, #tpu.memory_space<vmem>>, vector<1x16xi32>,
          %get3A_521 = vector.shape_cast %get3A_520 : vector<1x16xi32> to vector<16xi32>
          %shift_left3A_522 = arith.constant 16 : i32
          %shift_left3A_523 = vector.broadcast %shift_left3A_522 : i32 to vector<16xi32>
          %shift_left3A_524 = arith.shli %get3A_521, %shift_left3A_523 : vector<16xi32>
          %bitcast_convert_type3A_525 = tpu.bitcast %shift_left3A_524 : vector<16xi32> -> vector<16xf32>
          %and3A_526 = arith.constant -65536 : i32
          %and3A_527 = vector.broadcast %and3A_526 : i32 to vector<16xi32>
          %and3A_528 = arith.andi %get3A_521, %and3A_527 : vector<16xi32>
          %bitcast_convert_type3A_529 = tpu.bitcast %and3A_528 : vector<16xi32> -> vector<16xf32>
          %get3A_530 = arith.index_cast %add3A_470 : i32 to index
          %get3A_531 = arith.constant 32 : index
          %get3A_532 = tpu.vector_load %arg17[%get3A_530, %get3A_531] {strides = array<i32>} : memref<128x128xf32, #tpu.memory_space<vmem>>, vector<1x16xf32>,
          %get3A_533 = vector.shape_cast %get3A_532 : vector<1x16xf32> to vector<16xf32>
          %get3A_534 = arith.index_cast %add3A_470 : i32 to index
          %get3A_535 = arith.constant 96 : index
          %get3A_536 = tpu.vector_load %arg17[%get3A_534, %get3A_535] {strides = array<i32>} : memref<128x128xf32, #tpu.memory_space<vmem>>, vector<1x16xf32>,
          %get3A_537 = vector.shape_cast %get3A_536 : vector<1x16xf32> to vector<16xf32>
          %mul3A_538 = arith.mulf %get3A_533, %bitcast_convert_type3A_525 : vector<16xf32>
          %mul3A_539 = arith.mulf %get3A_537, %bitcast_convert_type3A_529 : vector<16xf32>
          %add3A_540 = arith.addf %mul3A_538, %mul3A_539 : vector<16xf32>
          %add3A_541 = arith.addf %add3A_517, %add3A_540 : vector<16xf32>
          %get3A_542 = arith.index_cast %add3A_470 : i32 to index
          %get3A_543 = arith.constant 48 : index
          %get3A_544 = tpu.vector_load %arg18[%get3A_542, %get3A_543] {strides = array<i32>} : memref<128x64xi32, #tpu.memory_space<vmem>>, vector<1x16xi32>,
          %get3A_545 = vector.shape_cast %get3A_544 : vector<1x16xi32> to vector<16xi32>
          %shift_left3A_546 = arith.constant 16 : i32
          %shift_left3A_547 = vector.broadcast %shift_left3A_546 : i32 to vector<16xi32>
          %shift_left3A_548 = arith.shli %get3A_545, %shift_left3A_547 : vector<16xi32>
          %bitcast_convert_type3A_549 = tpu.bitcast %shift_left3A_548 : vector<16xi32> -> vector<16xf32>
          %and3A_550 = arith.constant -65536 : i32
          %and3A_551 = vector.broadcast %and3A_550 : i32 to vector<16xi32>
          %and3A_552 = arith.andi %get3A_545, %and3A_551 : vector<16xi32>
          %bitcast_convert_type3A_553 = tpu.bitcast %and3A_552 : vector<16xi32> -> vector<16xf32>
          %get3A_554 = arith.index_cast %add3A_470 : i32 to index
          %get3A_555 = arith.constant 48 : index
          %get3A_556 = tpu.vector_load %arg17[%get3A_554, %get3A_555] {strides = array<i32>} : memref<128x128xf32, #tpu.memory_space<vmem>>, vector<1x16xf32>,
          %get3A_557 = vector.shape_cast %get3A_556 : vector<1x16xf32> to vector<16xf32>
          %get3A_558 = arith.index_cast %add3A_470 : i32 to index
          %get3A_559 = arith.constant 112 : index
          %get3A_560 = tpu.vector_load %arg17[%get3A_558, %get3A_559] {strides = array<i32>} : memref<128x128xf32, #tpu.memory_space<vmem>>, vector<1x16xf32>,
          %get3A_561 = vector.shape_cast %get3A_560 : vector<1x16xf32> to vector<16xf32>
          %mul3A_562 = arith.mulf %get3A_557, %bitcast_convert_type3A_549 : vector<16xf32>
          %mul3A_563 = arith.mulf %get3A_561, %bitcast_convert_type3A_553 : vector<16xf32>
          %add3A_564 = arith.addf %mul3A_562, %mul3A_563 : vector<16xf32>
          %add3A_565 = arith.addf %add3A_541, %add3A_564 : vector<16xf32>
          %eq3A_566 = vector.broadcast %scan3A_467 : i32 to vector<16xi32>
          %eq3A_567 = arith.cmpi eq, %iota3A, %eq3A_566 : vector<16xi32>
          %xor3A_568 = arith.constant 1 : i32
          %xor3A_569 = vector.broadcast %xor3A_568 : i32 to vector<16xi32>
          %xor3A_570 = arith.xori %iota3A, %xor3A_569 : vector<16xi32>
          %broadcast_in_dim3A_571 = vector.shape_cast %xor3A_570 : vector<16xi32> to vector<16x1xi32>
          %gather3A_572 = vector.shape_cast %broadcast_in_dim3A_571 : vector<16x1xi32> to vector<16xi32>
          %gather3A_573 = tpu.dynamic_gather %add3A_565[%gather3A_572] in [0] : vector<16xf32>, vector<16xi32> -> vector<16xf32>
          %add3A_574 = arith.addf %add3A_565, %gather3A_573 : vector<16xf32>
          %xor3A_575 = arith.constant 2 : i32
          %xor3A_576 = vector.broadcast %xor3A_575 : i32 to vector<16xi32>
          %xor3A_577 = arith.xori %iota3A, %xor3A_576 : vector<16xi32>
          %broadcast_in_dim3A_578 = vector.shape_cast %xor3A_577 : vector<16xi32> to vector<16x1xi32>
          %gather3A_579 = vector.shape_cast %broadcast_in_dim3A_578 : vector<16x1xi32> to vector<16xi32>
          %gather3A_580 = tpu.dynamic_gather %add3A_574[%gather3A_579] in [0] : vector<16xf32>, vector<16xi32> -> vector<16xf32>
          %add3A_581 = arith.addf %add3A_574, %gather3A_580 : vector<16xf32>
          %xor3A_582 = arith.constant 4 : i32
          %xor3A_583 = vector.broadcast %xor3A_582 : i32 to vector<16xi32>
          %xor3A_584 = arith.xori %iota3A, %xor3A_583 : vector<16xi32>
          %broadcast_in_dim3A_585 = vector.shape_cast %xor3A_584 : vector<16xi32> to vector<16x1xi32>
          %gather3A_586 = vector.shape_cast %broadcast_in_dim3A_585 : vector<16x1xi32> to vector<16xi32>
          %gather3A_587 = tpu.dynamic_gather %add3A_581[%gather3A_586] in [0] : vector<16xf32>, vector<16xi32> -> vector<16xf32>
          %add3A_588 = arith.addf %add3A_581, %gather3A_587 : vector<16xf32>
          %xor3A_589 = arith.constant 8 : i32
          %xor3A_590 = vector.broadcast %xor3A_589 : i32 to vector<16xi32>
          %xor3A_591 = arith.xori %iota3A, %xor3A_590 : vector<16xi32>
          %broadcast_in_dim3A_592 = vector.shape_cast %xor3A_591 : vector<16xi32> to vector<16x1xi32>
          %gather3A_593 = vector.shape_cast %broadcast_in_dim3A_592 : vector<16x1xi32> to vector<16xi32>
          %gather3A_594 = tpu.dynamic_gather %add3A_588[%gather3A_593] in [0] : vector<16xf32>, vector<16xi32> -> vector<16xf32>
          %add3A_595 = arith.addf %add3A_588, %gather3A_594 : vector<16xf32>
          %select_n3A_596 = arith.select %eq3A_567, %add3A_595, %select_n3A_465 : vector<16xi1>, vector<16xf32>
          %scan3A_597 = arith.constant 2 : i32
          %scan3A_598 = arith.addi %scan3A_339, %scan3A_597 : i32
          %mul3A_599 = arith.constant 16 : i32
          %mul3A_600 = arith.muli %scan3A_270, %mul3A_599 : i32
          %add3A_601 = arith.addi %mul3A_600, %scan3A_598 : i32
          %get3A_602 = arith.index_cast %add3A_601 : i32 to index
          %get3A_603 = arith.constant 0 : index
          %get3A_604 = tpu.vector_load %arg18[%get3A_602, %get3A_603] {strides = array<i32>} : memref<128x64xi32, #tpu.memory_space<vmem>>, vector<1x16xi32>,
          %get3A_605 = vector.shape_cast %get3A_604 : vector<1x16xi32> to vector<16xi32>
          %shift_left3A_606 = arith.constant 16 : i32
          %shift_left3A_607 = vector.broadcast %shift_left3A_606 : i32 to vector<16xi32>
          %shift_left3A_608 = arith.shli %get3A_605, %shift_left3A_607 : vector<16xi32>
          %bitcast_convert_type3A_609 = tpu.bitcast %shift_left3A_608 : vector<16xi32> -> vector<16xf32>
          %and3A_610 = arith.constant -65536 : i32
          %and3A_611 = vector.broadcast %and3A_610 : i32 to vector<16xi32>
          %and3A_612 = arith.andi %get3A_605, %and3A_611 : vector<16xi32>
          %bitcast_convert_type3A_613 = tpu.bitcast %and3A_612 : vector<16xi32> -> vector<16xf32>
          %get3A_614 = arith.index_cast %add3A_601 : i32 to index
          %get3A_615 = arith.constant 0 : index
          %get3A_616 = tpu.vector_load %arg17[%get3A_614, %get3A_615] {strides = array<i32>} : memref<128x128xf32, #tpu.memory_space<vmem>>, vector<1x16xf32>,
          %get3A_617 = vector.shape_cast %get3A_616 : vector<1x16xf32> to vector<16xf32>
          %get3A_618 = arith.index_cast %add3A_601 : i32 to index
          %get3A_619 = arith.constant 64 : index
          %get3A_620 = tpu.vector_load %arg17[%get3A_618, %get3A_619] {strides = array<i32>} : memref<128x128xf32, #tpu.memory_space<vmem>>, vector<1x16xf32>,
          %get3A_621 = vector.shape_cast %get3A_620 : vector<1x16xf32> to vector<16xf32>
          %mul3A_622 = arith.mulf %get3A_617, %bitcast_convert_type3A_609 : vector<16xf32>
          %mul3A_623 = arith.mulf %get3A_621, %bitcast_convert_type3A_613 : vector<16xf32>
          %add3A_624 = arith.addf %mul3A_622, %mul3A_623 : vector<16xf32>
          %get3A_625 = arith.index_cast %add3A_601 : i32 to index
          %get3A_626 = arith.constant 16 : index
          %get3A_627 = tpu.vector_load %arg18[%get3A_625, %get3A_626] {strides = array<i32>} : memref<128x64xi32, #tpu.memory_space<vmem>>, vector<1x16xi32>,
          %get3A_628 = vector.shape_cast %get3A_627 : vector<1x16xi32> to vector<16xi32>
          %shift_left3A_629 = arith.constant 16 : i32
          %shift_left3A_630 = vector.broadcast %shift_left3A_629 : i32 to vector<16xi32>
          %shift_left3A_631 = arith.shli %get3A_628, %shift_left3A_630 : vector<16xi32>
          %bitcast_convert_type3A_632 = tpu.bitcast %shift_left3A_631 : vector<16xi32> -> vector<16xf32>
          %and3A_633 = arith.constant -65536 : i32
          %and3A_634 = vector.broadcast %and3A_633 : i32 to vector<16xi32>
          %and3A_635 = arith.andi %get3A_628, %and3A_634 : vector<16xi32>
          %bitcast_convert_type3A_636 = tpu.bitcast %and3A_635 : vector<16xi32> -> vector<16xf32>
          %get3A_637 = arith.index_cast %add3A_601 : i32 to index
          %get3A_638 = arith.constant 16 : index
          %get3A_639 = tpu.vector_load %arg17[%get3A_637, %get3A_638] {strides = array<i32>} : memref<128x128xf32, #tpu.memory_space<vmem>>, vector<1x16xf32>,
          %get3A_640 = vector.shape_cast %get3A_639 : vector<1x16xf32> to vector<16xf32>
          %get3A_641 = arith.index_cast %add3A_601 : i32 to index
          %get3A_642 = arith.constant 80 : index
          %get3A_643 = tpu.vector_load %arg17[%get3A_641, %get3A_642] {strides = array<i32>} : memref<128x128xf32, #tpu.memory_space<vmem>>, vector<1x16xf32>,
          %get3A_644 = vector.shape_cast %get3A_643 : vector<1x16xf32> to vector<16xf32>
          %mul3A_645 = arith.mulf %get3A_640, %bitcast_convert_type3A_632 : vector<16xf32>
          %mul3A_646 = arith.mulf %get3A_644, %bitcast_convert_type3A_636 : vector<16xf32>
          %add3A_647 = arith.addf %mul3A_645, %mul3A_646 : vector<16xf32>
          %add3A_648 = arith.addf %add3A_624, %add3A_647 : vector<16xf32>
          %get3A_649 = arith.index_cast %add3A_601 : i32 to index
          %get3A_650 = arith.constant 32 : index
          %get3A_651 = tpu.vector_load %arg18[%get3A_649, %get3A_650] {strides = array<i32>} : memref<128x64xi32, #tpu.memory_space<vmem>>, vector<1x16xi32>,
          %get3A_652 = vector.shape_cast %get3A_651 : vector<1x16xi32> to vector<16xi32>
          %shift_left3A_653 = arith.constant 16 : i32
          %shift_left3A_654 = vector.broadcast %shift_left3A_653 : i32 to vector<16xi32>
          %shift_left3A_655 = arith.shli %get3A_652, %shift_left3A_654 : vector<16xi32>
          %bitcast_convert_type3A_656 = tpu.bitcast %shift_left3A_655 : vector<16xi32> -> vector<16xf32>
          %and3A_657 = arith.constant -65536 : i32
          %and3A_658 = vector.broadcast %and3A_657 : i32 to vector<16xi32>
          %and3A_659 = arith.andi %get3A_652, %and3A_658 : vector<16xi32>
          %bitcast_convert_type3A_660 = tpu.bitcast %and3A_659 : vector<16xi32> -> vector<16xf32>
          %get3A_661 = arith.index_cast %add3A_601 : i32 to index
          %get3A_662 = arith.constant 32 : index
          %get3A_663 = tpu.vector_load %arg17[%get3A_661, %get3A_662] {strides = array<i32>} : memref<128x128xf32, #tpu.memory_space<vmem>>, vector<1x16xf32>,
          %get3A_664 = vector.shape_cast %get3A_663 : vector<1x16xf32> to vector<16xf32>
          %get3A_665 = arith.index_cast %add3A_601 : i32 to index
          %get3A_666 = arith.constant 96 : index
          %get3A_667 = tpu.vector_load %arg17[%get3A_665, %get3A_666] {strides = array<i32>} : memref<128x128xf32, #tpu.memory_space<vmem>>, vector<1x16xf32>,
          %get3A_668 = vector.shape_cast %get3A_667 : vector<1x16xf32> to vector<16xf32>
          %mul3A_669 = arith.mulf %get3A_664, %bitcast_convert_type3A_656 : vector<16xf32>
          %mul3A_670 = arith.mulf %get3A_668, %bitcast_convert_type3A_660 : vector<16xf32>
          %add3A_671 = arith.addf %mul3A_669, %mul3A_670 : vector<16xf32>
          %add3A_672 = arith.addf %add3A_648, %add3A_671 : vector<16xf32>
          %get3A_673 = arith.index_cast %add3A_601 : i32 to index
          %get3A_674 = arith.constant 48 : index
          %get3A_675 = tpu.vector_load %arg18[%get3A_673, %get3A_674] {strides = array<i32>} : memref<128x64xi32, #tpu.memory_space<vmem>>, vector<1x16xi32>,
          %get3A_676 = vector.shape_cast %get3A_675 : vector<1x16xi32> to vector<16xi32>
          %shift_left3A_677 = arith.constant 16 : i32
          %shift_left3A_678 = vector.broadcast %shift_left3A_677 : i32 to vector<16xi32>
          %shift_left3A_679 = arith.shli %get3A_676, %shift_left3A_678 : vector<16xi32>
          %bitcast_convert_type3A_680 = tpu.bitcast %shift_left3A_679 : vector<16xi32> -> vector<16xf32>
          %and3A_681 = arith.constant -65536 : i32
          %and3A_682 = vector.broadcast %and3A_681 : i32 to vector<16xi32>
          %and3A_683 = arith.andi %get3A_676, %and3A_682 : vector<16xi32>
          %bitcast_convert_type3A_684 = tpu.bitcast %and3A_683 : vector<16xi32> -> vector<16xf32>
          %get3A_685 = arith.index_cast %add3A_601 : i32 to index
          %get3A_686 = arith.constant 48 : index
          %get3A_687 = tpu.vector_load %arg17[%get3A_685, %get3A_686] {strides = array<i32>} : memref<128x128xf32, #tpu.memory_space<vmem>>, vector<1x16xf32>,
          %get3A_688 = vector.shape_cast %get3A_687 : vector<1x16xf32> to vector<16xf32>
          %get3A_689 = arith.index_cast %add3A_601 : i32 to index
          %get3A_690 = arith.constant 112 : index
          %get3A_691 = tpu.vector_load %arg17[%get3A_689, %get3A_690] {strides = array<i32>} : memref<128x128xf32, #tpu.memory_space<vmem>>, vector<1x16xf32>,
          %get3A_692 = vector.shape_cast %get3A_691 : vector<1x16xf32> to vector<16xf32>
          %mul3A_693 = arith.mulf %get3A_688, %bitcast_convert_type3A_680 : vector<16xf32>
          %mul3A_694 = arith.mulf %get3A_692, %bitcast_convert_type3A_684 : vector<16xf32>
          %add3A_695 = arith.addf %mul3A_693, %mul3A_694 : vector<16xf32>
          %add3A_696 = arith.addf %add3A_672, %add3A_695 : vector<16xf32>
          %eq3A_697 = vector.broadcast %scan3A_598 : i32 to vector<16xi32>
          %eq3A_698 = arith.cmpi eq, %iota3A, %eq3A_697 : vector<16xi32>
          %xor3A_699 = arith.constant 1 : i32
          %xor3A_700 = vector.broadcast %xor3A_699 : i32 to vector<16xi32>
          %xor3A_701 = arith.xori %iota3A, %xor3A_700 : vector<16xi32>
          %broadcast_in_dim3A_702 = vector.shape_cast %xor3A_701 : vector<16xi32> to vector<16x1xi32>
          %gather3A_703 = vector.shape_cast %broadcast_in_dim3A_702 : vector<16x1xi32> to vector<16xi32>
          %gather3A_704 = tpu.dynamic_gather %add3A_696[%gather3A_703] in [0] : vector<16xf32>, vector<16xi32> -> vector<16xf32>
          %add3A_705 = arith.addf %add3A_696, %gather3A_704 : vector<16xf32>
          %xor3A_706 = arith.constant 2 : i32
          %xor3A_707 = vector.broadcast %xor3A_706 : i32 to vector<16xi32>
          %xor3A_708 = arith.xori %iota3A, %xor3A_707 : vector<16xi32>
          %broadcast_in_dim3A_709 = vector.shape_cast %xor3A_708 : vector<16xi32> to vector<16x1xi32>
          %gather3A_710 = vector.shape_cast %broadcast_in_dim3A_709 : vector<16x1xi32> to vector<16xi32>
          %gather3A_711 = tpu.dynamic_gather %add3A_705[%gather3A_710] in [0] : vector<16xf32>, vector<16xi32> -> vector<16xf32>
          %add3A_712 = arith.addf %add3A_705, %gather3A_711 : vector<16xf32>
          %xor3A_713 = arith.constant 4 : i32
          %xor3A_714 = vector.broadcast %xor3A_713 : i32 to vector<16xi32>
          %xor3A_715 = arith.xori %iota3A, %xor3A_714 : vector<16xi32>
          %broadcast_in_dim3A_716 = vector.shape_cast %xor3A_715 : vector<16xi32> to vector<16x1xi32>
          %gather3A_717 = vector.shape_cast %broadcast_in_dim3A_716 : vector<16x1xi32> to vector<16xi32>
          %gather3A_718 = tpu.dynamic_gather %add3A_712[%gather3A_717] in [0] : vector<16xf32>, vector<16xi32> -> vector<16xf32>
          %add3A_719 = arith.addf %add3A_712, %gather3A_718 : vector<16xf32>
          %xor3A_720 = arith.constant 8 : i32
          %xor3A_721 = vector.broadcast %xor3A_720 : i32 to vector<16xi32>
          %xor3A_722 = arith.xori %iota3A, %xor3A_721 : vector<16xi32>
          %broadcast_in_dim3A_723 = vector.shape_cast %xor3A_722 : vector<16xi32> to vector<16x1xi32>
          %gather3A_724 = vector.shape_cast %broadcast_in_dim3A_723 : vector<16x1xi32> to vector<16xi32>
          %gather3A_725 = tpu.dynamic_gather %add3A_719[%gather3A_724] in [0] : vector<16xf32>, vector<16xi32> -> vector<16xf32>
          %add3A_726 = arith.addf %add3A_719, %gather3A_725 : vector<16xf32>
          %select_n3A_727 = arith.select %eq3A_698, %add3A_726, %select_n3A_596 : vector<16xi1>, vector<16xf32>
          %scan3A_728 = arith.constant 3 : i32
          %scan3A_729 = arith.addi %scan3A_339, %scan3A_728 : i32
          %mul3A_730 = arith.constant 16 : i32
          %mul3A_731 = arith.muli %scan3A_270, %mul3A_730 : i32
          %add3A_732 = arith.addi %mul3A_731, %scan3A_729 : i32
          %get3A_733 = arith.index_cast %add3A_732 : i32 to index
          %get3A_734 = arith.constant 0 : index
          %get3A_735 = tpu.vector_load %arg18[%get3A_733, %get3A_734] {strides = array<i32>} : memref<128x64xi32, #tpu.memory_space<vmem>>, vector<1x16xi32>,
          %get3A_736 = vector.shape_cast %get3A_735 : vector<1x16xi32> to vector<16xi32>
          %shift_left3A_737 = arith.constant 16 : i32
          %shift_left3A_738 = vector.broadcast %shift_left3A_737 : i32 to vector<16xi32>
          %shift_left3A_739 = arith.shli %get3A_736, %shift_left3A_738 : vector<16xi32>
          %bitcast_convert_type3A_740 = tpu.bitcast %shift_left3A_739 : vector<16xi32> -> vector<16xf32>
          %and3A_741 = arith.constant -65536 : i32
          %and3A_742 = vector.broadcast %and3A_741 : i32 to vector<16xi32>
          %and3A_743 = arith.andi %get3A_736, %and3A_742 : vector<16xi32>
          %bitcast_convert_type3A_744 = tpu.bitcast %and3A_743 : vector<16xi32> -> vector<16xf32>
          %get3A_745 = arith.index_cast %add3A_732 : i32 to index
          %get3A_746 = arith.constant 0 : index
          %get3A_747 = tpu.vector_load %arg17[%get3A_745, %get3A_746] {strides = array<i32>} : memref<128x128xf32, #tpu.memory_space<vmem>>, vector<1x16xf32>,
          %get3A_748 = vector.shape_cast %get3A_747 : vector<1x16xf32> to vector<16xf32>
          %get3A_749 = arith.index_cast %add3A_732 : i32 to index
          %get3A_750 = arith.constant 64 : index
          %get3A_751 = tpu.vector_load %arg17[%get3A_749, %get3A_750] {strides = array<i32>} : memref<128x128xf32, #tpu.memory_space<vmem>>, vector<1x16xf32>,
          %get3A_752 = vector.shape_cast %get3A_751 : vector<1x16xf32> to vector<16xf32>
          %mul3A_753 = arith.mulf %get3A_748, %bitcast_convert_type3A_740 : vector<16xf32>
          %mul3A_754 = arith.mulf %get3A_752, %bitcast_convert_type3A_744 : vector<16xf32>
          %add3A_755 = arith.addf %mul3A_753, %mul3A_754 : vector<16xf32>
          %get3A_756 = arith.index_cast %add3A_732 : i32 to index
          %get3A_757 = arith.constant 16 : index
          %get3A_758 = tpu.vector_load %arg18[%get3A_756, %get3A_757] {strides = array<i32>} : memref<128x64xi32, #tpu.memory_space<vmem>>, vector<1x16xi32>,
          %get3A_759 = vector.shape_cast %get3A_758 : vector<1x16xi32> to vector<16xi32>
          %shift_left3A_760 = arith.constant 16 : i32
          %shift_left3A_761 = vector.broadcast %shift_left3A_760 : i32 to vector<16xi32>
          %shift_left3A_762 = arith.shli %get3A_759, %shift_left3A_761 : vector<16xi32>
          %bitcast_convert_type3A_763 = tpu.bitcast %shift_left3A_762 : vector<16xi32> -> vector<16xf32>
          %and3A_764 = arith.constant -65536 : i32
          %and3A_765 = vector.broadcast %and3A_764 : i32 to vector<16xi32>
          %and3A_766 = arith.andi %get3A_759, %and3A_765 : vector<16xi32>
          %bitcast_convert_type3A_767 = tpu.bitcast %and3A_766 : vector<16xi32> -> vector<16xf32>
          %get3A_768 = arith.index_cast %add3A_732 : i32 to index
          %get3A_769 = arith.constant 16 : index
          %get3A_770 = tpu.vector_load %arg17[%get3A_768, %get3A_769] {strides = array<i32>} : memref<128x128xf32, #tpu.memory_space<vmem>>, vector<1x16xf32>,
          %get3A_771 = vector.shape_cast %get3A_770 : vector<1x16xf32> to vector<16xf32>
          %get3A_772 = arith.index_cast %add3A_732 : i32 to index
          %get3A_773 = arith.constant 80 : index
          %get3A_774 = tpu.vector_load %arg17[%get3A_772, %get3A_773] {strides = array<i32>} : memref<128x128xf32, #tpu.memory_space<vmem>>, vector<1x16xf32>,
          %get3A_775 = vector.shape_cast %get3A_774 : vector<1x16xf32> to vector<16xf32>
          %mul3A_776 = arith.mulf %get3A_771, %bitcast_convert_type3A_763 : vector<16xf32>
          %mul3A_777 = arith.mulf %get3A_775, %bitcast_convert_type3A_767 : vector<16xf32>
          %add3A_778 = arith.addf %mul3A_776, %mul3A_777 : vector<16xf32>
          %add3A_779 = arith.addf %add3A_755, %add3A_778 : vector<16xf32>
          %get3A_780 = arith.index_cast %add3A_732 : i32 to index
          %get3A_781 = arith.constant 32 : index
          %get3A_782 = tpu.vector_load %arg18[%get3A_780, %get3A_781] {strides = array<i32>} : memref<128x64xi32, #tpu.memory_space<vmem>>, vector<1x16xi32>,
          %get3A_783 = vector.shape_cast %get3A_782 : vector<1x16xi32> to vector<16xi32>
          %shift_left3A_784 = arith.constant 16 : i32
          %shift_left3A_785 = vector.broadcast %shift_left3A_784 : i32 to vector<16xi32>
          %shift_left3A_786 = arith.shli %get3A_783, %shift_left3A_785 : vector<16xi32>
          %bitcast_convert_type3A_787 = tpu.bitcast %shift_left3A_786 : vector<16xi32> -> vector<16xf32>
          %and3A_788 = arith.constant -65536 : i32
          %and3A_789 = vector.broadcast %and3A_788 : i32 to vector<16xi32>
          %and3A_790 = arith.andi %get3A_783, %and3A_789 : vector<16xi32>
          %bitcast_convert_type3A_791 = tpu.bitcast %and3A_790 : vector<16xi32> -> vector<16xf32>
          %get3A_792 = arith.index_cast %add3A_732 : i32 to index
          %get3A_793 = arith.constant 32 : index
          %get3A_794 = tpu.vector_load %arg17[%get3A_792, %get3A_793] {strides = array<i32>} : memref<128x128xf32, #tpu.memory_space<vmem>>, vector<1x16xf32>,
          %get3A_795 = vector.shape_cast %get3A_794 : vector<1x16xf32> to vector<16xf32>
          %get3A_796 = arith.index_cast %add3A_732 : i32 to index
          %get3A_797 = arith.constant 96 : index
          %get3A_798 = tpu.vector_load %arg17[%get3A_796, %get3A_797] {strides = array<i32>} : memref<128x128xf32, #tpu.memory_space<vmem>>, vector<1x16xf32>,
          %get3A_799 = vector.shape_cast %get3A_798 : vector<1x16xf32> to vector<16xf32>
          %mul3A_800 = arith.mulf %get3A_795, %bitcast_convert_type3A_787 : vector<16xf32>
          %mul3A_801 = arith.mulf %get3A_799, %bitcast_convert_type3A_791 : vector<16xf32>
          %add3A_802 = arith.addf %mul3A_800, %mul3A_801 : vector<16xf32>
          %add3A_803 = arith.addf %add3A_779, %add3A_802 : vector<16xf32>
          %get3A_804 = arith.index_cast %add3A_732 : i32 to index
          %get3A_805 = arith.constant 48 : index
          %get3A_806 = tpu.vector_load %arg18[%get3A_804, %get3A_805] {strides = array<i32>} : memref<128x64xi32, #tpu.memory_space<vmem>>, vector<1x16xi32>,
          %get3A_807 = vector.shape_cast %get3A_806 : vector<1x16xi32> to vector<16xi32>
          %shift_left3A_808 = arith.constant 16 : i32
          %shift_left3A_809 = vector.broadcast %shift_left3A_808 : i32 to vector<16xi32>
          %shift_left3A_810 = arith.shli %get3A_807, %shift_left3A_809 : vector<16xi32>
          %bitcast_convert_type3A_811 = tpu.bitcast %shift_left3A_810 : vector<16xi32> -> vector<16xf32>
          %and3A_812 = arith.constant -65536 : i32
          %and3A_813 = vector.broadcast %and3A_812 : i32 to vector<16xi32>
          %and3A_814 = arith.andi %get3A_807, %and3A_813 : vector<16xi32>
          %bitcast_convert_type3A_815 = tpu.bitcast %and3A_814 : vector<16xi32> -> vector<16xf32>
          %get3A_816 = arith.index_cast %add3A_732 : i32 to index
          %get3A_817 = arith.constant 48 : index
          %get3A_818 = tpu.vector_load %arg17[%get3A_816, %get3A_817] {strides = array<i32>} : memref<128x128xf32, #tpu.memory_space<vmem>>, vector<1x16xf32>,
          %get3A_819 = vector.shape_cast %get3A_818 : vector<1x16xf32> to vector<16xf32>
          %get3A_820 = arith.index_cast %add3A_732 : i32 to index
          %get3A_821 = arith.constant 112 : index
          %get3A_822 = tpu.vector_load %arg17[%get3A_820, %get3A_821] {strides = array<i32>} : memref<128x128xf32, #tpu.memory_space<vmem>>, vector<1x16xf32>,
          %get3A_823 = vector.shape_cast %get3A_822 : vector<1x16xf32> to vector<16xf32>
          %mul3A_824 = arith.mulf %get3A_819, %bitcast_convert_type3A_811 : vector<16xf32>
          %mul3A_825 = arith.mulf %get3A_823, %bitcast_convert_type3A_815 : vector<16xf32>
          %add3A_826 = arith.addf %mul3A_824, %mul3A_825 : vector<16xf32>
          %add3A_827 = arith.addf %add3A_803, %add3A_826 : vector<16xf32>
          %eq3A_828 = vector.broadcast %scan3A_729 : i32 to vector<16xi32>
          %eq3A_829 = arith.cmpi eq, %iota3A, %eq3A_828 : vector<16xi32>
          %xor3A_830 = arith.constant 1 : i32
          %xor3A_831 = vector.broadcast %xor3A_830 : i32 to vector<16xi32>
          %xor3A_832 = arith.xori %iota3A, %xor3A_831 : vector<16xi32>
          %broadcast_in_dim3A_833 = vector.shape_cast %xor3A_832 : vector<16xi32> to vector<16x1xi32>
          %gather3A_834 = vector.shape_cast %broadcast_in_dim3A_833 : vector<16x1xi32> to vector<16xi32>
          %gather3A_835 = tpu.dynamic_gather %add3A_827[%gather3A_834] in [0] : vector<16xf32>, vector<16xi32> -> vector<16xf32>
          %add3A_836 = arith.addf %add3A_827, %gather3A_835 : vector<16xf32>
          %xor3A_837 = arith.constant 2 : i32
          %xor3A_838 = vector.broadcast %xor3A_837 : i32 to vector<16xi32>
          %xor3A_839 = arith.xori %iota3A, %xor3A_838 : vector<16xi32>
          %broadcast_in_dim3A_840 = vector.shape_cast %xor3A_839 : vector<16xi32> to vector<16x1xi32>
          %gather3A_841 = vector.shape_cast %broadcast_in_dim3A_840 : vector<16x1xi32> to vector<16xi32>
          %gather3A_842 = tpu.dynamic_gather %add3A_836[%gather3A_841] in [0] : vector<16xf32>, vector<16xi32> -> vector<16xf32>
          %add3A_843 = arith.addf %add3A_836, %gather3A_842 : vector<16xf32>
          %xor3A_844 = arith.constant 4 : i32
          %xor3A_845 = vector.broadcast %xor3A_844 : i32 to vector<16xi32>
          %xor3A_846 = arith.xori %iota3A, %xor3A_845 : vector<16xi32>
          %broadcast_in_dim3A_847 = vector.shape_cast %xor3A_846 : vector<16xi32> to vector<16x1xi32>
          %gather3A_848 = vector.shape_cast %broadcast_in_dim3A_847 : vector<16x1xi32> to vector<16xi32>
          %gather3A_849 = tpu.dynamic_gather %add3A_843[%gather3A_848] in [0] : vector<16xf32>, vector<16xi32> -> vector<16xf32>
          %add3A_850 = arith.addf %add3A_843, %gather3A_849 : vector<16xf32>
          %xor3A_851 = arith.constant 8 : i32
          %xor3A_852 = vector.broadcast %xor3A_851 : i32 to vector<16xi32>
          %xor3A_853 = arith.xori %iota3A, %xor3A_852 : vector<16xi32>
          %broadcast_in_dim3A_854 = vector.shape_cast %xor3A_853 : vector<16xi32> to vector<16x1xi32>
          %gather3A_855 = vector.shape_cast %broadcast_in_dim3A_854 : vector<16x1xi32> to vector<16xi32>
          %gather3A_856 = tpu.dynamic_gather %add3A_850[%gather3A_855] in [0] : vector<16xf32>, vector<16xi32> -> vector<16xf32>
          %add3A_857 = arith.addf %add3A_850, %gather3A_856 : vector<16xf32>
          %select_n3A_858 = arith.select %eq3A_829, %add3A_857, %select_n3A_727 : vector<16xi1>, vector<16xf32>
          scf.yield %select_n3A_858 : vector<16xf32>
        }
        %scan3A_279 = arith.constant 16 : i32
        %sub3A_280 = arith.constant -0.00320545211 : f32
        %sub3A_281 = vector.broadcast %sub3A_280 : f32 to vector<16xf32>
        %sub3A_282 = arith.subf %sub3A_281, %scan3A_278 : vector<16xf32>
        %exp3A = math.exp %sub3A_282 : vector<16xf32>
        %sub3A_283 = arith.constant 1.000000e+00 : f32
        %sub3A_284 = vector.broadcast %sub3A_283 : f32 to vector<16xf32>
        %sub3A_285 = arith.subf %sub3A_284, %exp3A : vector<16xf32>
        %bitcast_convert_type3A = tpu.bitcast %sub3A_285 : vector<16xf32> -> vector<16xi32>
        %shift_right_arithmetic3A = arith.constant 23 : i32
        %shift_right_arithmetic3A_286 = vector.broadcast %shift_right_arithmetic3A : i32 to vector<16xi32>
        %shift_right_arithmetic3A_287 = arith.shrsi %bitcast_convert_type3A, %shift_right_arithmetic3A_286 : vector<16xi32>
        %and3A_288 = arith.constant 255 : i32
        %and3A_289 = vector.broadcast %and3A_288 : i32 to vector<16xi32>
        %and3A_290 = arith.andi %shift_right_arithmetic3A_287, %and3A_289 : vector<16xi32>
        %sub3A_291 = arith.constant 127 : i32
        %sub3A_292 = vector.broadcast %sub3A_291 : i32 to vector<16xi32>
        %sub3A_293 = arith.subi %and3A_290, %sub3A_292 : vector<16xi32>
        %and3A_294 = arith.constant 8388607 : i32
        %and3A_295 = vector.broadcast %and3A_294 : i32 to vector<16xi32>
        %and3A_296 = arith.andi %bitcast_convert_type3A, %and3A_295 : vector<16xi32>
        %or3A = arith.constant 1065353216 : i32
        %or3A_297 = vector.broadcast %or3A : i32 to vector<16xi32>
        %or3A_298 = arith.ori %and3A_296, %or3A_297 : vector<16xi32>
        %bitcast_convert_type3A_299 = tpu.bitcast %or3A_298 : vector<16xi32> -> vector<16xf32>
        %gt3A = arith.constant 1.41421354 : f32
        %gt3A_300 = vector.broadcast %gt3A : f32 to vector<16xf32>
        %gt3A_301 = arith.cmpf ogt, %bitcast_convert_type3A_299, %gt3A_300 : vector<16xf32>
        %mul3A_302 = arith.constant 5.000000e-01 : f32
        %mul3A_303 = vector.broadcast %mul3A_302 : f32 to vector<16xf32>
        %mul3A_304 = arith.mulf %bitcast_convert_type3A_299, %mul3A_303 : vector<16xf32>
        %select_n3A_305 = arith.select %gt3A_301, %mul3A_304, %bitcast_convert_type3A_299 : vector<16xi1>, vector<16xf32>
        %add3A_306 = arith.constant 1 : i32
        %add3A_307 = vector.broadcast %add3A_306 : i32 to vector<16xi32>
        %add3A_308 = arith.addi %sub3A_293, %add3A_307 : vector<16xi32>
        %select_n3A_309 = arith.select %gt3A_301, %add3A_308, %sub3A_293 : vector<16xi1>, vector<16xi32>
        %sub3A_310 = arith.constant 1.000000e+00 : f32
        %sub3A_311 = vector.broadcast %sub3A_310 : f32 to vector<16xf32>
        %sub3A_312 = arith.subf %select_n3A_305, %sub3A_311 : vector<16xf32>
        %add3A_313 = arith.constant 1.000000e+00 : f32
        %add3A_314 = vector.broadcast %add3A_313 : f32 to vector<16xf32>
        %add3A_315 = arith.addf %select_n3A_305, %add3A_314 : vector<16xf32>
        %div3A_316 = arith.divf %sub3A_312, %add3A_315 : vector<16xf32>
        %mul3A_317 = arith.mulf %div3A_316, %div3A_316 : vector<16xf32>
        %mul3A_318 = arith.constant 0.285714298 : f32
        %mul3A_319 = vector.broadcast %mul3A_318 : f32 to vector<16xf32>
        %mul3A_320 = arith.mulf %mul3A_317, %mul3A_319 : vector<16xf32>
        %add3A_321 = arith.constant 4.000000e-01 : f32
        %add3A_322 = vector.broadcast %add3A_321 : f32 to vector<16xf32>
        %add3A_323 = arith.addf %add3A_322, %mul3A_320 : vector<16xf32>
        %mul3A_324 = arith.mulf %mul3A_317, %add3A_323 : vector<16xf32>
        %add3A_325 = arith.constant 0.666666686 : f32
        %add3A_326 = vector.broadcast %add3A_325 : f32 to vector<16xf32>
        %add3A_327 = arith.addf %add3A_326, %mul3A_324 : vector<16xf32>
        %mul3A_328 = arith.mulf %mul3A_317, %add3A_327 : vector<16xf32>
        %add3A_329 = arith.constant 2.000000e+00 : f32
        %add3A_330 = vector.broadcast %add3A_329 : f32 to vector<16xf32>
        %add3A_331 = arith.addf %add3A_330, %mul3A_328 : vector<16xf32>
        %mul3A_332 = arith.mulf %div3A_316, %add3A_331 : vector<16xf32>
        %convert_element_type3A_333 = arith.sitofp %select_n3A_309 : vector<16xi32> to vector<16xf32>
        %mul3A_334 = arith.constant 0.693147182 : f32
        %mul3A_335 = vector.broadcast %mul3A_334 : f32 to vector<16xf32>
        %mul3A_336 = arith.mulf %convert_element_type3A_333, %mul3A_335 : vector<16xf32>
        %add3A_337 = arith.addf %mul3A_336, %mul3A_332 : vector<16xf32>
        %add3A_338 = arith.addf %scan3A_271, %add3A_337 : vector<16xf32>
        scf.yield %add3A_338 : vector<16xf32>
      }
      %scan3A_197 = arith.constant 8 : i32
      %add3A_198 = arith.constant 2 : i32
      %add3A_199 = arith.addi %add3A_159, %add3A_198 : i32
      %lt3A_200 = arith.cmpi slt, %add3A_199, %select_n3A : i32
      %convert_element_type3A_201 = arith.extui %lt3A_200 : i1 to i32
      %cond3A_202 = arith.constant 0 : i32
      %cond3A_203 = arith.cmpi ne, %convert_element_type3A_201, %cond3A_202 : i32
      scf.if %cond3A_203 {
        %add3A_270 = arith.constant 2 : i32
        %add3A_271 = arith.addi %add3A_159, %add3A_270 : i32
        %and3A_272 = arith.constant 31 : i32
        %and3A_273 = arith.andi %add3A_271, %and3A_272 : i32
        %mul3A_274 = arith.constant 128 : i32
        %mul3A_275 = arith.muli %and3A_273, %mul3A_274 : i32
        %dma_start3A_276 = tpu.memref_slice %arg11[%mul3A_275] : memref<4096xi32, #tpu.memory_space<vmem>> -> memref<128xi32, #tpu.memory_space<vmem>>
        %dma_start3A_277 = arith.constant 0 : i32
        %dma_start3A_278 = arith.constant 0 : i32
        %dma_start3A_279 = tpu.memref_slice %arg6[%dma_start3A_277, %dma_start3A_278] : memref<10000x128xf32, #tpu.memory_space<hbm>> -> memref<10000x128xf32, #tpu.memory_space<hbm>>
        tpu.enqueue_indirect_dma source(%dma_start3A_279 : memref<10000x128xf32, #tpu.memory_space<hbm>>) target(%arg17 : memref<128x128xf32, #tpu.memory_space<vmem>>) offsets(%dma_start3A_276 : memref<128xi32, #tpu.memory_space<vmem>>) semaphore(%arg24 : memref<!tpu.dma_semaphore, #tpu.memory_space<semaphore_mem>>)
        %mul3A_280 = arith.constant 128 : i32
        %mul3A_281 = arith.muli %and3A_273, %mul3A_280 : i32
        %dma_start3A_282 = tpu.memref_slice %arg12[%mul3A_281] : memref<4096xi32, #tpu.memory_space<vmem>> -> memref<128xi32, #tpu.memory_space<vmem>>
        %dma_start3A_283 = arith.constant 0 : i32
        %dma_start3A_284 = arith.constant 0 : i32
        %dma_start3A_285 = tpu.memref_slice %arg7[%dma_start3A_283, %dma_start3A_284] : memref<10000x64xi32, #tpu.memory_space<hbm>> -> memref<10000x64xi32, #tpu.memory_space<hbm>>
        tpu.enqueue_indirect_dma source(%dma_start3A_285 : memref<10000x64xi32, #tpu.memory_space<hbm>>) target(%arg18 : memref<128x64xi32, #tpu.memory_space<vmem>>) offsets(%dma_start3A_282 : memref<128xi32, #tpu.memory_space<vmem>>) semaphore(%arg24 : memref<!tpu.dma_semaphore, #tpu.memory_space<semaphore_mem>>)
      } else {
      }
      %dma_wait3A_204 = arith.constant 0 : i32
      %dma_wait3A_205 = arith.constant 0 : i32
      %dma_wait3A_206 = tpu.memref_slice %arg22[%dma_wait3A_204, %dma_wait3A_205] : memref<10240x128xbf16, #tpu.memory_space<vmem_shared>> -> memref<10240x128xbf16, #tpu.memory_space<vmem_shared>>
      tpu.wait_indirect_dma semaphore(%arg29 : memref<!tpu.dma_semaphore, #tpu.memory_space<semaphore_mem>>) src(%arg21 : memref<128x128xbf16, #tpu.memory_space<vmem>>) dst(%dma_wait3A_206 : memref<10240x128xbf16, #tpu.memory_space<vmem_shared>>)
      %add3A_207 = arith.constant 2 : i32
      %add3A_208 = arith.addi %add3A_159, %add3A_207 : i32
      %lt3A_209 = arith.cmpi slt, %add3A_208, %select_n3A : i32
      %convert_element_type3A_210 = arith.extui %lt3A_209 : i1 to i32
      %cond3A_211 = arith.constant 0 : i32
      %cond3A_212 = arith.cmpi ne, %convert_element_type3A_210, %cond3A_211 : i32
      scf.if %cond3A_212 {
        %add3A_270 = arith.constant 2 : i32
        %add3A_271 = arith.addi %add3A_159, %add3A_270 : i32
        %add3A_272 = arith.addi %select_n3A_12, %add3A_271 : i32
        %mul3A_273 = arith.constant 128 : i32
        %mul3A_274 = arith.muli %add3A_272, %mul3A_273 : i32
        %dma_start3A_275 = tpu.memref_slice %arg4[%mul3A_274] : memref<320256xi32, #tpu.memory_space<hbm>> -> memref<128xi32, #tpu.memory_space<hbm>>
        %dma_start3A_276 = tpu.memref_slice %arg4[%mul3A_274] : memref<320256xi32, #tpu.memory_space<hbm>> -> memref<128xi32, #tpu.memory_space<hbm>>
        tpu.enqueue_dma source(%dma_start3A_276 : memref<128xi32, #tpu.memory_space<hbm>>) target(%arg13 : memref<128xi32, #tpu.memory_space<vmem>>) target_semaphore(%arg27 : memref<!tpu.dma_semaphore, #tpu.memory_space<semaphore_mem>>)
        %add3A_277 = arith.addi %select_n3A_12, %add3A_271 : i32
        %mul3A_278 = arith.constant 128 : i32
        %mul3A_279 = arith.muli %add3A_277, %mul3A_278 : i32
        %dma_start3A_280 = tpu.memref_slice %arg5[%mul3A_279] : memref<320256xi32, #tpu.memory_space<hbm>> -> memref<128xi32, #tpu.memory_space<hbm>>
        %dma_start3A_281 = tpu.memref_slice %arg5[%mul3A_279] : memref<320256xi32, #tpu.memory_space<hbm>> -> memref<128xi32, #tpu.memory_space<hbm>>
        tpu.enqueue_dma source(%dma_start3A_281 : memref<128xi32, #tpu.memory_space<hbm>>) target(%arg14 : memref<128xi32, #tpu.memory_space<vmem>>) target_semaphore(%arg27 : memref<!tpu.dma_semaphore, #tpu.memory_space<semaphore_mem>>)
      } else {
      }
      %add3A_213 = arith.constant 1 : i32
      %add3A_214 = arith.addi %add3A_159, %add3A_213 : i32
      %lt3A_215 = arith.cmpi slt, %add3A_214, %select_n3A : i32
      %convert_element_type3A_216 = arith.extui %lt3A_215 : i1 to i32
      %cond3A_217 = arith.constant 0 : i32
      %cond3A_218 = arith.cmpi ne, %convert_element_type3A_216, %cond3A_217 : i32
      scf.if %cond3A_218 {
        %add3A_270 = arith.constant 1 : i32
        %add3A_271 = arith.addi %add3A_159, %add3A_270 : i32
        %add3A_272 = arith.addi %select_n3A_12, %add3A_271 : i32
        %mul3A_273 = arith.constant 128 : i32
        %mul3A_274 = arith.muli %add3A_272, %mul3A_273 : i32
        %dma_wait3A_275 = tpu.memref_slice %arg4[%mul3A_274] : memref<320256xi32, #tpu.memory_space<hbm>> -> memref<128xi32, #tpu.memory_space<hbm>>
        %dma_wait3A_276 = tpu.memref_slice %arg4[%mul3A_274] : memref<320256xi32, #tpu.memory_space<hbm>> -> memref<128xi32, #tpu.memory_space<hbm>>
        tpu.wait_dma2 semaphore(%arg28 : memref<!tpu.dma_semaphore, #tpu.memory_space<semaphore_mem>>) src(%dma_wait3A_276 : memref<128xi32, #tpu.memory_space<hbm>>) dst(%arg15 : memref<128xi32, #tpu.memory_space<vmem>>)
        %add3A_277 = arith.addi %select_n3A_12, %add3A_271 : i32
        %mul3A_278 = arith.constant 128 : i32
        %mul3A_279 = arith.muli %add3A_277, %mul3A_278 : i32
        %dma_wait3A_280 = tpu.memref_slice %arg5[%mul3A_279] : memref<320256xi32, #tpu.memory_space<hbm>> -> memref<128xi32, #tpu.memory_space<hbm>>
        %dma_wait3A_281 = tpu.memref_slice %arg5[%mul3A_279] : memref<320256xi32, #tpu.memory_space<hbm>> -> memref<128xi32, #tpu.memory_space<hbm>>
        tpu.wait_dma2 semaphore(%arg28 : memref<!tpu.dma_semaphore, #tpu.memory_space<semaphore_mem>>) src(%dma_wait3A_281 : memref<128xi32, #tpu.memory_space<hbm>>) dst(%arg16 : memref<128xi32, #tpu.memory_space<vmem>>)
        %dma_start3A_282 = arith.constant 0 : i32
        %dma_start3A_283 = arith.constant 0 : i32
        %dma_start3A_284 = tpu.memref_slice %arg8[%dma_start3A_282, %dma_start3A_283] : memref<10000x128xbf16, #tpu.memory_space<hbm>> -> memref<10000x128xbf16, #tpu.memory_space<hbm>>
        tpu.enqueue_indirect_dma source(%dma_start3A_284 : memref<10000x128xbf16, #tpu.memory_space<hbm>>) target(%arg21 : memref<128x128xbf16, #tpu.memory_space<vmem>>) offsets(%arg16 : memref<128xi32, #tpu.memory_space<vmem>>) semaphore(%arg26 : memref<!tpu.dma_semaphore, #tpu.memory_space<semaphore_mem>>)
      } else {
      }
      %mul3A_219 = arith.constant 2 : i32
      %mul3A_220 = arith.muli %mul3A_219, %while3A_154 : i32
      %add3A_221 = arith.constant 1 : i32
      %add3A_222 = arith.addi %mul3A_220, %add3A_221 : i32
      %and3A_223 = arith.constant 31 : i32
      %and3A_224 = arith.andi %add3A_222, %and3A_223 : i32
      %mul3A_225 = arith.constant 128 : i32
      %mul3A_226 = arith.muli %and3A_224, %mul3A_225 : i32
      %dma_wait3A_227 = tpu.memref_slice %arg11[%mul3A_226] : memref<4096xi32, #tpu.memory_space<vmem>> -> memref<128xi32, #tpu.memory_space<vmem>>
      %dma_wait3A_228 = arith.constant 0 : i32
      %dma_wait3A_229 = arith.constant 0 : i32
      %dma_wait3A_230 = tpu.memref_slice %arg6[%dma_wait3A_228, %dma_wait3A_229] : memref<10000x128xf32, #tpu.memory_space<hbm>> -> memref<10000x128xf32, #tpu.memory_space<hbm>>
      tpu.wait_indirect_dma semaphore(%arg25 : memref<!tpu.dma_semaphore, #tpu.memory_space<semaphore_mem>>) src(%dma_wait3A_230 : memref<10000x128xf32, #tpu.memory_space<hbm>>) dst(%arg19 : memref<128x128xf32, #tpu.memory_space<vmem>>)
      %mul3A_231 = arith.constant 128 : i32
      %mul3A_232 = arith.muli %and3A_224, %mul3A_231 : i32
      %dma_wait3A_233 = tpu.memref_slice %arg12[%mul3A_232] : memref<4096xi32, #tpu.memory_space<vmem>> -> memref<128xi32, #tpu.memory_space<vmem>>
      %dma_wait3A_234 = arith.constant 0 : i32
      %dma_wait3A_235 = arith.constant 0 : i32
      %dma_wait3A_236 = tpu.memref_slice %arg7[%dma_wait3A_234, %dma_wait3A_235] : memref<10000x64xi32, #tpu.memory_space<hbm>> -> memref<10000x64xi32, #tpu.memory_space<hbm>>
      tpu.wait_indirect_dma semaphore(%arg25 : memref<!tpu.dma_semaphore, #tpu.memory_space<semaphore_mem>>) src(%dma_wait3A_236 : memref<10000x64xi32, #tpu.memory_space<hbm>>) dst(%arg20 : memref<128x64xi32, #tpu.memory_space<vmem>>)
      %dma_wait3A_237 = arith.constant 0 : i32
      %dma_wait3A_238 = arith.constant 0 : i32
      %dma_wait3A_239 = tpu.memref_slice %arg8[%dma_wait3A_237, %dma_wait3A_238] : memref<10000x128xbf16, #tpu.memory_space<hbm>> -> memref<10000x128xbf16, #tpu.memory_space<hbm>>
      tpu.wait_indirect_dma semaphore(%arg26 : memref<!tpu.dma_semaphore, #tpu.memory_space<semaphore_mem>>) src(%dma_wait3A_239 : memref<10000x128xbf16, #tpu.memory_space<hbm>>) dst(%arg21 : memref<128x128xbf16, #tpu.memory_space<vmem>>)
      %dma_start3A_240 = arith.constant 0 : i32
      %dma_start3A_241 = arith.constant 0 : i32
      %dma_start3A_242 = tpu.memref_slice %arg22[%dma_start3A_240, %dma_start3A_241] : memref<10240x128xbf16, #tpu.memory_space<vmem_shared>> -> memref<10240x128xbf16, #tpu.memory_space<vmem_shared>>
      tpu.enqueue_indirect_dma source(%arg21 : memref<128x128xbf16, #tpu.memory_space<vmem>>) target(%dma_start3A_242 : memref<10240x128xbf16, #tpu.memory_space<vmem_shared>>) offsets(%arg15 : memref<128xi32, #tpu.memory_space<vmem>>) semaphore(%arg29 : memref<!tpu.dma_semaphore, #tpu.memory_space<semaphore_mem>>) {add = true}
      %scan3A_243 = arith.constant 0 : i32
      %scan3A_244 = arith.constant 8 : i32
      %scan3A_245 = arith.addi %scan3A_243, %scan3A_244 : i32
      %scan3A_246 = arith.constant 1 : i32
      %scan3A_247 = scf.for %scan3A_270 = %scan3A_243 to %scan3A_245 step %scan3A_246 iter_args(%scan3A_271 = %scan3A_196) -> (vector<16xf32>)  : i32 {
        %broadcast_in_dim3A_272 = arith.constant 0.000000e+00 : f32
        %broadcast_in_dim3A_273 = vector.broadcast %broadcast_in_dim3A_272 : f32 to vector<16xf32>
        %scan3A_274 = arith.constant 0 : i32
        %scan3A_275 = arith.constant 16 : i32
        %scan3A_276 = arith.addi %scan3A_274, %scan3A_275 : i32
        %scan3A_277 = arith.constant 4 : i32
        %scan3A_278 = scf.for %scan3A_339 = %scan3A_274 to %scan3A_276 step %scan3A_277 iter_args(%scan3A_340 = %broadcast_in_dim3A_273) -> (vector<16xf32>)  : i32 {
          %mul3A_341 = arith.constant 16 : i32
          %mul3A_342 = arith.muli %scan3A_270, %mul3A_341 : i32
          %add3A_343 = arith.addi %mul3A_342, %scan3A_339 : i32
          %get3A = arith.index_cast %add3A_343 : i32 to index
          %get3A_344 = arith.constant 0 : index
          %get3A_345 = tpu.vector_load %arg20[%get3A, %get3A_344] {strides = array<i32>} : memref<128x64xi32, #tpu.memory_space<vmem>>, vector<1x16xi32>,
          %get3A_346 = vector.shape_cast %get3A_345 : vector<1x16xi32> to vector<16xi32>
          %shift_left3A = arith.constant 16 : i32
          %shift_left3A_347 = vector.broadcast %shift_left3A : i32 to vector<16xi32>
          %shift_left3A_348 = arith.shli %get3A_346, %shift_left3A_347 : vector<16xi32>
          %bitcast_convert_type3A_349 = tpu.bitcast %shift_left3A_348 : vector<16xi32> -> vector<16xf32>
          %and3A_350 = arith.constant -65536 : i32
          %and3A_351 = vector.broadcast %and3A_350 : i32 to vector<16xi32>
          %and3A_352 = arith.andi %get3A_346, %and3A_351 : vector<16xi32>
          %bitcast_convert_type3A_353 = tpu.bitcast %and3A_352 : vector<16xi32> -> vector<16xf32>
          %get3A_354 = arith.index_cast %add3A_343 : i32 to index
          %get3A_355 = arith.constant 0 : index
          %get3A_356 = tpu.vector_load %arg19[%get3A_354, %get3A_355] {strides = array<i32>} : memref<128x128xf32, #tpu.memory_space<vmem>>, vector<1x16xf32>,
          %get3A_357 = vector.shape_cast %get3A_356 : vector<1x16xf32> to vector<16xf32>
          %get3A_358 = arith.index_cast %add3A_343 : i32 to index
          %get3A_359 = arith.constant 64 : index
          %get3A_360 = tpu.vector_load %arg19[%get3A_358, %get3A_359] {strides = array<i32>} : memref<128x128xf32, #tpu.memory_space<vmem>>, vector<1x16xf32>,
          %get3A_361 = vector.shape_cast %get3A_360 : vector<1x16xf32> to vector<16xf32>
          %mul3A_362 = arith.mulf %get3A_357, %bitcast_convert_type3A_349 : vector<16xf32>
          %mul3A_363 = arith.mulf %get3A_361, %bitcast_convert_type3A_353 : vector<16xf32>
          %add3A_364 = arith.addf %mul3A_362, %mul3A_363 : vector<16xf32>
          %get3A_365 = arith.index_cast %add3A_343 : i32 to index
          %get3A_366 = arith.constant 16 : index
          %get3A_367 = tpu.vector_load %arg20[%get3A_365, %get3A_366] {strides = array<i32>} : memref<128x64xi32, #tpu.memory_space<vmem>>, vector<1x16xi32>,
          %get3A_368 = vector.shape_cast %get3A_367 : vector<1x16xi32> to vector<16xi32>
          %shift_left3A_369 = arith.constant 16 : i32
          %shift_left3A_370 = vector.broadcast %shift_left3A_369 : i32 to vector<16xi32>
          %shift_left3A_371 = arith.shli %get3A_368, %shift_left3A_370 : vector<16xi32>
          %bitcast_convert_type3A_372 = tpu.bitcast %shift_left3A_371 : vector<16xi32> -> vector<16xf32>
          %and3A_373 = arith.constant -65536 : i32
          %and3A_374 = vector.broadcast %and3A_373 : i32 to vector<16xi32>
          %and3A_375 = arith.andi %get3A_368, %and3A_374 : vector<16xi32>
          %bitcast_convert_type3A_376 = tpu.bitcast %and3A_375 : vector<16xi32> -> vector<16xf32>
          %get3A_377 = arith.index_cast %add3A_343 : i32 to index
          %get3A_378 = arith.constant 16 : index
          %get3A_379 = tpu.vector_load %arg19[%get3A_377, %get3A_378] {strides = array<i32>} : memref<128x128xf32, #tpu.memory_space<vmem>>, vector<1x16xf32>,
          %get3A_380 = vector.shape_cast %get3A_379 : vector<1x16xf32> to vector<16xf32>
          %get3A_381 = arith.index_cast %add3A_343 : i32 to index
          %get3A_382 = arith.constant 80 : index
          %get3A_383 = tpu.vector_load %arg19[%get3A_381, %get3A_382] {strides = array<i32>} : memref<128x128xf32, #tpu.memory_space<vmem>>, vector<1x16xf32>,
          %get3A_384 = vector.shape_cast %get3A_383 : vector<1x16xf32> to vector<16xf32>
          %mul3A_385 = arith.mulf %get3A_380, %bitcast_convert_type3A_372 : vector<16xf32>
          %mul3A_386 = arith.mulf %get3A_384, %bitcast_convert_type3A_376 : vector<16xf32>
          %add3A_387 = arith.addf %mul3A_385, %mul3A_386 : vector<16xf32>
          %add3A_388 = arith.addf %add3A_364, %add3A_387 : vector<16xf32>
          %get3A_389 = arith.index_cast %add3A_343 : i32 to index
          %get3A_390 = arith.constant 32 : index
          %get3A_391 = tpu.vector_load %arg20[%get3A_389, %get3A_390] {strides = array<i32>} : memref<128x64xi32, #tpu.memory_space<vmem>>, vector<1x16xi32>,
          %get3A_392 = vector.shape_cast %get3A_391 : vector<1x16xi32> to vector<16xi32>
          %shift_left3A_393 = arith.constant 16 : i32
          %shift_left3A_394 = vector.broadcast %shift_left3A_393 : i32 to vector<16xi32>
          %shift_left3A_395 = arith.shli %get3A_392, %shift_left3A_394 : vector<16xi32>
          %bitcast_convert_type3A_396 = tpu.bitcast %shift_left3A_395 : vector<16xi32> -> vector<16xf32>
          %and3A_397 = arith.constant -65536 : i32
          %and3A_398 = vector.broadcast %and3A_397 : i32 to vector<16xi32>
          %and3A_399 = arith.andi %get3A_392, %and3A_398 : vector<16xi32>
          %bitcast_convert_type3A_400 = tpu.bitcast %and3A_399 : vector<16xi32> -> vector<16xf32>
          %get3A_401 = arith.index_cast %add3A_343 : i32 to index
          %get3A_402 = arith.constant 32 : index
          %get3A_403 = tpu.vector_load %arg19[%get3A_401, %get3A_402] {strides = array<i32>} : memref<128x128xf32, #tpu.memory_space<vmem>>, vector<1x16xf32>,
          %get3A_404 = vector.shape_cast %get3A_403 : vector<1x16xf32> to vector<16xf32>
          %get3A_405 = arith.index_cast %add3A_343 : i32 to index
          %get3A_406 = arith.constant 96 : index
          %get3A_407 = tpu.vector_load %arg19[%get3A_405, %get3A_406] {strides = array<i32>} : memref<128x128xf32, #tpu.memory_space<vmem>>, vector<1x16xf32>,
          %get3A_408 = vector.shape_cast %get3A_407 : vector<1x16xf32> to vector<16xf32>
          %mul3A_409 = arith.mulf %get3A_404, %bitcast_convert_type3A_396 : vector<16xf32>
          %mul3A_410 = arith.mulf %get3A_408, %bitcast_convert_type3A_400 : vector<16xf32>
          %add3A_411 = arith.addf %mul3A_409, %mul3A_410 : vector<16xf32>
          %add3A_412 = arith.addf %add3A_388, %add3A_411 : vector<16xf32>
          %get3A_413 = arith.index_cast %add3A_343 : i32 to index
          %get3A_414 = arith.constant 48 : index
          %get3A_415 = tpu.vector_load %arg20[%get3A_413, %get3A_414] {strides = array<i32>} : memref<128x64xi32, #tpu.memory_space<vmem>>, vector<1x16xi32>,
          %get3A_416 = vector.shape_cast %get3A_415 : vector<1x16xi32> to vector<16xi32>
          %shift_left3A_417 = arith.constant 16 : i32
          %shift_left3A_418 = vector.broadcast %shift_left3A_417 : i32 to vector<16xi32>
          %shift_left3A_419 = arith.shli %get3A_416, %shift_left3A_418 : vector<16xi32>
          %bitcast_convert_type3A_420 = tpu.bitcast %shift_left3A_419 : vector<16xi32> -> vector<16xf32>
          %and3A_421 = arith.constant -65536 : i32
          %and3A_422 = vector.broadcast %and3A_421 : i32 to vector<16xi32>
          %and3A_423 = arith.andi %get3A_416, %and3A_422 : vector<16xi32>
          %bitcast_convert_type3A_424 = tpu.bitcast %and3A_423 : vector<16xi32> -> vector<16xf32>
          %get3A_425 = arith.index_cast %add3A_343 : i32 to index
          %get3A_426 = arith.constant 48 : index
          %get3A_427 = tpu.vector_load %arg19[%get3A_425, %get3A_426] {strides = array<i32>} : memref<128x128xf32, #tpu.memory_space<vmem>>, vector<1x16xf32>,
          %get3A_428 = vector.shape_cast %get3A_427 : vector<1x16xf32> to vector<16xf32>
          %get3A_429 = arith.index_cast %add3A_343 : i32 to index
          %get3A_430 = arith.constant 112 : index
          %get3A_431 = tpu.vector_load %arg19[%get3A_429, %get3A_430] {strides = array<i32>} : memref<128x128xf32, #tpu.memory_space<vmem>>, vector<1x16xf32>,
          %get3A_432 = vector.shape_cast %get3A_431 : vector<1x16xf32> to vector<16xf32>
          %mul3A_433 = arith.mulf %get3A_428, %bitcast_convert_type3A_420 : vector<16xf32>
          %mul3A_434 = arith.mulf %get3A_432, %bitcast_convert_type3A_424 : vector<16xf32>
          %add3A_435 = arith.addf %mul3A_433, %mul3A_434 : vector<16xf32>
          %add3A_436 = arith.addf %add3A_412, %add3A_435 : vector<16xf32>
          %eq3A_437 = vector.broadcast %scan3A_339 : i32 to vector<16xi32>
          %eq3A_438 = arith.cmpi eq, %iota3A, %eq3A_437 : vector<16xi32>
          %xor3A = arith.constant 1 : i32
          %xor3A_439 = vector.broadcast %xor3A : i32 to vector<16xi32>
          %xor3A_440 = arith.xori %iota3A, %xor3A_439 : vector<16xi32>
          %broadcast_in_dim3A_441 = vector.shape_cast %xor3A_440 : vector<16xi32> to vector<16x1xi32>
          %gather3A = vector.shape_cast %broadcast_in_dim3A_441 : vector<16x1xi32> to vector<16xi32>
          %gather3A_442 = tpu.dynamic_gather %add3A_436[%gather3A] in [0] : vector<16xf32>, vector<16xi32> -> vector<16xf32>
          %add3A_443 = arith.addf %add3A_436, %gather3A_442 : vector<16xf32>
          %xor3A_444 = arith.constant 2 : i32
          %xor3A_445 = vector.broadcast %xor3A_444 : i32 to vector<16xi32>
          %xor3A_446 = arith.xori %iota3A, %xor3A_445 : vector<16xi32>
          %broadcast_in_dim3A_447 = vector.shape_cast %xor3A_446 : vector<16xi32> to vector<16x1xi32>
          %gather3A_448 = vector.shape_cast %broadcast_in_dim3A_447 : vector<16x1xi32> to vector<16xi32>
          %gather3A_449 = tpu.dynamic_gather %add3A_443[%gather3A_448] in [0] : vector<16xf32>, vector<16xi32> -> vector<16xf32>
          %add3A_450 = arith.addf %add3A_443, %gather3A_449 : vector<16xf32>
          %xor3A_451 = arith.constant 4 : i32
          %xor3A_452 = vector.broadcast %xor3A_451 : i32 to vector<16xi32>
          %xor3A_453 = arith.xori %iota3A, %xor3A_452 : vector<16xi32>
          %broadcast_in_dim3A_454 = vector.shape_cast %xor3A_453 : vector<16xi32> to vector<16x1xi32>
          %gather3A_455 = vector.shape_cast %broadcast_in_dim3A_454 : vector<16x1xi32> to vector<16xi32>
          %gather3A_456 = tpu.dynamic_gather %add3A_450[%gather3A_455] in [0] : vector<16xf32>, vector<16xi32> -> vector<16xf32>
          %add3A_457 = arith.addf %add3A_450, %gather3A_456 : vector<16xf32>
          %xor3A_458 = arith.constant 8 : i32
          %xor3A_459 = vector.broadcast %xor3A_458 : i32 to vector<16xi32>
          %xor3A_460 = arith.xori %iota3A, %xor3A_459 : vector<16xi32>
          %broadcast_in_dim3A_461 = vector.shape_cast %xor3A_460 : vector<16xi32> to vector<16x1xi32>
          %gather3A_462 = vector.shape_cast %broadcast_in_dim3A_461 : vector<16x1xi32> to vector<16xi32>
          %gather3A_463 = tpu.dynamic_gather %add3A_457[%gather3A_462] in [0] : vector<16xf32>, vector<16xi32> -> vector<16xf32>
          %add3A_464 = arith.addf %add3A_457, %gather3A_463 : vector<16xf32>
          %select_n3A_465 = arith.select %eq3A_438, %add3A_464, %scan3A_340 : vector<16xi1>, vector<16xf32>
          %scan3A_466 = arith.constant 1 : i32
          %scan3A_467 = arith.addi %scan3A_339, %scan3A_466 : i32
          %mul3A_468 = arith.constant 16 : i32
          %mul3A_469 = arith.muli %scan3A_270, %mul3A_468 : i32
          %add3A_470 = arith.addi %mul3A_469, %scan3A_467 : i32
          %get3A_471 = arith.index_cast %add3A_470 : i32 to index
          %get3A_472 = arith.constant 0 : index
          %get3A_473 = tpu.vector_load %arg20[%get3A_471, %get3A_472] {strides = array<i32>} : memref<128x64xi32, #tpu.memory_space<vmem>>, vector<1x16xi32>,
          %get3A_474 = vector.shape_cast %get3A_473 : vector<1x16xi32> to vector<16xi32>
          %shift_left3A_475 = arith.constant 16 : i32
          %shift_left3A_476 = vector.broadcast %shift_left3A_475 : i32 to vector<16xi32>
          %shift_left3A_477 = arith.shli %get3A_474, %shift_left3A_476 : vector<16xi32>
          %bitcast_convert_type3A_478 = tpu.bitcast %shift_left3A_477 : vector<16xi32> -> vector<16xf32>
          %and3A_479 = arith.constant -65536 : i32
          %and3A_480 = vector.broadcast %and3A_479 : i32 to vector<16xi32>
          %and3A_481 = arith.andi %get3A_474, %and3A_480 : vector<16xi32>
          %bitcast_convert_type3A_482 = tpu.bitcast %and3A_481 : vector<16xi32> -> vector<16xf32>
          %get3A_483 = arith.index_cast %add3A_470 : i32 to index
          %get3A_484 = arith.constant 0 : index
          %get3A_485 = tpu.vector_load %arg19[%get3A_483, %get3A_484] {strides = array<i32>} : memref<128x128xf32, #tpu.memory_space<vmem>>, vector<1x16xf32>,
          %get3A_486 = vector.shape_cast %get3A_485 : vector<1x16xf32> to vector<16xf32>
          %get3A_487 = arith.index_cast %add3A_470 : i32 to index
          %get3A_488 = arith.constant 64 : index
          %get3A_489 = tpu.vector_load %arg19[%get3A_487, %get3A_488] {strides = array<i32>} : memref<128x128xf32, #tpu.memory_space<vmem>>, vector<1x16xf32>,
          %get3A_490 = vector.shape_cast %get3A_489 : vector<1x16xf32> to vector<16xf32>
          %mul3A_491 = arith.mulf %get3A_486, %bitcast_convert_type3A_478 : vector<16xf32>
          %mul3A_492 = arith.mulf %get3A_490, %bitcast_convert_type3A_482 : vector<16xf32>
          %add3A_493 = arith.addf %mul3A_491, %mul3A_492 : vector<16xf32>
          %get3A_494 = arith.index_cast %add3A_470 : i32 to index
          %get3A_495 = arith.constant 16 : index
          %get3A_496 = tpu.vector_load %arg20[%get3A_494, %get3A_495] {strides = array<i32>} : memref<128x64xi32, #tpu.memory_space<vmem>>, vector<1x16xi32>,
          %get3A_497 = vector.shape_cast %get3A_496 : vector<1x16xi32> to vector<16xi32>
          %shift_left3A_498 = arith.constant 16 : i32
          %shift_left3A_499 = vector.broadcast %shift_left3A_498 : i32 to vector<16xi32>
          %shift_left3A_500 = arith.shli %get3A_497, %shift_left3A_499 : vector<16xi32>
          %bitcast_convert_type3A_501 = tpu.bitcast %shift_left3A_500 : vector<16xi32> -> vector<16xf32>
          %and3A_502 = arith.constant -65536 : i32
          %and3A_503 = vector.broadcast %and3A_502 : i32 to vector<16xi32>
          %and3A_504 = arith.andi %get3A_497, %and3A_503 : vector<16xi32>
          %bitcast_convert_type3A_505 = tpu.bitcast %and3A_504 : vector<16xi32> -> vector<16xf32>
          %get3A_506 = arith.index_cast %add3A_470 : i32 to index
          %get3A_507 = arith.constant 16 : index
          %get3A_508 = tpu.vector_load %arg19[%get3A_506, %get3A_507] {strides = array<i32>} : memref<128x128xf32, #tpu.memory_space<vmem>>, vector<1x16xf32>,
          %get3A_509 = vector.shape_cast %get3A_508 : vector<1x16xf32> to vector<16xf32>
          %get3A_510 = arith.index_cast %add3A_470 : i32 to index
          %get3A_511 = arith.constant 80 : index
          %get3A_512 = tpu.vector_load %arg19[%get3A_510, %get3A_511] {strides = array<i32>} : memref<128x128xf32, #tpu.memory_space<vmem>>, vector<1x16xf32>,
          %get3A_513 = vector.shape_cast %get3A_512 : vector<1x16xf32> to vector<16xf32>
          %mul3A_514 = arith.mulf %get3A_509, %bitcast_convert_type3A_501 : vector<16xf32>
          %mul3A_515 = arith.mulf %get3A_513, %bitcast_convert_type3A_505 : vector<16xf32>
          %add3A_516 = arith.addf %mul3A_514, %mul3A_515 : vector<16xf32>
          %add3A_517 = arith.addf %add3A_493, %add3A_516 : vector<16xf32>
          %get3A_518 = arith.index_cast %add3A_470 : i32 to index
          %get3A_519 = arith.constant 32 : index
          %get3A_520 = tpu.vector_load %arg20[%get3A_518, %get3A_519] {strides = array<i32>} : memref<128x64xi32, #tpu.memory_space<vmem>>, vector<1x16xi32>,
          %get3A_521 = vector.shape_cast %get3A_520 : vector<1x16xi32> to vector<16xi32>
          %shift_left3A_522 = arith.constant 16 : i32
          %shift_left3A_523 = vector.broadcast %shift_left3A_522 : i32 to vector<16xi32>
          %shift_left3A_524 = arith.shli %get3A_521, %shift_left3A_523 : vector<16xi32>
          %bitcast_convert_type3A_525 = tpu.bitcast %shift_left3A_524 : vector<16xi32> -> vector<16xf32>
          %and3A_526 = arith.constant -65536 : i32
          %and3A_527 = vector.broadcast %and3A_526 : i32 to vector<16xi32>
          %and3A_528 = arith.andi %get3A_521, %and3A_527 : vector<16xi32>
          %bitcast_convert_type3A_529 = tpu.bitcast %and3A_528 : vector<16xi32> -> vector<16xf32>
          %get3A_530 = arith.index_cast %add3A_470 : i32 to index
          %get3A_531 = arith.constant 32 : index
          %get3A_532 = tpu.vector_load %arg19[%get3A_530, %get3A_531] {strides = array<i32>} : memref<128x128xf32, #tpu.memory_space<vmem>>, vector<1x16xf32>,
          %get3A_533 = vector.shape_cast %get3A_532 : vector<1x16xf32> to vector<16xf32>
          %get3A_534 = arith.index_cast %add3A_470 : i32 to index
          %get3A_535 = arith.constant 96 : index
          %get3A_536 = tpu.vector_load %arg19[%get3A_534, %get3A_535] {strides = array<i32>} : memref<128x128xf32, #tpu.memory_space<vmem>>, vector<1x16xf32>,
          %get3A_537 = vector.shape_cast %get3A_536 : vector<1x16xf32> to vector<16xf32>
          %mul3A_538 = arith.mulf %get3A_533, %bitcast_convert_type3A_525 : vector<16xf32>
          %mul3A_539 = arith.mulf %get3A_537, %bitcast_convert_type3A_529 : vector<16xf32>
          %add3A_540 = arith.addf %mul3A_538, %mul3A_539 : vector<16xf32>
          %add3A_541 = arith.addf %add3A_517, %add3A_540 : vector<16xf32>
          %get3A_542 = arith.index_cast %add3A_470 : i32 to index
          %get3A_543 = arith.constant 48 : index
          %get3A_544 = tpu.vector_load %arg20[%get3A_542, %get3A_543] {strides = array<i32>} : memref<128x64xi32, #tpu.memory_space<vmem>>, vector<1x16xi32>,
          %get3A_545 = vector.shape_cast %get3A_544 : vector<1x16xi32> to vector<16xi32>
          %shift_left3A_546 = arith.constant 16 : i32
          %shift_left3A_547 = vector.broadcast %shift_left3A_546 : i32 to vector<16xi32>
          %shift_left3A_548 = arith.shli %get3A_545, %shift_left3A_547 : vector<16xi32>
          %bitcast_convert_type3A_549 = tpu.bitcast %shift_left3A_548 : vector<16xi32> -> vector<16xf32>
          %and3A_550 = arith.constant -65536 : i32
          %and3A_551 = vector.broadcast %and3A_550 : i32 to vector<16xi32>
          %and3A_552 = arith.andi %get3A_545, %and3A_551 : vector<16xi32>
          %bitcast_convert_type3A_553 = tpu.bitcast %and3A_552 : vector<16xi32> -> vector<16xf32>
          %get3A_554 = arith.index_cast %add3A_470 : i32 to index
          %get3A_555 = arith.constant 48 : index
          %get3A_556 = tpu.vector_load %arg19[%get3A_554, %get3A_555] {strides = array<i32>} : memref<128x128xf32, #tpu.memory_space<vmem>>, vector<1x16xf32>,
          %get3A_557 = vector.shape_cast %get3A_556 : vector<1x16xf32> to vector<16xf32>
          %get3A_558 = arith.index_cast %add3A_470 : i32 to index
          %get3A_559 = arith.constant 112 : index
          %get3A_560 = tpu.vector_load %arg19[%get3A_558, %get3A_559] {strides = array<i32>} : memref<128x128xf32, #tpu.memory_space<vmem>>, vector<1x16xf32>,
          %get3A_561 = vector.shape_cast %get3A_560 : vector<1x16xf32> to vector<16xf32>
          %mul3A_562 = arith.mulf %get3A_557, %bitcast_convert_type3A_549 : vector<16xf32>
          %mul3A_563 = arith.mulf %get3A_561, %bitcast_convert_type3A_553 : vector<16xf32>
          %add3A_564 = arith.addf %mul3A_562, %mul3A_563 : vector<16xf32>
          %add3A_565 = arith.addf %add3A_541, %add3A_564 : vector<16xf32>
          %eq3A_566 = vector.broadcast %scan3A_467 : i32 to vector<16xi32>
          %eq3A_567 = arith.cmpi eq, %iota3A, %eq3A_566 : vector<16xi32>
          %xor3A_568 = arith.constant 1 : i32
          %xor3A_569 = vector.broadcast %xor3A_568 : i32 to vector<16xi32>
          %xor3A_570 = arith.xori %iota3A, %xor3A_569 : vector<16xi32>
          %broadcast_in_dim3A_571 = vector.shape_cast %xor3A_570 : vector<16xi32> to vector<16x1xi32>
          %gather3A_572 = vector.shape_cast %broadcast_in_dim3A_571 : vector<16x1xi32> to vector<16xi32>
          %gather3A_573 = tpu.dynamic_gather %add3A_565[%gather3A_572] in [0] : vector<16xf32>, vector<16xi32> -> vector<16xf32>
          %add3A_574 = arith.addf %add3A_565, %gather3A_573 : vector<16xf32>
          %xor3A_575 = arith.constant 2 : i32
          %xor3A_576 = vector.broadcast %xor3A_575 : i32 to vector<16xi32>
          %xor3A_577 = arith.xori %iota3A, %xor3A_576 : vector<16xi32>
          %broadcast_in_dim3A_578 = vector.shape_cast %xor3A_577 : vector<16xi32> to vector<16x1xi32>
          %gather3A_579 = vector.shape_cast %broadcast_in_dim3A_578 : vector<16x1xi32> to vector<16xi32>
          %gather3A_580 = tpu.dynamic_gather %add3A_574[%gather3A_579] in [0] : vector<16xf32>, vector<16xi32> -> vector<16xf32>
          %add3A_581 = arith.addf %add3A_574, %gather3A_580 : vector<16xf32>
          %xor3A_582 = arith.constant 4 : i32
          %xor3A_583 = vector.broadcast %xor3A_582 : i32 to vector<16xi32>
          %xor3A_584 = arith.xori %iota3A, %xor3A_583 : vector<16xi32>
          %broadcast_in_dim3A_585 = vector.shape_cast %xor3A_584 : vector<16xi32> to vector<16x1xi32>
          %gather3A_586 = vector.shape_cast %broadcast_in_dim3A_585 : vector<16x1xi32> to vector<16xi32>
          %gather3A_587 = tpu.dynamic_gather %add3A_581[%gather3A_586] in [0] : vector<16xf32>, vector<16xi32> -> vector<16xf32>
          %add3A_588 = arith.addf %add3A_581, %gather3A_587 : vector<16xf32>
          %xor3A_589 = arith.constant 8 : i32
          %xor3A_590 = vector.broadcast %xor3A_589 : i32 to vector<16xi32>
          %xor3A_591 = arith.xori %iota3A, %xor3A_590 : vector<16xi32>
          %broadcast_in_dim3A_592 = vector.shape_cast %xor3A_591 : vector<16xi32> to vector<16x1xi32>
          %gather3A_593 = vector.shape_cast %broadcast_in_dim3A_592 : vector<16x1xi32> to vector<16xi32>
          %gather3A_594 = tpu.dynamic_gather %add3A_588[%gather3A_593] in [0] : vector<16xf32>, vector<16xi32> -> vector<16xf32>
          %add3A_595 = arith.addf %add3A_588, %gather3A_594 : vector<16xf32>
          %select_n3A_596 = arith.select %eq3A_567, %add3A_595, %select_n3A_465 : vector<16xi1>, vector<16xf32>
          %scan3A_597 = arith.constant 2 : i32
          %scan3A_598 = arith.addi %scan3A_339, %scan3A_597 : i32
          %mul3A_599 = arith.constant 16 : i32
          %mul3A_600 = arith.muli %scan3A_270, %mul3A_599 : i32
          %add3A_601 = arith.addi %mul3A_600, %scan3A_598 : i32
          %get3A_602 = arith.index_cast %add3A_601 : i32 to index
          %get3A_603 = arith.constant 0 : index
          %get3A_604 = tpu.vector_load %arg20[%get3A_602, %get3A_603] {strides = array<i32>} : memref<128x64xi32, #tpu.memory_space<vmem>>, vector<1x16xi32>,
          %get3A_605 = vector.shape_cast %get3A_604 : vector<1x16xi32> to vector<16xi32>
          %shift_left3A_606 = arith.constant 16 : i32
          %shift_left3A_607 = vector.broadcast %shift_left3A_606 : i32 to vector<16xi32>
          %shift_left3A_608 = arith.shli %get3A_605, %shift_left3A_607 : vector<16xi32>
          %bitcast_convert_type3A_609 = tpu.bitcast %shift_left3A_608 : vector<16xi32> -> vector<16xf32>
          %and3A_610 = arith.constant -65536 : i32
          %and3A_611 = vector.broadcast %and3A_610 : i32 to vector<16xi32>
          %and3A_612 = arith.andi %get3A_605, %and3A_611 : vector<16xi32>
          %bitcast_convert_type3A_613 = tpu.bitcast %and3A_612 : vector<16xi32> -> vector<16xf32>
          %get3A_614 = arith.index_cast %add3A_601 : i32 to index
          %get3A_615 = arith.constant 0 : index
          %get3A_616 = tpu.vector_load %arg19[%get3A_614, %get3A_615] {strides = array<i32>} : memref<128x128xf32, #tpu.memory_space<vmem>>, vector<1x16xf32>,
          %get3A_617 = vector.shape_cast %get3A_616 : vector<1x16xf32> to vector<16xf32>
          %get3A_618 = arith.index_cast %add3A_601 : i32 to index
          %get3A_619 = arith.constant 64 : index
          %get3A_620 = tpu.vector_load %arg19[%get3A_618, %get3A_619] {strides = array<i32>} : memref<128x128xf32, #tpu.memory_space<vmem>>, vector<1x16xf32>,
          %get3A_621 = vector.shape_cast %get3A_620 : vector<1x16xf32> to vector<16xf32>
          %mul3A_622 = arith.mulf %get3A_617, %bitcast_convert_type3A_609 : vector<16xf32>
          %mul3A_623 = arith.mulf %get3A_621, %bitcast_convert_type3A_613 : vector<16xf32>
          %add3A_624 = arith.addf %mul3A_622, %mul3A_623 : vector<16xf32>
          %get3A_625 = arith.index_cast %add3A_601 : i32 to index
          %get3A_626 = arith.constant 16 : index
          %get3A_627 = tpu.vector_load %arg20[%get3A_625, %get3A_626] {strides = array<i32>} : memref<128x64xi32, #tpu.memory_space<vmem>>, vector<1x16xi32>,
          %get3A_628 = vector.shape_cast %get3A_627 : vector<1x16xi32> to vector<16xi32>
          %shift_left3A_629 = arith.constant 16 : i32
          %shift_left3A_630 = vector.broadcast %shift_left3A_629 : i32 to vector<16xi32>
          %shift_left3A_631 = arith.shli %get3A_628, %shift_left3A_630 : vector<16xi32>
          %bitcast_convert_type3A_632 = tpu.bitcast %shift_left3A_631 : vector<16xi32> -> vector<16xf32>
          %and3A_633 = arith.constant -65536 : i32
          %and3A_634 = vector.broadcast %and3A_633 : i32 to vector<16xi32>
          %and3A_635 = arith.andi %get3A_628, %and3A_634 : vector<16xi32>
          %bitcast_convert_type3A_636 = tpu.bitcast %and3A_635 : vector<16xi32> -> vector<16xf32>
          %get3A_637 = arith.index_cast %add3A_601 : i32 to index
          %get3A_638 = arith.constant 16 : index
          %get3A_639 = tpu.vector_load %arg19[%get3A_637, %get3A_638] {strides = array<i32>} : memref<128x128xf32, #tpu.memory_space<vmem>>, vector<1x16xf32>,
          %get3A_640 = vector.shape_cast %get3A_639 : vector<1x16xf32> to vector<16xf32>
          %get3A_641 = arith.index_cast %add3A_601 : i32 to index
          %get3A_642 = arith.constant 80 : index
          %get3A_643 = tpu.vector_load %arg19[%get3A_641, %get3A_642] {strides = array<i32>} : memref<128x128xf32, #tpu.memory_space<vmem>>, vector<1x16xf32>,
          %get3A_644 = vector.shape_cast %get3A_643 : vector<1x16xf32> to vector<16xf32>
          %mul3A_645 = arith.mulf %get3A_640, %bitcast_convert_type3A_632 : vector<16xf32>
          %mul3A_646 = arith.mulf %get3A_644, %bitcast_convert_type3A_636 : vector<16xf32>
          %add3A_647 = arith.addf %mul3A_645, %mul3A_646 : vector<16xf32>
          %add3A_648 = arith.addf %add3A_624, %add3A_647 : vector<16xf32>
          %get3A_649 = arith.index_cast %add3A_601 : i32 to index
          %get3A_650 = arith.constant 32 : index
          %get3A_651 = tpu.vector_load %arg20[%get3A_649, %get3A_650] {strides = array<i32>} : memref<128x64xi32, #tpu.memory_space<vmem>>, vector<1x16xi32>,
          %get3A_652 = vector.shape_cast %get3A_651 : vector<1x16xi32> to vector<16xi32>
          %shift_left3A_653 = arith.constant 16 : i32
          %shift_left3A_654 = vector.broadcast %shift_left3A_653 : i32 to vector<16xi32>
          %shift_left3A_655 = arith.shli %get3A_652, %shift_left3A_654 : vector<16xi32>
          %bitcast_convert_type3A_656 = tpu.bitcast %shift_left3A_655 : vector<16xi32> -> vector<16xf32>
          %and3A_657 = arith.constant -65536 : i32
          %and3A_658 = vector.broadcast %and3A_657 : i32 to vector<16xi32>
          %and3A_659 = arith.andi %get3A_652, %and3A_658 : vector<16xi32>
          %bitcast_convert_type3A_660 = tpu.bitcast %and3A_659 : vector<16xi32> -> vector<16xf32>
          %get3A_661 = arith.index_cast %add3A_601 : i32 to index
          %get3A_662 = arith.constant 32 : index
          %get3A_663 = tpu.vector_load %arg19[%get3A_661, %get3A_662] {strides = array<i32>} : memref<128x128xf32, #tpu.memory_space<vmem>>, vector<1x16xf32>,
          %get3A_664 = vector.shape_cast %get3A_663 : vector<1x16xf32> to vector<16xf32>
          %get3A_665 = arith.index_cast %add3A_601 : i32 to index
          %get3A_666 = arith.constant 96 : index
          %get3A_667 = tpu.vector_load %arg19[%get3A_665, %get3A_666] {strides = array<i32>} : memref<128x128xf32, #tpu.memory_space<vmem>>, vector<1x16xf32>,
          %get3A_668 = vector.shape_cast %get3A_667 : vector<1x16xf32> to vector<16xf32>
          %mul3A_669 = arith.mulf %get3A_664, %bitcast_convert_type3A_656 : vector<16xf32>
          %mul3A_670 = arith.mulf %get3A_668, %bitcast_convert_type3A_660 : vector<16xf32>
          %add3A_671 = arith.addf %mul3A_669, %mul3A_670 : vector<16xf32>
          %add3A_672 = arith.addf %add3A_648, %add3A_671 : vector<16xf32>
          %get3A_673 = arith.index_cast %add3A_601 : i32 to index
          %get3A_674 = arith.constant 48 : index
          %get3A_675 = tpu.vector_load %arg20[%get3A_673, %get3A_674] {strides = array<i32>} : memref<128x64xi32, #tpu.memory_space<vmem>>, vector<1x16xi32>,
          %get3A_676 = vector.shape_cast %get3A_675 : vector<1x16xi32> to vector<16xi32>
          %shift_left3A_677 = arith.constant 16 : i32
          %shift_left3A_678 = vector.broadcast %shift_left3A_677 : i32 to vector<16xi32>
          %shift_left3A_679 = arith.shli %get3A_676, %shift_left3A_678 : vector<16xi32>
          %bitcast_convert_type3A_680 = tpu.bitcast %shift_left3A_679 : vector<16xi32> -> vector<16xf32>
          %and3A_681 = arith.constant -65536 : i32
          %and3A_682 = vector.broadcast %and3A_681 : i32 to vector<16xi32>
          %and3A_683 = arith.andi %get3A_676, %and3A_682 : vector<16xi32>
          %bitcast_convert_type3A_684 = tpu.bitcast %and3A_683 : vector<16xi32> -> vector<16xf32>
          %get3A_685 = arith.index_cast %add3A_601 : i32 to index
          %get3A_686 = arith.constant 48 : index
          %get3A_687 = tpu.vector_load %arg19[%get3A_685, %get3A_686] {strides = array<i32>} : memref<128x128xf32, #tpu.memory_space<vmem>>, vector<1x16xf32>,
          %get3A_688 = vector.shape_cast %get3A_687 : vector<1x16xf32> to vector<16xf32>
          %get3A_689 = arith.index_cast %add3A_601 : i32 to index
          %get3A_690 = arith.constant 112 : index
          %get3A_691 = tpu.vector_load %arg19[%get3A_689, %get3A_690] {strides = array<i32>} : memref<128x128xf32, #tpu.memory_space<vmem>>, vector<1x16xf32>,
          %get3A_692 = vector.shape_cast %get3A_691 : vector<1x16xf32> to vector<16xf32>
          %mul3A_693 = arith.mulf %get3A_688, %bitcast_convert_type3A_680 : vector<16xf32>
          %mul3A_694 = arith.mulf %get3A_692, %bitcast_convert_type3A_684 : vector<16xf32>
          %add3A_695 = arith.addf %mul3A_693, %mul3A_694 : vector<16xf32>
          %add3A_696 = arith.addf %add3A_672, %add3A_695 : vector<16xf32>
          %eq3A_697 = vector.broadcast %scan3A_598 : i32 to vector<16xi32>
          %eq3A_698 = arith.cmpi eq, %iota3A, %eq3A_697 : vector<16xi32>
          %xor3A_699 = arith.constant 1 : i32
          %xor3A_700 = vector.broadcast %xor3A_699 : i32 to vector<16xi32>
          %xor3A_701 = arith.xori %iota3A, %xor3A_700 : vector<16xi32>
          %broadcast_in_dim3A_702 = vector.shape_cast %xor3A_701 : vector<16xi32> to vector<16x1xi32>
          %gather3A_703 = vector.shape_cast %broadcast_in_dim3A_702 : vector<16x1xi32> to vector<16xi32>
          %gather3A_704 = tpu.dynamic_gather %add3A_696[%gather3A_703] in [0] : vector<16xf32>, vector<16xi32> -> vector<16xf32>
          %add3A_705 = arith.addf %add3A_696, %gather3A_704 : vector<16xf32>
          %xor3A_706 = arith.constant 2 : i32
          %xor3A_707 = vector.broadcast %xor3A_706 : i32 to vector<16xi32>
          %xor3A_708 = arith.xori %iota3A, %xor3A_707 : vector<16xi32>
          %broadcast_in_dim3A_709 = vector.shape_cast %xor3A_708 : vector<16xi32> to vector<16x1xi32>
          %gather3A_710 = vector.shape_cast %broadcast_in_dim3A_709 : vector<16x1xi32> to vector<16xi32>
          %gather3A_711 = tpu.dynamic_gather %add3A_705[%gather3A_710] in [0] : vector<16xf32>, vector<16xi32> -> vector<16xf32>
          %add3A_712 = arith.addf %add3A_705, %gather3A_711 : vector<16xf32>
          %xor3A_713 = arith.constant 4 : i32
          %xor3A_714 = vector.broadcast %xor3A_713 : i32 to vector<16xi32>
          %xor3A_715 = arith.xori %iota3A, %xor3A_714 : vector<16xi32>
          %broadcast_in_dim3A_716 = vector.shape_cast %xor3A_715 : vector<16xi32> to vector<16x1xi32>
          %gather3A_717 = vector.shape_cast %broadcast_in_dim3A_716 : vector<16x1xi32> to vector<16xi32>
          %gather3A_718 = tpu.dynamic_gather %add3A_712[%gather3A_717] in [0] : vector<16xf32>, vector<16xi32> -> vector<16xf32>
          %add3A_719 = arith.addf %add3A_712, %gather3A_718 : vector<16xf32>
          %xor3A_720 = arith.constant 8 : i32
          %xor3A_721 = vector.broadcast %xor3A_720 : i32 to vector<16xi32>
          %xor3A_722 = arith.xori %iota3A, %xor3A_721 : vector<16xi32>
          %broadcast_in_dim3A_723 = vector.shape_cast %xor3A_722 : vector<16xi32> to vector<16x1xi32>
          %gather3A_724 = vector.shape_cast %broadcast_in_dim3A_723 : vector<16x1xi32> to vector<16xi32>
          %gather3A_725 = tpu.dynamic_gather %add3A_719[%gather3A_724] in [0] : vector<16xf32>, vector<16xi32> -> vector<16xf32>
          %add3A_726 = arith.addf %add3A_719, %gather3A_725 : vector<16xf32>
          %select_n3A_727 = arith.select %eq3A_698, %add3A_726, %select_n3A_596 : vector<16xi1>, vector<16xf32>
          %scan3A_728 = arith.constant 3 : i32
          %scan3A_729 = arith.addi %scan3A_339, %scan3A_728 : i32
          %mul3A_730 = arith.constant 16 : i32
          %mul3A_731 = arith.muli %scan3A_270, %mul3A_730 : i32
          %add3A_732 = arith.addi %mul3A_731, %scan3A_729 : i32
          %get3A_733 = arith.index_cast %add3A_732 : i32 to index
          %get3A_734 = arith.constant 0 : index
          %get3A_735 = tpu.vector_load %arg20[%get3A_733, %get3A_734] {strides = array<i32>} : memref<128x64xi32, #tpu.memory_space<vmem>>, vector<1x16xi32>,
          %get3A_736 = vector.shape_cast %get3A_735 : vector<1x16xi32> to vector<16xi32>
          %shift_left3A_737 = arith.constant 16 : i32
          %shift_left3A_738 = vector.broadcast %shift_left3A_737 : i32 to vector<16xi32>
          %shift_left3A_739 = arith.shli %get3A_736, %shift_left3A_738 : vector<16xi32>
          %bitcast_convert_type3A_740 = tpu.bitcast %shift_left3A_739 : vector<16xi32> -> vector<16xf32>
          %and3A_741 = arith.constant -65536 : i32
          %and3A_742 = vector.broadcast %and3A_741 : i32 to vector<16xi32>
          %and3A_743 = arith.andi %get3A_736, %and3A_742 : vector<16xi32>
          %bitcast_convert_type3A_744 = tpu.bitcast %and3A_743 : vector<16xi32> -> vector<16xf32>
          %get3A_745 = arith.index_cast %add3A_732 : i32 to index
          %get3A_746 = arith.constant 0 : index
          %get3A_747 = tpu.vector_load %arg19[%get3A_745, %get3A_746] {strides = array<i32>} : memref<128x128xf32, #tpu.memory_space<vmem>>, vector<1x16xf32>,
          %get3A_748 = vector.shape_cast %get3A_747 : vector<1x16xf32> to vector<16xf32>
          %get3A_749 = arith.index_cast %add3A_732 : i32 to index
          %get3A_750 = arith.constant 64 : index
          %get3A_751 = tpu.vector_load %arg19[%get3A_749, %get3A_750] {strides = array<i32>} : memref<128x128xf32, #tpu.memory_space<vmem>>, vector<1x16xf32>,
          %get3A_752 = vector.shape_cast %get3A_751 : vector<1x16xf32> to vector<16xf32>
          %mul3A_753 = arith.mulf %get3A_748, %bitcast_convert_type3A_740 : vector<16xf32>
          %mul3A_754 = arith.mulf %get3A_752, %bitcast_convert_type3A_744 : vector<16xf32>
          %add3A_755 = arith.addf %mul3A_753, %mul3A_754 : vector<16xf32>
          %get3A_756 = arith.index_cast %add3A_732 : i32 to index
          %get3A_757 = arith.constant 16 : index
          %get3A_758 = tpu.vector_load %arg20[%get3A_756, %get3A_757] {strides = array<i32>} : memref<128x64xi32, #tpu.memory_space<vmem>>, vector<1x16xi32>,
          %get3A_759 = vector.shape_cast %get3A_758 : vector<1x16xi32> to vector<16xi32>
          %shift_left3A_760 = arith.constant 16 : i32
          %shift_left3A_761 = vector.broadcast %shift_left3A_760 : i32 to vector<16xi32>
          %shift_left3A_762 = arith.shli %get3A_759, %shift_left3A_761 : vector<16xi32>
          %bitcast_convert_type3A_763 = tpu.bitcast %shift_left3A_762 : vector<16xi32> -> vector<16xf32>
          %and3A_764 = arith.constant -65536 : i32
          %and3A_765 = vector.broadcast %and3A_764 : i32 to vector<16xi32>
          %and3A_766 = arith.andi %get3A_759, %and3A_765 : vector<16xi32>
          %bitcast_convert_type3A_767 = tpu.bitcast %and3A_766 : vector<16xi32> -> vector<16xf32>
          %get3A_768 = arith.index_cast %add3A_732 : i32 to index
          %get3A_769 = arith.constant 16 : index
          %get3A_770 = tpu.vector_load %arg19[%get3A_768, %get3A_769] {strides = array<i32>} : memref<128x128xf32, #tpu.memory_space<vmem>>, vector<1x16xf32>,
          %get3A_771 = vector.shape_cast %get3A_770 : vector<1x16xf32> to vector<16xf32>
          %get3A_772 = arith.index_cast %add3A_732 : i32 to index
          %get3A_773 = arith.constant 80 : index
          %get3A_774 = tpu.vector_load %arg19[%get3A_772, %get3A_773] {strides = array<i32>} : memref<128x128xf32, #tpu.memory_space<vmem>>, vector<1x16xf32>,
          %get3A_775 = vector.shape_cast %get3A_774 : vector<1x16xf32> to vector<16xf32>
          %mul3A_776 = arith.mulf %get3A_771, %bitcast_convert_type3A_763 : vector<16xf32>
          %mul3A_777 = arith.mulf %get3A_775, %bitcast_convert_type3A_767 : vector<16xf32>
          %add3A_778 = arith.addf %mul3A_776, %mul3A_777 : vector<16xf32>
          %add3A_779 = arith.addf %add3A_755, %add3A_778 : vector<16xf32>
          %get3A_780 = arith.index_cast %add3A_732 : i32 to index
          %get3A_781 = arith.constant 32 : index
          %get3A_782 = tpu.vector_load %arg20[%get3A_780, %get3A_781] {strides = array<i32>} : memref<128x64xi32, #tpu.memory_space<vmem>>, vector<1x16xi32>,
          %get3A_783 = vector.shape_cast %get3A_782 : vector<1x16xi32> to vector<16xi32>
          %shift_left3A_784 = arith.constant 16 : i32
          %shift_left3A_785 = vector.broadcast %shift_left3A_784 : i32 to vector<16xi32>
          %shift_left3A_786 = arith.shli %get3A_783, %shift_left3A_785 : vector<16xi32>
          %bitcast_convert_type3A_787 = tpu.bitcast %shift_left3A_786 : vector<16xi32> -> vector<16xf32>
          %and3A_788 = arith.constant -65536 : i32
          %and3A_789 = vector.broadcast %and3A_788 : i32 to vector<16xi32>
          %and3A_790 = arith.andi %get3A_783, %and3A_789 : vector<16xi32>
          %bitcast_convert_type3A_791 = tpu.bitcast %and3A_790 : vector<16xi32> -> vector<16xf32>
          %get3A_792 = arith.index_cast %add3A_732 : i32 to index
          %get3A_793 = arith.constant 32 : index
          %get3A_794 = tpu.vector_load %arg19[%get3A_792, %get3A_793] {strides = array<i32>} : memref<128x128xf32, #tpu.memory_space<vmem>>, vector<1x16xf32>,
          %get3A_795 = vector.shape_cast %get3A_794 : vector<1x16xf32> to vector<16xf32>
          %get3A_796 = arith.index_cast %add3A_732 : i32 to index
          %get3A_797 = arith.constant 96 : index
          %get3A_798 = tpu.vector_load %arg19[%get3A_796, %get3A_797] {strides = array<i32>} : memref<128x128xf32, #tpu.memory_space<vmem>>, vector<1x16xf32>,
          %get3A_799 = vector.shape_cast %get3A_798 : vector<1x16xf32> to vector<16xf32>
          %mul3A_800 = arith.mulf %get3A_795, %bitcast_convert_type3A_787 : vector<16xf32>
          %mul3A_801 = arith.mulf %get3A_799, %bitcast_convert_type3A_791 : vector<16xf32>
          %add3A_802 = arith.addf %mul3A_800, %mul3A_801 : vector<16xf32>
          %add3A_803 = arith.addf %add3A_779, %add3A_802 : vector<16xf32>
          %get3A_804 = arith.index_cast %add3A_732 : i32 to index
          %get3A_805 = arith.constant 48 : index
          %get3A_806 = tpu.vector_load %arg20[%get3A_804, %get3A_805] {strides = array<i32>} : memref<128x64xi32, #tpu.memory_space<vmem>>, vector<1x16xi32>,
          %get3A_807 = vector.shape_cast %get3A_806 : vector<1x16xi32> to vector<16xi32>
          %shift_left3A_808 = arith.constant 16 : i32
          %shift_left3A_809 = vector.broadcast %shift_left3A_808 : i32 to vector<16xi32>
          %shift_left3A_810 = arith.shli %get3A_807, %shift_left3A_809 : vector<16xi32>
          %bitcast_convert_type3A_811 = tpu.bitcast %shift_left3A_810 : vector<16xi32> -> vector<16xf32>
          %and3A_812 = arith.constant -65536 : i32
          %and3A_813 = vector.broadcast %and3A_812 : i32 to vector<16xi32>
          %and3A_814 = arith.andi %get3A_807, %and3A_813 : vector<16xi32>
          %bitcast_convert_type3A_815 = tpu.bitcast %and3A_814 : vector<16xi32> -> vector<16xf32>
          %get3A_816 = arith.index_cast %add3A_732 : i32 to index
          %get3A_817 = arith.constant 48 : index
          %get3A_818 = tpu.vector_load %arg19[%get3A_816, %get3A_817] {strides = array<i32>} : memref<128x128xf32, #tpu.memory_space<vmem>>, vector<1x16xf32>,
          %get3A_819 = vector.shape_cast %get3A_818 : vector<1x16xf32> to vector<16xf32>
          %get3A_820 = arith.index_cast %add3A_732 : i32 to index
          %get3A_821 = arith.constant 112 : index
          %get3A_822 = tpu.vector_load %arg19[%get3A_820, %get3A_821] {strides = array<i32>} : memref<128x128xf32, #tpu.memory_space<vmem>>, vector<1x16xf32>,
          %get3A_823 = vector.shape_cast %get3A_822 : vector<1x16xf32> to vector<16xf32>
          %mul3A_824 = arith.mulf %get3A_819, %bitcast_convert_type3A_811 : vector<16xf32>
          %mul3A_825 = arith.mulf %get3A_823, %bitcast_convert_type3A_815 : vector<16xf32>
          %add3A_826 = arith.addf %mul3A_824, %mul3A_825 : vector<16xf32>
          %add3A_827 = arith.addf %add3A_803, %add3A_826 : vector<16xf32>
          %eq3A_828 = vector.broadcast %scan3A_729 : i32 to vector<16xi32>
          %eq3A_829 = arith.cmpi eq, %iota3A, %eq3A_828 : vector<16xi32>
          %xor3A_830 = arith.constant 1 : i32
          %xor3A_831 = vector.broadcast %xor3A_830 : i32 to vector<16xi32>
          %xor3A_832 = arith.xori %iota3A, %xor3A_831 : vector<16xi32>
          %broadcast_in_dim3A_833 = vector.shape_cast %xor3A_832 : vector<16xi32> to vector<16x1xi32>
          %gather3A_834 = vector.shape_cast %broadcast_in_dim3A_833 : vector<16x1xi32> to vector<16xi32>
          %gather3A_835 = tpu.dynamic_gather %add3A_827[%gather3A_834] in [0] : vector<16xf32>, vector<16xi32> -> vector<16xf32>
          %add3A_836 = arith.addf %add3A_827, %gather3A_835 : vector<16xf32>
          %xor3A_837 = arith.constant 2 : i32
          %xor3A_838 = vector.broadcast %xor3A_837 : i32 to vector<16xi32>
          %xor3A_839 = arith.xori %iota3A, %xor3A_838 : vector<16xi32>
          %broadcast_in_dim3A_840 = vector.shape_cast %xor3A_839 : vector<16xi32> to vector<16x1xi32>
          %gather3A_841 = vector.shape_cast %broadcast_in_dim3A_840 : vector<16x1xi32> to vector<16xi32>
          %gather3A_842 = tpu.dynamic_gather %add3A_836[%gather3A_841] in [0] : vector<16xf32>, vector<16xi32> -> vector<16xf32>
          %add3A_843 = arith.addf %add3A_836, %gather3A_842 : vector<16xf32>
          %xor3A_844 = arith.constant 4 : i32
          %xor3A_845 = vector.broadcast %xor3A_844 : i32 to vector<16xi32>
          %xor3A_846 = arith.xori %iota3A, %xor3A_845 : vector<16xi32>
          %broadcast_in_dim3A_847 = vector.shape_cast %xor3A_846 : vector<16xi32> to vector<16x1xi32>
          %gather3A_848 = vector.shape_cast %broadcast_in_dim3A_847 : vector<16x1xi32> to vector<16xi32>
          %gather3A_849 = tpu.dynamic_gather %add3A_843[%gather3A_848] in [0] : vector<16xf32>, vector<16xi32> -> vector<16xf32>
          %add3A_850 = arith.addf %add3A_843, %gather3A_849 : vector<16xf32>
          %xor3A_851 = arith.constant 8 : i32
          %xor3A_852 = vector.broadcast %xor3A_851 : i32 to vector<16xi32>
          %xor3A_853 = arith.xori %iota3A, %xor3A_852 : vector<16xi32>
          %broadcast_in_dim3A_854 = vector.shape_cast %xor3A_853 : vector<16xi32> to vector<16x1xi32>
          %gather3A_855 = vector.shape_cast %broadcast_in_dim3A_854 : vector<16x1xi32> to vector<16xi32>
          %gather3A_856 = tpu.dynamic_gather %add3A_850[%gather3A_855] in [0] : vector<16xf32>, vector<16xi32> -> vector<16xf32>
          %add3A_857 = arith.addf %add3A_850, %gather3A_856 : vector<16xf32>
          %select_n3A_858 = arith.select %eq3A_829, %add3A_857, %select_n3A_727 : vector<16xi1>, vector<16xf32>
          scf.yield %select_n3A_858 : vector<16xf32>
        }
        %scan3A_279 = arith.constant 16 : i32
        %sub3A_280 = arith.constant -0.00320545211 : f32
        %sub3A_281 = vector.broadcast %sub3A_280 : f32 to vector<16xf32>
        %sub3A_282 = arith.subf %sub3A_281, %scan3A_278 : vector<16xf32>
        %exp3A = math.exp %sub3A_282 : vector<16xf32>
        %sub3A_283 = arith.constant 1.000000e+00 : f32
        %sub3A_284 = vector.broadcast %sub3A_283 : f32 to vector<16xf32>
        %sub3A_285 = arith.subf %sub3A_284, %exp3A : vector<16xf32>
        %bitcast_convert_type3A = tpu.bitcast %sub3A_285 : vector<16xf32> -> vector<16xi32>
        %shift_right_arithmetic3A = arith.constant 23 : i32
        %shift_right_arithmetic3A_286 = vector.broadcast %shift_right_arithmetic3A : i32 to vector<16xi32>
        %shift_right_arithmetic3A_287 = arith.shrsi %bitcast_convert_type3A, %shift_right_arithmetic3A_286 : vector<16xi32>
        %and3A_288 = arith.constant 255 : i32
        %and3A_289 = vector.broadcast %and3A_288 : i32 to vector<16xi32>
        %and3A_290 = arith.andi %shift_right_arithmetic3A_287, %and3A_289 : vector<16xi32>
        %sub3A_291 = arith.constant 127 : i32
        %sub3A_292 = vector.broadcast %sub3A_291 : i32 to vector<16xi32>
        %sub3A_293 = arith.subi %and3A_290, %sub3A_292 : vector<16xi32>
        %and3A_294 = arith.constant 8388607 : i32
        %and3A_295 = vector.broadcast %and3A_294 : i32 to vector<16xi32>
        %and3A_296 = arith.andi %bitcast_convert_type3A, %and3A_295 : vector<16xi32>
        %or3A = arith.constant 1065353216 : i32
        %or3A_297 = vector.broadcast %or3A : i32 to vector<16xi32>
        %or3A_298 = arith.ori %and3A_296, %or3A_297 : vector<16xi32>
        %bitcast_convert_type3A_299 = tpu.bitcast %or3A_298 : vector<16xi32> -> vector<16xf32>
        %gt3A = arith.constant 1.41421354 : f32
        %gt3A_300 = vector.broadcast %gt3A : f32 to vector<16xf32>
        %gt3A_301 = arith.cmpf ogt, %bitcast_convert_type3A_299, %gt3A_300 : vector<16xf32>
        %mul3A_302 = arith.constant 5.000000e-01 : f32
        %mul3A_303 = vector.broadcast %mul3A_302 : f32 to vector<16xf32>
        %mul3A_304 = arith.mulf %bitcast_convert_type3A_299, %mul3A_303 : vector<16xf32>
        %select_n3A_305 = arith.select %gt3A_301, %mul3A_304, %bitcast_convert_type3A_299 : vector<16xi1>, vector<16xf32>
        %add3A_306 = arith.constant 1 : i32
        %add3A_307 = vector.broadcast %add3A_306 : i32 to vector<16xi32>
        %add3A_308 = arith.addi %sub3A_293, %add3A_307 : vector<16xi32>
        %select_n3A_309 = arith.select %gt3A_301, %add3A_308, %sub3A_293 : vector<16xi1>, vector<16xi32>
        %sub3A_310 = arith.constant 1.000000e+00 : f32
        %sub3A_311 = vector.broadcast %sub3A_310 : f32 to vector<16xf32>
        %sub3A_312 = arith.subf %select_n3A_305, %sub3A_311 : vector<16xf32>
        %add3A_313 = arith.constant 1.000000e+00 : f32
        %add3A_314 = vector.broadcast %add3A_313 : f32 to vector<16xf32>
        %add3A_315 = arith.addf %select_n3A_305, %add3A_314 : vector<16xf32>
        %div3A_316 = arith.divf %sub3A_312, %add3A_315 : vector<16xf32>
        %mul3A_317 = arith.mulf %div3A_316, %div3A_316 : vector<16xf32>
        %mul3A_318 = arith.constant 0.285714298 : f32
        %mul3A_319 = vector.broadcast %mul3A_318 : f32 to vector<16xf32>
        %mul3A_320 = arith.mulf %mul3A_317, %mul3A_319 : vector<16xf32>
        %add3A_321 = arith.constant 4.000000e-01 : f32
        %add3A_322 = vector.broadcast %add3A_321 : f32 to vector<16xf32>
        %add3A_323 = arith.addf %add3A_322, %mul3A_320 : vector<16xf32>
        %mul3A_324 = arith.mulf %mul3A_317, %add3A_323 : vector<16xf32>
        %add3A_325 = arith.constant 0.666666686 : f32
        %add3A_326 = vector.broadcast %add3A_325 : f32 to vector<16xf32>
        %add3A_327 = arith.addf %add3A_326, %mul3A_324 : vector<16xf32>
        %mul3A_328 = arith.mulf %mul3A_317, %add3A_327 : vector<16xf32>
        %add3A_329 = arith.constant 2.000000e+00 : f32
        %add3A_330 = vector.broadcast %add3A_329 : f32 to vector<16xf32>
        %add3A_331 = arith.addf %add3A_330, %mul3A_328 : vector<16xf32>
        %mul3A_332 = arith.mulf %div3A_316, %add3A_331 : vector<16xf32>
        %convert_element_type3A_333 = arith.sitofp %select_n3A_309 : vector<16xi32> to vector<16xf32>
        %mul3A_334 = arith.constant 0.693147182 : f32
        %mul3A_335 = vector.broadcast %mul3A_334 : f32 to vector<16xf32>
        %mul3A_336 = arith.mulf %convert_element_type3A_333, %mul3A_335 : vector<16xf32>
        %add3A_337 = arith.addf %mul3A_336, %mul3A_332 : vector<16xf32>
        %add3A_338 = arith.addf %scan3A_271, %add3A_337 : vector<16xf32>
        scf.yield %add3A_338 : vector<16xf32>
      }
      %scan3A_248 = arith.constant 8 : i32
      %add3A_249 = arith.constant 2 : i32
      %add3A_250 = arith.addi %add3A_222, %add3A_249 : i32
      %lt3A_251 = arith.cmpi slt, %add3A_250, %select_n3A : i32
      %convert_element_type3A_252 = arith.extui %lt3A_251 : i1 to i32
      %cond3A_253 = arith.constant 0 : i32
      %cond3A_254 = arith.cmpi ne, %convert_element_type3A_252, %cond3A_253 : i32
      scf.if %cond3A_254 {
        %add3A_270 = arith.constant 2 : i32
        %add3A_271 = arith.addi %add3A_222, %add3A_270 : i32
        %and3A_272 = arith.constant 31 : i32
        %and3A_273 = arith.andi %add3A_271, %and3A_272 : i32
        %mul3A_274 = arith.constant 128 : i32
        %mul3A_275 = arith.muli %and3A_273, %mul3A_274 : i32
        %dma_start3A_276 = tpu.memref_slice %arg11[%mul3A_275] : memref<4096xi32, #tpu.memory_space<vmem>> -> memref<128xi32, #tpu.memory_space<vmem>>
        %dma_start3A_277 = arith.constant 0 : i32
        %dma_start3A_278 = arith.constant 0 : i32
        %dma_start3A_279 = tpu.memref_slice %arg6[%dma_start3A_277, %dma_start3A_278] : memref<10000x128xf32, #tpu.memory_space<hbm>> -> memref<10000x128xf32, #tpu.memory_space<hbm>>
        tpu.enqueue_indirect_dma source(%dma_start3A_279 : memref<10000x128xf32, #tpu.memory_space<hbm>>) target(%arg19 : memref<128x128xf32, #tpu.memory_space<vmem>>) offsets(%dma_start3A_276 : memref<128xi32, #tpu.memory_space<vmem>>) semaphore(%arg25 : memref<!tpu.dma_semaphore, #tpu.memory_space<semaphore_mem>>)
        %mul3A_280 = arith.constant 128 : i32
        %mul3A_281 = arith.muli %and3A_273, %mul3A_280 : i32
        %dma_start3A_282 = tpu.memref_slice %arg12[%mul3A_281] : memref<4096xi32, #tpu.memory_space<vmem>> -> memref<128xi32, #tpu.memory_space<vmem>>
        %dma_start3A_283 = arith.constant 0 : i32
        %dma_start3A_284 = arith.constant 0 : i32
        %dma_start3A_285 = tpu.memref_slice %arg7[%dma_start3A_283, %dma_start3A_284] : memref<10000x64xi32, #tpu.memory_space<hbm>> -> memref<10000x64xi32, #tpu.memory_space<hbm>>
        tpu.enqueue_indirect_dma source(%dma_start3A_285 : memref<10000x64xi32, #tpu.memory_space<hbm>>) target(%arg20 : memref<128x64xi32, #tpu.memory_space<vmem>>) offsets(%dma_start3A_282 : memref<128xi32, #tpu.memory_space<vmem>>) semaphore(%arg25 : memref<!tpu.dma_semaphore, #tpu.memory_space<semaphore_mem>>)
      } else {
      }
      %dma_wait3A_255 = arith.constant 0 : i32
      %dma_wait3A_256 = arith.constant 0 : i32
      %dma_wait3A_257 = tpu.memref_slice %arg22[%dma_wait3A_255, %dma_wait3A_256] : memref<10240x128xbf16, #tpu.memory_space<vmem_shared>> -> memref<10240x128xbf16, #tpu.memory_space<vmem_shared>>
      tpu.wait_indirect_dma semaphore(%arg29 : memref<!tpu.dma_semaphore, #tpu.memory_space<semaphore_mem>>) src(%arg21 : memref<128x128xbf16, #tpu.memory_space<vmem>>) dst(%dma_wait3A_257 : memref<10240x128xbf16, #tpu.memory_space<vmem_shared>>)
      %add3A_258 = arith.constant 2 : i32
      %add3A_259 = arith.addi %add3A_222, %add3A_258 : i32
      %lt3A_260 = arith.cmpi slt, %add3A_259, %select_n3A : i32
      %convert_element_type3A_261 = arith.extui %lt3A_260 : i1 to i32
      %cond3A_262 = arith.constant 0 : i32
      %cond3A_263 = arith.cmpi ne, %convert_element_type3A_261, %cond3A_262 : i32
      scf.if %cond3A_263 {
        %add3A_270 = arith.constant 2 : i32
        %add3A_271 = arith.addi %add3A_222, %add3A_270 : i32
        %add3A_272 = arith.addi %select_n3A_12, %add3A_271 : i32
        %mul3A_273 = arith.constant 128 : i32
        %mul3A_274 = arith.muli %add3A_272, %mul3A_273 : i32
        %dma_start3A_275 = tpu.memref_slice %arg4[%mul3A_274] : memref<320256xi32, #tpu.memory_space<hbm>> -> memref<128xi32, #tpu.memory_space<hbm>>
        %dma_start3A_276 = tpu.memref_slice %arg4[%mul3A_274] : memref<320256xi32, #tpu.memory_space<hbm>> -> memref<128xi32, #tpu.memory_space<hbm>>
        tpu.enqueue_dma source(%dma_start3A_276 : memref<128xi32, #tpu.memory_space<hbm>>) target(%arg15 : memref<128xi32, #tpu.memory_space<vmem>>) target_semaphore(%arg28 : memref<!tpu.dma_semaphore, #tpu.memory_space<semaphore_mem>>)
        %add3A_277 = arith.addi %select_n3A_12, %add3A_271 : i32
        %mul3A_278 = arith.constant 128 : i32
        %mul3A_279 = arith.muli %add3A_277, %mul3A_278 : i32
        %dma_start3A_280 = tpu.memref_slice %arg5[%mul3A_279] : memref<320256xi32, #tpu.memory_space<hbm>> -> memref<128xi32, #tpu.memory_space<hbm>>
        %dma_start3A_281 = tpu.memref_slice %arg5[%mul3A_279] : memref<320256xi32, #tpu.memory_space<hbm>> -> memref<128xi32, #tpu.memory_space<hbm>>
        tpu.enqueue_dma source(%dma_start3A_281 : memref<128xi32, #tpu.memory_space<hbm>>) target(%arg16 : memref<128xi32, #tpu.memory_space<vmem>>) target_semaphore(%arg28 : memref<!tpu.dma_semaphore, #tpu.memory_space<semaphore_mem>>)
      } else {
      }
      %add3A_264 = arith.constant 1 : i32
      %add3A_265 = arith.addi %add3A_222, %add3A_264 : i32
      %lt3A_266 = arith.cmpi slt, %add3A_265, %select_n3A : i32
      %convert_element_type3A_267 = arith.extui %lt3A_266 : i1 to i32
      %cond3A_268 = arith.constant 0 : i32
      %cond3A_269 = arith.cmpi ne, %convert_element_type3A_267, %cond3A_268 : i32
      scf.if %cond3A_269 {
        %add3A_270 = arith.constant 1 : i32
        %add3A_271 = arith.addi %add3A_222, %add3A_270 : i32
        %add3A_272 = arith.addi %select_n3A_12, %add3A_271 : i32
        %mul3A_273 = arith.constant 128 : i32
        %mul3A_274 = arith.muli %add3A_272, %mul3A_273 : i32
        %dma_wait3A_275 = tpu.memref_slice %arg4[%mul3A_274] : memref<320256xi32, #tpu.memory_space<hbm>> -> memref<128xi32, #tpu.memory_space<hbm>>
        %dma_wait3A_276 = tpu.memref_slice %arg4[%mul3A_274] : memref<320256xi32, #tpu.memory_space<hbm>> -> memref<128xi32, #tpu.memory_space<hbm>>
        tpu.wait_dma2 semaphore(%arg27 : memref<!tpu.dma_semaphore, #tpu.memory_space<semaphore_mem>>) src(%dma_wait3A_276 : memref<128xi32, #tpu.memory_space<hbm>>) dst(%arg13 : memref<128xi32, #tpu.memory_space<vmem>>)
        %add3A_277 = arith.addi %select_n3A_12, %add3A_271 : i32
        %mul3A_278 = arith.constant 128 : i32
        %mul3A_279 = arith.muli %add3A_277, %mul3A_278 : i32
        %dma_wait3A_280 = tpu.memref_slice %arg5[%mul3A_279] : memref<320256xi32, #tpu.memory_space<hbm>> -> memref<128xi32, #tpu.memory_space<hbm>>
        %dma_wait3A_281 = tpu.memref_slice %arg5[%mul3A_279] : memref<320256xi32, #tpu.memory_space<hbm>> -> memref<128xi32, #tpu.memory_space<hbm>>
        tpu.wait_dma2 semaphore(%arg27 : memref<!tpu.dma_semaphore, #tpu.memory_space<semaphore_mem>>) src(%dma_wait3A_281 : memref<128xi32, #tpu.memory_space<hbm>>) dst(%arg14 : memref<128xi32, #tpu.memory_space<vmem>>)
        %dma_start3A_282 = arith.constant 0 : i32
        %dma_start3A_283 = arith.constant 0 : i32
        %dma_start3A_284 = tpu.memref_slice %arg8[%dma_start3A_282, %dma_start3A_283] : memref<10000x128xbf16, #tpu.memory_space<hbm>> -> memref<10000x128xbf16, #tpu.memory_space<hbm>>
        tpu.enqueue_indirect_dma source(%dma_start3A_284 : memref<10000x128xbf16, #tpu.memory_space<hbm>>) target(%arg21 : memref<128x128xbf16, #tpu.memory_space<vmem>>) offsets(%arg14 : memref<128xi32, #tpu.memory_space<vmem>>) semaphore(%arg26 : memref<!tpu.dma_semaphore, #tpu.memory_space<semaphore_mem>>)
      } else {
      }
      scf.yield %scan3A_247 : vector<16xf32>
    }
    %while3A_128 = arith.constant 1 : i32
    %while3A_129 = scf.for %while3A_154 = %while3A_125 to %while3A_121 step %while3A_128 iter_args(%while3A_155 = %while3A_127) -> (vector<16xf32>)  : i32 {
      %mul3A_156 = arith.constant 2 : i32
      %mul3A_157 = arith.muli %mul3A_156, %while3A_154 : i32
      %add3A_158 = arith.constant 0 : i32
      %add3A_159 = arith.addi %mul3A_157, %add3A_158 : i32
      %and3A_160 = arith.constant 31 : i32
      %and3A_161 = arith.andi %add3A_159, %and3A_160 : i32
      %mul3A_162 = arith.constant 128 : i32
      %mul3A_163 = arith.muli %and3A_161, %mul3A_162 : i32
      %dma_wait3A_164 = tpu.memref_slice %arg11[%mul3A_163] : memref<4096xi32, #tpu.memory_space<vmem>> -> memref<128xi32, #tpu.memory_space<vmem>>
      %dma_wait3A_165 = arith.constant 0 : i32
      %dma_wait3A_166 = arith.constant 0 : i32
      %dma_wait3A_167 = tpu.memref_slice %arg6[%dma_wait3A_165, %dma_wait3A_166] : memref<10000x128xf32, #tpu.memory_space<hbm>> -> memref<10000x128xf32, #tpu.memory_space<hbm>>
      tpu.wait_indirect_dma semaphore(%arg24 : memref<!tpu.dma_semaphore, #tpu.memory_space<semaphore_mem>>) src(%dma_wait3A_167 : memref<10000x128xf32, #tpu.memory_space<hbm>>) dst(%arg17 : memref<128x128xf32, #tpu.memory_space<vmem>>)
      %mul3A_168 = arith.constant 128 : i32
      %mul3A_169 = arith.muli %and3A_161, %mul3A_168 : i32
      %dma_wait3A_170 = tpu.memref_slice %arg12[%mul3A_169] : memref<4096xi32, #tpu.memory_space<vmem>> -> memref<128xi32, #tpu.memory_space<vmem>>
      %dma_wait3A_171 = arith.constant 0 : i32
      %dma_wait3A_172 = arith.constant 0 : i32
      %dma_wait3A_173 = tpu.memref_slice %arg7[%dma_wait3A_171, %dma_wait3A_172] : memref<10000x64xi32, #tpu.memory_space<hbm>> -> memref<10000x64xi32, #tpu.memory_space<hbm>>
      tpu.wait_indirect_dma semaphore(%arg24 : memref<!tpu.dma_semaphore, #tpu.memory_space<semaphore_mem>>) src(%dma_wait3A_173 : memref<10000x64xi32, #tpu.memory_space<hbm>>) dst(%arg18 : memref<128x64xi32, #tpu.memory_space<vmem>>)
      %dma_wait3A_174 = arith.constant 0 : i32
      %dma_wait3A_175 = arith.constant 0 : i32
      %dma_wait3A_176 = tpu.memref_slice %arg8[%dma_wait3A_174, %dma_wait3A_175] : memref<10000x128xbf16, #tpu.memory_space<hbm>> -> memref<10000x128xbf16, #tpu.memory_space<hbm>>
      tpu.wait_indirect_dma semaphore(%arg26 : memref<!tpu.dma_semaphore, #tpu.memory_space<semaphore_mem>>) src(%dma_wait3A_176 : memref<10000x128xbf16, #tpu.memory_space<hbm>>) dst(%arg21 : memref<128x128xbf16, #tpu.memory_space<vmem>>)
      %dma_start3A_177 = arith.constant 0 : i32
      %dma_start3A_178 = arith.constant 0 : i32
      %dma_start3A_179 = tpu.memref_slice %arg22[%dma_start3A_177, %dma_start3A_178] : memref<10240x128xbf16, #tpu.memory_space<vmem_shared>> -> memref<10240x128xbf16, #tpu.memory_space<vmem_shared>>
      tpu.enqueue_indirect_dma source(%arg21 : memref<128x128xbf16, #tpu.memory_space<vmem>>) target(%dma_start3A_179 : memref<10240x128xbf16, #tpu.memory_space<vmem_shared>>) offsets(%arg13 : memref<128xi32, #tpu.memory_space<vmem>>) semaphore(%arg29 : memref<!tpu.dma_semaphore, #tpu.memory_space<semaphore_mem>>) {add = true}
      %eq3A = arith.constant 9 : i32
      %eq3A_180 = arith.cmpi eq, %while3A_154, %eq3A : i32
      %convert_element_type3A = arith.extui %eq3A_180 : i1 to i32
      %cond3A = arith.constant 0 : i32
      %cond3A_181 = arith.cmpi ne, %convert_element_type3A, %cond3A : i32
      scf.if %cond3A_181 {
        %add3A_270 = arith.constant 32 : i32
        %add3A_271 = arith.addi %select_n3A_12, %add3A_270 : i32
        %mul3A_272 = arith.constant 128 : i32
        %mul3A_273 = arith.muli %add3A_271, %mul3A_272 : i32
        "tpu.region"() ({
          %run_scoped3A = tpu.sem_alloc : memref<!tpu.dma_semaphore, #tpu.memory_space<semaphore_mem>>
          %dma_start3A_274 = arith.constant 0 : i32
          %dma_start3A_275 = tpu.memref_slice %arg11[%dma_start3A_274] : memref<4096xi32, #tpu.memory_space<vmem>> -> memref<2048xi32, #tpu.memory_space<vmem>>
          %dma_start3A_276 = tpu.memref_slice %arg2[%mul3A_273] : memref<320256xi32, #tpu.memory_space<hbm>> -> memref<2048xi32, #tpu.memory_space<hbm>>
          %dma_start3A_277 = arith.constant 0 : i32
          %dma_start3A_278 = tpu.memref_slice %arg11[%dma_start3A_277] : memref<4096xi32, #tpu.memory_space<vmem>> -> memref<2048xi32, #tpu.memory_space<vmem>>
          %dma_start3A_279 = tpu.memref_slice %arg2[%mul3A_273] : memref<320256xi32, #tpu.memory_space<hbm>> -> memref<2048xi32, #tpu.memory_space<hbm>>
          tpu.enqueue_dma source(%dma_start3A_279 : memref<2048xi32, #tpu.memory_space<hbm>>) target(%dma_start3A_278 : memref<2048xi32, #tpu.memory_space<vmem>>) target_semaphore(%run_scoped3A : memref<!tpu.dma_semaphore, #tpu.memory_space<semaphore_mem>>)
          %dma_wait3A_280 = arith.constant 0 : i32
          %dma_wait3A_281 = tpu.memref_slice %arg11[%dma_wait3A_280] : memref<4096xi32, #tpu.memory_space<vmem>> -> memref<2048xi32, #tpu.memory_space<vmem>>
          %dma_wait3A_282 = tpu.memref_slice %arg2[%mul3A_273] : memref<320256xi32, #tpu.memory_space<hbm>> -> memref<2048xi32, #tpu.memory_space<hbm>>
          %dma_wait3A_283 = arith.constant 0 : i32
          %dma_wait3A_284 = tpu.memref_slice %arg11[%dma_wait3A_283] : memref<4096xi32, #tpu.memory_space<vmem>> -> memref<2048xi32, #tpu.memory_space<vmem>>
          %dma_wait3A_285 = tpu.memref_slice %arg2[%mul3A_273] : memref<320256xi32, #tpu.memory_space<hbm>> -> memref<2048xi32, #tpu.memory_space<hbm>>
          tpu.wait_dma2 semaphore(%run_scoped3A : memref<!tpu.dma_semaphore, #tpu.memory_space<semaphore_mem>>) src(%dma_wait3A_285 : memref<2048xi32, #tpu.memory_space<hbm>>) dst(%dma_wait3A_284 : memref<2048xi32, #tpu.memory_space<vmem>>)
          tpu.yield
        }) : () -> ()
        "tpu.region"() ({
          %run_scoped3A = tpu.sem_alloc : memref<!tpu.dma_semaphore, #tpu.memory_space<semaphore_mem>>
          %dma_start3A_274 = arith.constant 0 : i32
          %dma_start3A_275 = tpu.memref_slice %arg12[%dma_start3A_274] : memref<4096xi32, #tpu.memory_space<vmem>> -> memref<2048xi32, #tpu.memory_space<vmem>>
          %dma_start3A_276 = tpu.memref_slice %arg3[%mul3A_273] : memref<320256xi32, #tpu.memory_space<hbm>> -> memref<2048xi32, #tpu.memory_space<hbm>>
          %dma_start3A_277 = arith.constant 0 : i32
          %dma_start3A_278 = tpu.memref_slice %arg12[%dma_start3A_277] : memref<4096xi32, #tpu.memory_space<vmem>> -> memref<2048xi32, #tpu.memory_space<vmem>>
          %dma_start3A_279 = tpu.memref_slice %arg3[%mul3A_273] : memref<320256xi32, #tpu.memory_space<hbm>> -> memref<2048xi32, #tpu.memory_space<hbm>>
          tpu.enqueue_dma source(%dma_start3A_279 : memref<2048xi32, #tpu.memory_space<hbm>>) target(%dma_start3A_278 : memref<2048xi32, #tpu.memory_space<vmem>>) target_semaphore(%run_scoped3A : memref<!tpu.dma_semaphore, #tpu.memory_space<semaphore_mem>>)
          %dma_wait3A_280 = arith.constant 0 : i32
          %dma_wait3A_281 = tpu.memref_slice %arg12[%dma_wait3A_280] : memref<4096xi32, #tpu.memory_space<vmem>> -> memref<2048xi32, #tpu.memory_space<vmem>>
          %dma_wait3A_282 = tpu.memref_slice %arg3[%mul3A_273] : memref<320256xi32, #tpu.memory_space<hbm>> -> memref<2048xi32, #tpu.memory_space<hbm>>
          %dma_wait3A_283 = arith.constant 0 : i32
          %dma_wait3A_284 = tpu.memref_slice %arg12[%dma_wait3A_283] : memref<4096xi32, #tpu.memory_space<vmem>> -> memref<2048xi32, #tpu.memory_space<vmem>>
          %dma_wait3A_285 = tpu.memref_slice %arg3[%mul3A_273] : memref<320256xi32, #tpu.memory_space<hbm>> -> memref<2048xi32, #tpu.memory_space<hbm>>
          tpu.wait_dma2 semaphore(%run_scoped3A : memref<!tpu.dma_semaphore, #tpu.memory_space<semaphore_mem>>) src(%dma_wait3A_285 : memref<2048xi32, #tpu.memory_space<hbm>>) dst(%dma_wait3A_284 : memref<2048xi32, #tpu.memory_space<vmem>>)
          tpu.yield
        }) : () -> ()
      } else {
      }
      %eq3A_182 = arith.constant 17 : i32
      %eq3A_183 = arith.cmpi eq, %while3A_154, %eq3A_182 : i32
      %convert_element_type3A_184 = arith.extui %eq3A_183 : i1 to i32
      %cond3A_185 = arith.constant 0 : i32
      %cond3A_186 = arith.cmpi ne, %convert_element_type3A_184, %cond3A_185 : i32
      scf.if %cond3A_186 {
        %add3A_270 = arith.constant 48 : i32
        %add3A_271 = arith.addi %select_n3A_12, %add3A_270 : i32
        %mul3A_272 = arith.constant 128 : i32
        %mul3A_273 = arith.muli %add3A_271, %mul3A_272 : i32
        "tpu.region"() ({
          %run_scoped3A = tpu.sem_alloc : memref<!tpu.dma_semaphore, #tpu.memory_space<semaphore_mem>>
          %dma_start3A_274 = arith.constant 2048 : i32
          %dma_start3A_275 = tpu.memref_slice %arg11[%dma_start3A_274] : memref<4096xi32, #tpu.memory_space<vmem>> -> memref<2048xi32, #tpu.memory_space<vmem>>
          %dma_start3A_276 = tpu.memref_slice %arg2[%mul3A_273] : memref<320256xi32, #tpu.memory_space<hbm>> -> memref<2048xi32, #tpu.memory_space<hbm>>
          %dma_start3A_277 = arith.constant 2048 : i32
          %dma_start3A_278 = tpu.memref_slice %arg11[%dma_start3A_277] : memref<4096xi32, #tpu.memory_space<vmem>> -> memref<2048xi32, #tpu.memory_space<vmem>>
          %dma_start3A_279 = tpu.memref_slice %arg2[%mul3A_273] : memref<320256xi32, #tpu.memory_space<hbm>> -> memref<2048xi32, #tpu.memory_space<hbm>>
          tpu.enqueue_dma source(%dma_start3A_279 : memref<2048xi32, #tpu.memory_space<hbm>>) target(%dma_start3A_278 : memref<2048xi32, #tpu.memory_space<vmem>>) target_semaphore(%run_scoped3A : memref<!tpu.dma_semaphore, #tpu.memory_space<semaphore_mem>>)
          %dma_wait3A_280 = arith.constant 2048 : i32
          %dma_wait3A_281 = tpu.memref_slice %arg11[%dma_wait3A_280] : memref<4096xi32, #tpu.memory_space<vmem>> -> memref<2048xi32, #tpu.memory_space<vmem>>
          %dma_wait3A_282 = tpu.memref_slice %arg2[%mul3A_273] : memref<320256xi32, #tpu.memory_space<hbm>> -> memref<2048xi32, #tpu.memory_space<hbm>>
          %dma_wait3A_283 = arith.constant 2048 : i32
          %dma_wait3A_284 = tpu.memref_slice %arg11[%dma_wait3A_283] : memref<4096xi32, #tpu.memory_space<vmem>> -> memref<2048xi32, #tpu.memory_space<vmem>>
          %dma_wait3A_285 = tpu.memref_slice %arg2[%mul3A_273] : memref<320256xi32, #tpu.memory_space<hbm>> -> memref<2048xi32, #tpu.memory_space<hbm>>
          tpu.wait_dma2 semaphore(%run_scoped3A : memref<!tpu.dma_semaphore, #tpu.memory_space<semaphore_mem>>) src(%dma_wait3A_285 : memref<2048xi32, #tpu.memory_space<hbm>>) dst(%dma_wait3A_284 : memref<2048xi32, #tpu.memory_space<vmem>>)
          tpu.yield
        }) : () -> ()
        "tpu.region"() ({
          %run_scoped3A = tpu.sem_alloc : memref<!tpu.dma_semaphore, #tpu.memory_space<semaphore_mem>>
          %dma_start3A_274 = arith.constant 2048 : i32
          %dma_start3A_275 = tpu.memref_slice %arg12[%dma_start3A_274] : memref<4096xi32, #tpu.memory_space<vmem>> -> memref<2048xi32, #tpu.memory_space<vmem>>
          %dma_start3A_276 = tpu.memref_slice %arg3[%mul3A_273] : memref<320256xi32, #tpu.memory_space<hbm>> -> memref<2048xi32, #tpu.memory_space<hbm>>
          %dma_start3A_277 = arith.constant 2048 : i32
          %dma_start3A_278 = tpu.memref_slice %arg12[%dma_start3A_277] : memref<4096xi32, #tpu.memory_space<vmem>> -> memref<2048xi32, #tpu.memory_space<vmem>>
          %dma_start3A_279 = tpu.memref_slice %arg3[%mul3A_273] : memref<320256xi32, #tpu.memory_space<hbm>> -> memref<2048xi32, #tpu.memory_space<hbm>>
          tpu.enqueue_dma source(%dma_start3A_279 : memref<2048xi32, #tpu.memory_space<hbm>>) target(%dma_start3A_278 : memref<2048xi32, #tpu.memory_space<vmem>>) target_semaphore(%run_scoped3A : memref<!tpu.dma_semaphore, #tpu.memory_space<semaphore_mem>>)
          %dma_wait3A_280 = arith.constant 2048 : i32
          %dma_wait3A_281 = tpu.memref_slice %arg12[%dma_wait3A_280] : memref<4096xi32, #tpu.memory_space<vmem>> -> memref<2048xi32, #tpu.memory_space<vmem>>
          %dma_wait3A_282 = tpu.memref_slice %arg3[%mul3A_273] : memref<320256xi32, #tpu.memory_space<hbm>> -> memref<2048xi32, #tpu.memory_space<hbm>>
          %dma_wait3A_283 = arith.constant 2048 : i32
          %dma_wait3A_284 = tpu.memref_slice %arg12[%dma_wait3A_283] : memref<4096xi32, #tpu.memory_space<vmem>> -> memref<2048xi32, #tpu.memory_space<vmem>>
          %dma_wait3A_285 = tpu.memref_slice %arg3[%mul3A_273] : memref<320256xi32, #tpu.memory_space<hbm>> -> memref<2048xi32, #tpu.memory_space<hbm>>
          tpu.wait_dma2 semaphore(%run_scoped3A : memref<!tpu.dma_semaphore, #tpu.memory_space<semaphore_mem>>) src(%dma_wait3A_285 : memref<2048xi32, #tpu.memory_space<hbm>>) dst(%dma_wait3A_284 : memref<2048xi32, #tpu.memory_space<vmem>>)
          tpu.yield
        }) : () -> ()
      } else {
      }
      %eq3A_187 = arith.constant 25 : i32
      %eq3A_188 = arith.cmpi eq, %while3A_154, %eq3A_187 : i32
      %convert_element_type3A_189 = arith.extui %eq3A_188 : i1 to i32
      %cond3A_190 = arith.constant 0 : i32
      %cond3A_191 = arith.cmpi ne, %convert_element_type3A_189, %cond3A_190 : i32
      scf.if %cond3A_191 {
        %add3A_270 = arith.constant 64 : i32
        %add3A_271 = arith.addi %select_n3A_12, %add3A_270 : i32
        %mul3A_272 = arith.constant 128 : i32
        %mul3A_273 = arith.muli %add3A_271, %mul3A_272 : i32
        "tpu.region"() ({
          %run_scoped3A = tpu.sem_alloc : memref<!tpu.dma_semaphore, #tpu.memory_space<semaphore_mem>>
          %dma_start3A_274 = arith.constant 0 : i32
          %dma_start3A_275 = tpu.memref_slice %arg11[%dma_start3A_274] : memref<4096xi32, #tpu.memory_space<vmem>> -> memref<2048xi32, #tpu.memory_space<vmem>>
          %dma_start3A_276 = tpu.memref_slice %arg2[%mul3A_273] : memref<320256xi32, #tpu.memory_space<hbm>> -> memref<2048xi32, #tpu.memory_space<hbm>>
          %dma_start3A_277 = arith.constant 0 : i32
          %dma_start3A_278 = tpu.memref_slice %arg11[%dma_start3A_277] : memref<4096xi32, #tpu.memory_space<vmem>> -> memref<2048xi32, #tpu.memory_space<vmem>>
          %dma_start3A_279 = tpu.memref_slice %arg2[%mul3A_273] : memref<320256xi32, #tpu.memory_space<hbm>> -> memref<2048xi32, #tpu.memory_space<hbm>>
          tpu.enqueue_dma source(%dma_start3A_279 : memref<2048xi32, #tpu.memory_space<hbm>>) target(%dma_start3A_278 : memref<2048xi32, #tpu.memory_space<vmem>>) target_semaphore(%run_scoped3A : memref<!tpu.dma_semaphore, #tpu.memory_space<semaphore_mem>>)
          %dma_wait3A_280 = arith.constant 0 : i32
          %dma_wait3A_281 = tpu.memref_slice %arg11[%dma_wait3A_280] : memref<4096xi32, #tpu.memory_space<vmem>> -> memref<2048xi32, #tpu.memory_space<vmem>>
          %dma_wait3A_282 = tpu.memref_slice %arg2[%mul3A_273] : memref<320256xi32, #tpu.memory_space<hbm>> -> memref<2048xi32, #tpu.memory_space<hbm>>
          %dma_wait3A_283 = arith.constant 0 : i32
          %dma_wait3A_284 = tpu.memref_slice %arg11[%dma_wait3A_283] : memref<4096xi32, #tpu.memory_space<vmem>> -> memref<2048xi32, #tpu.memory_space<vmem>>
          %dma_wait3A_285 = tpu.memref_slice %arg2[%mul3A_273] : memref<320256xi32, #tpu.memory_space<hbm>> -> memref<2048xi32, #tpu.memory_space<hbm>>
          tpu.wait_dma2 semaphore(%run_scoped3A : memref<!tpu.dma_semaphore, #tpu.memory_space<semaphore_mem>>) src(%dma_wait3A_285 : memref<2048xi32, #tpu.memory_space<hbm>>) dst(%dma_wait3A_284 : memref<2048xi32, #tpu.memory_space<vmem>>)
          tpu.yield
        }) : () -> ()
        "tpu.region"() ({
          %run_scoped3A = tpu.sem_alloc : memref<!tpu.dma_semaphore, #tpu.memory_space<semaphore_mem>>
          %dma_start3A_274 = arith.constant 0 : i32
          %dma_start3A_275 = tpu.memref_slice %arg12[%dma_start3A_274] : memref<4096xi32, #tpu.memory_space<vmem>> -> memref<2048xi32, #tpu.memory_space<vmem>>
          %dma_start3A_276 = tpu.memref_slice %arg3[%mul3A_273] : memref<320256xi32, #tpu.memory_space<hbm>> -> memref<2048xi32, #tpu.memory_space<hbm>>
          %dma_start3A_277 = arith.constant 0 : i32
          %dma_start3A_278 = tpu.memref_slice %arg12[%dma_start3A_277] : memref<4096xi32, #tpu.memory_space<vmem>> -> memref<2048xi32, #tpu.memory_space<vmem>>
          %dma_start3A_279 = tpu.memref_slice %arg3[%mul3A_273] : memref<320256xi32, #tpu.memory_space<hbm>> -> memref<2048xi32, #tpu.memory_space<hbm>>
          tpu.enqueue_dma source(%dma_start3A_279 : memref<2048xi32, #tpu.memory_space<hbm>>) target(%dma_start3A_278 : memref<2048xi32, #tpu.memory_space<vmem>>) target_semaphore(%run_scoped3A : memref<!tpu.dma_semaphore, #tpu.memory_space<semaphore_mem>>)
          %dma_wait3A_280 = arith.constant 0 : i32
          %dma_wait3A_281 = tpu.memref_slice %arg12[%dma_wait3A_280] : memref<4096xi32, #tpu.memory_space<vmem>> -> memref<2048xi32, #tpu.memory_space<vmem>>
          %dma_wait3A_282 = tpu.memref_slice %arg3[%mul3A_273] : memref<320256xi32, #tpu.memory_space<hbm>> -> memref<2048xi32, #tpu.memory_space<hbm>>
          %dma_wait3A_283 = arith.constant 0 : i32
          %dma_wait3A_284 = tpu.memref_slice %arg12[%dma_wait3A_283] : memref<4096xi32, #tpu.memory_space<vmem>> -> memref<2048xi32, #tpu.memory_space<vmem>>
          %dma_wait3A_285 = tpu.memref_slice %arg3[%mul3A_273] : memref<320256xi32, #tpu.memory_space<hbm>> -> memref<2048xi32, #tpu.memory_space<hbm>>
          tpu.wait_dma2 semaphore(%run_scoped3A : memref<!tpu.dma_semaphore, #tpu.memory_space<semaphore_mem>>) src(%dma_wait3A_285 : memref<2048xi32, #tpu.memory_space<hbm>>) dst(%dma_wait3A_284 : memref<2048xi32, #tpu.memory_space<vmem>>)
          tpu.yield
        }) : () -> ()
      } else {
      }
      %scan3A_192 = arith.constant 0 : i32
      %scan3A_193 = arith.constant 8 : i32
      %scan3A_194 = arith.addi %scan3A_192, %scan3A_193 : i32
      %scan3A_195 = arith.constant 1 : i32
      %scan3A_196 = scf.for %scan3A_270 = %scan3A_192 to %scan3A_194 step %scan3A_195 iter_args(%scan3A_271 = %while3A_155) -> (vector<16xf32>)  : i32 {
        %broadcast_in_dim3A_272 = arith.constant 0.000000e+00 : f32
        %broadcast_in_dim3A_273 = vector.broadcast %broadcast_in_dim3A_272 : f32 to vector<16xf32>
        %scan3A_274 = arith.constant 0 : i32
        %scan3A_275 = arith.constant 16 : i32
        %scan3A_276 = arith.addi %scan3A_274, %scan3A_275 : i32
        %scan3A_277 = arith.constant 4 : i32
        %scan3A_278 = scf.for %scan3A_339 = %scan3A_274 to %scan3A_276 step %scan3A_277 iter_args(%scan3A_340 = %broadcast_in_dim3A_273) -> (vector<16xf32>)  : i32 {
          %mul3A_341 = arith.constant 16 : i32
          %mul3A_342 = arith.muli %scan3A_270, %mul3A_341 : i32
          %add3A_343 = arith.addi %mul3A_342, %scan3A_339 : i32
          %get3A = arith.index_cast %add3A_343 : i32 to index
          %get3A_344 = arith.constant 0 : index
          %get3A_345 = tpu.vector_load %arg18[%get3A, %get3A_344] {strides = array<i32>} : memref<128x64xi32, #tpu.memory_space<vmem>>, vector<1x16xi32>,
          %get3A_346 = vector.shape_cast %get3A_345 : vector<1x16xi32> to vector<16xi32>
          %shift_left3A = arith.constant 16 : i32
          %shift_left3A_347 = vector.broadcast %shift_left3A : i32 to vector<16xi32>
          %shift_left3A_348 = arith.shli %get3A_346, %shift_left3A_347 : vector<16xi32>
          %bitcast_convert_type3A_349 = tpu.bitcast %shift_left3A_348 : vector<16xi32> -> vector<16xf32>
          %and3A_350 = arith.constant -65536 : i32
          %and3A_351 = vector.broadcast %and3A_350 : i32 to vector<16xi32>
          %and3A_352 = arith.andi %get3A_346, %and3A_351 : vector<16xi32>
          %bitcast_convert_type3A_353 = tpu.bitcast %and3A_352 : vector<16xi32> -> vector<16xf32>
          %get3A_354 = arith.index_cast %add3A_343 : i32 to index
          %get3A_355 = arith.constant 0 : index
          %get3A_356 = tpu.vector_load %arg17[%get3A_354, %get3A_355] {strides = array<i32>} : memref<128x128xf32, #tpu.memory_space<vmem>>, vector<1x16xf32>,
          %get3A_357 = vector.shape_cast %get3A_356 : vector<1x16xf32> to vector<16xf32>
          %get3A_358 = arith.index_cast %add3A_343 : i32 to index
          %get3A_359 = arith.constant 64 : index
          %get3A_360 = tpu.vector_load %arg17[%get3A_358, %get3A_359] {strides = array<i32>} : memref<128x128xf32, #tpu.memory_space<vmem>>, vector<1x16xf32>,
          %get3A_361 = vector.shape_cast %get3A_360 : vector<1x16xf32> to vector<16xf32>
          %mul3A_362 = arith.mulf %get3A_357, %bitcast_convert_type3A_349 : vector<16xf32>
          %mul3A_363 = arith.mulf %get3A_361, %bitcast_convert_type3A_353 : vector<16xf32>
          %add3A_364 = arith.addf %mul3A_362, %mul3A_363 : vector<16xf32>
          %get3A_365 = arith.index_cast %add3A_343 : i32 to index
          %get3A_366 = arith.constant 16 : index
          %get3A_367 = tpu.vector_load %arg18[%get3A_365, %get3A_366] {strides = array<i32>} : memref<128x64xi32, #tpu.memory_space<vmem>>, vector<1x16xi32>,
          %get3A_368 = vector.shape_cast %get3A_367 : vector<1x16xi32> to vector<16xi32>
          %shift_left3A_369 = arith.constant 16 : i32
          %shift_left3A_370 = vector.broadcast %shift_left3A_369 : i32 to vector<16xi32>
          %shift_left3A_371 = arith.shli %get3A_368, %shift_left3A_370 : vector<16xi32>
          %bitcast_convert_type3A_372 = tpu.bitcast %shift_left3A_371 : vector<16xi32> -> vector<16xf32>
          %and3A_373 = arith.constant -65536 : i32
          %and3A_374 = vector.broadcast %and3A_373 : i32 to vector<16xi32>
          %and3A_375 = arith.andi %get3A_368, %and3A_374 : vector<16xi32>
          %bitcast_convert_type3A_376 = tpu.bitcast %and3A_375 : vector<16xi32> -> vector<16xf32>
          %get3A_377 = arith.index_cast %add3A_343 : i32 to index
          %get3A_378 = arith.constant 16 : index
          %get3A_379 = tpu.vector_load %arg17[%get3A_377, %get3A_378] {strides = array<i32>} : memref<128x128xf32, #tpu.memory_space<vmem>>, vector<1x16xf32>,
          %get3A_380 = vector.shape_cast %get3A_379 : vector<1x16xf32> to vector<16xf32>
          %get3A_381 = arith.index_cast %add3A_343 : i32 to index
          %get3A_382 = arith.constant 80 : index
          %get3A_383 = tpu.vector_load %arg17[%get3A_381, %get3A_382] {strides = array<i32>} : memref<128x128xf32, #tpu.memory_space<vmem>>, vector<1x16xf32>,
          %get3A_384 = vector.shape_cast %get3A_383 : vector<1x16xf32> to vector<16xf32>
          %mul3A_385 = arith.mulf %get3A_380, %bitcast_convert_type3A_372 : vector<16xf32>
          %mul3A_386 = arith.mulf %get3A_384, %bitcast_convert_type3A_376 : vector<16xf32>
          %add3A_387 = arith.addf %mul3A_385, %mul3A_386 : vector<16xf32>
          %add3A_388 = arith.addf %add3A_364, %add3A_387 : vector<16xf32>
          %get3A_389 = arith.index_cast %add3A_343 : i32 to index
          %get3A_390 = arith.constant 32 : index
          %get3A_391 = tpu.vector_load %arg18[%get3A_389, %get3A_390] {strides = array<i32>} : memref<128x64xi32, #tpu.memory_space<vmem>>, vector<1x16xi32>,
          %get3A_392 = vector.shape_cast %get3A_391 : vector<1x16xi32> to vector<16xi32>
          %shift_left3A_393 = arith.constant 16 : i32
          %shift_left3A_394 = vector.broadcast %shift_left3A_393 : i32 to vector<16xi32>
          %shift_left3A_395 = arith.shli %get3A_392, %shift_left3A_394 : vector<16xi32>
          %bitcast_convert_type3A_396 = tpu.bitcast %shift_left3A_395 : vector<16xi32> -> vector<16xf32>
          %and3A_397 = arith.constant -65536 : i32
          %and3A_398 = vector.broadcast %and3A_397 : i32 to vector<16xi32>
          %and3A_399 = arith.andi %get3A_392, %and3A_398 : vector<16xi32>
          %bitcast_convert_type3A_400 = tpu.bitcast %and3A_399 : vector<16xi32> -> vector<16xf32>
          %get3A_401 = arith.index_cast %add3A_343 : i32 to index
          %get3A_402 = arith.constant 32 : index
          %get3A_403 = tpu.vector_load %arg17[%get3A_401, %get3A_402] {strides = array<i32>} : memref<128x128xf32, #tpu.memory_space<vmem>>, vector<1x16xf32>,
          %get3A_404 = vector.shape_cast %get3A_403 : vector<1x16xf32> to vector<16xf32>
          %get3A_405 = arith.index_cast %add3A_343 : i32 to index
          %get3A_406 = arith.constant 96 : index
          %get3A_407 = tpu.vector_load %arg17[%get3A_405, %get3A_406] {strides = array<i32>} : memref<128x128xf32, #tpu.memory_space<vmem>>, vector<1x16xf32>,
          %get3A_408 = vector.shape_cast %get3A_407 : vector<1x16xf32> to vector<16xf32>
          %mul3A_409 = arith.mulf %get3A_404, %bitcast_convert_type3A_396 : vector<16xf32>
          %mul3A_410 = arith.mulf %get3A_408, %bitcast_convert_type3A_400 : vector<16xf32>
          %add3A_411 = arith.addf %mul3A_409, %mul3A_410 : vector<16xf32>
          %add3A_412 = arith.addf %add3A_388, %add3A_411 : vector<16xf32>
          %get3A_413 = arith.index_cast %add3A_343 : i32 to index
          %get3A_414 = arith.constant 48 : index
          %get3A_415 = tpu.vector_load %arg18[%get3A_413, %get3A_414] {strides = array<i32>} : memref<128x64xi32, #tpu.memory_space<vmem>>, vector<1x16xi32>,
          %get3A_416 = vector.shape_cast %get3A_415 : vector<1x16xi32> to vector<16xi32>
          %shift_left3A_417 = arith.constant 16 : i32
          %shift_left3A_418 = vector.broadcast %shift_left3A_417 : i32 to vector<16xi32>
          %shift_left3A_419 = arith.shli %get3A_416, %shift_left3A_418 : vector<16xi32>
          %bitcast_convert_type3A_420 = tpu.bitcast %shift_left3A_419 : vector<16xi32> -> vector<16xf32>
          %and3A_421 = arith.constant -65536 : i32
          %and3A_422 = vector.broadcast %and3A_421 : i32 to vector<16xi32>
          %and3A_423 = arith.andi %get3A_416, %and3A_422 : vector<16xi32>
          %bitcast_convert_type3A_424 = tpu.bitcast %and3A_423 : vector<16xi32> -> vector<16xf32>
          %get3A_425 = arith.index_cast %add3A_343 : i32 to index
          %get3A_426 = arith.constant 48 : index
          %get3A_427 = tpu.vector_load %arg17[%get3A_425, %get3A_426] {strides = array<i32>} : memref<128x128xf32, #tpu.memory_space<vmem>>, vector<1x16xf32>,
          %get3A_428 = vector.shape_cast %get3A_427 : vector<1x16xf32> to vector<16xf32>
          %get3A_429 = arith.index_cast %add3A_343 : i32 to index
          %get3A_430 = arith.constant 112 : index
          %get3A_431 = tpu.vector_load %arg17[%get3A_429, %get3A_430] {strides = array<i32>} : memref<128x128xf32, #tpu.memory_space<vmem>>, vector<1x16xf32>,
          %get3A_432 = vector.shape_cast %get3A_431 : vector<1x16xf32> to vector<16xf32>
          %mul3A_433 = arith.mulf %get3A_428, %bitcast_convert_type3A_420 : vector<16xf32>
          %mul3A_434 = arith.mulf %get3A_432, %bitcast_convert_type3A_424 : vector<16xf32>
          %add3A_435 = arith.addf %mul3A_433, %mul3A_434 : vector<16xf32>
          %add3A_436 = arith.addf %add3A_412, %add3A_435 : vector<16xf32>
          %eq3A_437 = vector.broadcast %scan3A_339 : i32 to vector<16xi32>
          %eq3A_438 = arith.cmpi eq, %iota3A, %eq3A_437 : vector<16xi32>
          %xor3A = arith.constant 1 : i32
          %xor3A_439 = vector.broadcast %xor3A : i32 to vector<16xi32>
          %xor3A_440 = arith.xori %iota3A, %xor3A_439 : vector<16xi32>
          %broadcast_in_dim3A_441 = vector.shape_cast %xor3A_440 : vector<16xi32> to vector<16x1xi32>
          %gather3A = vector.shape_cast %broadcast_in_dim3A_441 : vector<16x1xi32> to vector<16xi32>
          %gather3A_442 = tpu.dynamic_gather %add3A_436[%gather3A] in [0] : vector<16xf32>, vector<16xi32> -> vector<16xf32>
          %add3A_443 = arith.addf %add3A_436, %gather3A_442 : vector<16xf32>
          %xor3A_444 = arith.constant 2 : i32
          %xor3A_445 = vector.broadcast %xor3A_444 : i32 to vector<16xi32>
          %xor3A_446 = arith.xori %iota3A, %xor3A_445 : vector<16xi32>
          %broadcast_in_dim3A_447 = vector.shape_cast %xor3A_446 : vector<16xi32> to vector<16x1xi32>
          %gather3A_448 = vector.shape_cast %broadcast_in_dim3A_447 : vector<16x1xi32> to vector<16xi32>
          %gather3A_449 = tpu.dynamic_gather %add3A_443[%gather3A_448] in [0] : vector<16xf32>, vector<16xi32> -> vector<16xf32>
          %add3A_450 = arith.addf %add3A_443, %gather3A_449 : vector<16xf32>
          %xor3A_451 = arith.constant 4 : i32
          %xor3A_452 = vector.broadcast %xor3A_451 : i32 to vector<16xi32>
          %xor3A_453 = arith.xori %iota3A, %xor3A_452 : vector<16xi32>
          %broadcast_in_dim3A_454 = vector.shape_cast %xor3A_453 : vector<16xi32> to vector<16x1xi32>
          %gather3A_455 = vector.shape_cast %broadcast_in_dim3A_454 : vector<16x1xi32> to vector<16xi32>
          %gather3A_456 = tpu.dynamic_gather %add3A_450[%gather3A_455] in [0] : vector<16xf32>, vector<16xi32> -> vector<16xf32>
          %add3A_457 = arith.addf %add3A_450, %gather3A_456 : vector<16xf32>
          %xor3A_458 = arith.constant 8 : i32
          %xor3A_459 = vector.broadcast %xor3A_458 : i32 to vector<16xi32>
          %xor3A_460 = arith.xori %iota3A, %xor3A_459 : vector<16xi32>
          %broadcast_in_dim3A_461 = vector.shape_cast %xor3A_460 : vector<16xi32> to vector<16x1xi32>
          %gather3A_462 = vector.shape_cast %broadcast_in_dim3A_461 : vector<16x1xi32> to vector<16xi32>
          %gather3A_463 = tpu.dynamic_gather %add3A_457[%gather3A_462] in [0] : vector<16xf32>, vector<16xi32> -> vector<16xf32>
          %add3A_464 = arith.addf %add3A_457, %gather3A_463 : vector<16xf32>
          %select_n3A_465 = arith.select %eq3A_438, %add3A_464, %scan3A_340 : vector<16xi1>, vector<16xf32>
          %scan3A_466 = arith.constant 1 : i32
          %scan3A_467 = arith.addi %scan3A_339, %scan3A_466 : i32
          %mul3A_468 = arith.constant 16 : i32
          %mul3A_469 = arith.muli %scan3A_270, %mul3A_468 : i32
          %add3A_470 = arith.addi %mul3A_469, %scan3A_467 : i32
          %get3A_471 = arith.index_cast %add3A_470 : i32 to index
          %get3A_472 = arith.constant 0 : index
          %get3A_473 = tpu.vector_load %arg18[%get3A_471, %get3A_472] {strides = array<i32>} : memref<128x64xi32, #tpu.memory_space<vmem>>, vector<1x16xi32>,
          %get3A_474 = vector.shape_cast %get3A_473 : vector<1x16xi32> to vector<16xi32>
          %shift_left3A_475 = arith.constant 16 : i32
          %shift_left3A_476 = vector.broadcast %shift_left3A_475 : i32 to vector<16xi32>
          %shift_left3A_477 = arith.shli %get3A_474, %shift_left3A_476 : vector<16xi32>
          %bitcast_convert_type3A_478 = tpu.bitcast %shift_left3A_477 : vector<16xi32> -> vector<16xf32>
          %and3A_479 = arith.constant -65536 : i32
          %and3A_480 = vector.broadcast %and3A_479 : i32 to vector<16xi32>
          %and3A_481 = arith.andi %get3A_474, %and3A_480 : vector<16xi32>
          %bitcast_convert_type3A_482 = tpu.bitcast %and3A_481 : vector<16xi32> -> vector<16xf32>
          %get3A_483 = arith.index_cast %add3A_470 : i32 to index
          %get3A_484 = arith.constant 0 : index
          %get3A_485 = tpu.vector_load %arg17[%get3A_483, %get3A_484] {strides = array<i32>} : memref<128x128xf32, #tpu.memory_space<vmem>>, vector<1x16xf32>,
          %get3A_486 = vector.shape_cast %get3A_485 : vector<1x16xf32> to vector<16xf32>
          %get3A_487 = arith.index_cast %add3A_470 : i32 to index
          %get3A_488 = arith.constant 64 : index
          %get3A_489 = tpu.vector_load %arg17[%get3A_487, %get3A_488] {strides = array<i32>} : memref<128x128xf32, #tpu.memory_space<vmem>>, vector<1x16xf32>,
          %get3A_490 = vector.shape_cast %get3A_489 : vector<1x16xf32> to vector<16xf32>
          %mul3A_491 = arith.mulf %get3A_486, %bitcast_convert_type3A_478 : vector<16xf32>
          %mul3A_492 = arith.mulf %get3A_490, %bitcast_convert_type3A_482 : vector<16xf32>
          %add3A_493 = arith.addf %mul3A_491, %mul3A_492 : vector<16xf32>
          %get3A_494 = arith.index_cast %add3A_470 : i32 to index
          %get3A_495 = arith.constant 16 : index
          %get3A_496 = tpu.vector_load %arg18[%get3A_494, %get3A_495] {strides = array<i32>} : memref<128x64xi32, #tpu.memory_space<vmem>>, vector<1x16xi32>,
          %get3A_497 = vector.shape_cast %get3A_496 : vector<1x16xi32> to vector<16xi32>
          %shift_left3A_498 = arith.constant 16 : i32
          %shift_left3A_499 = vector.broadcast %shift_left3A_498 : i32 to vector<16xi32>
          %shift_left3A_500 = arith.shli %get3A_497, %shift_left3A_499 : vector<16xi32>
          %bitcast_convert_type3A_501 = tpu.bitcast %shift_left3A_500 : vector<16xi32> -> vector<16xf32>
          %and3A_502 = arith.constant -65536 : i32
          %and3A_503 = vector.broadcast %and3A_502 : i32 to vector<16xi32>
          %and3A_504 = arith.andi %get3A_497, %and3A_503 : vector<16xi32>
          %bitcast_convert_type3A_505 = tpu.bitcast %and3A_504 : vector<16xi32> -> vector<16xf32>
          %get3A_506 = arith.index_cast %add3A_470 : i32 to index
          %get3A_507 = arith.constant 16 : index
          %get3A_508 = tpu.vector_load %arg17[%get3A_506, %get3A_507] {strides = array<i32>} : memref<128x128xf32, #tpu.memory_space<vmem>>, vector<1x16xf32>,
          %get3A_509 = vector.shape_cast %get3A_508 : vector<1x16xf32> to vector<16xf32>
          %get3A_510 = arith.index_cast %add3A_470 : i32 to index
          %get3A_511 = arith.constant 80 : index
          %get3A_512 = tpu.vector_load %arg17[%get3A_510, %get3A_511] {strides = array<i32>} : memref<128x128xf32, #tpu.memory_space<vmem>>, vector<1x16xf32>,
          %get3A_513 = vector.shape_cast %get3A_512 : vector<1x16xf32> to vector<16xf32>
          %mul3A_514 = arith.mulf %get3A_509, %bitcast_convert_type3A_501 : vector<16xf32>
          %mul3A_515 = arith.mulf %get3A_513, %bitcast_convert_type3A_505 : vector<16xf32>
          %add3A_516 = arith.addf %mul3A_514, %mul3A_515 : vector<16xf32>
          %add3A_517 = arith.addf %add3A_493, %add3A_516 : vector<16xf32>
          %get3A_518 = arith.index_cast %add3A_470 : i32 to index
          %get3A_519 = arith.constant 32 : index
          %get3A_520 = tpu.vector_load %arg18[%get3A_518, %get3A_519] {strides = array<i32>} : memref<128x64xi32, #tpu.memory_space<vmem>>, vector<1x16xi32>,
          %get3A_521 = vector.shape_cast %get3A_520 : vector<1x16xi32> to vector<16xi32>
          %shift_left3A_522 = arith.constant 16 : i32
          %shift_left3A_523 = vector.broadcast %shift_left3A_522 : i32 to vector<16xi32>
          %shift_left3A_524 = arith.shli %get3A_521, %shift_left3A_523 : vector<16xi32>
          %bitcast_convert_type3A_525 = tpu.bitcast %shift_left3A_524 : vector<16xi32> -> vector<16xf32>
          %and3A_526 = arith.constant -65536 : i32
          %and3A_527 = vector.broadcast %and3A_526 : i32 to vector<16xi32>
          %and3A_528 = arith.andi %get3A_521, %and3A_527 : vector<16xi32>
          %bitcast_convert_type3A_529 = tpu.bitcast %and3A_528 : vector<16xi32> -> vector<16xf32>
          %get3A_530 = arith.index_cast %add3A_470 : i32 to index
          %get3A_531 = arith.constant 32 : index
          %get3A_532 = tpu.vector_load %arg17[%get3A_530, %get3A_531] {strides = array<i32>} : memref<128x128xf32, #tpu.memory_space<vmem>>, vector<1x16xf32>,
          %get3A_533 = vector.shape_cast %get3A_532 : vector<1x16xf32> to vector<16xf32>
          %get3A_534 = arith.index_cast %add3A_470 : i32 to index
          %get3A_535 = arith.constant 96 : index
          %get3A_536 = tpu.vector_load %arg17[%get3A_534, %get3A_535] {strides = array<i32>} : memref<128x128xf32, #tpu.memory_space<vmem>>, vector<1x16xf32>,
          %get3A_537 = vector.shape_cast %get3A_536 : vector<1x16xf32> to vector<16xf32>
          %mul3A_538 = arith.mulf %get3A_533, %bitcast_convert_type3A_525 : vector<16xf32>
          %mul3A_539 = arith.mulf %get3A_537, %bitcast_convert_type3A_529 : vector<16xf32>
          %add3A_540 = arith.addf %mul3A_538, %mul3A_539 : vector<16xf32>
          %add3A_541 = arith.addf %add3A_517, %add3A_540 : vector<16xf32>
          %get3A_542 = arith.index_cast %add3A_470 : i32 to index
          %get3A_543 = arith.constant 48 : index
          %get3A_544 = tpu.vector_load %arg18[%get3A_542, %get3A_543] {strides = array<i32>} : memref<128x64xi32, #tpu.memory_space<vmem>>, vector<1x16xi32>,
          %get3A_545 = vector.shape_cast %get3A_544 : vector<1x16xi32> to vector<16xi32>
          %shift_left3A_546 = arith.constant 16 : i32
          %shift_left3A_547 = vector.broadcast %shift_left3A_546 : i32 to vector<16xi32>
          %shift_left3A_548 = arith.shli %get3A_545, %shift_left3A_547 : vector<16xi32>
          %bitcast_convert_type3A_549 = tpu.bitcast %shift_left3A_548 : vector<16xi32> -> vector<16xf32>
          %and3A_550 = arith.constant -65536 : i32
          %and3A_551 = vector.broadcast %and3A_550 : i32 to vector<16xi32>
          %and3A_552 = arith.andi %get3A_545, %and3A_551 : vector<16xi32>
          %bitcast_convert_type3A_553 = tpu.bitcast %and3A_552 : vector<16xi32> -> vector<16xf32>
          %get3A_554 = arith.index_cast %add3A_470 : i32 to index
          %get3A_555 = arith.constant 48 : index
          %get3A_556 = tpu.vector_load %arg17[%get3A_554, %get3A_555] {strides = array<i32>} : memref<128x128xf32, #tpu.memory_space<vmem>>, vector<1x16xf32>,
          %get3A_557 = vector.shape_cast %get3A_556 : vector<1x16xf32> to vector<16xf32>
          %get3A_558 = arith.index_cast %add3A_470 : i32 to index
          %get3A_559 = arith.constant 112 : index
          %get3A_560 = tpu.vector_load %arg17[%get3A_558, %get3A_559] {strides = array<i32>} : memref<128x128xf32, #tpu.memory_space<vmem>>, vector<1x16xf32>,
          %get3A_561 = vector.shape_cast %get3A_560 : vector<1x16xf32> to vector<16xf32>
          %mul3A_562 = arith.mulf %get3A_557, %bitcast_convert_type3A_549 : vector<16xf32>
          %mul3A_563 = arith.mulf %get3A_561, %bitcast_convert_type3A_553 : vector<16xf32>
          %add3A_564 = arith.addf %mul3A_562, %mul3A_563 : vector<16xf32>
          %add3A_565 = arith.addf %add3A_541, %add3A_564 : vector<16xf32>
          %eq3A_566 = vector.broadcast %scan3A_467 : i32 to vector<16xi32>
          %eq3A_567 = arith.cmpi eq, %iota3A, %eq3A_566 : vector<16xi32>
          %xor3A_568 = arith.constant 1 : i32
          %xor3A_569 = vector.broadcast %xor3A_568 : i32 to vector<16xi32>
          %xor3A_570 = arith.xori %iota3A, %xor3A_569 : vector<16xi32>
          %broadcast_in_dim3A_571 = vector.shape_cast %xor3A_570 : vector<16xi32> to vector<16x1xi32>
          %gather3A_572 = vector.shape_cast %broadcast_in_dim3A_571 : vector<16x1xi32> to vector<16xi32>
          %gather3A_573 = tpu.dynamic_gather %add3A_565[%gather3A_572] in [0] : vector<16xf32>, vector<16xi32> -> vector<16xf32>
          %add3A_574 = arith.addf %add3A_565, %gather3A_573 : vector<16xf32>
          %xor3A_575 = arith.constant 2 : i32
          %xor3A_576 = vector.broadcast %xor3A_575 : i32 to vector<16xi32>
          %xor3A_577 = arith.xori %iota3A, %xor3A_576 : vector<16xi32>
          %broadcast_in_dim3A_578 = vector.shape_cast %xor3A_577 : vector<16xi32> to vector<16x1xi32>
          %gather3A_579 = vector.shape_cast %broadcast_in_dim3A_578 : vector<16x1xi32> to vector<16xi32>
          %gather3A_580 = tpu.dynamic_gather %add3A_574[%gather3A_579] in [0] : vector<16xf32>, vector<16xi32> -> vector<16xf32>
          %add3A_581 = arith.addf %add3A_574, %gather3A_580 : vector<16xf32>
          %xor3A_582 = arith.constant 4 : i32
          %xor3A_583 = vector.broadcast %xor3A_582 : i32 to vector<16xi32>
          %xor3A_584 = arith.xori %iota3A, %xor3A_583 : vector<16xi32>
          %broadcast_in_dim3A_585 = vector.shape_cast %xor3A_584 : vector<16xi32> to vector<16x1xi32>
          %gather3A_586 = vector.shape_cast %broadcast_in_dim3A_585 : vector<16x1xi32> to vector<16xi32>
          %gather3A_587 = tpu.dynamic_gather %add3A_581[%gather3A_586] in [0] : vector<16xf32>, vector<16xi32> -> vector<16xf32>
          %add3A_588 = arith.addf %add3A_581, %gather3A_587 : vector<16xf32>
          %xor3A_589 = arith.constant 8 : i32
          %xor3A_590 = vector.broadcast %xor3A_589 : i32 to vector<16xi32>
          %xor3A_591 = arith.xori %iota3A, %xor3A_590 : vector<16xi32>
          %broadcast_in_dim3A_592 = vector.shape_cast %xor3A_591 : vector<16xi32> to vector<16x1xi32>
          %gather3A_593 = vector.shape_cast %broadcast_in_dim3A_592 : vector<16x1xi32> to vector<16xi32>
          %gather3A_594 = tpu.dynamic_gather %add3A_588[%gather3A_593] in [0] : vector<16xf32>, vector<16xi32> -> vector<16xf32>
          %add3A_595 = arith.addf %add3A_588, %gather3A_594 : vector<16xf32>
          %select_n3A_596 = arith.select %eq3A_567, %add3A_595, %select_n3A_465 : vector<16xi1>, vector<16xf32>
          %scan3A_597 = arith.constant 2 : i32
          %scan3A_598 = arith.addi %scan3A_339, %scan3A_597 : i32
          %mul3A_599 = arith.constant 16 : i32
          %mul3A_600 = arith.muli %scan3A_270, %mul3A_599 : i32
          %add3A_601 = arith.addi %mul3A_600, %scan3A_598 : i32
          %get3A_602 = arith.index_cast %add3A_601 : i32 to index
          %get3A_603 = arith.constant 0 : index
          %get3A_604 = tpu.vector_load %arg18[%get3A_602, %get3A_603] {strides = array<i32>} : memref<128x64xi32, #tpu.memory_space<vmem>>, vector<1x16xi32>,
          %get3A_605 = vector.shape_cast %get3A_604 : vector<1x16xi32> to vector<16xi32>
          %shift_left3A_606 = arith.constant 16 : i32
          %shift_left3A_607 = vector.broadcast %shift_left3A_606 : i32 to vector<16xi32>
          %shift_left3A_608 = arith.shli %get3A_605, %shift_left3A_607 : vector<16xi32>
          %bitcast_convert_type3A_609 = tpu.bitcast %shift_left3A_608 : vector<16xi32> -> vector<16xf32>
          %and3A_610 = arith.constant -65536 : i32
          %and3A_611 = vector.broadcast %and3A_610 : i32 to vector<16xi32>
          %and3A_612 = arith.andi %get3A_605, %and3A_611 : vector<16xi32>
          %bitcast_convert_type3A_613 = tpu.bitcast %and3A_612 : vector<16xi32> -> vector<16xf32>
          %get3A_614 = arith.index_cast %add3A_601 : i32 to index
          %get3A_615 = arith.constant 0 : index
          %get3A_616 = tpu.vector_load %arg17[%get3A_614, %get3A_615] {strides = array<i32>} : memref<128x128xf32, #tpu.memory_space<vmem>>, vector<1x16xf32>,
          %get3A_617 = vector.shape_cast %get3A_616 : vector<1x16xf32> to vector<16xf32>
          %get3A_618 = arith.index_cast %add3A_601 : i32 to index
          %get3A_619 = arith.constant 64 : index
          %get3A_620 = tpu.vector_load %arg17[%get3A_618, %get3A_619] {strides = array<i32>} : memref<128x128xf32, #tpu.memory_space<vmem>>, vector<1x16xf32>,
          %get3A_621 = vector.shape_cast %get3A_620 : vector<1x16xf32> to vector<16xf32>
          %mul3A_622 = arith.mulf %get3A_617, %bitcast_convert_type3A_609 : vector<16xf32>
          %mul3A_623 = arith.mulf %get3A_621, %bitcast_convert_type3A_613 : vector<16xf32>
          %add3A_624 = arith.addf %mul3A_622, %mul3A_623 : vector<16xf32>
          %get3A_625 = arith.index_cast %add3A_601 : i32 to index
          %get3A_626 = arith.constant 16 : index
          %get3A_627 = tpu.vector_load %arg18[%get3A_625, %get3A_626] {strides = array<i32>} : memref<128x64xi32, #tpu.memory_space<vmem>>, vector<1x16xi32>,
          %get3A_628 = vector.shape_cast %get3A_627 : vector<1x16xi32> to vector<16xi32>
          %shift_left3A_629 = arith.constant 16 : i32
          %shift_left3A_630 = vector.broadcast %shift_left3A_629 : i32 to vector<16xi32>
          %shift_left3A_631 = arith.shli %get3A_628, %shift_left3A_630 : vector<16xi32>
          %bitcast_convert_type3A_632 = tpu.bitcast %shift_left3A_631 : vector<16xi32> -> vector<16xf32>
          %and3A_633 = arith.constant -65536 : i32
          %and3A_634 = vector.broadcast %and3A_633 : i32 to vector<16xi32>
          %and3A_635 = arith.andi %get3A_628, %and3A_634 : vector<16xi32>
          %bitcast_convert_type3A_636 = tpu.bitcast %and3A_635 : vector<16xi32> -> vector<16xf32>
          %get3A_637 = arith.index_cast %add3A_601 : i32 to index
          %get3A_638 = arith.constant 16 : index
          %get3A_639 = tpu.vector_load %arg17[%get3A_637, %get3A_638] {strides = array<i32>} : memref<128x128xf32, #tpu.memory_space<vmem>>, vector<1x16xf32>,
          %get3A_640 = vector.shape_cast %get3A_639 : vector<1x16xf32> to vector<16xf32>
          %get3A_641 = arith.index_cast %add3A_601 : i32 to index
          %get3A_642 = arith.constant 80 : index
          %get3A_643 = tpu.vector_load %arg17[%get3A_641, %get3A_642] {strides = array<i32>} : memref<128x128xf32, #tpu.memory_space<vmem>>, vector<1x16xf32>,
          %get3A_644 = vector.shape_cast %get3A_643 : vector<1x16xf32> to vector<16xf32>
          %mul3A_645 = arith.mulf %get3A_640, %bitcast_convert_type3A_632 : vector<16xf32>
          %mul3A_646 = arith.mulf %get3A_644, %bitcast_convert_type3A_636 : vector<16xf32>
          %add3A_647 = arith.addf %mul3A_645, %mul3A_646 : vector<16xf32>
          %add3A_648 = arith.addf %add3A_624, %add3A_647 : vector<16xf32>
          %get3A_649 = arith.index_cast %add3A_601 : i32 to index
          %get3A_650 = arith.constant 32 : index
          %get3A_651 = tpu.vector_load %arg18[%get3A_649, %get3A_650] {strides = array<i32>} : memref<128x64xi32, #tpu.memory_space<vmem>>, vector<1x16xi32>,
          %get3A_652 = vector.shape_cast %get3A_651 : vector<1x16xi32> to vector<16xi32>
          %shift_left3A_653 = arith.constant 16 : i32
          %shift_left3A_654 = vector.broadcast %shift_left3A_653 : i32 to vector<16xi32>
          %shift_left3A_655 = arith.shli %get3A_652, %shift_left3A_654 : vector<16xi32>
          %bitcast_convert_type3A_656 = tpu.bitcast %shift_left3A_655 : vector<16xi32> -> vector<16xf32>
          %and3A_657 = arith.constant -65536 : i32
          %and3A_658 = vector.broadcast %and3A_657 : i32 to vector<16xi32>
          %and3A_659 = arith.andi %get3A_652, %and3A_658 : vector<16xi32>
          %bitcast_convert_type3A_660 = tpu.bitcast %and3A_659 : vector<16xi32> -> vector<16xf32>
          %get3A_661 = arith.index_cast %add3A_601 : i32 to index
          %get3A_662 = arith.constant 32 : index
          %get3A_663 = tpu.vector_load %arg17[%get3A_661, %get3A_662] {strides = array<i32>} : memref<128x128xf32, #tpu.memory_space<vmem>>, vector<1x16xf32>,
          %get3A_664 = vector.shape_cast %get3A_663 : vector<1x16xf32> to vector<16xf32>
          %get3A_665 = arith.index_cast %add3A_601 : i32 to index
          %get3A_666 = arith.constant 96 : index
          %get3A_667 = tpu.vector_load %arg17[%get3A_665, %get3A_666] {strides = array<i32>} : memref<128x128xf32, #tpu.memory_space<vmem>>, vector<1x16xf32>,
          %get3A_668 = vector.shape_cast %get3A_667 : vector<1x16xf32> to vector<16xf32>
          %mul3A_669 = arith.mulf %get3A_664, %bitcast_convert_type3A_656 : vector<16xf32>
          %mul3A_670 = arith.mulf %get3A_668, %bitcast_convert_type3A_660 : vector<16xf32>
          %add3A_671 = arith.addf %mul3A_669, %mul3A_670 : vector<16xf32>
          %add3A_672 = arith.addf %add3A_648, %add3A_671 : vector<16xf32>
          %get3A_673 = arith.index_cast %add3A_601 : i32 to index
          %get3A_674 = arith.constant 48 : index
          %get3A_675 = tpu.vector_load %arg18[%get3A_673, %get3A_674] {strides = array<i32>} : memref<128x64xi32, #tpu.memory_space<vmem>>, vector<1x16xi32>,
          %get3A_676 = vector.shape_cast %get3A_675 : vector<1x16xi32> to vector<16xi32>
          %shift_left3A_677 = arith.constant 16 : i32
          %shift_left3A_678 = vector.broadcast %shift_left3A_677 : i32 to vector<16xi32>
          %shift_left3A_679 = arith.shli %get3A_676, %shift_left3A_678 : vector<16xi32>
          %bitcast_convert_type3A_680 = tpu.bitcast %shift_left3A_679 : vector<16xi32> -> vector<16xf32>
          %and3A_681 = arith.constant -65536 : i32
          %and3A_682 = vector.broadcast %and3A_681 : i32 to vector<16xi32>
          %and3A_683 = arith.andi %get3A_676, %and3A_682 : vector<16xi32>
          %bitcast_convert_type3A_684 = tpu.bitcast %and3A_683 : vector<16xi32> -> vector<16xf32>
          %get3A_685 = arith.index_cast %add3A_601 : i32 to index
          %get3A_686 = arith.constant 48 : index
          %get3A_687 = tpu.vector_load %arg17[%get3A_685, %get3A_686] {strides = array<i32>} : memref<128x128xf32, #tpu.memory_space<vmem>>, vector<1x16xf32>,
          %get3A_688 = vector.shape_cast %get3A_687 : vector<1x16xf32> to vector<16xf32>
          %get3A_689 = arith.index_cast %add3A_601 : i32 to index
          %get3A_690 = arith.constant 112 : index
          %get3A_691 = tpu.vector_load %arg17[%get3A_689, %get3A_690] {strides = array<i32>} : memref<128x128xf32, #tpu.memory_space<vmem>>, vector<1x16xf32>,
          %get3A_692 = vector.shape_cast %get3A_691 : vector<1x16xf32> to vector<16xf32>
          %mul3A_693 = arith.mulf %get3A_688, %bitcast_convert_type3A_680 : vector<16xf32>
          %mul3A_694 = arith.mulf %get3A_692, %bitcast_convert_type3A_684 : vector<16xf32>
          %add3A_695 = arith.addf %mul3A_693, %mul3A_694 : vector<16xf32>
          %add3A_696 = arith.addf %add3A_672, %add3A_695 : vector<16xf32>
          %eq3A_697 = vector.broadcast %scan3A_598 : i32 to vector<16xi32>
          %eq3A_698 = arith.cmpi eq, %iota3A, %eq3A_697 : vector<16xi32>
          %xor3A_699 = arith.constant 1 : i32
          %xor3A_700 = vector.broadcast %xor3A_699 : i32 to vector<16xi32>
          %xor3A_701 = arith.xori %iota3A, %xor3A_700 : vector<16xi32>
          %broadcast_in_dim3A_702 = vector.shape_cast %xor3A_701 : vector<16xi32> to vector<16x1xi32>
          %gather3A_703 = vector.shape_cast %broadcast_in_dim3A_702 : vector<16x1xi32> to vector<16xi32>
          %gather3A_704 = tpu.dynamic_gather %add3A_696[%gather3A_703] in [0] : vector<16xf32>, vector<16xi32> -> vector<16xf32>
          %add3A_705 = arith.addf %add3A_696, %gather3A_704 : vector<16xf32>
          %xor3A_706 = arith.constant 2 : i32
          %xor3A_707 = vector.broadcast %xor3A_706 : i32 to vector<16xi32>
          %xor3A_708 = arith.xori %iota3A, %xor3A_707 : vector<16xi32>
          %broadcast_in_dim3A_709 = vector.shape_cast %xor3A_708 : vector<16xi32> to vector<16x1xi32>
          %gather3A_710 = vector.shape_cast %broadcast_in_dim3A_709 : vector<16x1xi32> to vector<16xi32>
          %gather3A_711 = tpu.dynamic_gather %add3A_705[%gather3A_710] in [0] : vector<16xf32>, vector<16xi32> -> vector<16xf32>
          %add3A_712 = arith.addf %add3A_705, %gather3A_711 : vector<16xf32>
          %xor3A_713 = arith.constant 4 : i32
          %xor3A_714 = vector.broadcast %xor3A_713 : i32 to vector<16xi32>
          %xor3A_715 = arith.xori %iota3A, %xor3A_714 : vector<16xi32>
          %broadcast_in_dim3A_716 = vector.shape_cast %xor3A_715 : vector<16xi32> to vector<16x1xi32>
          %gather3A_717 = vector.shape_cast %broadcast_in_dim3A_716 : vector<16x1xi32> to vector<16xi32>
          %gather3A_718 = tpu.dynamic_gather %add3A_712[%gather3A_717] in [0] : vector<16xf32>, vector<16xi32> -> vector<16xf32>
          %add3A_719 = arith.addf %add3A_712, %gather3A_718 : vector<16xf32>
          %xor3A_720 = arith.constant 8 : i32
          %xor3A_721 = vector.broadcast %xor3A_720 : i32 to vector<16xi32>
          %xor3A_722 = arith.xori %iota3A, %xor3A_721 : vector<16xi32>
          %broadcast_in_dim3A_723 = vector.shape_cast %xor3A_722 : vector<16xi32> to vector<16x1xi32>
          %gather3A_724 = vector.shape_cast %broadcast_in_dim3A_723 : vector<16x1xi32> to vector<16xi32>
          %gather3A_725 = tpu.dynamic_gather %add3A_719[%gather3A_724] in [0] : vector<16xf32>, vector<16xi32> -> vector<16xf32>
          %add3A_726 = arith.addf %add3A_719, %gather3A_725 : vector<16xf32>
          %select_n3A_727 = arith.select %eq3A_698, %add3A_726, %select_n3A_596 : vector<16xi1>, vector<16xf32>
          %scan3A_728 = arith.constant 3 : i32
          %scan3A_729 = arith.addi %scan3A_339, %scan3A_728 : i32
          %mul3A_730 = arith.constant 16 : i32
          %mul3A_731 = arith.muli %scan3A_270, %mul3A_730 : i32
          %add3A_732 = arith.addi %mul3A_731, %scan3A_729 : i32
          %get3A_733 = arith.index_cast %add3A_732 : i32 to index
          %get3A_734 = arith.constant 0 : index
          %get3A_735 = tpu.vector_load %arg18[%get3A_733, %get3A_734] {strides = array<i32>} : memref<128x64xi32, #tpu.memory_space<vmem>>, vector<1x16xi32>,
          %get3A_736 = vector.shape_cast %get3A_735 : vector<1x16xi32> to vector<16xi32>
          %shift_left3A_737 = arith.constant 16 : i32
          %shift_left3A_738 = vector.broadcast %shift_left3A_737 : i32 to vector<16xi32>
          %shift_left3A_739 = arith.shli %get3A_736, %shift_left3A_738 : vector<16xi32>
          %bitcast_convert_type3A_740 = tpu.bitcast %shift_left3A_739 : vector<16xi32> -> vector<16xf32>
          %and3A_741 = arith.constant -65536 : i32
          %and3A_742 = vector.broadcast %and3A_741 : i32 to vector<16xi32>
          %and3A_743 = arith.andi %get3A_736, %and3A_742 : vector<16xi32>
          %bitcast_convert_type3A_744 = tpu.bitcast %and3A_743 : vector<16xi32> -> vector<16xf32>
          %get3A_745 = arith.index_cast %add3A_732 : i32 to index
          %get3A_746 = arith.constant 0 : index
          %get3A_747 = tpu.vector_load %arg17[%get3A_745, %get3A_746] {strides = array<i32>} : memref<128x128xf32, #tpu.memory_space<vmem>>, vector<1x16xf32>,
          %get3A_748 = vector.shape_cast %get3A_747 : vector<1x16xf32> to vector<16xf32>
          %get3A_749 = arith.index_cast %add3A_732 : i32 to index
          %get3A_750 = arith.constant 64 : index
          %get3A_751 = tpu.vector_load %arg17[%get3A_749, %get3A_750] {strides = array<i32>} : memref<128x128xf32, #tpu.memory_space<vmem>>, vector<1x16xf32>,
          %get3A_752 = vector.shape_cast %get3A_751 : vector<1x16xf32> to vector<16xf32>
          %mul3A_753 = arith.mulf %get3A_748, %bitcast_convert_type3A_740 : vector<16xf32>
          %mul3A_754 = arith.mulf %get3A_752, %bitcast_convert_type3A_744 : vector<16xf32>
          %add3A_755 = arith.addf %mul3A_753, %mul3A_754 : vector<16xf32>
          %get3A_756 = arith.index_cast %add3A_732 : i32 to index
          %get3A_757 = arith.constant 16 : index
          %get3A_758 = tpu.vector_load %arg18[%get3A_756, %get3A_757] {strides = array<i32>} : memref<128x64xi32, #tpu.memory_space<vmem>>, vector<1x16xi32>,
          %get3A_759 = vector.shape_cast %get3A_758 : vector<1x16xi32> to vector<16xi32>
          %shift_left3A_760 = arith.constant 16 : i32
          %shift_left3A_761 = vector.broadcast %shift_left3A_760 : i32 to vector<16xi32>
          %shift_left3A_762 = arith.shli %get3A_759, %shift_left3A_761 : vector<16xi32>
          %bitcast_convert_type3A_763 = tpu.bitcast %shift_left3A_762 : vector<16xi32> -> vector<16xf32>
          %and3A_764 = arith.constant -65536 : i32
          %and3A_765 = vector.broadcast %and3A_764 : i32 to vector<16xi32>
          %and3A_766 = arith.andi %get3A_759, %and3A_765 : vector<16xi32>
          %bitcast_convert_type3A_767 = tpu.bitcast %and3A_766 : vector<16xi32> -> vector<16xf32>
          %get3A_768 = arith.index_cast %add3A_732 : i32 to index
          %get3A_769 = arith.constant 16 : index
          %get3A_770 = tpu.vector_load %arg17[%get3A_768, %get3A_769] {strides = array<i32>} : memref<128x128xf32, #tpu.memory_space<vmem>>, vector<1x16xf32>,
          %get3A_771 = vector.shape_cast %get3A_770 : vector<1x16xf32> to vector<16xf32>
          %get3A_772 = arith.index_cast %add3A_732 : i32 to index
          %get3A_773 = arith.constant 80 : index
          %get3A_774 = tpu.vector_load %arg17[%get3A_772, %get3A_773] {strides = array<i32>} : memref<128x128xf32, #tpu.memory_space<vmem>>, vector<1x16xf32>,
          %get3A_775 = vector.shape_cast %get3A_774 : vector<1x16xf32> to vector<16xf32>
          %mul3A_776 = arith.mulf %get3A_771, %bitcast_convert_type3A_763 : vector<16xf32>
          %mul3A_777 = arith.mulf %get3A_775, %bitcast_convert_type3A_767 : vector<16xf32>
          %add3A_778 = arith.addf %mul3A_776, %mul3A_777 : vector<16xf32>
          %add3A_779 = arith.addf %add3A_755, %add3A_778 : vector<16xf32>
          %get3A_780 = arith.index_cast %add3A_732 : i32 to index
          %get3A_781 = arith.constant 32 : index
          %get3A_782 = tpu.vector_load %arg18[%get3A_780, %get3A_781] {strides = array<i32>} : memref<128x64xi32, #tpu.memory_space<vmem>>, vector<1x16xi32>,
          %get3A_783 = vector.shape_cast %get3A_782 : vector<1x16xi32> to vector<16xi32>
          %shift_left3A_784 = arith.constant 16 : i32
          %shift_left3A_785 = vector.broadcast %shift_left3A_784 : i32 to vector<16xi32>
          %shift_left3A_786 = arith.shli %get3A_783, %shift_left3A_785 : vector<16xi32>
          %bitcast_convert_type3A_787 = tpu.bitcast %shift_left3A_786 : vector<16xi32> -> vector<16xf32>
          %and3A_788 = arith.constant -65536 : i32
          %and3A_789 = vector.broadcast %and3A_788 : i32 to vector<16xi32>
          %and3A_790 = arith.andi %get3A_783, %and3A_789 : vector<16xi32>
          %bitcast_convert_type3A_791 = tpu.bitcast %and3A_790 : vector<16xi32> -> vector<16xf32>
          %get3A_792 = arith.index_cast %add3A_732 : i32 to index
          %get3A_793 = arith.constant 32 : index
          %get3A_794 = tpu.vector_load %arg17[%get3A_792, %get3A_793] {strides = array<i32>} : memref<128x128xf32, #tpu.memory_space<vmem>>, vector<1x16xf32>,
          %get3A_795 = vector.shape_cast %get3A_794 : vector<1x16xf32> to vector<16xf32>
          %get3A_796 = arith.index_cast %add3A_732 : i32 to index
          %get3A_797 = arith.constant 96 : index
          %get3A_798 = tpu.vector_load %arg17[%get3A_796, %get3A_797] {strides = array<i32>} : memref<128x128xf32, #tpu.memory_space<vmem>>, vector<1x16xf32>,
          %get3A_799 = vector.shape_cast %get3A_798 : vector<1x16xf32> to vector<16xf32>
          %mul3A_800 = arith.mulf %get3A_795, %bitcast_convert_type3A_787 : vector<16xf32>
          %mul3A_801 = arith.mulf %get3A_799, %bitcast_convert_type3A_791 : vector<16xf32>
          %add3A_802 = arith.addf %mul3A_800, %mul3A_801 : vector<16xf32>
          %add3A_803 = arith.addf %add3A_779, %add3A_802 : vector<16xf32>
          %get3A_804 = arith.index_cast %add3A_732 : i32 to index
          %get3A_805 = arith.constant 48 : index
          %get3A_806 = tpu.vector_load %arg18[%get3A_804, %get3A_805] {strides = array<i32>} : memref<128x64xi32, #tpu.memory_space<vmem>>, vector<1x16xi32>,
          %get3A_807 = vector.shape_cast %get3A_806 : vector<1x16xi32> to vector<16xi32>
          %shift_left3A_808 = arith.constant 16 : i32
          %shift_left3A_809 = vector.broadcast %shift_left3A_808 : i32 to vector<16xi32>
          %shift_left3A_810 = arith.shli %get3A_807, %shift_left3A_809 : vector<16xi32>
          %bitcast_convert_type3A_811 = tpu.bitcast %shift_left3A_810 : vector<16xi32> -> vector<16xf32>
          %and3A_812 = arith.constant -65536 : i32
          %and3A_813 = vector.broadcast %and3A_812 : i32 to vector<16xi32>
          %and3A_814 = arith.andi %get3A_807, %and3A_813 : vector<16xi32>
          %bitcast_convert_type3A_815 = tpu.bitcast %and3A_814 : vector<16xi32> -> vector<16xf32>
          %get3A_816 = arith.index_cast %add3A_732 : i32 to index
          %get3A_817 = arith.constant 48 : index
          %get3A_818 = tpu.vector_load %arg17[%get3A_816, %get3A_817] {strides = array<i32>} : memref<128x128xf32, #tpu.memory_space<vmem>>, vector<1x16xf32>,
          %get3A_819 = vector.shape_cast %get3A_818 : vector<1x16xf32> to vector<16xf32>
          %get3A_820 = arith.index_cast %add3A_732 : i32 to index
          %get3A_821 = arith.constant 112 : index
          %get3A_822 = tpu.vector_load %arg17[%get3A_820, %get3A_821] {strides = array<i32>} : memref<128x128xf32, #tpu.memory_space<vmem>>, vector<1x16xf32>,
          %get3A_823 = vector.shape_cast %get3A_822 : vector<1x16xf32> to vector<16xf32>
          %mul3A_824 = arith.mulf %get3A_819, %bitcast_convert_type3A_811 : vector<16xf32>
          %mul3A_825 = arith.mulf %get3A_823, %bitcast_convert_type3A_815 : vector<16xf32>
          %add3A_826 = arith.addf %mul3A_824, %mul3A_825 : vector<16xf32>
          %add3A_827 = arith.addf %add3A_803, %add3A_826 : vector<16xf32>
          %eq3A_828 = vector.broadcast %scan3A_729 : i32 to vector<16xi32>
          %eq3A_829 = arith.cmpi eq, %iota3A, %eq3A_828 : vector<16xi32>
          %xor3A_830 = arith.constant 1 : i32
          %xor3A_831 = vector.broadcast %xor3A_830 : i32 to vector<16xi32>
          %xor3A_832 = arith.xori %iota3A, %xor3A_831 : vector<16xi32>
          %broadcast_in_dim3A_833 = vector.shape_cast %xor3A_832 : vector<16xi32> to vector<16x1xi32>
          %gather3A_834 = vector.shape_cast %broadcast_in_dim3A_833 : vector<16x1xi32> to vector<16xi32>
          %gather3A_835 = tpu.dynamic_gather %add3A_827[%gather3A_834] in [0] : vector<16xf32>, vector<16xi32> -> vector<16xf32>
          %add3A_836 = arith.addf %add3A_827, %gather3A_835 : vector<16xf32>
          %xor3A_837 = arith.constant 2 : i32
          %xor3A_838 = vector.broadcast %xor3A_837 : i32 to vector<16xi32>
          %xor3A_839 = arith.xori %iota3A, %xor3A_838 : vector<16xi32>
          %broadcast_in_dim3A_840 = vector.shape_cast %xor3A_839 : vector<16xi32> to vector<16x1xi32>
          %gather3A_841 = vector.shape_cast %broadcast_in_dim3A_840 : vector<16x1xi32> to vector<16xi32>
          %gather3A_842 = tpu.dynamic_gather %add3A_836[%gather3A_841] in [0] : vector<16xf32>, vector<16xi32> -> vector<16xf32>
          %add3A_843 = arith.addf %add3A_836, %gather3A_842 : vector<16xf32>
          %xor3A_844 = arith.constant 4 : i32
          %xor3A_845 = vector.broadcast %xor3A_844 : i32 to vector<16xi32>
          %xor3A_846 = arith.xori %iota3A, %xor3A_845 : vector<16xi32>
          %broadcast_in_dim3A_847 = vector.shape_cast %xor3A_846 : vector<16xi32> to vector<16x1xi32>
          %gather3A_848 = vector.shape_cast %broadcast_in_dim3A_847 : vector<16x1xi32> to vector<16xi32>
          %gather3A_849 = tpu.dynamic_gather %add3A_843[%gather3A_848] in [0] : vector<16xf32>, vector<16xi32> -> vector<16xf32>
          %add3A_850 = arith.addf %add3A_843, %gather3A_849 : vector<16xf32>
          %xor3A_851 = arith.constant 8 : i32
          %xor3A_852 = vector.broadcast %xor3A_851 : i32 to vector<16xi32>
          %xor3A_853 = arith.xori %iota3A, %xor3A_852 : vector<16xi32>
          %broadcast_in_dim3A_854 = vector.shape_cast %xor3A_853 : vector<16xi32> to vector<16x1xi32>
          %gather3A_855 = vector.shape_cast %broadcast_in_dim3A_854 : vector<16x1xi32> to vector<16xi32>
          %gather3A_856 = tpu.dynamic_gather %add3A_850[%gather3A_855] in [0] : vector<16xf32>, vector<16xi32> -> vector<16xf32>
          %add3A_857 = arith.addf %add3A_850, %gather3A_856 : vector<16xf32>
          %select_n3A_858 = arith.select %eq3A_829, %add3A_857, %select_n3A_727 : vector<16xi1>, vector<16xf32>
          scf.yield %select_n3A_858 : vector<16xf32>
        }
        %scan3A_279 = arith.constant 16 : i32
        %sub3A_280 = arith.constant -0.00320545211 : f32
        %sub3A_281 = vector.broadcast %sub3A_280 : f32 to vector<16xf32>
        %sub3A_282 = arith.subf %sub3A_281, %scan3A_278 : vector<16xf32>
        %exp3A = math.exp %sub3A_282 : vector<16xf32>
        %sub3A_283 = arith.constant 1.000000e+00 : f32
        %sub3A_284 = vector.broadcast %sub3A_283 : f32 to vector<16xf32>
        %sub3A_285 = arith.subf %sub3A_284, %exp3A : vector<16xf32>
        %bitcast_convert_type3A = tpu.bitcast %sub3A_285 : vector<16xf32> -> vector<16xi32>
        %shift_right_arithmetic3A = arith.constant 23 : i32
        %shift_right_arithmetic3A_286 = vector.broadcast %shift_right_arithmetic3A : i32 to vector<16xi32>
        %shift_right_arithmetic3A_287 = arith.shrsi %bitcast_convert_type3A, %shift_right_arithmetic3A_286 : vector<16xi32>
        %and3A_288 = arith.constant 255 : i32
        %and3A_289 = vector.broadcast %and3A_288 : i32 to vector<16xi32>
        %and3A_290 = arith.andi %shift_right_arithmetic3A_287, %and3A_289 : vector<16xi32>
        %sub3A_291 = arith.constant 127 : i32
        %sub3A_292 = vector.broadcast %sub3A_291 : i32 to vector<16xi32>
        %sub3A_293 = arith.subi %and3A_290, %sub3A_292 : vector<16xi32>
        %and3A_294 = arith.constant 8388607 : i32
        %and3A_295 = vector.broadcast %and3A_294 : i32 to vector<16xi32>
        %and3A_296 = arith.andi %bitcast_convert_type3A, %and3A_295 : vector<16xi32>
        %or3A = arith.constant 1065353216 : i32
        %or3A_297 = vector.broadcast %or3A : i32 to vector<16xi32>
        %or3A_298 = arith.ori %and3A_296, %or3A_297 : vector<16xi32>
        %bitcast_convert_type3A_299 = tpu.bitcast %or3A_298 : vector<16xi32> -> vector<16xf32>
        %gt3A = arith.constant 1.41421354 : f32
        %gt3A_300 = vector.broadcast %gt3A : f32 to vector<16xf32>
        %gt3A_301 = arith.cmpf ogt, %bitcast_convert_type3A_299, %gt3A_300 : vector<16xf32>
        %mul3A_302 = arith.constant 5.000000e-01 : f32
        %mul3A_303 = vector.broadcast %mul3A_302 : f32 to vector<16xf32>
        %mul3A_304 = arith.mulf %bitcast_convert_type3A_299, %mul3A_303 : vector<16xf32>
        %select_n3A_305 = arith.select %gt3A_301, %mul3A_304, %bitcast_convert_type3A_299 : vector<16xi1>, vector<16xf32>
        %add3A_306 = arith.constant 1 : i32
        %add3A_307 = vector.broadcast %add3A_306 : i32 to vector<16xi32>
        %add3A_308 = arith.addi %sub3A_293, %add3A_307 : vector<16xi32>
        %select_n3A_309 = arith.select %gt3A_301, %add3A_308, %sub3A_293 : vector<16xi1>, vector<16xi32>
        %sub3A_310 = arith.constant 1.000000e+00 : f32
        %sub3A_311 = vector.broadcast %sub3A_310 : f32 to vector<16xf32>
        %sub3A_312 = arith.subf %select_n3A_305, %sub3A_311 : vector<16xf32>
        %add3A_313 = arith.constant 1.000000e+00 : f32
        %add3A_314 = vector.broadcast %add3A_313 : f32 to vector<16xf32>
        %add3A_315 = arith.addf %select_n3A_305, %add3A_314 : vector<16xf32>
        %div3A_316 = arith.divf %sub3A_312, %add3A_315 : vector<16xf32>
        %mul3A_317 = arith.mulf %div3A_316, %div3A_316 : vector<16xf32>
        %mul3A_318 = arith.constant 0.285714298 : f32
        %mul3A_319 = vector.broadcast %mul3A_318 : f32 to vector<16xf32>
        %mul3A_320 = arith.mulf %mul3A_317, %mul3A_319 : vector<16xf32>
        %add3A_321 = arith.constant 4.000000e-01 : f32
        %add3A_322 = vector.broadcast %add3A_321 : f32 to vector<16xf32>
        %add3A_323 = arith.addf %add3A_322, %mul3A_320 : vector<16xf32>
        %mul3A_324 = arith.mulf %mul3A_317, %add3A_323 : vector<16xf32>
        %add3A_325 = arith.constant 0.666666686 : f32
        %add3A_326 = vector.broadcast %add3A_325 : f32 to vector<16xf32>
        %add3A_327 = arith.addf %add3A_326, %mul3A_324 : vector<16xf32>
        %mul3A_328 = arith.mulf %mul3A_317, %add3A_327 : vector<16xf32>
        %add3A_329 = arith.constant 2.000000e+00 : f32
        %add3A_330 = vector.broadcast %add3A_329 : f32 to vector<16xf32>
        %add3A_331 = arith.addf %add3A_330, %mul3A_328 : vector<16xf32>
        %mul3A_332 = arith.mulf %div3A_316, %add3A_331 : vector<16xf32>
        %convert_element_type3A_333 = arith.sitofp %select_n3A_309 : vector<16xi32> to vector<16xf32>
        %mul3A_334 = arith.constant 0.693147182 : f32
        %mul3A_335 = vector.broadcast %mul3A_334 : f32 to vector<16xf32>
        %mul3A_336 = arith.mulf %convert_element_type3A_333, %mul3A_335 : vector<16xf32>
        %add3A_337 = arith.addf %mul3A_336, %mul3A_332 : vector<16xf32>
        %add3A_338 = arith.addf %scan3A_271, %add3A_337 : vector<16xf32>
        scf.yield %add3A_338 : vector<16xf32>
      }
      %scan3A_197 = arith.constant 8 : i32
      %add3A_198 = arith.constant 2 : i32
      %add3A_199 = arith.addi %add3A_159, %add3A_198 : i32
      %lt3A_200 = arith.cmpi slt, %add3A_199, %select_n3A : i32
      %convert_element_type3A_201 = arith.extui %lt3A_200 : i1 to i32
      %cond3A_202 = arith.constant 0 : i32
      %cond3A_203 = arith.cmpi ne, %convert_element_type3A_201, %cond3A_202 : i32
      scf.if %cond3A_203 {
        %add3A_270 = arith.constant 2 : i32
        %add3A_271 = arith.addi %add3A_159, %add3A_270 : i32
        %and3A_272 = arith.constant 31 : i32
        %and3A_273 = arith.andi %add3A_271, %and3A_272 : i32
        %mul3A_274 = arith.constant 128 : i32
        %mul3A_275 = arith.muli %and3A_273, %mul3A_274 : i32
        %dma_start3A_276 = tpu.memref_slice %arg11[%mul3A_275] : memref<4096xi32, #tpu.memory_space<vmem>> -> memref<128xi32, #tpu.memory_space<vmem>>
        %dma_start3A_277 = arith.constant 0 : i32
        %dma_start3A_278 = arith.constant 0 : i32
        %dma_start3A_279 = tpu.memref_slice %arg6[%dma_start3A_277, %dma_start3A_278] : memref<10000x128xf32, #tpu.memory_space<hbm>> -> memref<10000x128xf32, #tpu.memory_space<hbm>>
        tpu.enqueue_indirect_dma source(%dma_start3A_279 : memref<10000x128xf32, #tpu.memory_space<hbm>>) target(%arg17 : memref<128x128xf32, #tpu.memory_space<vmem>>) offsets(%dma_start3A_276 : memref<128xi32, #tpu.memory_space<vmem>>) semaphore(%arg24 : memref<!tpu.dma_semaphore, #tpu.memory_space<semaphore_mem>>)
        %mul3A_280 = arith.constant 128 : i32
        %mul3A_281 = arith.muli %and3A_273, %mul3A_280 : i32
        %dma_start3A_282 = tpu.memref_slice %arg12[%mul3A_281] : memref<4096xi32, #tpu.memory_space<vmem>> -> memref<128xi32, #tpu.memory_space<vmem>>
        %dma_start3A_283 = arith.constant 0 : i32
        %dma_start3A_284 = arith.constant 0 : i32
        %dma_start3A_285 = tpu.memref_slice %arg7[%dma_start3A_283, %dma_start3A_284] : memref<10000x64xi32, #tpu.memory_space<hbm>> -> memref<10000x64xi32, #tpu.memory_space<hbm>>
        tpu.enqueue_indirect_dma source(%dma_start3A_285 : memref<10000x64xi32, #tpu.memory_space<hbm>>) target(%arg18 : memref<128x64xi32, #tpu.memory_space<vmem>>) offsets(%dma_start3A_282 : memref<128xi32, #tpu.memory_space<vmem>>) semaphore(%arg24 : memref<!tpu.dma_semaphore, #tpu.memory_space<semaphore_mem>>)
      } else {
      }
      %dma_wait3A_204 = arith.constant 0 : i32
      %dma_wait3A_205 = arith.constant 0 : i32
      %dma_wait3A_206 = tpu.memref_slice %arg22[%dma_wait3A_204, %dma_wait3A_205] : memref<10240x128xbf16, #tpu.memory_space<vmem_shared>> -> memref<10240x128xbf16, #tpu.memory_space<vmem_shared>>
      tpu.wait_indirect_dma semaphore(%arg29 : memref<!tpu.dma_semaphore, #tpu.memory_space<semaphore_mem>>) src(%arg21 : memref<128x128xbf16, #tpu.memory_space<vmem>>) dst(%dma_wait3A_206 : memref<10240x128xbf16, #tpu.memory_space<vmem_shared>>)
      %add3A_207 = arith.constant 2 : i32
      %add3A_208 = arith.addi %add3A_159, %add3A_207 : i32
      %lt3A_209 = arith.cmpi slt, %add3A_208, %select_n3A : i32
      %convert_element_type3A_210 = arith.extui %lt3A_209 : i1 to i32
      %cond3A_211 = arith.constant 0 : i32
      %cond3A_212 = arith.cmpi ne, %convert_element_type3A_210, %cond3A_211 : i32
      scf.if %cond3A_212 {
        %add3A_270 = arith.constant 2 : i32
        %add3A_271 = arith.addi %add3A_159, %add3A_270 : i32
        %add3A_272 = arith.addi %select_n3A_12, %add3A_271 : i32
        %mul3A_273 = arith.constant 128 : i32
        %mul3A_274 = arith.muli %add3A_272, %mul3A_273 : i32
        %dma_start3A_275 = tpu.memref_slice %arg4[%mul3A_274] : memref<320256xi32, #tpu.memory_space<hbm>> -> memref<128xi32, #tpu.memory_space<hbm>>
        %dma_start3A_276 = tpu.memref_slice %arg4[%mul3A_274] : memref<320256xi32, #tpu.memory_space<hbm>> -> memref<128xi32, #tpu.memory_space<hbm>>
        tpu.enqueue_dma source(%dma_start3A_276 : memref<128xi32, #tpu.memory_space<hbm>>) target(%arg13 : memref<128xi32, #tpu.memory_space<vmem>>) target_semaphore(%arg27 : memref<!tpu.dma_semaphore, #tpu.memory_space<semaphore_mem>>)
        %add3A_277 = arith.addi %select_n3A_12, %add3A_271 : i32
        %mul3A_278 = arith.constant 128 : i32
        %mul3A_279 = arith.muli %add3A_277, %mul3A_278 : i32
        %dma_start3A_280 = tpu.memref_slice %arg5[%mul3A_279] : memref<320256xi32, #tpu.memory_space<hbm>> -> memref<128xi32, #tpu.memory_space<hbm>>
        %dma_start3A_281 = tpu.memref_slice %arg5[%mul3A_279] : memref<320256xi32, #tpu.memory_space<hbm>> -> memref<128xi32, #tpu.memory_space<hbm>>
        tpu.enqueue_dma source(%dma_start3A_281 : memref<128xi32, #tpu.memory_space<hbm>>) target(%arg14 : memref<128xi32, #tpu.memory_space<vmem>>) target_semaphore(%arg27 : memref<!tpu.dma_semaphore, #tpu.memory_space<semaphore_mem>>)
      } else {
      }
      %add3A_213 = arith.constant 1 : i32
      %add3A_214 = arith.addi %add3A_159, %add3A_213 : i32
      %lt3A_215 = arith.cmpi slt, %add3A_214, %select_n3A : i32
      %convert_element_type3A_216 = arith.extui %lt3A_215 : i1 to i32
      %cond3A_217 = arith.constant 0 : i32
      %cond3A_218 = arith.cmpi ne, %convert_element_type3A_216, %cond3A_217 : i32
      scf.if %cond3A_218 {
        %add3A_270 = arith.constant 1 : i32
        %add3A_271 = arith.addi %add3A_159, %add3A_270 : i32
        %add3A_272 = arith.addi %select_n3A_12, %add3A_271 : i32
        %mul3A_273 = arith.constant 128 : i32
        %mul3A_274 = arith.muli %add3A_272, %mul3A_273 : i32
        %dma_wait3A_275 = tpu.memref_slice %arg4[%mul3A_274] : memref<320256xi32, #tpu.memory_space<hbm>> -> memref<128xi32, #tpu.memory_space<hbm>>
        %dma_wait3A_276 = tpu.memref_slice %arg4[%mul3A_274] : memref<320256xi32, #tpu.memory_space<hbm>> -> memref<128xi32, #tpu.memory_space<hbm>>
        tpu.wait_dma2 semaphore(%arg28 : memref<!tpu.dma_semaphore, #tpu.memory_space<semaphore_mem>>) src(%dma_wait3A_276 : memref<128xi32, #tpu.memory_space<hbm>>) dst(%arg15 : memref<128xi32, #tpu.memory_space<vmem>>)
        %add3A_277 = arith.addi %select_n3A_12, %add3A_271 : i32
        %mul3A_278 = arith.constant 128 : i32
        %mul3A_279 = arith.muli %add3A_277, %mul3A_278 : i32
        %dma_wait3A_280 = tpu.memref_slice %arg5[%mul3A_279] : memref<320256xi32, #tpu.memory_space<hbm>> -> memref<128xi32, #tpu.memory_space<hbm>>
        %dma_wait3A_281 = tpu.memref_slice %arg5[%mul3A_279] : memref<320256xi32, #tpu.memory_space<hbm>> -> memref<128xi32, #tpu.memory_space<hbm>>
        tpu.wait_dma2 semaphore(%arg28 : memref<!tpu.dma_semaphore, #tpu.memory_space<semaphore_mem>>) src(%dma_wait3A_281 : memref<128xi32, #tpu.memory_space<hbm>>) dst(%arg16 : memref<128xi32, #tpu.memory_space<vmem>>)
        %dma_start3A_282 = arith.constant 0 : i32
        %dma_start3A_283 = arith.constant 0 : i32
        %dma_start3A_284 = tpu.memref_slice %arg8[%dma_start3A_282, %dma_start3A_283] : memref<10000x128xbf16, #tpu.memory_space<hbm>> -> memref<10000x128xbf16, #tpu.memory_space<hbm>>
        tpu.enqueue_indirect_dma source(%dma_start3A_284 : memref<10000x128xbf16, #tpu.memory_space<hbm>>) target(%arg21 : memref<128x128xbf16, #tpu.memory_space<vmem>>) offsets(%arg16 : memref<128xi32, #tpu.memory_space<vmem>>) semaphore(%arg26 : memref<!tpu.dma_semaphore, #tpu.memory_space<semaphore_mem>>)
      } else {
      }
      %mul3A_219 = arith.constant 2 : i32
      %mul3A_220 = arith.muli %mul3A_219, %while3A_154 : i32
      %add3A_221 = arith.constant 1 : i32
      %add3A_222 = arith.addi %mul3A_220, %add3A_221 : i32
      %and3A_223 = arith.constant 31 : i32
      %and3A_224 = arith.andi %add3A_222, %and3A_223 : i32
      %mul3A_225 = arith.constant 128 : i32
      %mul3A_226 = arith.muli %and3A_224, %mul3A_225 : i32
      %dma_wait3A_227 = tpu.memref_slice %arg11[%mul3A_226] : memref<4096xi32, #tpu.memory_space<vmem>> -> memref<128xi32, #tpu.memory_space<vmem>>
      %dma_wait3A_228 = arith.constant 0 : i32
      %dma_wait3A_229 = arith.constant 0 : i32
      %dma_wait3A_230 = tpu.memref_slice %arg6[%dma_wait3A_228, %dma_wait3A_229] : memref<10000x128xf32, #tpu.memory_space<hbm>> -> memref<10000x128xf32, #tpu.memory_space<hbm>>
      tpu.wait_indirect_dma semaphore(%arg25 : memref<!tpu.dma_semaphore, #tpu.memory_space<semaphore_mem>>) src(%dma_wait3A_230 : memref<10000x128xf32, #tpu.memory_space<hbm>>) dst(%arg19 : memref<128x128xf32, #tpu.memory_space<vmem>>)
      %mul3A_231 = arith.constant 128 : i32
      %mul3A_232 = arith.muli %and3A_224, %mul3A_231 : i32
      %dma_wait3A_233 = tpu.memref_slice %arg12[%mul3A_232] : memref<4096xi32, #tpu.memory_space<vmem>> -> memref<128xi32, #tpu.memory_space<vmem>>
      %dma_wait3A_234 = arith.constant 0 : i32
      %dma_wait3A_235 = arith.constant 0 : i32
      %dma_wait3A_236 = tpu.memref_slice %arg7[%dma_wait3A_234, %dma_wait3A_235] : memref<10000x64xi32, #tpu.memory_space<hbm>> -> memref<10000x64xi32, #tpu.memory_space<hbm>>
      tpu.wait_indirect_dma semaphore(%arg25 : memref<!tpu.dma_semaphore, #tpu.memory_space<semaphore_mem>>) src(%dma_wait3A_236 : memref<10000x64xi32, #tpu.memory_space<hbm>>) dst(%arg20 : memref<128x64xi32, #tpu.memory_space<vmem>>)
      %dma_wait3A_237 = arith.constant 0 : i32
      %dma_wait3A_238 = arith.constant 0 : i32
      %dma_wait3A_239 = tpu.memref_slice %arg8[%dma_wait3A_237, %dma_wait3A_238] : memref<10000x128xbf16, #tpu.memory_space<hbm>> -> memref<10000x128xbf16, #tpu.memory_space<hbm>>
      tpu.wait_indirect_dma semaphore(%arg26 : memref<!tpu.dma_semaphore, #tpu.memory_space<semaphore_mem>>) src(%dma_wait3A_239 : memref<10000x128xbf16, #tpu.memory_space<hbm>>) dst(%arg21 : memref<128x128xbf16, #tpu.memory_space<vmem>>)
      %dma_start3A_240 = arith.constant 0 : i32
      %dma_start3A_241 = arith.constant 0 : i32
      %dma_start3A_242 = tpu.memref_slice %arg22[%dma_start3A_240, %dma_start3A_241] : memref<10240x128xbf16, #tpu.memory_space<vmem_shared>> -> memref<10240x128xbf16, #tpu.memory_space<vmem_shared>>
      tpu.enqueue_indirect_dma source(%arg21 : memref<128x128xbf16, #tpu.memory_space<vmem>>) target(%dma_start3A_242 : memref<10240x128xbf16, #tpu.memory_space<vmem_shared>>) offsets(%arg15 : memref<128xi32, #tpu.memory_space<vmem>>) semaphore(%arg29 : memref<!tpu.dma_semaphore, #tpu.memory_space<semaphore_mem>>) {add = true}
      %scan3A_243 = arith.constant 0 : i32
      %scan3A_244 = arith.constant 8 : i32
      %scan3A_245 = arith.addi %scan3A_243, %scan3A_244 : i32
      %scan3A_246 = arith.constant 1 : i32
      %scan3A_247 = scf.for %scan3A_270 = %scan3A_243 to %scan3A_245 step %scan3A_246 iter_args(%scan3A_271 = %scan3A_196) -> (vector<16xf32>)  : i32 {
        %broadcast_in_dim3A_272 = arith.constant 0.000000e+00 : f32
        %broadcast_in_dim3A_273 = vector.broadcast %broadcast_in_dim3A_272 : f32 to vector<16xf32>
        %scan3A_274 = arith.constant 0 : i32
        %scan3A_275 = arith.constant 16 : i32
        %scan3A_276 = arith.addi %scan3A_274, %scan3A_275 : i32
        %scan3A_277 = arith.constant 4 : i32
        %scan3A_278 = scf.for %scan3A_339 = %scan3A_274 to %scan3A_276 step %scan3A_277 iter_args(%scan3A_340 = %broadcast_in_dim3A_273) -> (vector<16xf32>)  : i32 {
          %mul3A_341 = arith.constant 16 : i32
          %mul3A_342 = arith.muli %scan3A_270, %mul3A_341 : i32
          %add3A_343 = arith.addi %mul3A_342, %scan3A_339 : i32
          %get3A = arith.index_cast %add3A_343 : i32 to index
          %get3A_344 = arith.constant 0 : index
          %get3A_345 = tpu.vector_load %arg20[%get3A, %get3A_344] {strides = array<i32>} : memref<128x64xi32, #tpu.memory_space<vmem>>, vector<1x16xi32>,
          %get3A_346 = vector.shape_cast %get3A_345 : vector<1x16xi32> to vector<16xi32>
          %shift_left3A = arith.constant 16 : i32
          %shift_left3A_347 = vector.broadcast %shift_left3A : i32 to vector<16xi32>
          %shift_left3A_348 = arith.shli %get3A_346, %shift_left3A_347 : vector<16xi32>
          %bitcast_convert_type3A_349 = tpu.bitcast %shift_left3A_348 : vector<16xi32> -> vector<16xf32>
          %and3A_350 = arith.constant -65536 : i32
          %and3A_351 = vector.broadcast %and3A_350 : i32 to vector<16xi32>
          %and3A_352 = arith.andi %get3A_346, %and3A_351 : vector<16xi32>
          %bitcast_convert_type3A_353 = tpu.bitcast %and3A_352 : vector<16xi32> -> vector<16xf32>
          %get3A_354 = arith.index_cast %add3A_343 : i32 to index
          %get3A_355 = arith.constant 0 : index
          %get3A_356 = tpu.vector_load %arg19[%get3A_354, %get3A_355] {strides = array<i32>} : memref<128x128xf32, #tpu.memory_space<vmem>>, vector<1x16xf32>,
          %get3A_357 = vector.shape_cast %get3A_356 : vector<1x16xf32> to vector<16xf32>
          %get3A_358 = arith.index_cast %add3A_343 : i32 to index
          %get3A_359 = arith.constant 64 : index
          %get3A_360 = tpu.vector_load %arg19[%get3A_358, %get3A_359] {strides = array<i32>} : memref<128x128xf32, #tpu.memory_space<vmem>>, vector<1x16xf32>,
          %get3A_361 = vector.shape_cast %get3A_360 : vector<1x16xf32> to vector<16xf32>
          %mul3A_362 = arith.mulf %get3A_357, %bitcast_convert_type3A_349 : vector<16xf32>
          %mul3A_363 = arith.mulf %get3A_361, %bitcast_convert_type3A_353 : vector<16xf32>
          %add3A_364 = arith.addf %mul3A_362, %mul3A_363 : vector<16xf32>
          %get3A_365 = arith.index_cast %add3A_343 : i32 to index
          %get3A_366 = arith.constant 16 : index
          %get3A_367 = tpu.vector_load %arg20[%get3A_365, %get3A_366] {strides = array<i32>} : memref<128x64xi32, #tpu.memory_space<vmem>>, vector<1x16xi32>,
          %get3A_368 = vector.shape_cast %get3A_367 : vector<1x16xi32> to vector<16xi32>
          %shift_left3A_369 = arith.constant 16 : i32
          %shift_left3A_370 = vector.broadcast %shift_left3A_369 : i32 to vector<16xi32>
          %shift_left3A_371 = arith.shli %get3A_368, %shift_left3A_370 : vector<16xi32>
          %bitcast_convert_type3A_372 = tpu.bitcast %shift_left3A_371 : vector<16xi32> -> vector<16xf32>
          %and3A_373 = arith.constant -65536 : i32
          %and3A_374 = vector.broadcast %and3A_373 : i32 to vector<16xi32>
          %and3A_375 = arith.andi %get3A_368, %and3A_374 : vector<16xi32>
          %bitcast_convert_type3A_376 = tpu.bitcast %and3A_375 : vector<16xi32> -> vector<16xf32>
          %get3A_377 = arith.index_cast %add3A_343 : i32 to index
          %get3A_378 = arith.constant 16 : index
          %get3A_379 = tpu.vector_load %arg19[%get3A_377, %get3A_378] {strides = array<i32>} : memref<128x128xf32, #tpu.memory_space<vmem>>, vector<1x16xf32>,
          %get3A_380 = vector.shape_cast %get3A_379 : vector<1x16xf32> to vector<16xf32>
          %get3A_381 = arith.index_cast %add3A_343 : i32 to index
          %get3A_382 = arith.constant 80 : index
          %get3A_383 = tpu.vector_load %arg19[%get3A_381, %get3A_382] {strides = array<i32>} : memref<128x128xf32, #tpu.memory_space<vmem>>, vector<1x16xf32>,
          %get3A_384 = vector.shape_cast %get3A_383 : vector<1x16xf32> to vector<16xf32>
          %mul3A_385 = arith.mulf %get3A_380, %bitcast_convert_type3A_372 : vector<16xf32>
          %mul3A_386 = arith.mulf %get3A_384, %bitcast_convert_type3A_376 : vector<16xf32>
          %add3A_387 = arith.addf %mul3A_385, %mul3A_386 : vector<16xf32>
          %add3A_388 = arith.addf %add3A_364, %add3A_387 : vector<16xf32>
          %get3A_389 = arith.index_cast %add3A_343 : i32 to index
          %get3A_390 = arith.constant 32 : index
          %get3A_391 = tpu.vector_load %arg20[%get3A_389, %get3A_390] {strides = array<i32>} : memref<128x64xi32, #tpu.memory_space<vmem>>, vector<1x16xi32>,
          %get3A_392 = vector.shape_cast %get3A_391 : vector<1x16xi32> to vector<16xi32>
          %shift_left3A_393 = arith.constant 16 : i32
          %shift_left3A_394 = vector.broadcast %shift_left3A_393 : i32 to vector<16xi32>
          %shift_left3A_395 = arith.shli %get3A_392, %shift_left3A_394 : vector<16xi32>
          %bitcast_convert_type3A_396 = tpu.bitcast %shift_left3A_395 : vector<16xi32> -> vector<16xf32>
          %and3A_397 = arith.constant -65536 : i32
          %and3A_398 = vector.broadcast %and3A_397 : i32 to vector<16xi32>
          %and3A_399 = arith.andi %get3A_392, %and3A_398 : vector<16xi32>
          %bitcast_convert_type3A_400 = tpu.bitcast %and3A_399 : vector<16xi32> -> vector<16xf32>
          %get3A_401 = arith.index_cast %add3A_343 : i32 to index
          %get3A_402 = arith.constant 32 : index
          %get3A_403 = tpu.vector_load %arg19[%get3A_401, %get3A_402] {strides = array<i32>} : memref<128x128xf32, #tpu.memory_space<vmem>>, vector<1x16xf32>,
          %get3A_404 = vector.shape_cast %get3A_403 : vector<1x16xf32> to vector<16xf32>
          %get3A_405 = arith.index_cast %add3A_343 : i32 to index
          %get3A_406 = arith.constant 96 : index
          %get3A_407 = tpu.vector_load %arg19[%get3A_405, %get3A_406] {strides = array<i32>} : memref<128x128xf32, #tpu.memory_space<vmem>>, vector<1x16xf32>,
          %get3A_408 = vector.shape_cast %get3A_407 : vector<1x16xf32> to vector<16xf32>
          %mul3A_409 = arith.mulf %get3A_404, %bitcast_convert_type3A_396 : vector<16xf32>
          %mul3A_410 = arith.mulf %get3A_408, %bitcast_convert_type3A_400 : vector<16xf32>
          %add3A_411 = arith.addf %mul3A_409, %mul3A_410 : vector<16xf32>
          %add3A_412 = arith.addf %add3A_388, %add3A_411 : vector<16xf32>
          %get3A_413 = arith.index_cast %add3A_343 : i32 to index
          %get3A_414 = arith.constant 48 : index
          %get3A_415 = tpu.vector_load %arg20[%get3A_413, %get3A_414] {strides = array<i32>} : memref<128x64xi32, #tpu.memory_space<vmem>>, vector<1x16xi32>,
          %get3A_416 = vector.shape_cast %get3A_415 : vector<1x16xi32> to vector<16xi32>
          %shift_left3A_417 = arith.constant 16 : i32
          %shift_left3A_418 = vector.broadcast %shift_left3A_417 : i32 to vector<16xi32>
          %shift_left3A_419 = arith.shli %get3A_416, %shift_left3A_418 : vector<16xi32>
          %bitcast_convert_type3A_420 = tpu.bitcast %shift_left3A_419 : vector<16xi32> -> vector<16xf32>
          %and3A_421 = arith.constant -65536 : i32
          %and3A_422 = vector.broadcast %and3A_421 : i32 to vector<16xi32>
          %and3A_423 = arith.andi %get3A_416, %and3A_422 : vector<16xi32>
          %bitcast_convert_type3A_424 = tpu.bitcast %and3A_423 : vector<16xi32> -> vector<16xf32>
          %get3A_425 = arith.index_cast %add3A_343 : i32 to index
          %get3A_426 = arith.constant 48 : index
          %get3A_427 = tpu.vector_load %arg19[%get3A_425, %get3A_426] {strides = array<i32>} : memref<128x128xf32, #tpu.memory_space<vmem>>, vector<1x16xf32>,
          %get3A_428 = vector.shape_cast %get3A_427 : vector<1x16xf32> to vector<16xf32>
          %get3A_429 = arith.index_cast %add3A_343 : i32 to index
          %get3A_430 = arith.constant 112 : index
          %get3A_431 = tpu.vector_load %arg19[%get3A_429, %get3A_430] {strides = array<i32>} : memref<128x128xf32, #tpu.memory_space<vmem>>, vector<1x16xf32>,
          %get3A_432 = vector.shape_cast %get3A_431 : vector<1x16xf32> to vector<16xf32>
          %mul3A_433 = arith.mulf %get3A_428, %bitcast_convert_type3A_420 : vector<16xf32>
          %mul3A_434 = arith.mulf %get3A_432, %bitcast_convert_type3A_424 : vector<16xf32>
          %add3A_435 = arith.addf %mul3A_433, %mul3A_434 : vector<16xf32>
          %add3A_436 = arith.addf %add3A_412, %add3A_435 : vector<16xf32>
          %eq3A_437 = vector.broadcast %scan3A_339 : i32 to vector<16xi32>
          %eq3A_438 = arith.cmpi eq, %iota3A, %eq3A_437 : vector<16xi32>
          %xor3A = arith.constant 1 : i32
          %xor3A_439 = vector.broadcast %xor3A : i32 to vector<16xi32>
          %xor3A_440 = arith.xori %iota3A, %xor3A_439 : vector<16xi32>
          %broadcast_in_dim3A_441 = vector.shape_cast %xor3A_440 : vector<16xi32> to vector<16x1xi32>
          %gather3A = vector.shape_cast %broadcast_in_dim3A_441 : vector<16x1xi32> to vector<16xi32>
          %gather3A_442 = tpu.dynamic_gather %add3A_436[%gather3A] in [0] : vector<16xf32>, vector<16xi32> -> vector<16xf32>
          %add3A_443 = arith.addf %add3A_436, %gather3A_442 : vector<16xf32>
          %xor3A_444 = arith.constant 2 : i32
          %xor3A_445 = vector.broadcast %xor3A_444 : i32 to vector<16xi32>
          %xor3A_446 = arith.xori %iota3A, %xor3A_445 : vector<16xi32>
          %broadcast_in_dim3A_447 = vector.shape_cast %xor3A_446 : vector<16xi32> to vector<16x1xi32>
          %gather3A_448 = vector.shape_cast %broadcast_in_dim3A_447 : vector<16x1xi32> to vector<16xi32>
          %gather3A_449 = tpu.dynamic_gather %add3A_443[%gather3A_448] in [0] : vector<16xf32>, vector<16xi32> -> vector<16xf32>
          %add3A_450 = arith.addf %add3A_443, %gather3A_449 : vector<16xf32>
          %xor3A_451 = arith.constant 4 : i32
          %xor3A_452 = vector.broadcast %xor3A_451 : i32 to vector<16xi32>
          %xor3A_453 = arith.xori %iota3A, %xor3A_452 : vector<16xi32>
          %broadcast_in_dim3A_454 = vector.shape_cast %xor3A_453 : vector<16xi32> to vector<16x1xi32>
          %gather3A_455 = vector.shape_cast %broadcast_in_dim3A_454 : vector<16x1xi32> to vector<16xi32>
          %gather3A_456 = tpu.dynamic_gather %add3A_450[%gather3A_455] in [0] : vector<16xf32>, vector<16xi32> -> vector<16xf32>
          %add3A_457 = arith.addf %add3A_450, %gather3A_456 : vector<16xf32>
          %xor3A_458 = arith.constant 8 : i32
          %xor3A_459 = vector.broadcast %xor3A_458 : i32 to vector<16xi32>
          %xor3A_460 = arith.xori %iota3A, %xor3A_459 : vector<16xi32>
          %broadcast_in_dim3A_461 = vector.shape_cast %xor3A_460 : vector<16xi32> to vector<16x1xi32>
          %gather3A_462 = vector.shape_cast %broadcast_in_dim3A_461 : vector<16x1xi32> to vector<16xi32>
          %gather3A_463 = tpu.dynamic_gather %add3A_457[%gather3A_462] in [0] : vector<16xf32>, vector<16xi32> -> vector<16xf32>
          %add3A_464 = arith.addf %add3A_457, %gather3A_463 : vector<16xf32>
          %select_n3A_465 = arith.select %eq3A_438, %add3A_464, %scan3A_340 : vector<16xi1>, vector<16xf32>
          %scan3A_466 = arith.constant 1 : i32
          %scan3A_467 = arith.addi %scan3A_339, %scan3A_466 : i32
          %mul3A_468 = arith.constant 16 : i32
          %mul3A_469 = arith.muli %scan3A_270, %mul3A_468 : i32
          %add3A_470 = arith.addi %mul3A_469, %scan3A_467 : i32
          %get3A_471 = arith.index_cast %add3A_470 : i32 to index
          %get3A_472 = arith.constant 0 : index
          %get3A_473 = tpu.vector_load %arg20[%get3A_471, %get3A_472] {strides = array<i32>} : memref<128x64xi32, #tpu.memory_space<vmem>>, vector<1x16xi32>,
          %get3A_474 = vector.shape_cast %get3A_473 : vector<1x16xi32> to vector<16xi32>
          %shift_left3A_475 = arith.constant 16 : i32
          %shift_left3A_476 = vector.broadcast %shift_left3A_475 : i32 to vector<16xi32>
          %shift_left3A_477 = arith.shli %get3A_474, %shift_left3A_476 : vector<16xi32>
          %bitcast_convert_type3A_478 = tpu.bitcast %shift_left3A_477 : vector<16xi32> -> vector<16xf32>
          %and3A_479 = arith.constant -65536 : i32
          %and3A_480 = vector.broadcast %and3A_479 : i32 to vector<16xi32>
          %and3A_481 = arith.andi %get3A_474, %and3A_480 : vector<16xi32>
          %bitcast_convert_type3A_482 = tpu.bitcast %and3A_481 : vector<16xi32> -> vector<16xf32>
          %get3A_483 = arith.index_cast %add3A_470 : i32 to index
          %get3A_484 = arith.constant 0 : index
          %get3A_485 = tpu.vector_load %arg19[%get3A_483, %get3A_484] {strides = array<i32>} : memref<128x128xf32, #tpu.memory_space<vmem>>, vector<1x16xf32>,
          %get3A_486 = vector.shape_cast %get3A_485 : vector<1x16xf32> to vector<16xf32>
          %get3A_487 = arith.index_cast %add3A_470 : i32 to index
          %get3A_488 = arith.constant 64 : index
          %get3A_489 = tpu.vector_load %arg19[%get3A_487, %get3A_488] {strides = array<i32>} : memref<128x128xf32, #tpu.memory_space<vmem>>, vector<1x16xf32>,
          %get3A_490 = vector.shape_cast %get3A_489 : vector<1x16xf32> to vector<16xf32>
          %mul3A_491 = arith.mulf %get3A_486, %bitcast_convert_type3A_478 : vector<16xf32>
          %mul3A_492 = arith.mulf %get3A_490, %bitcast_convert_type3A_482 : vector<16xf32>
          %add3A_493 = arith.addf %mul3A_491, %mul3A_492 : vector<16xf32>
          %get3A_494 = arith.index_cast %add3A_470 : i32 to index
          %get3A_495 = arith.constant 16 : index
          %get3A_496 = tpu.vector_load %arg20[%get3A_494, %get3A_495] {strides = array<i32>} : memref<128x64xi32, #tpu.memory_space<vmem>>, vector<1x16xi32>,
          %get3A_497 = vector.shape_cast %get3A_496 : vector<1x16xi32> to vector<16xi32>
          %shift_left3A_498 = arith.constant 16 : i32
          %shift_left3A_499 = vector.broadcast %shift_left3A_498 : i32 to vector<16xi32>
          %shift_left3A_500 = arith.shli %get3A_497, %shift_left3A_499 : vector<16xi32>
          %bitcast_convert_type3A_501 = tpu.bitcast %shift_left3A_500 : vector<16xi32> -> vector<16xf32>
          %and3A_502 = arith.constant -65536 : i32
          %and3A_503 = vector.broadcast %and3A_502 : i32 to vector<16xi32>
          %and3A_504 = arith.andi %get3A_497, %and3A_503 : vector<16xi32>
          %bitcast_convert_type3A_505 = tpu.bitcast %and3A_504 : vector<16xi32> -> vector<16xf32>
          %get3A_506 = arith.index_cast %add3A_470 : i32 to index
          %get3A_507 = arith.constant 16 : index
          %get3A_508 = tpu.vector_load %arg19[%get3A_506, %get3A_507] {strides = array<i32>} : memref<128x128xf32, #tpu.memory_space<vmem>>, vector<1x16xf32>,
          %get3A_509 = vector.shape_cast %get3A_508 : vector<1x16xf32> to vector<16xf32>
          %get3A_510 = arith.index_cast %add3A_470 : i32 to index
          %get3A_511 = arith.constant 80 : index
          %get3A_512 = tpu.vector_load %arg19[%get3A_510, %get3A_511] {strides = array<i32>} : memref<128x128xf32, #tpu.memory_space<vmem>>, vector<1x16xf32>,
          %get3A_513 = vector.shape_cast %get3A_512 : vector<1x16xf32> to vector<16xf32>
          %mul3A_514 = arith.mulf %get3A_509, %bitcast_convert_type3A_501 : vector<16xf32>
          %mul3A_515 = arith.mulf %get3A_513, %bitcast_convert_type3A_505 : vector<16xf32>
          %add3A_516 = arith.addf %mul3A_514, %mul3A_515 : vector<16xf32>
          %add3A_517 = arith.addf %add3A_493, %add3A_516 : vector<16xf32>
          %get3A_518 = arith.index_cast %add3A_470 : i32 to index
          %get3A_519 = arith.constant 32 : index
          %get3A_520 = tpu.vector_load %arg20[%get3A_518, %get3A_519] {strides = array<i32>} : memref<128x64xi32, #tpu.memory_space<vmem>>, vector<1x16xi32>,
          %get3A_521 = vector.shape_cast %get3A_520 : vector<1x16xi32> to vector<16xi32>
          %shift_left3A_522 = arith.constant 16 : i32
          %shift_left3A_523 = vector.broadcast %shift_left3A_522 : i32 to vector<16xi32>
          %shift_left3A_524 = arith.shli %get3A_521, %shift_left3A_523 : vector<16xi32>
          %bitcast_convert_type3A_525 = tpu.bitcast %shift_left3A_524 : vector<16xi32> -> vector<16xf32>
          %and3A_526 = arith.constant -65536 : i32
          %and3A_527 = vector.broadcast %and3A_526 : i32 to vector<16xi32>
          %and3A_528 = arith.andi %get3A_521, %and3A_527 : vector<16xi32>
          %bitcast_convert_type3A_529 = tpu.bitcast %and3A_528 : vector<16xi32> -> vector<16xf32>
          %get3A_530 = arith.index_cast %add3A_470 : i32 to index
          %get3A_531 = arith.constant 32 : index
          %get3A_532 = tpu.vector_load %arg19[%get3A_530, %get3A_531] {strides = array<i32>} : memref<128x128xf32, #tpu.memory_space<vmem>>, vector<1x16xf32>,
          %get3A_533 = vector.shape_cast %get3A_532 : vector<1x16xf32> to vector<16xf32>
          %get3A_534 = arith.index_cast %add3A_470 : i32 to index
          %get3A_535 = arith.constant 96 : index
          %get3A_536 = tpu.vector_load %arg19[%get3A_534, %get3A_535] {strides = array<i32>} : memref<128x128xf32, #tpu.memory_space<vmem>>, vector<1x16xf32>,
          %get3A_537 = vector.shape_cast %get3A_536 : vector<1x16xf32> to vector<16xf32>
          %mul3A_538 = arith.mulf %get3A_533, %bitcast_convert_type3A_525 : vector<16xf32>
          %mul3A_539 = arith.mulf %get3A_537, %bitcast_convert_type3A_529 : vector<16xf32>
          %add3A_540 = arith.addf %mul3A_538, %mul3A_539 : vector<16xf32>
          %add3A_541 = arith.addf %add3A_517, %add3A_540 : vector<16xf32>
          %get3A_542 = arith.index_cast %add3A_470 : i32 to index
          %get3A_543 = arith.constant 48 : index
          %get3A_544 = tpu.vector_load %arg20[%get3A_542, %get3A_543] {strides = array<i32>} : memref<128x64xi32, #tpu.memory_space<vmem>>, vector<1x16xi32>,
          %get3A_545 = vector.shape_cast %get3A_544 : vector<1x16xi32> to vector<16xi32>
          %shift_left3A_546 = arith.constant 16 : i32
          %shift_left3A_547 = vector.broadcast %shift_left3A_546 : i32 to vector<16xi32>
          %shift_left3A_548 = arith.shli %get3A_545, %shift_left3A_547 : vector<16xi32>
          %bitcast_convert_type3A_549 = tpu.bitcast %shift_left3A_548 : vector<16xi32> -> vector<16xf32>
          %and3A_550 = arith.constant -65536 : i32
          %and3A_551 = vector.broadcast %and3A_550 : i32 to vector<16xi32>
          %and3A_552 = arith.andi %get3A_545, %and3A_551 : vector<16xi32>
          %bitcast_convert_type3A_553 = tpu.bitcast %and3A_552 : vector<16xi32> -> vector<16xf32>
          %get3A_554 = arith.index_cast %add3A_470 : i32 to index
          %get3A_555 = arith.constant 48 : index
          %get3A_556 = tpu.vector_load %arg19[%get3A_554, %get3A_555] {strides = array<i32>} : memref<128x128xf32, #tpu.memory_space<vmem>>, vector<1x16xf32>,
          %get3A_557 = vector.shape_cast %get3A_556 : vector<1x16xf32> to vector<16xf32>
          %get3A_558 = arith.index_cast %add3A_470 : i32 to index
          %get3A_559 = arith.constant 112 : index
          %get3A_560 = tpu.vector_load %arg19[%get3A_558, %get3A_559] {strides = array<i32>} : memref<128x128xf32, #tpu.memory_space<vmem>>, vector<1x16xf32>,
          %get3A_561 = vector.shape_cast %get3A_560 : vector<1x16xf32> to vector<16xf32>
          %mul3A_562 = arith.mulf %get3A_557, %bitcast_convert_type3A_549 : vector<16xf32>
          %mul3A_563 = arith.mulf %get3A_561, %bitcast_convert_type3A_553 : vector<16xf32>
          %add3A_564 = arith.addf %mul3A_562, %mul3A_563 : vector<16xf32>
          %add3A_565 = arith.addf %add3A_541, %add3A_564 : vector<16xf32>
          %eq3A_566 = vector.broadcast %scan3A_467 : i32 to vector<16xi32>
          %eq3A_567 = arith.cmpi eq, %iota3A, %eq3A_566 : vector<16xi32>
          %xor3A_568 = arith.constant 1 : i32
          %xor3A_569 = vector.broadcast %xor3A_568 : i32 to vector<16xi32>
          %xor3A_570 = arith.xori %iota3A, %xor3A_569 : vector<16xi32>
          %broadcast_in_dim3A_571 = vector.shape_cast %xor3A_570 : vector<16xi32> to vector<16x1xi32>
          %gather3A_572 = vector.shape_cast %broadcast_in_dim3A_571 : vector<16x1xi32> to vector<16xi32>
          %gather3A_573 = tpu.dynamic_gather %add3A_565[%gather3A_572] in [0] : vector<16xf32>, vector<16xi32> -> vector<16xf32>
          %add3A_574 = arith.addf %add3A_565, %gather3A_573 : vector<16xf32>
          %xor3A_575 = arith.constant 2 : i32
          %xor3A_576 = vector.broadcast %xor3A_575 : i32 to vector<16xi32>
          %xor3A_577 = arith.xori %iota3A, %xor3A_576 : vector<16xi32>
          %broadcast_in_dim3A_578 = vector.shape_cast %xor3A_577 : vector<16xi32> to vector<16x1xi32>
          %gather3A_579 = vector.shape_cast %broadcast_in_dim3A_578 : vector<16x1xi32> to vector<16xi32>
          %gather3A_580 = tpu.dynamic_gather %add3A_574[%gather3A_579] in [0] : vector<16xf32>, vector<16xi32> -> vector<16xf32>
          %add3A_581 = arith.addf %add3A_574, %gather3A_580 : vector<16xf32>
          %xor3A_582 = arith.constant 4 : i32
          %xor3A_583 = vector.broadcast %xor3A_582 : i32 to vector<16xi32>
          %xor3A_584 = arith.xori %iota3A, %xor3A_583 : vector<16xi32>
          %broadcast_in_dim3A_585 = vector.shape_cast %xor3A_584 : vector<16xi32> to vector<16x1xi32>
          %gather3A_586 = vector.shape_cast %broadcast_in_dim3A_585 : vector<16x1xi32> to vector<16xi32>
          %gather3A_587 = tpu.dynamic_gather %add3A_581[%gather3A_586] in [0] : vector<16xf32>, vector<16xi32> -> vector<16xf32>
          %add3A_588 = arith.addf %add3A_581, %gather3A_587 : vector<16xf32>
          %xor3A_589 = arith.constant 8 : i32
          %xor3A_590 = vector.broadcast %xor3A_589 : i32 to vector<16xi32>
          %xor3A_591 = arith.xori %iota3A, %xor3A_590 : vector<16xi32>
          %broadcast_in_dim3A_592 = vector.shape_cast %xor3A_591 : vector<16xi32> to vector<16x1xi32>
          %gather3A_593 = vector.shape_cast %broadcast_in_dim3A_592 : vector<16x1xi32> to vector<16xi32>
          %gather3A_594 = tpu.dynamic_gather %add3A_588[%gather3A_593] in [0] : vector<16xf32>, vector<16xi32> -> vector<16xf32>
          %add3A_595 = arith.addf %add3A_588, %gather3A_594 : vector<16xf32>
          %select_n3A_596 = arith.select %eq3A_567, %add3A_595, %select_n3A_465 : vector<16xi1>, vector<16xf32>
          %scan3A_597 = arith.constant 2 : i32
          %scan3A_598 = arith.addi %scan3A_339, %scan3A_597 : i32
          %mul3A_599 = arith.constant 16 : i32
          %mul3A_600 = arith.muli %scan3A_270, %mul3A_599 : i32
          %add3A_601 = arith.addi %mul3A_600, %scan3A_598 : i32
          %get3A_602 = arith.index_cast %add3A_601 : i32 to index
          %get3A_603 = arith.constant 0 : index
          %get3A_604 = tpu.vector_load %arg20[%get3A_602, %get3A_603] {strides = array<i32>} : memref<128x64xi32, #tpu.memory_space<vmem>>, vector<1x16xi32>,
          %get3A_605 = vector.shape_cast %get3A_604 : vector<1x16xi32> to vector<16xi32>
          %shift_left3A_606 = arith.constant 16 : i32
          %shift_left3A_607 = vector.broadcast %shift_left3A_606 : i32 to vector<16xi32>
          %shift_left3A_608 = arith.shli %get3A_605, %shift_left3A_607 : vector<16xi32>
          %bitcast_convert_type3A_609 = tpu.bitcast %shift_left3A_608 : vector<16xi32> -> vector<16xf32>
          %and3A_610 = arith.constant -65536 : i32
          %and3A_611 = vector.broadcast %and3A_610 : i32 to vector<16xi32>
          %and3A_612 = arith.andi %get3A_605, %and3A_611 : vector<16xi32>
          %bitcast_convert_type3A_613 = tpu.bitcast %and3A_612 : vector<16xi32> -> vector<16xf32>
          %get3A_614 = arith.index_cast %add3A_601 : i32 to index
          %get3A_615 = arith.constant 0 : index
          %get3A_616 = tpu.vector_load %arg19[%get3A_614, %get3A_615] {strides = array<i32>} : memref<128x128xf32, #tpu.memory_space<vmem>>, vector<1x16xf32>,
          %get3A_617 = vector.shape_cast %get3A_616 : vector<1x16xf32> to vector<16xf32>
          %get3A_618 = arith.index_cast %add3A_601 : i32 to index
          %get3A_619 = arith.constant 64 : index
          %get3A_620 = tpu.vector_load %arg19[%get3A_618, %get3A_619] {strides = array<i32>} : memref<128x128xf32, #tpu.memory_space<vmem>>, vector<1x16xf32>,
          %get3A_621 = vector.shape_cast %get3A_620 : vector<1x16xf32> to vector<16xf32>
          %mul3A_622 = arith.mulf %get3A_617, %bitcast_convert_type3A_609 : vector<16xf32>
          %mul3A_623 = arith.mulf %get3A_621, %bitcast_convert_type3A_613 : vector<16xf32>
          %add3A_624 = arith.addf %mul3A_622, %mul3A_623 : vector<16xf32>
          %get3A_625 = arith.index_cast %add3A_601 : i32 to index
          %get3A_626 = arith.constant 16 : index
          %get3A_627 = tpu.vector_load %arg20[%get3A_625, %get3A_626] {strides = array<i32>} : memref<128x64xi32, #tpu.memory_space<vmem>>, vector<1x16xi32>,
          %get3A_628 = vector.shape_cast %get3A_627 : vector<1x16xi32> to vector<16xi32>
          %shift_left3A_629 = arith.constant 16 : i32
          %shift_left3A_630 = vector.broadcast %shift_left3A_629 : i32 to vector<16xi32>
          %shift_left3A_631 = arith.shli %get3A_628, %shift_left3A_630 : vector<16xi32>
          %bitcast_convert_type3A_632 = tpu.bitcast %shift_left3A_631 : vector<16xi32> -> vector<16xf32>
          %and3A_633 = arith.constant -65536 : i32
          %and3A_634 = vector.broadcast %and3A_633 : i32 to vector<16xi32>
          %and3A_635 = arith.andi %get3A_628, %and3A_634 : vector<16xi32>
          %bitcast_convert_type3A_636 = tpu.bitcast %and3A_635 : vector<16xi32> -> vector<16xf32>
          %get3A_637 = arith.index_cast %add3A_601 : i32 to index
          %get3A_638 = arith.constant 16 : index
          %get3A_639 = tpu.vector_load %arg19[%get3A_637, %get3A_638] {strides = array<i32>} : memref<128x128xf32, #tpu.memory_space<vmem>>, vector<1x16xf32>,
          %get3A_640 = vector.shape_cast %get3A_639 : vector<1x16xf32> to vector<16xf32>
          %get3A_641 = arith.index_cast %add3A_601 : i32 to index
          %get3A_642 = arith.constant 80 : index
          %get3A_643 = tpu.vector_load %arg19[%get3A_641, %get3A_642] {strides = array<i32>} : memref<128x128xf32, #tpu.memory_space<vmem>>, vector<1x16xf32>,
          %get3A_644 = vector.shape_cast %get3A_643 : vector<1x16xf32> to vector<16xf32>
          %mul3A_645 = arith.mulf %get3A_640, %bitcast_convert_type3A_632 : vector<16xf32>
          %mul3A_646 = arith.mulf %get3A_644, %bitcast_convert_type3A_636 : vector<16xf32>
          %add3A_647 = arith.addf %mul3A_645, %mul3A_646 : vector<16xf32>
          %add3A_648 = arith.addf %add3A_624, %add3A_647 : vector<16xf32>
          %get3A_649 = arith.index_cast %add3A_601 : i32 to index
          %get3A_650 = arith.constant 32 : index
          %get3A_651 = tpu.vector_load %arg20[%get3A_649, %get3A_650] {strides = array<i32>} : memref<128x64xi32, #tpu.memory_space<vmem>>, vector<1x16xi32>,
          %get3A_652 = vector.shape_cast %get3A_651 : vector<1x16xi32> to vector<16xi32>
          %shift_left3A_653 = arith.constant 16 : i32
          %shift_left3A_654 = vector.broadcast %shift_left3A_653 : i32 to vector<16xi32>
          %shift_left3A_655 = arith.shli %get3A_652, %shift_left3A_654 : vector<16xi32>
          %bitcast_convert_type3A_656 = tpu.bitcast %shift_left3A_655 : vector<16xi32> -> vector<16xf32>
          %and3A_657 = arith.constant -65536 : i32
          %and3A_658 = vector.broadcast %and3A_657 : i32 to vector<16xi32>
          %and3A_659 = arith.andi %get3A_652, %and3A_658 : vector<16xi32>
          %bitcast_convert_type3A_660 = tpu.bitcast %and3A_659 : vector<16xi32> -> vector<16xf32>
          %get3A_661 = arith.index_cast %add3A_601 : i32 to index
          %get3A_662 = arith.constant 32 : index
          %get3A_663 = tpu.vector_load %arg19[%get3A_661, %get3A_662] {strides = array<i32>} : memref<128x128xf32, #tpu.memory_space<vmem>>, vector<1x16xf32>,
          %get3A_664 = vector.shape_cast %get3A_663 : vector<1x16xf32> to vector<16xf32>
          %get3A_665 = arith.index_cast %add3A_601 : i32 to index
          %get3A_666 = arith.constant 96 : index
          %get3A_667 = tpu.vector_load %arg19[%get3A_665, %get3A_666] {strides = array<i32>} : memref<128x128xf32, #tpu.memory_space<vmem>>, vector<1x16xf32>,
          %get3A_668 = vector.shape_cast %get3A_667 : vector<1x16xf32> to vector<16xf32>
          %mul3A_669 = arith.mulf %get3A_664, %bitcast_convert_type3A_656 : vector<16xf32>
          %mul3A_670 = arith.mulf %get3A_668, %bitcast_convert_type3A_660 : vector<16xf32>
          %add3A_671 = arith.addf %mul3A_669, %mul3A_670 : vector<16xf32>
          %add3A_672 = arith.addf %add3A_648, %add3A_671 : vector<16xf32>
          %get3A_673 = arith.index_cast %add3A_601 : i32 to index
          %get3A_674 = arith.constant 48 : index
          %get3A_675 = tpu.vector_load %arg20[%get3A_673, %get3A_674] {strides = array<i32>} : memref<128x64xi32, #tpu.memory_space<vmem>>, vector<1x16xi32>,
          %get3A_676 = vector.shape_cast %get3A_675 : vector<1x16xi32> to vector<16xi32>
          %shift_left3A_677 = arith.constant 16 : i32
          %shift_left3A_678 = vector.broadcast %shift_left3A_677 : i32 to vector<16xi32>
          %shift_left3A_679 = arith.shli %get3A_676, %shift_left3A_678 : vector<16xi32>
          %bitcast_convert_type3A_680 = tpu.bitcast %shift_left3A_679 : vector<16xi32> -> vector<16xf32>
          %and3A_681 = arith.constant -65536 : i32
          %and3A_682 = vector.broadcast %and3A_681 : i32 to vector<16xi32>
          %and3A_683 = arith.andi %get3A_676, %and3A_682 : vector<16xi32>
          %bitcast_convert_type3A_684 = tpu.bitcast %and3A_683 : vector<16xi32> -> vector<16xf32>
          %get3A_685 = arith.index_cast %add3A_601 : i32 to index
          %get3A_686 = arith.constant 48 : index
          %get3A_687 = tpu.vector_load %arg19[%get3A_685, %get3A_686] {strides = array<i32>} : memref<128x128xf32, #tpu.memory_space<vmem>>, vector<1x16xf32>,
          %get3A_688 = vector.shape_cast %get3A_687 : vector<1x16xf32> to vector<16xf32>
          %get3A_689 = arith.index_cast %add3A_601 : i32 to index
          %get3A_690 = arith.constant 112 : index
          %get3A_691 = tpu.vector_load %arg19[%get3A_689, %get3A_690] {strides = array<i32>} : memref<128x128xf32, #tpu.memory_space<vmem>>, vector<1x16xf32>,
          %get3A_692 = vector.shape_cast %get3A_691 : vector<1x16xf32> to vector<16xf32>
          %mul3A_693 = arith.mulf %get3A_688, %bitcast_convert_type3A_680 : vector<16xf32>
          %mul3A_694 = arith.mulf %get3A_692, %bitcast_convert_type3A_684 : vector<16xf32>
          %add3A_695 = arith.addf %mul3A_693, %mul3A_694 : vector<16xf32>
          %add3A_696 = arith.addf %add3A_672, %add3A_695 : vector<16xf32>
          %eq3A_697 = vector.broadcast %scan3A_598 : i32 to vector<16xi32>
          %eq3A_698 = arith.cmpi eq, %iota3A, %eq3A_697 : vector<16xi32>
          %xor3A_699 = arith.constant 1 : i32
          %xor3A_700 = vector.broadcast %xor3A_699 : i32 to vector<16xi32>
          %xor3A_701 = arith.xori %iota3A, %xor3A_700 : vector<16xi32>
          %broadcast_in_dim3A_702 = vector.shape_cast %xor3A_701 : vector<16xi32> to vector<16x1xi32>
          %gather3A_703 = vector.shape_cast %broadcast_in_dim3A_702 : vector<16x1xi32> to vector<16xi32>
          %gather3A_704 = tpu.dynamic_gather %add3A_696[%gather3A_703] in [0] : vector<16xf32>, vector<16xi32> -> vector<16xf32>
          %add3A_705 = arith.addf %add3A_696, %gather3A_704 : vector<16xf32>
          %xor3A_706 = arith.constant 2 : i32
          %xor3A_707 = vector.broadcast %xor3A_706 : i32 to vector<16xi32>
          %xor3A_708 = arith.xori %iota3A, %xor3A_707 : vector<16xi32>
          %broadcast_in_dim3A_709 = vector.shape_cast %xor3A_708 : vector<16xi32> to vector<16x1xi32>
          %gather3A_710 = vector.shape_cast %broadcast_in_dim3A_709 : vector<16x1xi32> to vector<16xi32>
          %gather3A_711 = tpu.dynamic_gather %add3A_705[%gather3A_710] in [0] : vector<16xf32>, vector<16xi32> -> vector<16xf32>
          %add3A_712 = arith.addf %add3A_705, %gather3A_711 : vector<16xf32>
          %xor3A_713 = arith.constant 4 : i32
          %xor3A_714 = vector.broadcast %xor3A_713 : i32 to vector<16xi32>
          %xor3A_715 = arith.xori %iota3A, %xor3A_714 : vector<16xi32>
          %broadcast_in_dim3A_716 = vector.shape_cast %xor3A_715 : vector<16xi32> to vector<16x1xi32>
          %gather3A_717 = vector.shape_cast %broadcast_in_dim3A_716 : vector<16x1xi32> to vector<16xi32>
          %gather3A_718 = tpu.dynamic_gather %add3A_712[%gather3A_717] in [0] : vector<16xf32>, vector<16xi32> -> vector<16xf32>
          %add3A_719 = arith.addf %add3A_712, %gather3A_718 : vector<16xf32>
          %xor3A_720 = arith.constant 8 : i32
          %xor3A_721 = vector.broadcast %xor3A_720 : i32 to vector<16xi32>
          %xor3A_722 = arith.xori %iota3A, %xor3A_721 : vector<16xi32>
          %broadcast_in_dim3A_723 = vector.shape_cast %xor3A_722 : vector<16xi32> to vector<16x1xi32>
          %gather3A_724 = vector.shape_cast %broadcast_in_dim3A_723 : vector<16x1xi32> to vector<16xi32>
          %gather3A_725 = tpu.dynamic_gather %add3A_719[%gather3A_724] in [0] : vector<16xf32>, vector<16xi32> -> vector<16xf32>
          %add3A_726 = arith.addf %add3A_719, %gather3A_725 : vector<16xf32>
          %select_n3A_727 = arith.select %eq3A_698, %add3A_726, %select_n3A_596 : vector<16xi1>, vector<16xf32>
          %scan3A_728 = arith.constant 3 : i32
          %scan3A_729 = arith.addi %scan3A_339, %scan3A_728 : i32
          %mul3A_730 = arith.constant 16 : i32
          %mul3A_731 = arith.muli %scan3A_270, %mul3A_730 : i32
          %add3A_732 = arith.addi %mul3A_731, %scan3A_729 : i32
          %get3A_733 = arith.index_cast %add3A_732 : i32 to index
          %get3A_734 = arith.constant 0 : index
          %get3A_735 = tpu.vector_load %arg20[%get3A_733, %get3A_734] {strides = array<i32>} : memref<128x64xi32, #tpu.memory_space<vmem>>, vector<1x16xi32>,
          %get3A_736 = vector.shape_cast %get3A_735 : vector<1x16xi32> to vector<16xi32>
          %shift_left3A_737 = arith.constant 16 : i32
          %shift_left3A_738 = vector.broadcast %shift_left3A_737 : i32 to vector<16xi32>
          %shift_left3A_739 = arith.shli %get3A_736, %shift_left3A_738 : vector<16xi32>
          %bitcast_convert_type3A_740 = tpu.bitcast %shift_left3A_739 : vector<16xi32> -> vector<16xf32>
          %and3A_741 = arith.constant -65536 : i32
          %and3A_742 = vector.broadcast %and3A_741 : i32 to vector<16xi32>
          %and3A_743 = arith.andi %get3A_736, %and3A_742 : vector<16xi32>
          %bitcast_convert_type3A_744 = tpu.bitcast %and3A_743 : vector<16xi32> -> vector<16xf32>
          %get3A_745 = arith.index_cast %add3A_732 : i32 to index
          %get3A_746 = arith.constant 0 : index
          %get3A_747 = tpu.vector_load %arg19[%get3A_745, %get3A_746] {strides = array<i32>} : memref<128x128xf32, #tpu.memory_space<vmem>>, vector<1x16xf32>,
          %get3A_748 = vector.shape_cast %get3A_747 : vector<1x16xf32> to vector<16xf32>
          %get3A_749 = arith.index_cast %add3A_732 : i32 to index
          %get3A_750 = arith.constant 64 : index
          %get3A_751 = tpu.vector_load %arg19[%get3A_749, %get3A_750] {strides = array<i32>} : memref<128x128xf32, #tpu.memory_space<vmem>>, vector<1x16xf32>,
          %get3A_752 = vector.shape_cast %get3A_751 : vector<1x16xf32> to vector<16xf32>
          %mul3A_753 = arith.mulf %get3A_748, %bitcast_convert_type3A_740 : vector<16xf32>
          %mul3A_754 = arith.mulf %get3A_752, %bitcast_convert_type3A_744 : vector<16xf32>
          %add3A_755 = arith.addf %mul3A_753, %mul3A_754 : vector<16xf32>
          %get3A_756 = arith.index_cast %add3A_732 : i32 to index
          %get3A_757 = arith.constant 16 : index
          %get3A_758 = tpu.vector_load %arg20[%get3A_756, %get3A_757] {strides = array<i32>} : memref<128x64xi32, #tpu.memory_space<vmem>>, vector<1x16xi32>,
          %get3A_759 = vector.shape_cast %get3A_758 : vector<1x16xi32> to vector<16xi32>
          %shift_left3A_760 = arith.constant 16 : i32
          %shift_left3A_761 = vector.broadcast %shift_left3A_760 : i32 to vector<16xi32>
          %shift_left3A_762 = arith.shli %get3A_759, %shift_left3A_761 : vector<16xi32>
          %bitcast_convert_type3A_763 = tpu.bitcast %shift_left3A_762 : vector<16xi32> -> vector<16xf32>
          %and3A_764 = arith.constant -65536 : i32
          %and3A_765 = vector.broadcast %and3A_764 : i32 to vector<16xi32>
          %and3A_766 = arith.andi %get3A_759, %and3A_765 : vector<16xi32>
          %bitcast_convert_type3A_767 = tpu.bitcast %and3A_766 : vector<16xi32> -> vector<16xf32>
          %get3A_768 = arith.index_cast %add3A_732 : i32 to index
          %get3A_769 = arith.constant 16 : index
          %get3A_770 = tpu.vector_load %arg19[%get3A_768, %get3A_769] {strides = array<i32>} : memref<128x128xf32, #tpu.memory_space<vmem>>, vector<1x16xf32>,
          %get3A_771 = vector.shape_cast %get3A_770 : vector<1x16xf32> to vector<16xf32>
          %get3A_772 = arith.index_cast %add3A_732 : i32 to index
          %get3A_773 = arith.constant 80 : index
          %get3A_774 = tpu.vector_load %arg19[%get3A_772, %get3A_773] {strides = array<i32>} : memref<128x128xf32, #tpu.memory_space<vmem>>, vector<1x16xf32>,
          %get3A_775 = vector.shape_cast %get3A_774 : vector<1x16xf32> to vector<16xf32>
          %mul3A_776 = arith.mulf %get3A_771, %bitcast_convert_type3A_763 : vector<16xf32>
          %mul3A_777 = arith.mulf %get3A_775, %bitcast_convert_type3A_767 : vector<16xf32>
          %add3A_778 = arith.addf %mul3A_776, %mul3A_777 : vector<16xf32>
          %add3A_779 = arith.addf %add3A_755, %add3A_778 : vector<16xf32>
          %get3A_780 = arith.index_cast %add3A_732 : i32 to index
          %get3A_781 = arith.constant 32 : index
          %get3A_782 = tpu.vector_load %arg20[%get3A_780, %get3A_781] {strides = array<i32>} : memref<128x64xi32, #tpu.memory_space<vmem>>, vector<1x16xi32>,
          %get3A_783 = vector.shape_cast %get3A_782 : vector<1x16xi32> to vector<16xi32>
          %shift_left3A_784 = arith.constant 16 : i32
          %shift_left3A_785 = vector.broadcast %shift_left3A_784 : i32 to vector<16xi32>
          %shift_left3A_786 = arith.shli %get3A_783, %shift_left3A_785 : vector<16xi32>
          %bitcast_convert_type3A_787 = tpu.bitcast %shift_left3A_786 : vector<16xi32> -> vector<16xf32>
          %and3A_788 = arith.constant -65536 : i32
          %and3A_789 = vector.broadcast %and3A_788 : i32 to vector<16xi32>
          %and3A_790 = arith.andi %get3A_783, %and3A_789 : vector<16xi32>
          %bitcast_convert_type3A_791 = tpu.bitcast %and3A_790 : vector<16xi32> -> vector<16xf32>
          %get3A_792 = arith.index_cast %add3A_732 : i32 to index
          %get3A_793 = arith.constant 32 : index
          %get3A_794 = tpu.vector_load %arg19[%get3A_792, %get3A_793] {strides = array<i32>} : memref<128x128xf32, #tpu.memory_space<vmem>>, vector<1x16xf32>,
          %get3A_795 = vector.shape_cast %get3A_794 : vector<1x16xf32> to vector<16xf32>
          %get3A_796 = arith.index_cast %add3A_732 : i32 to index
          %get3A_797 = arith.constant 96 : index
          %get3A_798 = tpu.vector_load %arg19[%get3A_796, %get3A_797] {strides = array<i32>} : memref<128x128xf32, #tpu.memory_space<vmem>>, vector<1x16xf32>,
          %get3A_799 = vector.shape_cast %get3A_798 : vector<1x16xf32> to vector<16xf32>
          %mul3A_800 = arith.mulf %get3A_795, %bitcast_convert_type3A_787 : vector<16xf32>
          %mul3A_801 = arith.mulf %get3A_799, %bitcast_convert_type3A_791 : vector<16xf32>
          %add3A_802 = arith.addf %mul3A_800, %mul3A_801 : vector<16xf32>
          %add3A_803 = arith.addf %add3A_779, %add3A_802 : vector<16xf32>
          %get3A_804 = arith.index_cast %add3A_732 : i32 to index
          %get3A_805 = arith.constant 48 : index
          %get3A_806 = tpu.vector_load %arg20[%get3A_804, %get3A_805] {strides = array<i32>} : memref<128x64xi32, #tpu.memory_space<vmem>>, vector<1x16xi32>,
          %get3A_807 = vector.shape_cast %get3A_806 : vector<1x16xi32> to vector<16xi32>
          %shift_left3A_808 = arith.constant 16 : i32
          %shift_left3A_809 = vector.broadcast %shift_left3A_808 : i32 to vector<16xi32>
          %shift_left3A_810 = arith.shli %get3A_807, %shift_left3A_809 : vector<16xi32>
          %bitcast_convert_type3A_811 = tpu.bitcast %shift_left3A_810 : vector<16xi32> -> vector<16xf32>
          %and3A_812 = arith.constant -65536 : i32
          %and3A_813 = vector.broadcast %and3A_812 : i32 to vector<16xi32>
          %and3A_814 = arith.andi %get3A_807, %and3A_813 : vector<16xi32>
          %bitcast_convert_type3A_815 = tpu.bitcast %and3A_814 : vector<16xi32> -> vector<16xf32>
          %get3A_816 = arith.index_cast %add3A_732 : i32 to index
          %get3A_817 = arith.constant 48 : index
          %get3A_818 = tpu.vector_load %arg19[%get3A_816, %get3A_817] {strides = array<i32>} : memref<128x128xf32, #tpu.memory_space<vmem>>, vector<1x16xf32>,
          %get3A_819 = vector.shape_cast %get3A_818 : vector<1x16xf32> to vector<16xf32>
          %get3A_820 = arith.index_cast %add3A_732 : i32 to index
          %get3A_821 = arith.constant 112 : index
          %get3A_822 = tpu.vector_load %arg19[%get3A_820, %get3A_821] {strides = array<i32>} : memref<128x128xf32, #tpu.memory_space<vmem>>, vector<1x16xf32>,
          %get3A_823 = vector.shape_cast %get3A_822 : vector<1x16xf32> to vector<16xf32>
          %mul3A_824 = arith.mulf %get3A_819, %bitcast_convert_type3A_811 : vector<16xf32>
          %mul3A_825 = arith.mulf %get3A_823, %bitcast_convert_type3A_815 : vector<16xf32>
          %add3A_826 = arith.addf %mul3A_824, %mul3A_825 : vector<16xf32>
          %add3A_827 = arith.addf %add3A_803, %add3A_826 : vector<16xf32>
          %eq3A_828 = vector.broadcast %scan3A_729 : i32 to vector<16xi32>
          %eq3A_829 = arith.cmpi eq, %iota3A, %eq3A_828 : vector<16xi32>
          %xor3A_830 = arith.constant 1 : i32
          %xor3A_831 = vector.broadcast %xor3A_830 : i32 to vector<16xi32>
          %xor3A_832 = arith.xori %iota3A, %xor3A_831 : vector<16xi32>
          %broadcast_in_dim3A_833 = vector.shape_cast %xor3A_832 : vector<16xi32> to vector<16x1xi32>
          %gather3A_834 = vector.shape_cast %broadcast_in_dim3A_833 : vector<16x1xi32> to vector<16xi32>
          %gather3A_835 = tpu.dynamic_gather %add3A_827[%gather3A_834] in [0] : vector<16xf32>, vector<16xi32> -> vector<16xf32>
          %add3A_836 = arith.addf %add3A_827, %gather3A_835 : vector<16xf32>
          %xor3A_837 = arith.constant 2 : i32
          %xor3A_838 = vector.broadcast %xor3A_837 : i32 to vector<16xi32>
          %xor3A_839 = arith.xori %iota3A, %xor3A_838 : vector<16xi32>
          %broadcast_in_dim3A_840 = vector.shape_cast %xor3A_839 : vector<16xi32> to vector<16x1xi32>
          %gather3A_841 = vector.shape_cast %broadcast_in_dim3A_840 : vector<16x1xi32> to vector<16xi32>
          %gather3A_842 = tpu.dynamic_gather %add3A_836[%gather3A_841] in [0] : vector<16xf32>, vector<16xi32> -> vector<16xf32>
          %add3A_843 = arith.addf %add3A_836, %gather3A_842 : vector<16xf32>
          %xor3A_844 = arith.constant 4 : i32
          %xor3A_845 = vector.broadcast %xor3A_844 : i32 to vector<16xi32>
          %xor3A_846 = arith.xori %iota3A, %xor3A_845 : vector<16xi32>
          %broadcast_in_dim3A_847 = vector.shape_cast %xor3A_846 : vector<16xi32> to vector<16x1xi32>
          %gather3A_848 = vector.shape_cast %broadcast_in_dim3A_847 : vector<16x1xi32> to vector<16xi32>
          %gather3A_849 = tpu.dynamic_gather %add3A_843[%gather3A_848] in [0] : vector<16xf32>, vector<16xi32> -> vector<16xf32>
          %add3A_850 = arith.addf %add3A_843, %gather3A_849 : vector<16xf32>
          %xor3A_851 = arith.constant 8 : i32
          %xor3A_852 = vector.broadcast %xor3A_851 : i32 to vector<16xi32>
          %xor3A_853 = arith.xori %iota3A, %xor3A_852 : vector<16xi32>
          %broadcast_in_dim3A_854 = vector.shape_cast %xor3A_853 : vector<16xi32> to vector<16x1xi32>
          %gather3A_855 = vector.shape_cast %broadcast_in_dim3A_854 : vector<16x1xi32> to vector<16xi32>
          %gather3A_856 = tpu.dynamic_gather %add3A_850[%gather3A_855] in [0] : vector<16xf32>, vector<16xi32> -> vector<16xf32>
          %add3A_857 = arith.addf %add3A_850, %gather3A_856 : vector<16xf32>
          %select_n3A_858 = arith.select %eq3A_829, %add3A_857, %select_n3A_727 : vector<16xi1>, vector<16xf32>
          scf.yield %select_n3A_858 : vector<16xf32>
        }
        %scan3A_279 = arith.constant 16 : i32
        %sub3A_280 = arith.constant -0.00320545211 : f32
        %sub3A_281 = vector.broadcast %sub3A_280 : f32 to vector<16xf32>
        %sub3A_282 = arith.subf %sub3A_281, %scan3A_278 : vector<16xf32>
        %exp3A = math.exp %sub3A_282 : vector<16xf32>
        %sub3A_283 = arith.constant 1.000000e+00 : f32
        %sub3A_284 = vector.broadcast %sub3A_283 : f32 to vector<16xf32>
        %sub3A_285 = arith.subf %sub3A_284, %exp3A : vector<16xf32>
        %bitcast_convert_type3A = tpu.bitcast %sub3A_285 : vector<16xf32> -> vector<16xi32>
        %shift_right_arithmetic3A = arith.constant 23 : i32
        %shift_right_arithmetic3A_286 = vector.broadcast %shift_right_arithmetic3A : i32 to vector<16xi32>
        %shift_right_arithmetic3A_287 = arith.shrsi %bitcast_convert_type3A, %shift_right_arithmetic3A_286 : vector<16xi32>
        %and3A_288 = arith.constant 255 : i32
        %and3A_289 = vector.broadcast %and3A_288 : i32 to vector<16xi32>
        %and3A_290 = arith.andi %shift_right_arithmetic3A_287, %and3A_289 : vector<16xi32>
        %sub3A_291 = arith.constant 127 : i32
        %sub3A_292 = vector.broadcast %sub3A_291 : i32 to vector<16xi32>
        %sub3A_293 = arith.subi %and3A_290, %sub3A_292 : vector<16xi32>
        %and3A_294 = arith.constant 8388607 : i32
        %and3A_295 = vector.broadcast %and3A_294 : i32 to vector<16xi32>
        %and3A_296 = arith.andi %bitcast_convert_type3A, %and3A_295 : vector<16xi32>
        %or3A = arith.constant 1065353216 : i32
        %or3A_297 = vector.broadcast %or3A : i32 to vector<16xi32>
        %or3A_298 = arith.ori %and3A_296, %or3A_297 : vector<16xi32>
        %bitcast_convert_type3A_299 = tpu.bitcast %or3A_298 : vector<16xi32> -> vector<16xf32>
        %gt3A = arith.constant 1.41421354 : f32
        %gt3A_300 = vector.broadcast %gt3A : f32 to vector<16xf32>
        %gt3A_301 = arith.cmpf ogt, %bitcast_convert_type3A_299, %gt3A_300 : vector<16xf32>
        %mul3A_302 = arith.constant 5.000000e-01 : f32
        %mul3A_303 = vector.broadcast %mul3A_302 : f32 to vector<16xf32>
        %mul3A_304 = arith.mulf %bitcast_convert_type3A_299, %mul3A_303 : vector<16xf32>
        %select_n3A_305 = arith.select %gt3A_301, %mul3A_304, %bitcast_convert_type3A_299 : vector<16xi1>, vector<16xf32>
        %add3A_306 = arith.constant 1 : i32
        %add3A_307 = vector.broadcast %add3A_306 : i32 to vector<16xi32>
        %add3A_308 = arith.addi %sub3A_293, %add3A_307 : vector<16xi32>
        %select_n3A_309 = arith.select %gt3A_301, %add3A_308, %sub3A_293 : vector<16xi1>, vector<16xi32>
        %sub3A_310 = arith.constant 1.000000e+00 : f32
        %sub3A_311 = vector.broadcast %sub3A_310 : f32 to vector<16xf32>
        %sub3A_312 = arith.subf %select_n3A_305, %sub3A_311 : vector<16xf32>
        %add3A_313 = arith.constant 1.000000e+00 : f32
        %add3A_314 = vector.broadcast %add3A_313 : f32 to vector<16xf32>
        %add3A_315 = arith.addf %select_n3A_305, %add3A_314 : vector<16xf32>
        %div3A_316 = arith.divf %sub3A_312, %add3A_315 : vector<16xf32>
        %mul3A_317 = arith.mulf %div3A_316, %div3A_316 : vector<16xf32>
        %mul3A_318 = arith.constant 0.285714298 : f32
        %mul3A_319 = vector.broadcast %mul3A_318 : f32 to vector<16xf32>
        %mul3A_320 = arith.mulf %mul3A_317, %mul3A_319 : vector<16xf32>
        %add3A_321 = arith.constant 4.000000e-01 : f32
        %add3A_322 = vector.broadcast %add3A_321 : f32 to vector<16xf32>
        %add3A_323 = arith.addf %add3A_322, %mul3A_320 : vector<16xf32>
        %mul3A_324 = arith.mulf %mul3A_317, %add3A_323 : vector<16xf32>
        %add3A_325 = arith.constant 0.666666686 : f32
        %add3A_326 = vector.broadcast %add3A_325 : f32 to vector<16xf32>
        %add3A_327 = arith.addf %add3A_326, %mul3A_324 : vector<16xf32>
        %mul3A_328 = arith.mulf %mul3A_317, %add3A_327 : vector<16xf32>
        %add3A_329 = arith.constant 2.000000e+00 : f32
        %add3A_330 = vector.broadcast %add3A_329 : f32 to vector<16xf32>
        %add3A_331 = arith.addf %add3A_330, %mul3A_328 : vector<16xf32>
        %mul3A_332 = arith.mulf %div3A_316, %add3A_331 : vector<16xf32>
        %convert_element_type3A_333 = arith.sitofp %select_n3A_309 : vector<16xi32> to vector<16xf32>
        %mul3A_334 = arith.constant 0.693147182 : f32
        %mul3A_335 = vector.broadcast %mul3A_334 : f32 to vector<16xf32>
        %mul3A_336 = arith.mulf %convert_element_type3A_333, %mul3A_335 : vector<16xf32>
        %add3A_337 = arith.addf %mul3A_336, %mul3A_332 : vector<16xf32>
        %add3A_338 = arith.addf %scan3A_271, %add3A_337 : vector<16xf32>
        scf.yield %add3A_338 : vector<16xf32>
      }
      %scan3A_248 = arith.constant 8 : i32
      %add3A_249 = arith.constant 2 : i32
      %add3A_250 = arith.addi %add3A_222, %add3A_249 : i32
      %lt3A_251 = arith.cmpi slt, %add3A_250, %select_n3A : i32
      %convert_element_type3A_252 = arith.extui %lt3A_251 : i1 to i32
      %cond3A_253 = arith.constant 0 : i32
      %cond3A_254 = arith.cmpi ne, %convert_element_type3A_252, %cond3A_253 : i32
      scf.if %cond3A_254 {
        %add3A_270 = arith.constant 2 : i32
        %add3A_271 = arith.addi %add3A_222, %add3A_270 : i32
        %and3A_272 = arith.constant 31 : i32
        %and3A_273 = arith.andi %add3A_271, %and3A_272 : i32
        %mul3A_274 = arith.constant 128 : i32
        %mul3A_275 = arith.muli %and3A_273, %mul3A_274 : i32
        %dma_start3A_276 = tpu.memref_slice %arg11[%mul3A_275] : memref<4096xi32, #tpu.memory_space<vmem>> -> memref<128xi32, #tpu.memory_space<vmem>>
        %dma_start3A_277 = arith.constant 0 : i32
        %dma_start3A_278 = arith.constant 0 : i32
        %dma_start3A_279 = tpu.memref_slice %arg6[%dma_start3A_277, %dma_start3A_278] : memref<10000x128xf32, #tpu.memory_space<hbm>> -> memref<10000x128xf32, #tpu.memory_space<hbm>>
        tpu.enqueue_indirect_dma source(%dma_start3A_279 : memref<10000x128xf32, #tpu.memory_space<hbm>>) target(%arg19 : memref<128x128xf32, #tpu.memory_space<vmem>>) offsets(%dma_start3A_276 : memref<128xi32, #tpu.memory_space<vmem>>) semaphore(%arg25 : memref<!tpu.dma_semaphore, #tpu.memory_space<semaphore_mem>>)
        %mul3A_280 = arith.constant 128 : i32
        %mul3A_281 = arith.muli %and3A_273, %mul3A_280 : i32
        %dma_start3A_282 = tpu.memref_slice %arg12[%mul3A_281] : memref<4096xi32, #tpu.memory_space<vmem>> -> memref<128xi32, #tpu.memory_space<vmem>>
        %dma_start3A_283 = arith.constant 0 : i32
        %dma_start3A_284 = arith.constant 0 : i32
        %dma_start3A_285 = tpu.memref_slice %arg7[%dma_start3A_283, %dma_start3A_284] : memref<10000x64xi32, #tpu.memory_space<hbm>> -> memref<10000x64xi32, #tpu.memory_space<hbm>>
        tpu.enqueue_indirect_dma source(%dma_start3A_285 : memref<10000x64xi32, #tpu.memory_space<hbm>>) target(%arg20 : memref<128x64xi32, #tpu.memory_space<vmem>>) offsets(%dma_start3A_282 : memref<128xi32, #tpu.memory_space<vmem>>) semaphore(%arg25 : memref<!tpu.dma_semaphore, #tpu.memory_space<semaphore_mem>>)
      } else {
      }
      %dma_wait3A_255 = arith.constant 0 : i32
      %dma_wait3A_256 = arith.constant 0 : i32
      %dma_wait3A_257 = tpu.memref_slice %arg22[%dma_wait3A_255, %dma_wait3A_256] : memref<10240x128xbf16, #tpu.memory_space<vmem_shared>> -> memref<10240x128xbf16, #tpu.memory_space<vmem_shared>>
      tpu.wait_indirect_dma semaphore(%arg29 : memref<!tpu.dma_semaphore, #tpu.memory_space<semaphore_mem>>) src(%arg21 : memref<128x128xbf16, #tpu.memory_space<vmem>>) dst(%dma_wait3A_257 : memref<10240x128xbf16, #tpu.memory_space<vmem_shared>>)
      %add3A_258 = arith.constant 2 : i32
      %add3A_259 = arith.addi %add3A_222, %add3A_258 : i32
      %lt3A_260 = arith.cmpi slt, %add3A_259, %select_n3A : i32
      %convert_element_type3A_261 = arith.extui %lt3A_260 : i1 to i32
      %cond3A_262 = arith.constant 0 : i32
      %cond3A_263 = arith.cmpi ne, %convert_element_type3A_261, %cond3A_262 : i32
      scf.if %cond3A_263 {
        %add3A_270 = arith.constant 2 : i32
        %add3A_271 = arith.addi %add3A_222, %add3A_270 : i32
        %add3A_272 = arith.addi %select_n3A_12, %add3A_271 : i32
        %mul3A_273 = arith.constant 128 : i32
        %mul3A_274 = arith.muli %add3A_272, %mul3A_273 : i32
        %dma_start3A_275 = tpu.memref_slice %arg4[%mul3A_274] : memref<320256xi32, #tpu.memory_space<hbm>> -> memref<128xi32, #tpu.memory_space<hbm>>
        %dma_start3A_276 = tpu.memref_slice %arg4[%mul3A_274] : memref<320256xi32, #tpu.memory_space<hbm>> -> memref<128xi32, #tpu.memory_space<hbm>>
        tpu.enqueue_dma source(%dma_start3A_276 : memref<128xi32, #tpu.memory_space<hbm>>) target(%arg15 : memref<128xi32, #tpu.memory_space<vmem>>) target_semaphore(%arg28 : memref<!tpu.dma_semaphore, #tpu.memory_space<semaphore_mem>>)
        %add3A_277 = arith.addi %select_n3A_12, %add3A_271 : i32
        %mul3A_278 = arith.constant 128 : i32
        %mul3A_279 = arith.muli %add3A_277, %mul3A_278 : i32
        %dma_start3A_280 = tpu.memref_slice %arg5[%mul3A_279] : memref<320256xi32, #tpu.memory_space<hbm>> -> memref<128xi32, #tpu.memory_space<hbm>>
        %dma_start3A_281 = tpu.memref_slice %arg5[%mul3A_279] : memref<320256xi32, #tpu.memory_space<hbm>> -> memref<128xi32, #tpu.memory_space<hbm>>
        tpu.enqueue_dma source(%dma_start3A_281 : memref<128xi32, #tpu.memory_space<hbm>>) target(%arg16 : memref<128xi32, #tpu.memory_space<vmem>>) target_semaphore(%arg28 : memref<!tpu.dma_semaphore, #tpu.memory_space<semaphore_mem>>)
      } else {
      }
      %add3A_264 = arith.constant 1 : i32
      %add3A_265 = arith.addi %add3A_222, %add3A_264 : i32
      %lt3A_266 = arith.cmpi slt, %add3A_265, %select_n3A : i32
      %convert_element_type3A_267 = arith.extui %lt3A_266 : i1 to i32
      %cond3A_268 = arith.constant 0 : i32
      %cond3A_269 = arith.cmpi ne, %convert_element_type3A_267, %cond3A_268 : i32
      scf.if %cond3A_269 {
        %add3A_270 = arith.constant 1 : i32
        %add3A_271 = arith.addi %add3A_222, %add3A_270 : i32
        %add3A_272 = arith.addi %select_n3A_12, %add3A_271 : i32
        %mul3A_273 = arith.constant 128 : i32
        %mul3A_274 = arith.muli %add3A_272, %mul3A_273 : i32
        %dma_wait3A_275 = tpu.memref_slice %arg4[%mul3A_274] : memref<320256xi32, #tpu.memory_space<hbm>> -> memref<128xi32, #tpu.memory_space<hbm>>
        %dma_wait3A_276 = tpu.memref_slice %arg4[%mul3A_274] : memref<320256xi32, #tpu.memory_space<hbm>> -> memref<128xi32, #tpu.memory_space<hbm>>
        tpu.wait_dma2 semaphore(%arg27 : memref<!tpu.dma_semaphore, #tpu.memory_space<semaphore_mem>>) src(%dma_wait3A_276 : memref<128xi32, #tpu.memory_space<hbm>>) dst(%arg13 : memref<128xi32, #tpu.memory_space<vmem>>)
        %add3A_277 = arith.addi %select_n3A_12, %add3A_271 : i32
        %mul3A_278 = arith.constant 128 : i32
        %mul3A_279 = arith.muli %add3A_277, %mul3A_278 : i32
        %dma_wait3A_280 = tpu.memref_slice %arg5[%mul3A_279] : memref<320256xi32, #tpu.memory_space<hbm>> -> memref<128xi32, #tpu.memory_space<hbm>>
        %dma_wait3A_281 = tpu.memref_slice %arg5[%mul3A_279] : memref<320256xi32, #tpu.memory_space<hbm>> -> memref<128xi32, #tpu.memory_space<hbm>>
        tpu.wait_dma2 semaphore(%arg27 : memref<!tpu.dma_semaphore, #tpu.memory_space<semaphore_mem>>) src(%dma_wait3A_281 : memref<128xi32, #tpu.memory_space<hbm>>) dst(%arg14 : memref<128xi32, #tpu.memory_space<vmem>>)
        %dma_start3A_282 = arith.constant 0 : i32
        %dma_start3A_283 = arith.constant 0 : i32
        %dma_start3A_284 = tpu.memref_slice %arg8[%dma_start3A_282, %dma_start3A_283] : memref<10000x128xbf16, #tpu.memory_space<hbm>> -> memref<10000x128xbf16, #tpu.memory_space<hbm>>
        tpu.enqueue_indirect_dma source(%dma_start3A_284 : memref<10000x128xbf16, #tpu.memory_space<hbm>>) target(%arg21 : memref<128x128xbf16, #tpu.memory_space<vmem>>) offsets(%arg14 : memref<128xi32, #tpu.memory_space<vmem>>) semaphore(%arg26 : memref<!tpu.dma_semaphore, #tpu.memory_space<semaphore_mem>>)
      } else {
      }
      scf.yield %scan3A_247 : vector<16xf32>
    }
    %barrier3A_130 = arith.constant 0 : index
    tpu.barrier barrier_id(%barrier3A_130)
    %swap3A = arith.constant 0 : index
    %swap3A_131 = tpu.vector_load %arg23[%swap3A] {strides = array<i32>} : memref<16xf32, #tpu.memory_space<vmem>>, vector<16xf32>,
    %swap3A_132 = vector.shape_cast %swap3A_131 : vector<16xf32> to vector<16xf32>
    %swap3A_133 = vector.shape_cast %while3A_129 : vector<16xf32> to vector<16xf32>
    tpu.vector_store %arg23[%swap3A], %swap3A_133 {strides = array<i32>} : memref<16xf32, #tpu.memory_space<vmem>>, vector<16xf32>,
    "tpu.region"() ({
      %run_scoped3A = tpu.sem_alloc : memref<!tpu.dma_semaphore, #tpu.memory_space<semaphore_mem>>
      %dma_start3A_154 = arith.constant 0 : i32
      %dma_start3A_155 = tpu.memref_slice %arg9[%add3A, %dma_start3A_154] : memref<32x16xf32, #tpu.memory_space<hbm>> -> memref<1x16xf32, #tpu.memory_space<hbm>>
      %dma_start3A_156 = tpu.memref_squeeze %dma_start3A_155 : memref<1x16xf32, #tpu.memory_space<hbm>> -> memref<16xf32, #tpu.memory_space<hbm>>
      %dma_start3A_157 = arith.constant 0 : i32
      %dma_start3A_158 = tpu.memref_slice %arg9[%add3A, %dma_start3A_157] : memref<32x16xf32, #tpu.memory_space<hbm>> -> memref<1x16xf32, #tpu.memory_space<hbm>>
      %dma_start3A_159 = tpu.memref_squeeze %dma_start3A_158 : memref<1x16xf32, #tpu.memory_space<hbm>> -> memref<16xf32, #tpu.memory_space<hbm>>
      tpu.enqueue_dma source(%arg23 : memref<16xf32, #tpu.memory_space<vmem>>) target(%dma_start3A_159 : memref<16xf32, #tpu.memory_space<hbm>>) target_semaphore(%run_scoped3A : memref<!tpu.dma_semaphore, #tpu.memory_space<semaphore_mem>>)
      %dma_wait3A_160 = arith.constant 0 : i32
      %dma_wait3A_161 = tpu.memref_slice %arg9[%add3A, %dma_wait3A_160] : memref<32x16xf32, #tpu.memory_space<hbm>> -> memref<1x16xf32, #tpu.memory_space<hbm>>
      %dma_wait3A_162 = tpu.memref_squeeze %dma_wait3A_161 : memref<1x16xf32, #tpu.memory_space<hbm>> -> memref<16xf32, #tpu.memory_space<hbm>>
      %dma_wait3A_163 = arith.constant 0 : i32
      %dma_wait3A_164 = tpu.memref_slice %arg9[%add3A, %dma_wait3A_163] : memref<32x16xf32, #tpu.memory_space<hbm>> -> memref<1x16xf32, #tpu.memory_space<hbm>>
      %dma_wait3A_165 = tpu.memref_squeeze %dma_wait3A_164 : memref<1x16xf32, #tpu.memory_space<hbm>> -> memref<16xf32, #tpu.memory_space<hbm>>
      tpu.wait_dma2 semaphore(%run_scoped3A : memref<!tpu.dma_semaphore, #tpu.memory_space<semaphore_mem>>) src(%arg23 : memref<16xf32, #tpu.memory_space<vmem>>) dst(%dma_wait3A_165 : memref<16xf32, #tpu.memory_space<hbm>>)
      tpu.yield
    }) : () -> ()
    %mul3A_134 = arith.constant 640 : i32
    %mul3A_135 = arith.muli %arg1, %mul3A_134 : i32
    %add3A_136 = arith.constant 0 : i32
    %add3A_137 = arith.addi %mul3A_135, %add3A_136 : i32
    "tpu.region"() ({
      %run_scoped3A = tpu.sem_alloc : memref<!tpu.dma_semaphore, #tpu.memory_space<semaphore_mem>>
      %dma_start3A_154 = arith.constant 0 : i32
      %dma_start3A_155 = tpu.memref_slice %arg10[%arg0, %add3A_137, %dma_start3A_154] : memref<2x10240x128xbf16, #tpu.memory_space<hbm>> -> memref<1x128x128xbf16, #tpu.memory_space<hbm>>
      %dma_start3A_156 = tpu.memref_squeeze %dma_start3A_155 : memref<1x128x128xbf16, #tpu.memory_space<hbm>> -> memref<128x128xbf16, #tpu.memory_space<hbm>>
      %dma_start3A_157 = arith.constant 0 : i32
      %dma_start3A_158 = tpu.memref_slice %arg22[%add3A_137, %dma_start3A_157] : memref<10240x128xbf16, #tpu.memory_space<vmem_shared>> -> memref<128x128xbf16, #tpu.memory_space<vmem_shared>>
      tpu.enqueue_dma source(%dma_start3A_158 : memref<128x128xbf16, #tpu.memory_space<vmem_shared>>) target(%dma_start3A_156 : memref<128x128xbf16, #tpu.memory_space<hbm>>) target_semaphore(%run_scoped3A : memref<!tpu.dma_semaphore, #tpu.memory_space<semaphore_mem>>)
      %dma_wait3A_159 = arith.constant 0 : i32
      %dma_wait3A_160 = tpu.memref_slice %arg10[%arg0, %add3A_137, %dma_wait3A_159] : memref<2x10240x128xbf16, #tpu.memory_space<hbm>> -> memref<1x128x128xbf16, #tpu.memory_space<hbm>>
      %dma_wait3A_161 = tpu.memref_squeeze %dma_wait3A_160 : memref<1x128x128xbf16, #tpu.memory_space<hbm>> -> memref<128x128xbf16, #tpu.memory_space<hbm>>
      %dma_wait3A_162 = arith.constant 0 : i32
      %dma_wait3A_163 = tpu.memref_slice %arg22[%add3A_137, %dma_wait3A_162] : memref<10240x128xbf16, #tpu.memory_space<vmem_shared>> -> memref<128x128xbf16, #tpu.memory_space<vmem_shared>>
      tpu.wait_dma2 semaphore(%run_scoped3A : memref<!tpu.dma_semaphore, #tpu.memory_space<semaphore_mem>>) src(%dma_wait3A_163 : memref<128x128xbf16, #tpu.memory_space<vmem_shared>>) dst(%dma_wait3A_161 : memref<128x128xbf16, #tpu.memory_space<hbm>>)
      tpu.yield
    }) : () -> ()
    %mul3A_138 = arith.constant 640 : i32
    %mul3A_139 = arith.muli %arg1, %mul3A_138 : i32
    %add3A_140 = arith.constant 128 : i32
    %add3A_141 = arith.addi %mul3A_139, %add3A_140 : i32
    "tpu.region"() ({
      %run_scoped3A = tpu.sem_alloc : memref<!tpu.dma_semaphore, #tpu.memory_space<semaphore_mem>>
      %dma_start3A_154 = arith.constant 0 : i32
      %dma_start3A_155 = tpu.memref_slice %arg10[%arg0, %add3A_141, %dma_start3A_154] : memref<2x10240x128xbf16, #tpu.memory_space<hbm>> -> memref<1x128x128xbf16, #tpu.memory_space<hbm>>
      %dma_start3A_156 = tpu.memref_squeeze %dma_start3A_155 : memref<1x128x128xbf16, #tpu.memory_space<hbm>> -> memref<128x128xbf16, #tpu.memory_space<hbm>>
      %dma_start3A_157 = arith.constant 0 : i32
      %dma_start3A_158 = tpu.memref_slice %arg22[%add3A_141, %dma_start3A_157] : memref<10240x128xbf16, #tpu.memory_space<vmem_shared>> -> memref<128x128xbf16, #tpu.memory_space<vmem_shared>>
      tpu.enqueue_dma source(%dma_start3A_158 : memref<128x128xbf16, #tpu.memory_space<vmem_shared>>) target(%dma_start3A_156 : memref<128x128xbf16, #tpu.memory_space<hbm>>) target_semaphore(%run_scoped3A : memref<!tpu.dma_semaphore, #tpu.memory_space<semaphore_mem>>)
      %dma_wait3A_159 = arith.constant 0 : i32
      %dma_wait3A_160 = tpu.memref_slice %arg10[%arg0, %add3A_141, %dma_wait3A_159] : memref<2x10240x128xbf16, #tpu.memory_space<hbm>> -> memref<1x128x128xbf16, #tpu.memory_space<hbm>>
      %dma_wait3A_161 = tpu.memref_squeeze %dma_wait3A_160 : memref<1x128x128xbf16, #tpu.memory_space<hbm>> -> memref<128x128xbf16, #tpu.memory_space<hbm>>
      %dma_wait3A_162 = arith.constant 0 : i32
      %dma_wait3A_163 = tpu.memref_slice %arg22[%add3A_141, %dma_wait3A_162] : memref<10240x128xbf16, #tpu.memory_space<vmem_shared>> -> memref<128x128xbf16, #tpu.memory_space<vmem_shared>>
      tpu.wait_dma2 semaphore(%run_scoped3A : memref<!tpu.dma_semaphore, #tpu.memory_space<semaphore_mem>>) src(%dma_wait3A_163 : memref<128x128xbf16, #tpu.memory_space<vmem_shared>>) dst(%dma_wait3A_161 : memref<128x128xbf16, #tpu.memory_space<hbm>>)
      tpu.yield
    }) : () -> ()
    %mul3A_142 = arith.constant 640 : i32
    %mul3A_143 = arith.muli %arg1, %mul3A_142 : i32
    %add3A_144 = arith.constant 256 : i32
    %add3A_145 = arith.addi %mul3A_143, %add3A_144 : i32
    "tpu.region"() ({
      %run_scoped3A = tpu.sem_alloc : memref<!tpu.dma_semaphore, #tpu.memory_space<semaphore_mem>>
      %dma_start3A_154 = arith.constant 0 : i32
      %dma_start3A_155 = tpu.memref_slice %arg10[%arg0, %add3A_145, %dma_start3A_154] : memref<2x10240x128xbf16, #tpu.memory_space<hbm>> -> memref<1x128x128xbf16, #tpu.memory_space<hbm>>
      %dma_start3A_156 = tpu.memref_squeeze %dma_start3A_155 : memref<1x128x128xbf16, #tpu.memory_space<hbm>> -> memref<128x128xbf16, #tpu.memory_space<hbm>>
      %dma_start3A_157 = arith.constant 0 : i32
      %dma_start3A_158 = tpu.memref_slice %arg22[%add3A_145, %dma_start3A_157] : memref<10240x128xbf16, #tpu.memory_space<vmem_shared>> -> memref<128x128xbf16, #tpu.memory_space<vmem_shared>>
      tpu.enqueue_dma source(%dma_start3A_158 : memref<128x128xbf16, #tpu.memory_space<vmem_shared>>) target(%dma_start3A_156 : memref<128x128xbf16, #tpu.memory_space<hbm>>) target_semaphore(%run_scoped3A : memref<!tpu.dma_semaphore, #tpu.memory_space<semaphore_mem>>)
      %dma_wait3A_159 = arith.constant 0 : i32
      %dma_wait3A_160 = tpu.memref_slice %arg10[%arg0, %add3A_145, %dma_wait3A_159] : memref<2x10240x128xbf16, #tpu.memory_space<hbm>> -> memref<1x128x128xbf16, #tpu.memory_space<hbm>>
      %dma_wait3A_161 = tpu.memref_squeeze %dma_wait3A_160 : memref<1x128x128xbf16, #tpu.memory_space<hbm>> -> memref<128x128xbf16, #tpu.memory_space<hbm>>
      %dma_wait3A_162 = arith.constant 0 : i32
      %dma_wait3A_163 = tpu.memref_slice %arg22[%add3A_145, %dma_wait3A_162] : memref<10240x128xbf16, #tpu.memory_space<vmem_shared>> -> memref<128x128xbf16, #tpu.memory_space<vmem_shared>>
      tpu.wait_dma2 semaphore(%run_scoped3A : memref<!tpu.dma_semaphore, #tpu.memory_space<semaphore_mem>>) src(%dma_wait3A_163 : memref<128x128xbf16, #tpu.memory_space<vmem_shared>>) dst(%dma_wait3A_161 : memref<128x128xbf16, #tpu.memory_space<hbm>>)
      tpu.yield
    }) : () -> ()
    %mul3A_146 = arith.constant 640 : i32
    %mul3A_147 = arith.muli %arg1, %mul3A_146 : i32
    %add3A_148 = arith.constant 384 : i32
    %add3A_149 = arith.addi %mul3A_147, %add3A_148 : i32
    "tpu.region"() ({
      %run_scoped3A = tpu.sem_alloc : memref<!tpu.dma_semaphore, #tpu.memory_space<semaphore_mem>>
      %dma_start3A_154 = arith.constant 0 : i32
      %dma_start3A_155 = tpu.memref_slice %arg10[%arg0, %add3A_149, %dma_start3A_154] : memref<2x10240x128xbf16, #tpu.memory_space<hbm>> -> memref<1x128x128xbf16, #tpu.memory_space<hbm>>
      %dma_start3A_156 = tpu.memref_squeeze %dma_start3A_155 : memref<1x128x128xbf16, #tpu.memory_space<hbm>> -> memref<128x128xbf16, #tpu.memory_space<hbm>>
      %dma_start3A_157 = arith.constant 0 : i32
      %dma_start3A_158 = tpu.memref_slice %arg22[%add3A_149, %dma_start3A_157] : memref<10240x128xbf16, #tpu.memory_space<vmem_shared>> -> memref<128x128xbf16, #tpu.memory_space<vmem_shared>>
      tpu.enqueue_dma source(%dma_start3A_158 : memref<128x128xbf16, #tpu.memory_space<vmem_shared>>) target(%dma_start3A_156 : memref<128x128xbf16, #tpu.memory_space<hbm>>) target_semaphore(%run_scoped3A : memref<!tpu.dma_semaphore, #tpu.memory_space<semaphore_mem>>)
      %dma_wait3A_159 = arith.constant 0 : i32
      %dma_wait3A_160 = tpu.memref_slice %arg10[%arg0, %add3A_149, %dma_wait3A_159] : memref<2x10240x128xbf16, #tpu.memory_space<hbm>> -> memref<1x128x128xbf16, #tpu.memory_space<hbm>>
      %dma_wait3A_161 = tpu.memref_squeeze %dma_wait3A_160 : memref<1x128x128xbf16, #tpu.memory_space<hbm>> -> memref<128x128xbf16, #tpu.memory_space<hbm>>
      %dma_wait3A_162 = arith.constant 0 : i32
      %dma_wait3A_163 = tpu.memref_slice %arg22[%add3A_149, %dma_wait3A_162] : memref<10240x128xbf16, #tpu.memory_space<vmem_shared>> -> memref<128x128xbf16, #tpu.memory_space<vmem_shared>>
      tpu.wait_dma2 semaphore(%run_scoped3A : memref<!tpu.dma_semaphore, #tpu.memory_space<semaphore_mem>>) src(%dma_wait3A_163 : memref<128x128xbf16, #tpu.memory_space<vmem_shared>>) dst(%dma_wait3A_161 : memref<128x128xbf16, #tpu.memory_space<hbm>>)
      tpu.yield
    }) : () -> ()
    %mul3A_150 = arith.constant 640 : i32
    %mul3A_151 = arith.muli %arg1, %mul3A_150 : i32
    %add3A_152 = arith.constant 512 : i32
    %add3A_153 = arith.addi %mul3A_151, %add3A_152 : i32
    "tpu.region"() ({
      %run_scoped3A = tpu.sem_alloc : memref<!tpu.dma_semaphore, #tpu.memory_space<semaphore_mem>>
      %dma_start3A_154 = arith.constant 0 : i32
      %dma_start3A_155 = tpu.memref_slice %arg10[%arg0, %add3A_153, %dma_start3A_154] : memref<2x10240x128xbf16, #tpu.memory_space<hbm>> -> memref<1x128x128xbf16, #tpu.memory_space<hbm>>
      %dma_start3A_156 = tpu.memref_squeeze %dma_start3A_155 : memref<1x128x128xbf16, #tpu.memory_space<hbm>> -> memref<128x128xbf16, #tpu.memory_space<hbm>>
      %dma_start3A_157 = arith.constant 0 : i32
      %dma_start3A_158 = tpu.memref_slice %arg22[%add3A_153, %dma_start3A_157] : memref<10240x128xbf16, #tpu.memory_space<vmem_shared>> -> memref<128x128xbf16, #tpu.memory_space<vmem_shared>>
      tpu.enqueue_dma source(%dma_start3A_158 : memref<128x128xbf16, #tpu.memory_space<vmem_shared>>) target(%dma_start3A_156 : memref<128x128xbf16, #tpu.memory_space<hbm>>) target_semaphore(%run_scoped3A : memref<!tpu.dma_semaphore, #tpu.memory_space<semaphore_mem>>)
      %dma_wait3A_159 = arith.constant 0 : i32
      %dma_wait3A_160 = tpu.memref_slice %arg10[%arg0, %add3A_153, %dma_wait3A_159] : memref<2x10240x128xbf16, #tpu.memory_space<hbm>> -> memref<1x128x128xbf16, #tpu.memory_space<hbm>>
      %dma_wait3A_161 = tpu.memref_squeeze %dma_wait3A_160 : memref<1x128x128xbf16, #tpu.memory_space<hbm>> -> memref<128x128xbf16, #tpu.memory_space<hbm>>
      %dma_wait3A_162 = arith.constant 0 : i32
      %dma_wait3A_163 = tpu.memref_slice %arg22[%add3A_153, %dma_wait3A_162] : memref<10240x128xbf16, #tpu.memory_space<vmem_shared>> -> memref<128x128xbf16, #tpu.memory_space<vmem_shared>>
      tpu.wait_dma2 semaphore(%run_scoped3A : memref<!tpu.dma_semaphore, #tpu.memory_space<semaphore_mem>>) src(%dma_wait3A_163 : memref<128x128xbf16, #tpu.memory_space<vmem_shared>>) dst(%dma_wait3A_161 : memref<128x128xbf16, #tpu.memory_space<hbm>>)
      tpu.yield
    }) : () -> ()
    return
  }
}

module attributes {stable_mosaic.version = 14 : i64} {
  func.func @_tc_dense_body(%arg0: memref<10000x128xf32, #tpu.memory_space<vmem>>, %arg1: memref<2x10240x128xbf16, #tpu.memory_space<vmem>>, %arg2: memref<1x1xf32, #tpu.memory_space<vmem>>) attributes {dimension_semantics = [], scalar_prefetch = 0 : i64, scratch_operands = 0 : i64, tpu.core_type = #tpu.core_type<tc>} {
    %get3A = arith.constant 0 : index
    %get3A_0 = arith.constant 0 : index
    %get3A_1 = arith.constant 0 : index
    %get3A_2 = vector.load %arg1[%get3A, %get3A_0, %get3A_1] : memref<2x10240x128xbf16, #tpu.memory_space<vmem>>, vector<1x10000x128xbf16>
    %get3A_3 = vector.shape_cast %get3A_2 : vector<1x10000x128xbf16> to vector<10000x128xbf16>
    %convert_element_type3A = arith.extf %get3A_3 : vector<10000x128xbf16> to vector<10000x128xf32>
    %get3A_4 = arith.constant 1 : index
    %get3A_5 = arith.constant 0 : index
    %get3A_6 = arith.constant 0 : index
    %get3A_7 = vector.load %arg1[%get3A_4, %get3A_5, %get3A_6] : memref<2x10240x128xbf16, #tpu.memory_space<vmem>>, vector<1x10000x128xbf16>
    %get3A_8 = vector.shape_cast %get3A_7 : vector<1x10000x128xbf16> to vector<10000x128xbf16>
    %convert_element_type3A_9 = arith.extf %get3A_8 : vector<10000x128xbf16> to vector<10000x128xf32>
    %add3A = arith.addf %convert_element_type3A, %convert_element_type3A_9 : vector<10000x128xf32>
    %get3A_10 = arith.constant 0 : index
    %get3A_11 = arith.constant 0 : index
    %get3A_12 = vector.load %arg0[%get3A_10, %get3A_11] : memref<10000x128xf32, #tpu.memory_space<vmem>>, vector<10000x128xf32>
    %mul3A = arith.mulf %get3A_12, %add3A : vector<10000x128xf32>
    %reduce_sum3A = vector.shape_cast %mul3A : vector<10000x128xf32> to vector<1x10000x128xf32>
    %reduce_sum3A_13 = arith.constant dense<0.000000e+00> : vector<1xf32>
    %reduce_sum3A_14 = vector.multi_reduction <add>, %reduce_sum3A, %reduce_sum3A_13 [1, 2] : vector<1x10000x128xf32> to vector<1xf32>
    %reduce_sum3A_15 = vector.shape_cast %reduce_sum3A_14 : vector<1xf32> to vector<1x1x1xf32>
    %reduce_sum3A_16 = vector.extract %reduce_sum3A_15[0, 0, 0] : f32 from vector<1x1x1xf32>
    %reshape3A = vector.broadcast %reduce_sum3A_16 : f32 to vector<1x1xf32>
    %swap3A = arith.constant 0 : index
    %swap3A_17 = arith.constant 0 : index
    %swap3A_18 = vector.load %arg2[%swap3A, %swap3A_17] : memref<1x1xf32, #tpu.memory_space<vmem>>, vector<1x1xf32>
    tpu.vector_store %arg2[%swap3A, %swap3A_17], %reshape3A {strides = array<i32>} : memref<1x1xf32, #tpu.memory_space<vmem>>, vector<1x1xf32>,
    return
  }
}

</mosaic_0001>

<sc_bundles>
// kernel: kernel.4.cloned.1.call-start
scs
__scs_entry_jumppad:
0x0: {  	(pc) =	sbr.rel $0x88, $3  }
0x1: {  	(tag) =	ssettag $0x0;
	lr =	simm.s32 $0x1  }
0x2: {  	[smem:$0x3F9E] =	sst lr;
	_ =	strace $0xD0000000  }
0x3: {  	_ = 	snop  }
0x4: {  	_ = 	snop  }
0x5: {  	_ = 	snop  }
0x6: {  	_ = 	snop  }
0x7: {  	_ = 	snop  }
__scs_overlays_trampoline_lowered:
0x8: {  	[smem:$0x3FAD] =	sst s0  }
0x9: {  	[smem:$0x3FAE] =	sst s1  }
0xa: {  	[smem:$0x3FAF] =	sst s2  }
0xb: {  	[smem:$0x3FB0] =	sst s3  }
0xc: {  	[smem:$0x3FB1] =	sst s4  }
0xd: {  	[smem:$0x3FB2] =	sst s5  }
0xe: {  	[smem:$0x3FB3] =	sst s6  }
0xf: {  	[smem:$0x3FB4] =	sst s7  }
0x10: {  	[smem:$0x3FB5] =	sst s8  }
0x11: {  	[smem:$0x3FB6] =	sst s9;
	s0 =	simm.s32 @!p0 $0x0  }
0x12: {  	s1 =	sld [smem:$0x3F9C];
	s0 =	simm.s32 @p0 $0x1  }
0x13: {  	[smem:$0x3FB7] =	sst s0;
	s0 =	simm.s32 @!p1 $0x0  }
0x14: {  	s2 =	sld [smem:$0x3F9B];
	s0 =	simm.s32 @p1 $0x1  }
0x15: {  	[smem:$0x3FB8] =	sst s0;
	s0 =	simm.s32 @!p2 $0x0  }
0x16: {  	s3 =	sld [smem:$0x3FDB];
	s0 =	simm.s32 @p2 $0x1  }
0x17: {  	s4 =	simm.s32 $0x1BF5;
	[smem:$0x3FBA] =	sst s0  }
0x18: {  	s0 =	sld [smem:$0x3F9D];
	_ =	swait.ge [sflag:s4], $0x0  }
0x19: {  	s7 =	sld [smem:$0x3F9E]  }
0x1a: {  	s8 =	sadd.s32 $0xFFFFE003, lr  }
0x1b: {  	s9 =	sadd.s32 $0xFFFFFEF7, lr;
	s5 =	simm.s32 $0xFFFFFFFF;
	p2 =	slt.u32 s8, $0xFFFFF086  }
0x1c: {  	p1 =	slt.u32 s9, $0xF7A;
	s5 =	simm.s32 @!p2 $0x0  }
0x1d: {  	s5 =	simm.s32 @p1 $0x1;
	p0 =	seq.s32 s7, s2  }
0x1e: {  	s7 =	smul.u32 @!p0 $0xF7A, s2;
	p2 =	seq.s32 @!p0 s5, $0x0  }
0x1f: {  	s9 =	smul.u32 $0xF7A, s1;
	s8 =	simm.s32 @!p0 $0x1BF5;
	p2 =	por !p2, p0  }
0x20: {  	[sflag:s8] =	ssyncset.s32 @!p0 $0xFFFFF086;
	s6 =	sadd.s32 @!p0 s3, s7;
	s7 =	simm.s32 @!p0 $0x108  }
0x21: {  	s3 =	sadd.s32 s3, s9;
	s6 =	sadd.s32 @!p0 $0x88, s6;
	s7 =	simm.s32 @p2 $0x1082  }
0x22: {  	[simem:s7], [sflag:s8] =	dma.local @!p0 [hbm:s6], $0xF7A  }
0x23: {  	s9 =	sor.u32 $0xD0000000, s2;
	s6 =	simm.s32 $0x108;
	_ =	swait.ge @!p0 [sflag:s8], $0x0  }
0x24: {  	s3 =	sadd.s32 $0x88, s3;
	s6 =	simm.s32 @!p1 $0x1082;
	[sflag:s4] =	ssyncset.s32 $0xFFFFF086  }
0x25: {  	[simem:s6], [sflag:s4] =	dma.local [hbm:s3], $0xF7A  }
0x26: {  	[smem:$0x3F9E] =	sst s1;
	(tag) =	ssettag s2;
	_ =	strace s9  }
0x27: {  	s1 =	sld [smem:$0x3FAE]  }
0x28: {  	s2 =	sld [smem:$0x3FAF]  }
0x29: {  	s4 =	sld [smem:$0x3FB1]  }
0x2a: {  	p0 =	seq.s32 s5, $0x0;
	s5 =	sld [smem:$0x3FB2]  }
0x2b: {  	s6 =	sld [smem:$0x3FB3]  }
0x2c: {  	s7 =	sld [smem:$0x3FB4]  }
0x2d: {  	s3 =	simm.s32 $0x108;
	s8 =	sld [smem:$0x3FB5]  }
0x2e: {  	s3 =	simm.s32 @!p0 $0x1082;
	s9 =	sld [smem:$0x3FB6]  }
0x2f: {  	lr =	sadd.s32 s0, s3;
	s0 =	sld [smem:$0x3FAD]  }
0x30: {  	s3 =	sld [smem:$0x3FB0]  }
0x31: {  	[smem:$0x3FB9] =	sst s10  }
0x32: {  	s10 =	sld [smem:$0x3FB7];
	_ =	sdelay $0x3  }
0x33: {  	p0 =	seq.s32 s10, $0x1;
	s10 =	sld [smem:$0x3FB9];
	_ =	sdelay $0x3  }
0x34: {  	[smem:$0x3FB9] =	sst s10  }
0x35: {  	s10 =	sld [smem:$0x3FB8];
	_ =	sdelay $0x3  }
0x36: {  	p1 =	seq.s32 s10, $0x1;
	s10 =	sld [smem:$0x3FB9];
	_ =	sdelay $0x3  }
0x37: {  	[smem:$0x3FB9] =	sst s10  }
0x38: {  	s10 =	sld [smem:$0x3FBA]  }
0x39: {  	_ = 	snop;
	(pc) =	sbr.ind lr, $3  }
0x3a: {  	_ = 	snop  }
0x3b: {  	_ = 	snop  }
0x3c: {  	p2 =	seq.s32 s10, $0x1;
	s10 =	sld [smem:$0x3FB9]  }
0x3d: {  	_ =	shalt  }
0x3e: {  	_ =	shalt  }
0x3f: {  	_ =	shalt  }
0x40: {  	_ =	shalt  }
0x41: {  	_ =	shalt  }
0x42: {  	_ =	shalt  }
0x43: {  	_ =	shalt  }
0x44: {  	_ =	shalt  }
0x45: {  	_ =	shalt  }
0x46: {  	_ =	shalt  }
0x47: {  	_ =	shalt  }
0x48: {  	_ =	shalt  }
0x49: {  	_ =	shalt  }
0x4a: {  	_ =	shalt  }
0x4b: {  	_ =	shalt  }
0x4c: {  	_ =	shalt  }
0x4d: {  	_ =	shalt  }
0x4e: {  	_ =	shalt  }
0x4f: {  	_ =	shalt  }
0x50: {  	_ =	shalt  }
0x51: {  	_ =	shalt  }
0x52: {  	_ =	shalt  }
0x53: {  	_ =	shalt  }
0x54: {  	_ =	shalt  }
0x55: {  	_ =	shalt  }
0x56: {  	_ =	shalt  }
0x57: {  	_ =	shalt  }
0x58: {  	_ =	shalt  }
0x59: {  	_ =	shalt  }
0x5a: {  	_ =	shalt  }
0x5b: {  	_ =	shalt  }
0x5c: {  	_ =	shalt  }
0x5d: {  	_ =	shalt  }
0x5e: {  	_ =	shalt  }
0x5f: {  	_ =	shalt  }
0x60: {  	_ =	shalt  }
0x61: {  	_ =	shalt  }
0x62: {  	_ =	shalt  }
0x63: {  	_ =	shalt  }
0x64: {  	_ =	shalt  }
0x65: {  	_ =	shalt  }
0x66: {  	_ =	shalt  }
0x67: {  	_ =	shalt  }
0x68: {  	_ =	shalt  }
0x69: {  	_ =	shalt  }
0x6a: {  	_ =	shalt  }
0x6b: {  	_ =	shalt  }
0x6c: {  	_ =	shalt  }
0x6d: {  	_ =	shalt  }
0x6e: {  	_ =	shalt  }
0x6f: {  	_ =	shalt  }
0x70: {  	_ =	shalt  }
0x71: {  	_ =	shalt  }
0x72: {  	_ =	shalt  }
0x73: {  	_ =	shalt  }
0x74: {  	_ =	shalt  }
0x75: {  	_ =	shalt  }
0x76: {  	_ =	shalt  }
0x77: {  	_ =	shalt  }
0x78: {  	_ =	shalt  }
0x79: {  	_ =	shalt  }
0x7a: {  	_ =	shalt  }
0x7b: {  	_ =	shalt  }
0x7c: {  	_ =	shalt  }
0x7d: {  	_ =	shalt  }
0x7e: {  	_ =	shalt  }
0x7f: {  	_ =	shalt  }
0x80: {  	_ =	shalt  }
0x81: {  	_ =	shalt  }
0x82: {  	_ =	shalt  }
0x83: {  	_ =	shalt  }
0x84: {  	_ =	shalt  }
0x85: {  	_ =	shalt  }
0x86: {  	_ =	shalt  }
0x87: {  	_ =	shalt  }
.Lfunc_end0:
.L_simem_size_0:
called_computation_lowered:
.L_overlay_start_0:
0x88: {  	s2 =	sld [smem:$0x3FD9]  }
0x89: {  	s3 =	sld [smem:$0x3FFE];
	_ =	sdelay $0x1  }
0x8a: {  	s1 =	srdreg.scid  }
0x8b: {  	s0 =	sand.u32 $0x1, s1  }
0x8c: {  	s17 =	sshll.u32 s0, $0xA;
	s2 =	sadd.s32 s3, s2  }
0x8d: {  	s2 =	sadd.s32 s2, s17  }
0x8e: {  	[smem:$0x3FC5] =	sst s2  }
0x8f: {  	_ = 	snop  }
0x90: {  	s2 =	sld [smem:$0x3FC9];
	(tm) =	ssettm $0x1  }
0x91: {  	s18 =	sld [smem:$0x3FFB];
	_ =	sdelay $0x3  }
0x92: {  	_ =	strace s18  }
0x93: {  	s3 =	sld [smem:$0x3FFC];
	_ =	sdelay $0x3  }
0x94: {  	_ =	strace s3  }
0x95: {  	s3 =	sld [smem:$0x3FFD];
	_ =	sdelay $0x3  }
0x96: {  	_ =	strace s3  }
0x97: {  	_ =	strace $0x8FFFFFFF  }
0x98: {  	s19 =	sld [smem:$0x3FDB];
	_ =	sdelay $0x1  }
0x99: {  	s4 =	simm.s32 $_scs_section_size  }
0x9a: {  	s5 =	simm.s32 $_size__tile_overlayer_lowered;
	s6 =	simm.s32 $_tile_overlayer_lowered  }
0x9b: {  	s22 =	simm.s32 $0x1BFF;
	s21 =	sshll.u32 s6, $0x1;
	s3 =	sadd.s32 s4, s19  }
0x9c: {  	s7 =	simm.s32 $0x0;
	s20 =	sshll.u32 s5, $0x1;
	s5 =	sadd.s32 s21, s3  }
0x9d: {  	[timem:s7], [sflag:s22] =	dma.local [hbm:s5], s20  }
0x9e: {  	_ =	swait.ge [sflag:s22], s20  }
0x9f: {  	s4 =	ssub.s32 $0x0, s20;
	[sflag:s22] =	ssyncset.done $0x0  }
0xa0: {  	[sflag:s22] =	ssyncadd.s32 s4;
	_ =	sdelay $0x1  }
0xa1: {  	s23 =	simm.s32 $0x1B8B  }
0xa2: {  	_ =	swait.ge [sflag:s23], $0x1  }
0xa3: {  	[sflag:s23] =	ssyncset.done $0x0  }
0xa4: {  	s25 =	simm.s32 $0x1B8E;
	s24 =	sld [smem:$0x3FFE];
	[sflag:s23] =	ssyncadd.s32 $0xFFFFFFFF  }
0xa5: {  	s26 =	simm.s32 $execute0_lowered;
	[smem:$0x3FD2] =	sst s25  }
0xa6: {  	s5 =	sshll.u32 s26, $0x1;
	_ =	strace $0x80000046;
	[dreg:$0x1] =	wrdreg $0xFFFFFFFF  }
0xa7: {  	s28 =	simm.s32 $_size_execute0_lowered;
	s3 =	sadd.s32 s3, s5;
	[dreg:$0x0] =	wrdreg $0x0  }
0xa8: {  	s5 =	sshll.u32 s28, $0x1;
	[dreg:$0x2] =	wrdreg s3  }
0xa9: {  	[dreg:$0x3] =	wrdreg s5  }
0xaa: {  	[dreg:$0x4] =	wrdreg $0xC0  }
0xab: {  	_ =	task [dreg:s7], $0x5FFFF  }
0xac: {  	[dreg:$0x1] =	wrdreg $0xFFFFFFFF  }
0xad: {  	[dreg:$0x0] =	wrdreg $0x60  }
0xae: {  	[dreg:$0x2] =	wrdreg s24  }
0xaf: {  	[dreg:$0x3] =	wrdreg s2  }
0xb0: {  	[dreg:$0x4] =	wrdreg $0x102000  }
0xb1: {  	[dreg:$0x5] =	wrdreg $0x9  }
0xb2: {  	_ =	task.clear_ibuf [dreg:s7], $0x6FFFF;
	_ =	strace $0x90000046  }
0xb3: {  	s29 =	simm.s32 $0x9;
	_ =	strace $0x80000048  }
0xb4: {  	_ =	swait.ge [sflag:s29], $0x1  }
0xb5: {  	[sflag:s29] =	ssyncadd.s32 $0xFFFFFFFF  }
0xb6: {  	_ =	strace $0x90000048  }
0xb7: {  	_ =	sfence  }
0xb8: {  	s30 =	sld [smem:$0x0];
	_ =	sdelay $0x2  }
0xb9: {  	s31 =	sshll.u32 s1, $0xD;
	s1 =	sshrl.u32 s1, $0x2  }
0xba: {  	s3 =	sand.u32 $0x4000, s31;
	s1 =	sadd.s32 s1, s30  }
0xbb: {  	s0 =	sor.u32 s3, s0;
	s1 =	sshll.u32 s1, $0x11  }
0xbc: {  	s0 =	sor.u32 s1, s0  }
0xbd: {  	s0 =	sadd.s32 $0x8F2B, s0  }
0xbe: {  	[sflag:s0] =	ssyncadd.remote.s32 $0x1  }
0xbf: {  	_ =	sfence.sel $0xFFFF  }
0xc0: {  	[dreg:$0x0] =	wrdreg $0xFFFFFFFF;
	(pc) =	sbr.abs _section_cstart, $3  }
0xc1: {  	[dreg:$0x1] =	wrdreg $0xFFFFFFFF  }
0xc2: {  	_ =	task.clear_ibuf [dreg:s7], $0x2FFFF;
	_ =	strace $0x9FFFFFFF  }
0xc3: {  	(tm) =	ssettm $0x7FFFFFFF  }
tec
execute0_lowered:
.L_overlay_start_1:
0x0: {  	(tag) =	ssettag $0x1  }
0x1: {  	s1 =	rddreg [dreg:$0x0]  }
0x2: {  	s2 =	rddreg [dreg:$0x1]  }
0x3: {  	s3 =	rddreg [dreg:$0x2]  }
0x4: {  	s4 =	simm.s32 $0x0;
	s0 =	srdreg.scid;
	s16 =	stileid.u32  }
0x5: {  	[smem:$0x7FF] =	sst s4;
	s6 =	sadd.s32 $0x31200, s1;
	s5 =	sand.u32 $0x1, s0  }
0x6: {  	s29 =	sshll.u32 s16, $0x1;
	s7 =	sadd.s32 $0x27400, s1;
	s8 =	sadd.s32 $0x44E00, s1  }
0x7: {  	s9 =	sadd.s32 $0x3B000, s1;
	s14 =	sadd.s32 $0x4EC00, s1;
	s30 =	smul.u32 $0x14000, s16  }
0x8: {  	s10 =	sor.u32 s5, s29;
	s11 =	ssub.s32 $0x2, s5;
	s5 =	smul.u32 $0x140000, s5  }
0x9: {  	p0 =	seq.s32 s16, $0x0;
	_ =	strace $0x80000047;
	s13 =	smul.u32 $0x4E, s10  }
0xa: {  	s0 =	sshll.u32 s10, $0x1;
	s12 =	sshrl.u32 s11, $0x1;
	s15 =	smul.u32 $0x50, s10  }
0xb: {  	s16 =	sadd.s32 $0x4000, s30;
	s17 =	sadd.s32 $0x8000, s30;
	s18 =	sadd.s32 $0xC000, s30  }
0xc: {  	s21 =	sadd.s32 $0x10000, s30;
	s0 =	sadd.s32 s0, s1;
	s12 =	ssub.s32 s11, s12  }
0xd: {  	s11 =	simm.s32 $0x50;
	s19 =	sadd.s32 s30, s5;
	s20 =	sadd.s32 s5, s16  }
0xe: {  	s22 =	sadd.s32 s5, s18;
	s10 =	sadd.s32 $0x4, s13;
	s19 =	sshrl.u32 s19, $0x4  }
0xf: {  	s20 =	sshrl.u32 s20, $0x4;
	s23 =	sshrl.u32 s22, $0x4;
	s13 =	sshrl.u32 s30, $0x1  }
0x10: {  	s30 =	sshrl.u32 s16, $0x1;
	s0 =	sadd.s32 $0x76C00, s0;
	s10 =	smov.u32 @p0 s15  }
0x11: {  	s19 =	sadd.s32 s14, s19;
	s31 =	sadd.s32 s14, s20;
	[dreg:$0x17] =	wrdreg s0  }
0x12: {  	s20 =	sadd.s32 s5, s17;
	s5 =	sadd.s32 s5, s21;
	[dreg:$0x4] =	wrdreg s19  }
0x13: {  	[dreg:$0x5] =	wrdreg s31;
	s19 =	sshrl.u32 s20, $0x4;
	s20 =	sadd.s32 s30, s3  }
0x14: {  	s5 =	sshrl.u32 s5, $0x4;
	s19 =	sadd.s32 s14, s19;
	[dreg:$0x10] =	wrdreg s20  }
0x15: {  	s15 =	sshll.u32 s10, $0x4;
	s5 =	sadd.s32 s14, s5;
	[dreg:$0x6] =	wrdreg s19  }
0x16: {  	s11 =	simm.s32 @!p0 $0x4E;
	s30 =	sadd.s32 $0x200, s15;
	[dreg:$0x8] =	wrdreg s5  }
0x17: {  	s24 =	sand.u32 $0x1FFFFFE0, s15;
	s19 =	sadd.s32 s14, s23;
	[dreg:$0x16] =	wrdreg s30  }
0x18: {  	v0 =	vimm.s32 $0xEFCDAB89;
	v1 =	vimm.s32 $0x67452301;
	s22 =	sshrl.u32 s17, $0x1;
	s25 =	sadd.s32 s6, s24;
	[dreg:$0x7] =	wrdreg s19  }
0x19: {  	v0 =	vunpack.c.l.s4.s8 v0;
	v1 =	vunpack.c.l.s4.s8 v1;
	s16 =	simm.s32 $0x1;
	s26 =	sadd.s32 s7, s24;
	[dreg:$0x9] =	wrdreg s25  }
0x1a: {  	v2 =	vimm.s32 $0xDCFE98BA;
	v4 =	vimm.s32 $0x32107654;
	s0 =	simm.s32 $0x2;
	s28 =	sadd.s32 s8, s24;
	[dreg:$0xa] =	wrdreg s26  }
0x1b: {  	v5 =	vimm.s32 $0xFEDCBA98;
	v0 =	vunpack.c.0.s8.s32 v0;
	v1 =	vunpack.c.0.s8.s32 v1;
	s29 =	sadd.s32 s9, s24;
	s5 =	sor.u32 $0x10, s24;
	[dreg:$0xb] =	wrdreg s28  }
0x1c: {  	v6 =	vimm.s32 $0x76543210;
	v2 =	vunpack.c.l.s4.s8 v2;
	v4 =	vunpack.c.l.s4.s8 v4;
	s17 =	simm.s32 $0x0;
	[dreg:$0xc] =	wrdreg s29;
	s31 =	sadd.s32 s8, s5  }
0x1d: {  	v5 =	vunpack.c.l.s4.s8 v5;
	v6 =	vunpack.c.l.s4.s8 v6;
	v3 =	vcombine.low v1, v0;
	s20 =	simm.s32 $0x80;
	s5 =	sadd.s32 s9, s5;
	[dreg:$0xd] =	wrdreg s31  }
0x1e: {  	v0 =	vunpack.c.0.s8.s32 v2;
	v1 =	vimm.s32 $0x54761032;
	v2 =	vimm.s32 $0xBA98FEDC;
	s23 =	sshrl.u32 s18, $0x1;
	s19 =	sadd.s32 s13, s3;
	[dreg:$0xe] =	wrdreg s5  }
0x1f: {  	v5 =	vunpack.c.0.s8.s32 v5;
	v1 =	vunpack.c.l.s4.s8 v1;
	v2 =	vunpack.c.l.s4.s8 v2;
	s24 =	sshrl.u32 s21, $0x1;
	s25 =	sadd.s32 s23, s3;
	[dreg:$0xf] =	wrdreg s19  }
0x20: {  	v4 =	vunpack.c.0.s8.s32 v4;
	v6 =	vunpack.c.0.s8.s32 v6;
	s14 =	sadd.s32 $0xFFFFFFFF, s11;
	s26 =	sadd.s32 s24, s3;
	[dreg:$0x12] =	wrdreg s25  }
0x21: {  	v5 =	vand.u32 $0xF, v5;
	v1 =	vunpack.c.0.s8.s32 v1;
	v2 =	vunpack.c.0.s8.s32 v2;
	s21 =	simm.s32 $0xE200;
	s28 =	sadd.s32 $0x400, s15;
	[dreg:$0x13] =	wrdreg s26  }
0x22: {  	v5 =	vcombine.low v5, v6;
	s18 =	simm.s32 $0x3;
	s29 =	sadd.s32 $0x300, s15;
	[dreg:$0x14] =	wrdreg s28  }
0x23: {  	s13 =	sshrl.u32 s11, $0x1;
	v7 =	vcombine.low v1, v0;
	v4 =	vcombine.low v4, v2;
	s5 =	sadd.s32 s22, s3;
	[dreg:$0x15] =	wrdreg s29  }
0x24: {  	v6 =	vimm.s32 $0xFFFFFF81;
	s15 =	simm.s32 $0x7;
	v0 =	vimm.bf16 $0.0e+00;
	v1 =	vlaneseq.u32;
	s31 =	smax.u32 s12, $0x1;
	[dreg:$0x11] =	wrdreg s5  }
0x25: {  	v2 =	vand.u32 $0xF, v3;
	s12 =	sadd.s32 $0x13A00, s1;
	s19 =	simm.s32 $0x2100;
	[dreg:$0x18] =	wrdreg s31;
	v3 =	vand.u32 $0xF, v7;
	v4 =	vand.u32 $0xF, v4  }
.LBB2_1:
0x26: {  	[dreg:$0x19] =	wrdreg s17  }
0x27: {  	s5 =	rddreg [dreg:$0x9]  }
0x28: {  	[tilespmem:s4], [sflag:$0x7] =	stream.linear.gather [hbm4b:s5+s4], $0x1000, $0x38;
	[tilespmem:$0x1A210] =	vst v63  }
0x29: {  	_ =	swait.ge [sflag:s15], $0x1000  }
0x2a: {  	[sflag:s15] =	ssyncset.done $0x0  }
0x2b: {  	s17 =	simm.s32 $0x1000;
	s28 =	rddreg [dreg:$0xa];
	[sflag:s15] =	ssyncadd.s32 $0xFFFFF000  }
0x2c: {  	[tilespmem:s17], [sflag:$0x7] =	stream.linear.gather [hbm4b:s28+s4], $0x1000, $0x38;
	[tilespmem:$0x1A210] =	vst v63  }
0x2d: {  	_ =	swait.ge [sflag:s15], $0x1000  }
0x2e: {  	[sflag:s15] =	ssyncset.done $0x0  }
0x2f: {  	s22 =	simm.s32 $0x2000;
	s29 =	rddreg [dreg:$0xb];
	[sflag:s15] =	ssyncadd.s32 $0xFFFFF000  }
0x30: {  	[tilespmem:s22], [sflag:$0x4] =	stream.linear.gather [hbm4b:s29+s4], $0x80, $0x38;
	[tilespmem:$0x1A210] =	vst v63  }
0x31: {  	s31 =	simm.s32 $0x2080;
	s30 =	rddreg [dreg:$0xc]  }
0x32: {  	[tilespmem:s31], [sflag:$0x4] =	stream.linear.gather [hbm4b:s30+s4], $0x80, $0x38;
	[tilespmem:$0x1A210] =	vst v63  }
0x33: {  	s23 =	rddreg [dreg:$0xd]  }
0x34: {  	[tilespmem:s19], [sflag:$0x5] =	stream.linear.gather [hbm4b:s23+s4], $0x80, $0x38;
	[tilespmem:$0x1A210] =	vst v63  }
0x35: {  	s25 =	simm.s32 $0x2180;
	s24 =	rddreg [dreg:$0xe]  }
0x36: {  	[tilespmem:s25], [sflag:$0x5] =	stream.linear.gather [hbm4b:s24+s4], $0x80, $0x38;
	[tilespmem:$0x1A210] =	vst v63  }
0x37: {  	s26 =	simm.s32 $0x2200  }
0x38: {  	[tilespmem:s26], [sflag:$0x1] =	stream.indirect.gather [hbm4b:s2+s20], $0x80, s4, s20, $0xb8;
	[tilespmem:$0x1A210] =	vst v63  }
0x39: {  	s28 =	simm.s32 $0x6200  }
0x3a: {  	[tilespmem:s28], [sflag:$0x1] =	stream.indirect.gather [hbm4b:s12+s20], $0x40, s17, s20, $0xb8;
	[tilespmem:$0x1A210] =	vst v63  }
0x3b: {  	s5 =	simm.s32 $0x0;
	s29 =	simm.s32 $0x8200  }
0x3c: {  	[tilespmem:s29], [sflag:$0x2] =	stream.indirect.gather [hbm4b:s2+s20], $0x80, s20, s20, $0xb8;
	[tilespmem:$0x1A210] =	vst v63  }
0x3d: {  	s22 =	simm.s32 $0x100;
	s30 =	simm.s32 $0x1080;
	s31 =	simm.s32 $0xC200  }
0x3e: {  	[tilespmem:s31], [sflag:$0x2] =	stream.indirect.gather [hbm4b:s12+s20], $0x40, s30, s20, $0xb8;
	[tilespmem:$0x1A210] =	vst v63  }
.LBB2_2:
0x3f: {  	p0 =	sne.s32 s22, $0x7F00;
	[tilespmem:s5+$0xE230] =	vst v0;
	s23 =	smov.u32 s22;
	s22 =	sadd.s32 $0x100, s22  }
.Ltmp0:
0x40: {  	[tilespmem:s5+$0xE220] =	vst v0;
	(pc) =	sbr.rel @p0 .LBB2_2-.Ltmp0, $3  }
0x41: {  	[tilespmem:s5+$0xE200] =	vst v0  }
0x42: {  	[tilespmem:s5+$0xE210] =	vst v0;
	_ =	sdelay $0x1  }
0x43: {  	s5 =	sshra.s32 s23, $0x2  }
0x44: {  	[tilespmem:s5+$0xE230] =	vst v0  }
0x45: {  	[tilespmem:s5+$0xE220] =	vst v0  }
0x46: {  	[tilespmem:s5+$0xE200] =	vst v0  }
0x47: {  	[tilespmem:s5+$0xE210] =	vst v0;
	s24 =	rddreg [dreg:$0xf]  }
0x48: {  	[spmem:s24] =	stream.linear.scatter [tilespmem:s21], [sflag:$0x7], $0x2000, $0x38;
	[tilespmem:$0x1A210] =	vst v63  }
0x49: {  	_ =	swait.ge [sflag:s15], $0x2000  }
0x4a: {  	[sflag:s15] =	ssyncset.done $0x0  }
0x4b: {  	s25 =	rddreg [dreg:$0x10];
	[sflag:s15] =	ssyncadd.s32 $0xFFFFE000  }
0x4c: {  	[spmem:s25] =	stream.linear.scatter [tilespmem:s21], [sflag:$0x7], $0x2000, $0x38;
	[tilespmem:$0x1A210] =	vst v63  }
0x4d: {  	_ =	swait.ge [sflag:s15], $0x2000  }
0x4e: {  	[sflag:s15] =	ssyncset.done $0x0  }
0x4f: {  	s26 =	rddreg [dreg:$0x11];
	[sflag:s15] =	ssyncadd.s32 $0xFFFFE000  }
0x50: {  	[spmem:s26] =	stream.linear.scatter [tilespmem:s21], [sflag:$0x7], $0x2000, $0x38;
	[tilespmem:$0x1A210] =	vst v63  }
0x51: {  	_ =	swait.ge [sflag:s15], $0x2000  }
0x52: {  	[sflag:s15] =	ssyncset.done $0x0  }
0x53: {  	s28 =	rddreg [dreg:$0x12];
	[sflag:s15] =	ssyncadd.s32 $0xFFFFE000  }
0x54: {  	[spmem:s28] =	stream.linear.scatter [tilespmem:s21], [sflag:$0x7], $0x2000, $0x38;
	[tilespmem:$0x1A210] =	vst v63  }
0x55: {  	_ =	swait.ge [sflag:s15], $0x2000  }
0x56: {  	[sflag:s15] =	ssyncset.done $0x0  }
0x57: {  	s29 =	rddreg [dreg:$0x13];
	[sflag:s15] =	ssyncadd.s32 $0xFFFFE000  }
0x58: {  	[spmem:s29] =	stream.linear.scatter [tilespmem:s21], [sflag:$0x7], $0x2000, $0x38;
	[tilespmem:$0x1A210] =	vst v63  }
0x59: {  	_ =	swait.ge [sflag:s15], $0x2000  }
0x5a: {  	[sflag:s15] =	ssyncset.done $0x0  }
0x5b: {  	[sflag:s15] =	ssyncadd.s32 $0xFFFFE000  }
0x5c: {  	s30 =	simm.s32 $0x4;
	[bflag:$0x0] =	sbarrier.arrive $0xFFFF  }
0x5d: {  	_ =	swait.ge [sflag:s30], $0x80  }
0x5e: {  	[sflag:s30] =	ssyncset.done $0x0  }
0x5f: {  	[sflag:s30] =	ssyncadd.s32 $0xFFFFFF80  }
0x60: {  	_ =	swait.ge [sflag:s30], $0x80  }
0x61: {  	[sflag:s30] =	ssyncset.done $0x0  }
0x62: {  	s31 =	simm.s32 $0x2080;
	s23 =	simm.s32 $0x0;
	[sflag:s30] =	ssyncadd.s32 $0xFFFFFF80  }
0x63: {  	v7 =	vimm.f32 $0.0e+00;
	[tilespmem:s21], [sflag:$0x3] =	stream.indirect.gather [hbm4b:s1+s20], $0x40, s31, s20, $0xb8;
	[tilespmem:$0x1A210] =	vst v63  }
.LBB2_4:
0x64: {  	_ =	swait.ge [sflag:s16], $0x4000  }
0x65: {  	[sflag:s16] =	ssyncset.done $0x0  }
0x66: {  	[sflag:s16] =	ssyncadd.s32 $0xFFFFC000  }
0x67: {  	_ =	swait.ge [sflag:s16], $0x2000  }
0x68: {  	[sflag:s16] =	ssyncset.done $0x0  }
0x69: {  	p0 =	seq.s32 s23, $0x9;
	[sflag:s16] =	ssyncadd.s32 $0xFFFFE000  }
.Ltmp1:
0x6a: {  	_ =	swait.ge [sflag:s18], $0x2000;
	(pc) =	sbr.rel @p0 .LBB2_5-.Ltmp1, $4  }
0x6b: {  	[sflag:s18] =	ssyncset.done $0x0  }
0x6c: {  	s5 =	simm.s32 $0x2000;
	[sflag:s18] =	ssyncadd.s32 $0xFFFFE000  }
0x6d: {  	[spmem:s3] =	stream.indirect.scatter.add.bf16 [tilespmem:s21], [sflag:$0x6], $0x40, s5, s20, $0xb8;
	[tilespmem:$0x1A210] =	vst v63  }
0x6e: {  	s5 =	simm.s32 $0x1000  }
0x6f: {  	p0 =	seq.s32 s23, $0x19  }
.Ltmp2:
0x70: {  	_ = 	snop;
	(pc) =	sbr.rel @p0 .LBB2_9-.Ltmp2, $1  }
0x71: {  	_ =	sdelay $0x3  }
0x72: {  	p0 =	sne.s32 s23, $0x11  }
.Ltmp3:
0x73: {  	_ = 	snop;
	(pc) =	sbr.rel @p0 .LBB2_11-.Ltmp3, $1  }
0x74: {  	_ =	sdelay $0x3  }
.Ltmp4:
0x75: {  	(pc) =	sbr.rel .LBB2_10-.Ltmp4, $2  }
0x76: {  	_ =	sdelay $0x2  }
0x77: {  	s5 =	simm.s32 $0x1800;
	s24 =	simm.s32 $0x800;
	s22 =	rddreg [dreg:$0x15]  }
.LBB2_9:
.Ltmp5:
0x78: {  	(pc) =	sbr.rel .LBB2_10-.Ltmp5, $2  }
0x79: {  	_ =	sdelay $0x2  }
0x7a: {  	s22 =	rddreg [dreg:$0x14];
	s24 =	simm.s32 $0x0  }
.LBB2_5:
0x7b: {  	s22 =	rddreg [dreg:$0x16];
	s24 =	simm.s32 $0x0  }
.LBB2_10:
0x7c: {  	s25 =	sadd.s32 s6, s22  }
0x7d: {  	[tilespmem:s24], [sflag:$0x7] =	stream.linear.gather [hbm4b:s25+s4], $0x800, $0x38;
	[tilespmem:$0x1A210] =	vst v63  }
0x7e: {  	_ =	swait.ge [sflag:s15], $0x800  }
0x7f: {  	[sflag:s15] =	ssyncset.done $0x0  }
0x80: {  	s31 =	sadd.s32 s7, s22;
	[sflag:s15] =	ssyncadd.s32 $0xFFFFF800  }
0x81: {  	[tilespmem:s5], [sflag:$0x7] =	stream.linear.gather [hbm4b:s31+s4], $0x800, $0x38;
	[tilespmem:$0x1A210] =	vst v63  }
0x82: {  	_ =	swait.ge [sflag:s15], $0x800  }
0x83: {  	[sflag:s15] =	ssyncset.done $0x0  }
0x84: {  	[sflag:s15] =	ssyncadd.s32 $0xFFFFF800  }
.LBB2_11:
0x85: {  	s24 =	sshll.u32 s23, $0x1  }
0x86: {  	s25 =	simm.s32 $0x0;
	s30 =	simm.s32 $0x6280;
	s5 =	simm.s32 $0x2300  }
.LBB2_12:
0x87: {  	v10 =	vld [tilespmem:s5+$0xB0]  }
0x88: {  	v11 =	vld [tilespmem:s5+$0xF0]  }
0x89: {  	v12 =	vld [tilespmem:s5+$0x30]  }
0x8a: {  	v14 =	vld [tilespmem:s5+$0x70]  }
0x8b: {  	v9 =	vld [tilespmem:s30+$0x70]  }
0x8c: {  	v15 =	vld [tilespmem:s5+$0xFFFFFFB0]  }
0x8d: {  	v16 =	vld [tilespmem:s5+$0xFFFFFFF0]  }
0x8e: {  	v13 =	vld [tilespmem:s30+$0x30]  }
0x8f: {  	v17 =	vld [tilespmem:s5+$0xA0]  }
0x90: {  	v18 =	vld [tilespmem:s5+$0xE0]  }
0x91: {  	v19 =	vld [tilespmem:s5+$0xFFFFFF30]  }
0x92: {  	v20 =	vld [tilespmem:s5+$0xFFFFFF70]  }
0x93: {  	v21 =	vld [tilespmem:s30+$0xFFFFFFF0]  }
0x94: {  	v26 =	vld [tilespmem:s5+$0x20]  }
0x95: {  	v27 =	vld [tilespmem:s5+$0x60]  }
0x96: {  	v22 =	vld [tilespmem:s30+$0x60]  }
0x97: {  	v23 =	vld [tilespmem:s30+$0xFFFFFFB0]  }
0x98: {  	v28 =	vld [tilespmem:s5+$0xFFFFFFA0]  }
0x99: {  	v31 =	vld [tilespmem:s5+$0xFFFFFFE0]  }
0x9a: {  	v24 =	vld [tilespmem:s30+$0x20]  }
0x9b: {  	v32 =	vld [tilespmem:s5+$0x80]  }
0x9c: {  	v33 =	vld [tilespmem:s5+$0xC0]  }
0x9d: {  	v34 =	vld [tilespmem:s5+$0x90]  }
0x9e: {  	v36 =	vld [tilespmem:s5+$0xFFFFFF20]  }
0x9f: {  	v43 =	vld [tilespmem:s5+$0xFFFFFF60]  }
0xa0: {  	v25 =	vld [tilespmem:s30+$0xFFFFFFE0]  }
0xa1: {  	v8 =	vimm.f32 $0.0e+00;
	v29 =	vld [tilespmem:s30+$0x40]  }
0xa2: {  	v56 =	vld [tilespmem:s30+$0xFFFFFFC0];
	v30 =	vshll.u32 v9, $0x10;
	v35 =	vand.u32 $0xFFFF0000, v9;
	v37 =	vshll.u32 v13, $0x10  }
0xa3: {  	v58 =	vld [tilespmem:s30+$0xFFFFFFD0];
	v38 =	vand.u32 $0xFFFF0000, v13;
	v39 =	vshll.u32 v21, $0x10;
	v21 =	vand.u32 $0xFFFF0000, v21  }
0xa4: {  	v13 =	vld [tilespmem:s30+$0xFFFFFFA0];
	v40 =	vshll.u32 v22, $0x10;
	v41 =	vand.u32 $0xFFFF0000, v22;
	v42 =	vshll.u32 v23, $0x10  }
0xa5: {  	v22 =	vld [tilespmem:s30+$0x0];
	v44 =	vand.u32 $0xFFFF0000, v23;
	v45 =	vshll.u32 v24, $0x10;
	v46 =	vand.u32 $0xFFFF0000, v24  }
0xa6: {  	v48 =	vshll.u32 v25, $0x10;
	v49 =	vand.u32 $0xFFFF0000, v25;
	v25 =	vld [tilespmem:s30+$0x10];
	v10 =	vmul.f32 v30, v10  }
0xa7: {  	v47 =	vld [tilespmem:s5+$0x0];
	v50 =	vshll.u32 v29, $0x10;
	v11 =	vmul.f32 v35, v11;
	v15 =	vmul.f32 v39, v15  }
0xa8: {  	v9 =	vld [tilespmem:s30+$0x50];
	v52 =	vand.u32 $0xFFFF0000, v29;
	v23 =	vmul.f32 v38, v14;
	v17 =	vmul.f32 v40, v17  }
0xa9: {  	v51 =	vld [tilespmem:s5+$0x40];
	v39 =	vand.u32 $0xFFFF0000, v56;
	v40 =	vshll.u32 v58, $0x10;
	v54 =	vshll.u32 v13, $0x10  }
0xaa: {  	v60 =	vld [tilespmem:s30+$0xFFFFFF80];
	v55 =	vand.u32 $0xFFFF0000, v13;
	v57 =	vshll.u32 v22, $0x10;
	v13 =	vmul.f32 v37, v12  }
0xab: {  	v24 =	vld [tilespmem:s5+$0x10];
	v59 =	vand.u32 $0xFFFF0000, v22;
	v22 =	vmul.f32 v21, v16;
	v30 =	vshll.u32 v25, $0x10  }
0xac: {  	v29 =	vld [tilespmem:s5+$0xFFFFFF80];
	v12 =	vmul.f32 v42, v19;
	v14 =	vand.u32 $0xFFFF0000, v25;
	v25 =	vmul.f32 v41, v18  }
0xad: {  	v35 =	vld [tilespmem:s5+$0xFFFFFFC0];
	v53 =	vshll.u32 v9, $0x10;
	v18 =	vmul.f32 v44, v20;
	v19 =	vmul.f32 v45, v26  }
0xae: {  	v38 =	vld [tilespmem:s30+$0xFFFFFF90];
	v9 =	vand.u32 $0xFFFF0000, v9;
	v20 =	vmul.f32 v48, v28;
	v21 =	vmul.f32 v46, v27  }
0xaf: {  	v37 =	vshll.u32 v56, $0x10;
	v41 =	vld [tilespmem:s5+$0xFFFFFF90];
	v27 =	vmul.f32 v49, v31;
	v28 =	vmul.f32 v50, v32  }
0xb0: {  	v42 =	vld [tilespmem:s5+$0xFFFFFF00];
	v26 =	vand.u32 $0xFFFF0000, v58;
	v31 =	vmul.f32 v52, v33;
	v16 =	vmul.f32 v53, v34  }
0xb1: {  	s29 =	simm.s32 $0x4;
	v45 =	vshll.u32 v60, $0x10;
	v44 =	vld [tilespmem:s5+$0xFFFFFF40];
	v32 =	vmul.f32 v54, v36;
	v33 =	vmul.f32 v55, v43  }
0xb2: {  	s28 =	smov.u32 s5;
	s26 =	smov.u32 s30;
	s22 =	simm.s32 $0x0;
	v46 =	vand.u32 $0xFFFF0000, v60;
	v43 =	vld [tilespmem:s5+$0xFFFFFF10];
	v34 =	vmul.f32 v57, v47;
	v36 =	vmul.f32 v59, v51  }
.LBB2_13:
0xb3: {  	p0 =	slt.u32 s29, $0xC;
	v47 =	vshll.u32 v38, $0x10;
	v48 =	vld [tilespmem:s28+$0xFFFFFF50];
	v29 =	vmul.f32 v37, v29;
	v24 =	vmul.f32 v30, v24  }
0xb4: {  	v30 =	vand.u32 $0xFFFF0000, v38;
	v35 =	vmul.f32 v39, v35;
	v37 =	vld [tilespmem:s28+$0xFFFFFFD0];
	v38 =	vmul.f32 v40, v41  }
0xb5: {  	v23 =	vadd.f32 v23, v13;
	v41 =	vadd.f32 v11, v10;
	v39 =	vmul.f32 v45, v42;
	v40 =	vld [tilespmem:s28+$0x50]  }
0xb6: {  	v22 =	vadd.f32 v22, v15;
	v25 =	vadd.f32 v25, v17;
	v42 =	vmul.f32 v46, v44;
	v15 =	vld [tilespmem:s28+$0xD0];
	s28 =	sadd.s32 $0x200, s28  }
0xb7: {  	v18 =	vadd.f32 v18, v12;
	v19 =	vadd.f32 v21, v19;
	v10 =	vld [tilespmem:s28+$0xB0];
	v17 =	vmul.f32 v47, v43  }
0xb8: {  	v20 =	vadd.f32 v27, v20;
	v27 =	vadd.f32 v31, v28;
	v11 =	vld [tilespmem:s28+$0xF0];
	v21 =	vmul.f32 v30, v48  }
0xb9: {  	v28 =	vadd.f32 v33, v32;
	v30 =	vadd.f32 v36, v34;
	v13 =	vld [tilespmem:s28+$0x30];
	v26 =	vmul.f32 v26, v37  }
0xba: {  	s26 =	sadd.s32 $0x100, s26;
	v31 =	vadd.f32 v42, v39;
	v12 =	vld [tilespmem:s28+$0x70];
	v17 =	vadd.f32 v21, v17;
	v14 =	vmul.f32 v14, v40  }
0xbb: {  	v21 =	vadd.f32 v35, v29;
	v32 =	vld [tilespmem:s26+$0x70];
	v26 =	vadd.f32 v26, v38;
	v9 =	vmul.f32 v9, v15  }
0xbc: {  	v15 =	vld [tilespmem:s28+$0xFFFFFFB0];
	v17 =	vadd.f32 v17, v31;
	v24 =	vadd.f32 v14, v24  }
0xbd: {  	v14 =	vld [tilespmem:s28+$0xFFFFFFF0];
	v21 =	vadd.f32 v26, v21;
	v9 =	vadd.f32 v9, v16  }
0xbe: {  	v26 =	vld [tilespmem:s26+$0x30];
	v28 =	vadd.f32 v28, v17;
	v24 =	vadd.f32 v24, v30  }
0xbf: {  	v17 =	vld [tilespmem:s28+$0xA0];
	v20 =	vadd.f32 v20, v21;
	v9 =	vadd.f32 v9, v27  }
0xc0: {  	v16 =	vld [tilespmem:s28+$0xE0];
	v21 =	vadd.f32 v18, v28;
	v24 =	vadd.f32 v19, v24  }
0xc1: {  	v18 =	vld [tilespmem:s28+$0xFFFFFF30];
	v22 =	vadd.f32 v22, v20;
	v9 =	vadd.f32 v25, v9  }
0xc2: {  	v19 =	vld [tilespmem:s28+$0xFFFFFF70];
	v25 =	vperm.xlane v21, v2;
	v23 =	vadd.f32 v23, v24  }
0xc3: {  	v24 =	vld [tilespmem:s26+$0xFFFFFFF0];
	v27 =	vperm.xlane v22, v2;
	v9 =	vadd.f32 v41, v9  }
0xc4: {  	s31 =	sadd.s32 $0x3, s22;
	v28 =	vmov s22;
	v20 =	vld [tilespmem:s28+$0x20];
	v25 =	vadd.f32 v21, v25;
	v29 =	vperm.xlane v23, v2  }
0xc5: {  	s17 =	sadd.s32 $0x2, s22;
	v21 =	vld [tilespmem:s28+$0x60];
	v22 =	vadd.f32 v22, v27;
	v27 =	vmov s31;
	v30 =	vperm.xlane v9, v2  }
0xc6: {  	v34 =	vmov s17;
	v31 =	vld [tilespmem:s26+$0x60];
	v33 =	vperm.xlane v25, v3;
	v23 =	vadd.f32 v23, v29  }
0xc7: {  	s17 =	sadd.s32 $0x1, s22;
	s22 =	smov.u32 s29;
	vm1 =	veq.s32 v28, v1;
	v29 =	vld [tilespmem:s26+$0xFFFFFFB0];
	v28 =	vperm.xlane v22, v3;
	v9 =	vadd.f32 v9, v30  }
0xc8: {  	v30 =	vmov s17;
	v36 =	vld [tilespmem:s28+$0xFFFFFFA0];
	v25 =	vadd.f32 v25, v33;
	v33 =	vperm.xlane v23, v3  }
0xc9: {  	vm0 =	veq.s32 v27, v1;
	v42 =	vld [tilespmem:s28+$0xFFFFFFE0];
	v22 =	vadd.f32 v22, v28;
	v27 =	vperm.xlane v9, v3  }
0xca: {  	vm2 =	veq.s32 v34, v1;
	v28 =	vld [tilespmem:s26+$0x20];
	v35 =	vperm.xlane v25, v4;
	v23 =	vadd.f32 v23, v33  }
0xcb: {  	vm3 =	veq.s32 v30, v1;
	v33 =	vld [tilespmem:s28+$0x80];
	v30 =	vperm.xlane v22, v4;
	v9 =	vadd.f32 v9, v27  }
0xcc: {  	v27 =	vshll.u32 v32, $0x10;
	v34 =	vld [tilespmem:s28+$0xC0];
	v25 =	vadd.f32 v25, v35;
	v35 =	vperm.xlane v23, v4  }
0xcd: {  	v32 =	vand.u32 $0xFFFF0000, v32;
	v43 =	vld [tilespmem:s28+$0x90];
	v22 =	vadd.f32 v22, v30;
	v30 =	vperm.xlane v9, v4  }
0xce: {  	v37 =	vshll.u32 v26, $0x10;
	v46 =	vld [tilespmem:s28+$0xFFFFFF20];
	v38 =	vperm.xlane v25, v5;
	v23 =	vadd.f32 v23, v35  }
0xcf: {  	v26 =	vand.u32 $0xFFFF0000, v26;
	v47 =	vld [tilespmem:s28+$0xFFFFFF60];
	v35 =	vperm.xlane v22, v5;
	v9 =	vadd.f32 v9, v30  }
0xd0: {  	v39 =	vshll.u32 v24, $0x10;
	v30 =	vld [tilespmem:s26+$0xFFFFFFE0];
	v25 =	vadd.f32 v25, v38;
	v38 =	vperm.xlane v23, v5  }
0xd1: {  	v40 =	vand.u32 $0xFFFF0000, v24;
	v24 =	vld [tilespmem:s26+$0x40];
	v22 =	vadd.f32 v22, v35;
	v35 =	vperm.xlane v9, v5  }
0xd2: {  	v44 =	vshll.u32 v31, $0x10;
	v41 =	vld [tilespmem:s26+$0x50];
	v8 =	vsel vm1, v25, v8;
	v23 =	vadd.f32 v23, v38  }
0xd3: {  	v31 =	vand.u32 $0xFFFF0000, v31;
	v25 =	vld [tilespmem:s26+$0xFFFFFFA0];
	v8 =	vsel vm3, v22, v8;
	v9 =	vadd.f32 v9, v35  }
0xd4: {  	v38 =	vand.u32 $0xFFFF0000, v29;
	v35 =	vshll.u32 v29, $0x10;
	v22 =	vld [tilespmem:s26+$0x0];
	v8 =	vsel vm2, v23, v8  }
0xd5: {  	v45 =	vshll.u32 v28, $0x10;
	v28 =	vand.u32 $0xFFFF0000, v28;
	v48 =	vld [tilespmem:s28+$0x0];
	v8 =	vsel vm0, v9, v8  }
0xd6: {  	v49 =	vshll.u32 v30, $0x10;
	v50 =	vand.u32 $0xFFFF0000, v30;
	v51 =	vld [tilespmem:s26+$0x10];
	v52 =	vshll.u32 v24, $0x10  }
0xd7: {  	v54 =	vand.u32 $0xFFFF0000, v24;
	v53 =	vld [tilespmem:s28+$0x40];
	v55 =	vshll.u32 v41, $0x10;
	v9 =	vand.u32 $0xFFFF0000, v41  }
0xd8: {  	v10 =	vmul.f32 v27, v10;
	v56 =	vshll.u32 v25, $0x10;
	v57 =	vand.u32 $0xFFFF0000, v25;
	v41 =	vld [tilespmem:s26+$0xFFFFFFC0]  }
0xd9: {  	v13 =	vmul.f32 v37, v13;
	v11 =	vmul.f32 v32, v11;
	v58 =	vshll.u32 v22, $0x10;
	v24 =	vld [tilespmem:s28+$0x10]  }
0xda: {  	v15 =	vmul.f32 v39, v15;
	v23 =	vmul.f32 v26, v12;
	v59 =	vand.u32 $0xFFFF0000, v22;
	v32 =	vld [tilespmem:s26+$0xFFFFFFD0]  }
0xdb: {  	v17 =	vmul.f32 v44, v17;
	v22 =	vmul.f32 v40, v14;
	v29 =	vld [tilespmem:s28+$0xFFFFFF80];
	v30 =	vshll.u32 v51, $0x10  }
0xdc: {  	v12 =	vmul.f32 v35, v18;
	v25 =	vmul.f32 v31, v16;
	v14 =	vand.u32 $0xFFFF0000, v51;
	v60 =	vld [tilespmem:s26+$0xFFFFFF80]  }
0xdd: {  	v18 =	vmul.f32 v38, v19;
	v19 =	vmul.f32 v45, v20;
	v37 =	vshll.u32 v41, $0x10;
	v35 =	vld [tilespmem:s28+$0xFFFFFFC0]  }
.Ltmp6:
0xde: {  	v21 =	vmul.f32 v28, v21;
	v20 =	vmul.f32 v49, v36;
	v39 =	vand.u32 $0xFFFF0000, v41;
	v38 =	vld [tilespmem:s26+$0xFFFFFF90];
	(pc) =	sbr.rel @p0 .LBB2_13-.Ltmp6, $4  }
0xdf: {  	v27 =	vmul.f32 v50, v42;
	v28 =	vmul.f32 v52, v33;
	v40 =	vshll.u32 v32, $0x10;
	v41 =	vld [tilespmem:s28+$0xFFFFFF90]  }
0xe0: {  	v31 =	vmul.f32 v54, v34;
	v16 =	vmul.f32 v55, v43;
	v26 =	vand.u32 $0xFFFF0000, v32;
	v42 =	vld [tilespmem:s28+$0xFFFFFF00]  }
0xe1: {  	v33 =	vmul.f32 v57, v47;
	v32 =	vmul.f32 v56, v46;
	v45 =	vshll.u32 v60, $0x10;
	v44 =	vld [tilespmem:s28+$0xFFFFFF40]  }
0xe2: {  	s29 =	sadd.s32 $0x4, s29;
	v34 =	vmul.f32 v58, v48;
	v36 =	vmul.f32 v59, v53;
	v46 =	vand.u32 $0xFFFF0000, v60;
	v43 =	vld [tilespmem:s28+$0xFFFFFF10]  }
0xe3: {  	v47 =	vshll.u32 v38, $0x10;
	v48 =	vld [tilespmem:s28+$0xFFFFFF50];
	v29 =	vmul.f32 v37, v29;
	v13 =	vadd.f32 v23, v13  }
0xe4: {  	v24 =	vmul.f32 v30, v24;
	v56 =	vld [tilespmem:s28+$0xFFFFFFD0];
	v10 =	vadd.f32 v11, v10;
	v15 =	vadd.f32 v22, v15  }
0xe5: {  	v55 =	vand.u32 $0xFFFF0000, v38;
	v59 =	vld [tilespmem:s28+$0x50];
	v17 =	vadd.f32 v25, v17;
	v12 =	vadd.f32 v18, v12  }
0xe6: {  	v35 =	vmul.f32 v39, v35;
	v61 =	vld [tilespmem:s28+$0xD0];
	v63 =	vadd.f32 v21, v19;
	v20 =	vadd.f32 v27, v20  }
0xe7: {  	v31 =	vadd.f32 v31, v28;
	v58 =	vmul.f32 v45, v42;
	v60 =	vmul.f32 v46, v44  }
0xe8: {  	v33 =	vadd.f32 v33, v32;
	v62 =	vmul.f32 v47, v43;
	v30 =	vmul.f32 v55, v48  }
0xe9: {  	v57 =	vmul.f32 v40, v41;
	v34 =	vadd.f32 v36, v34;
	v26 =	vmul.f32 v26, v56  }
0xea: {  	v11 =	vadd.f32 v60, v58;
	v14 =	vmul.f32 v14, v59;
	v19 =	vadd.f32 v30, v62  }
0xeb: {  	v35 =	vadd.f32 v35, v29;
	v9 =	vmul.f32 v9, v61;
	v26 =	vadd.f32 v26, v57  }
0xec: {  	v14 =	vadd.f32 v14, v24;
	v11 =	vadd.f32 v19, v11  }
0xed: {  	v9 =	vadd.f32 v9, v16;
	v36 =	vadd.f32 v26, v35  }
0xee: {  	v14 =	vadd.f32 v14, v34;
	v11 =	vadd.f32 v33, v11  }
0xef: {  	v9 =	vadd.f32 v9, v31;
	v37 =	vadd.f32 v20, v36  }
0xf0: {  	v38 =	vadd.f32 v63, v14;
	v11 =	vadd.f32 v12, v11  }
0xf1: {  	v9 =	vadd.f32 v17, v9;
	v39 =	vadd.f32 v15, v37  }
0xf2: {  	v12 =	vadd.f32 v13, v38;
	v40 =	vperm.xlane v11, v2  }
0xf3: {  	v9 =	vadd.f32 v10, v9;
	v41 =	vperm.xlane v39, v2  }
0xf4: {  	v43 =	vperm.xlane v12, v2;
	v42 =	vadd.f32 v11, v40  }
0xf5: {  	v44 =	vperm.xlane v9, v2;
	v13 =	vadd.f32 v39, v41  }
0xf6: {  	v11 =	vadd.f32 v12, v43;
	v15 =	vperm.xlane v42, v3  }
0xf7: {  	v9 =	vadd.f32 v9, v44;
	v45 =	vperm.xlane v13, v3  }
0xf8: {  	v46 =	vperm.xlane v11, v3;
	v10 =	vadd.f32 v42, v15  }
0xf9: {  	v47 =	vperm.xlane v9, v3;
	v12 =	vadd.f32 v13, v45  }
0xfa: {  	v11 =	vadd.f32 v11, v46;
	v15 =	vperm.xlane v10, v4  }
0xfb: {  	v9 =	vadd.f32 v9, v47;
	v48 =	vperm.xlane v12, v4  }
0xfc: {  	v49 =	vperm.xlane v11, v4;
	v10 =	vadd.f32 v10, v15  }
0xfd: {  	v50 =	vmov s22;
	s17 =	sadd.s32 $0x3, s22;
	v51 =	vperm.xlane v9, v4;
	v12 =	vadd.f32 v12, v48  }
0xfe: {  	s26 =	sadd.s32 $0x2, s22;
	v52 =	vmov s17;
	v11 =	vadd.f32 v11, v49;
	v53 =	vperm.xlane v10, v5  }
0xff: {  	v54 =	vmov s26;
	v9 =	vadd.f32 v9, v51;
	v55 =	vperm.xlane v12, v5  }
0x100: {  	s31 =	sadd.s32 $0x1, s22;
	vm0 =	veq.s32 v50, v1;
	v56 =	vperm.xlane v11, v5;
	v10 =	vadd.f32 v10, v53  }
0x101: {  	v57 =	vmov s31;
	v58 =	vperm.xlane v9, v5;
	v12 =	vadd.f32 v12, v55  }
0x102: {  	vm1 =	veq.s32 v57, v1;
	v59 =	vadd.f32 v11, v56;
	v8 =	vsel vm0, v10, v8  }
0x103: {  	vm13 =	veq.s32 v54, v1;
	v9 =	vadd.f32 v9, v58;
	v8 =	vsel vm1, v12, v8  }
0x104: {  	vm14 =	veq.s32 v52, v1;
	v8 =	vsel vm13, v59, v8  }
0x105: {  	v8 =	vsel vm14, v9, v8  }
0x106: {  	v8 =	vsub.f32 $-3.205452110e-03, v8;
	_ =	sdelay $0x1  }
0x107: {  	v8 =	vmul.f32 $1.442695020e+00, v8;
	_ =	sdelay $0x1  }
0x108: {  	(erf) = vpow2.f32 v8;
	_ =	sdelay $0x8  }
0x109: {  	v8 =	vpop (erf)  }
0x10a: {  	v8 =	vsub.f32 $1.000000000e+00, v8;
	_ =	sdelay $0x1  }
0x10b: {  	v60 =	vand.u32 $0x7FFFFF, v8  }
0x10c: {  	v9 =	vor.u32 $0x3F800000, v60  }
0x10d: {  	v61 =	vmul.f32 $5.000000000e-01, v9  }
0x10e: {  	vm15 =	vgt.f32 v9, $1.414213540e+00  }
0x10f: {  	v9 =	vsel vm15, v61, v9  }
0x110: {  	v10 =	vadd.f32 $1.000000000e+00, v9;
	_ =	sdelay $0x1  }
0x111: {  	(erf) = vrcp.f32 v10;
	_ =	sdelay $0x7  }
0x112: {  	v9 =	vadd.f32 $-1.000000000e+00, v9  }
0x113: {  	v10 =	vpop (erf)  }
0x114: {  	v9 =	vmul.f32 v10, v9;
	_ =	sdelay $0x1  }
0x115: {  	v10 =	vmul.f32 v9, v9;
	_ =	sdelay $0x1  }
0x116: {  	v62 =	vmul.f32 $2.857142980e-01, v10;
	_ =	sdelay $0x1  }
0x117: {  	v11 =	vadd.f32 $4.000000060e-01, v62;
	_ =	sdelay $0x1  }
0x118: {  	v11 =	vmul.f32 v11, v10;
	_ =	sdelay $0x1  }
0x119: {  	v11 =	vadd.f32 $6.666666860e-01, v11  }
0x11a: {  	v8 =	vshrl.u32 v8, $0x17  }
0x11b: {  	v8 =	vand.u32 $0xFF, v8;
	v63 =	vsel vm15, $0xFFFFFF82, v6;
	v10 =	vmul.f32 v11, v10  }
0x11c: {  	v8 =	vadd.s32 v8, v63  }
0x11d: {  	s25 =	sadd.s32 $0x1, s25;
	v8 =	vcvt.s32.f32 v8;
	v10 =	vadd.f32 $2.000000000e+00, v10  }
0x11e: {  	p0 =	sne.s32 s25, $0x8  }
.Ltmp7:
0x11f: {  	v8 =	vmul.f32 $6.931471820e-01, v8;
	v9 =	vmul.f32 v10, v9;
	(pc) =	sbr.rel @p0 .LBB2_12-.Ltmp7, $3  }
0x120: {  	_ = 	snop  }
0x121: {  	v8 =	vadd.f32 v9, v8;
	_ =	sdelay $0x1  }
0x122: {  	s30 =	sadd.s32 $0x400, s30;
	s5 =	sadd.s32 $0x800, s5;
	v7 =	vadd.f32 v8, v7  }
0x123: {  	s5 =	sadd.s32 $0x2, s24  }
0x124: {  	p0 =	sge.u32 s5, s11  }
0x125: {  	s17 =	simm.s32 @p0 $0x6  }
0x126: {  	_ =	swait.ge @p0 [sflag:s17], $0x2000  }
0x127: {  	[sflag:s17] =	ssyncset.done @p0 $0x0  }
0x128: {  	[sflag:s17] =	ssyncadd.s32 @p0 $0xFFFFE000;
	s17 =	sshll.u32 @!p0 s5, $0x7  }
0x129: {  	s22 =	simm.s32 @!p0 $0x80;
	s25 =	simm.s32 @!p0 $0x2200;
	s17 =	sand.u32 @!p0 $0xF00, s17  }
0x12a: {  	[tilespmem:s25], [sflag:$0x1] =	stream.indirect.gather @!p0 [hbm4b:s2+s22], $0x80, s17, s22, $0xb8;
	[tilespmem:$0x1A210] =	vst v63  }
0x12b: {  	s17 =	sor.u32 @!p0 $0x1000, s17;
	s25 =	simm.s32 @!p0 $0x6200  }
0x12c: {  	[tilespmem:s25], [sflag:$0x1] =	stream.indirect.gather @!p0 [hbm4b:s12+s22], $0x40, s17, s22, $0xb8;
	[tilespmem:$0x1A210] =	vst v63  }
0x12d: {  	s17 =	simm.s32 @!p0 $0x6  }
0x12e: {  	s5 =	sadd.s32 @!p0 s10, s5;
	_ =	swait.ge @!p0 [sflag:s17], $0x2000  }
0x12f: {  	s5 =	sshll.u32 @!p0 s5, $0x4;
	s22 =	simm.s32 @!p0 $0x0;
	[sflag:s17] =	ssyncset.done @!p0 $0x0  }
0x130: {  	s25 =	simm.s32 @!p0 $0x2000;
	[sflag:s17] =	ssyncadd.s32 @!p0 $0xFFFFE000;
	s17 =	sadd.s32 @!p0 s8, s5  }
0x131: {  	[tilespmem:s25], [sflag:$0x4] =	stream.linear.gather @!p0 [hbm4b:s17+s22], $0x80, $0x38;
	[tilespmem:$0x1A210] =	vst v63  }
0x132: {  	p1 =	sge.u32 s24, s14;
	s5 =	sadd.s32 @!p0 s9, s5;
	s17 =	simm.s32 @!p0 $0x2080  }
0x133: {  	[tilespmem:s17], [sflag:$0x4] =	stream.linear.gather @!p0 [hbm4b:s5+s22], $0x80, $0x38;
	[tilespmem:$0x1A210] =	vst v63  }
0x134: {  	s5 =	simm.s32 @!p1 $0x5  }
0x135: {  	_ =	swait.ge @!p1 [sflag:s5], $0x80  }
0x136: {  	[sflag:s5] =	ssyncset.done @!p1 $0x0  }
0x137: {  	[sflag:s5] =	ssyncadd.s32 @!p1 $0xFFFFFF80  }
0x138: {  	_ =	swait.ge @!p1 [sflag:s5], $0x80  }
0x139: {  	s17 =	simm.s32 @!p1 $0x2180;
	[sflag:s5] =	ssyncset.done @!p1 $0x0  }
0x13a: {  	s22 =	simm.s32 @!p1 $0xE200;
	[sflag:s5] =	ssyncadd.s32 @!p1 $0xFFFFFF80;
	s5 =	simm.s32 @!p1 $0x80  }
0x13b: {  	[tilespmem:s22], [sflag:$0x3] =	stream.indirect.gather @!p1 [hbm4b:s1+s5], $0x40, s17, s5, $0xb8;
	[tilespmem:$0x1A210] =	vst v63  }
0x13c: {  	_ =	swait.ge [sflag:s0], $0x4000  }
0x13d: {  	[sflag:s0] =	ssyncset.done $0x0  }
0x13e: {  	[sflag:s0] =	ssyncadd.s32 $0xFFFFC000  }
0x13f: {  	_ =	swait.ge [sflag:s0], $0x2000  }
0x140: {  	[sflag:s0] =	ssyncset.done $0x0  }
0x141: {  	[sflag:s0] =	ssyncadd.s32 $0xFFFFE000  }
0x142: {  	_ =	swait.ge [sflag:s18], $0x2000  }
0x143: {  	s26 =	simm.s32 $0xC280;
	[sflag:s18] =	ssyncset.done $0x0  }
0x144: {  	s28 =	simm.s32 $0x8300;
	s25 =	simm.s32 $0x0;
	[sflag:s18] =	ssyncadd.s32 $0xFFFFE000  }
0x145: {  	[spmem:s3] =	stream.indirect.scatter.add.bf16 [tilespmem:s21], [sflag:$0x6], $0x40, s19, s20, $0xb8;
	[tilespmem:$0x1A210] =	vst v63  }
.LBB2_16:
0x146: {  	v10 =	vld [tilespmem:s28+$0xB0]  }
0x147: {  	v11 =	vld [tilespmem:s28+$0xF0]  }
0x148: {  	v12 =	vld [tilespmem:s28+$0x30]  }
0x149: {  	v14 =	vld [tilespmem:s28+$0x70]  }
0x14a: {  	v9 =	vld [tilespmem:s26+$0x70]  }
0x14b: {  	v15 =	vld [tilespmem:s28+$0xFFFFFFB0]  }
0x14c: {  	v16 =	vld [tilespmem:s28+$0xFFFFFFF0]  }
0x14d: {  	v13 =	vld [tilespmem:s26+$0x30]  }
0x14e: {  	v17 =	vld [tilespmem:s28+$0xA0]  }
0x14f: {  	v18 =	vld [tilespmem:s28+$0xE0]  }
0x150: {  	v19 =	vld [tilespmem:s28+$0xFFFFFF30]  }
0x151: {  	v20 =	vld [tilespmem:s28+$0xFFFFFF70]  }
0x152: {  	v21 =	vld [tilespmem:s26+$0xFFFFFFF0]  }
0x153: {  	v26 =	vld [tilespmem:s28+$0x20]  }
0x154: {  	v27 =	vld [tilespmem:s28+$0x60]  }
0x155: {  	v22 =	vld [tilespmem:s26+$0x60]  }
0x156: {  	v23 =	vld [tilespmem:s26+$0xFFFFFFB0]  }
0x157: {  	v28 =	vld [tilespmem:s28+$0xFFFFFFA0]  }
0x158: {  	v31 =	vld [tilespmem:s28+$0xFFFFFFE0]  }
0x159: {  	v24 =	vld [tilespmem:s26+$0x20]  }
0x15a: {  	v32 =	vld [tilespmem:s28+$0x80]  }
0x15b: {  	v33 =	vld [tilespmem:s28+$0xC0]  }
0x15c: {  	v34 =	vld [tilespmem:s28+$0x90]  }
0x15d: {  	v36 =	vld [tilespmem:s28+$0xFFFFFF20]  }
0x15e: {  	v43 =	vld [tilespmem:s28+$0xFFFFFF60]  }
0x15f: {  	v25 =	vld [tilespmem:s26+$0xFFFFFFE0]  }
0x160: {  	v8 =	vimm.f32 $0.0e+00;
	v29 =	vld [tilespmem:s26+$0x40]  }
0x161: {  	v56 =	vld [tilespmem:s26+$0xFFFFFFC0];
	v30 =	vshll.u32 v9, $0x10;
	v35 =	vand.u32 $0xFFFF0000, v9;
	v37 =	vshll.u32 v13, $0x10  }
0x162: {  	v58 =	vld [tilespmem:s26+$0xFFFFFFD0];
	v38 =	vand.u32 $0xFFFF0000, v13;
	v39 =	vshll.u32 v21, $0x10;
	v21 =	vand.u32 $0xFFFF0000, v21  }
0x163: {  	v13 =	vld [tilespmem:s26+$0xFFFFFFA0];
	v40 =	vshll.u32 v22, $0x10;
	v41 =	vand.u32 $0xFFFF0000, v22;
	v42 =	vshll.u32 v23, $0x10  }
0x164: {  	v22 =	vld [tilespmem:s26+$0x0];
	v44 =	vand.u32 $0xFFFF0000, v23;
	v45 =	vshll.u32 v24, $0x10;
	v46 =	vand.u32 $0xFFFF0000, v24  }
0x165: {  	v48 =	vshll.u32 v25, $0x10;
	v49 =	vand.u32 $0xFFFF0000, v25;
	v25 =	vld [tilespmem:s26+$0x10];
	v10 =	vmul.f32 v30, v10  }
0x166: {  	v47 =	vld [tilespmem:s28+$0x0];
	v50 =	vshll.u32 v29, $0x10;
	v11 =	vmul.f32 v35, v11;
	v15 =	vmul.f32 v39, v15  }
0x167: {  	v9 =	vld [tilespmem:s26+$0x50];
	v52 =	vand.u32 $0xFFFF0000, v29;
	v23 =	vmul.f32 v38, v14;
	v17 =	vmul.f32 v40, v17  }
0x168: {  	v51 =	vld [tilespmem:s28+$0x40];
	v39 =	vand.u32 $0xFFFF0000, v56;
	v40 =	vshll.u32 v58, $0x10;
	v54 =	vshll.u32 v13, $0x10  }
0x169: {  	v60 =	vld [tilespmem:s26+$0xFFFFFF80];
	v55 =	vand.u32 $0xFFFF0000, v13;
	v57 =	vshll.u32 v22, $0x10;
	v13 =	vmul.f32 v37, v12  }
0x16a: {  	v24 =	vld [tilespmem:s28+$0x10];
	v59 =	vand.u32 $0xFFFF0000, v22;
	v22 =	vmul.f32 v21, v16;
	v30 =	vshll.u32 v25, $0x10  }
0x16b: {  	v29 =	vld [tilespmem:s28+$0xFFFFFF80];
	v12 =	vmul.f32 v42, v19;
	v14 =	vand.u32 $0xFFFF0000, v25;
	v25 =	vmul.f32 v41, v18  }
0x16c: {  	v35 =	vld [tilespmem:s28+$0xFFFFFFC0];
	v53 =	vshll.u32 v9, $0x10;
	v18 =	vmul.f32 v44, v20;
	v19 =	vmul.f32 v45, v26  }
0x16d: {  	v38 =	vld [tilespmem:s26+$0xFFFFFF90];
	v9 =	vand.u32 $0xFFFF0000, v9;
	v20 =	vmul.f32 v48, v28;
	v21 =	vmul.f32 v46, v27  }
0x16e: {  	v37 =	vshll.u32 v56, $0x10;
	v41 =	vld [tilespmem:s28+$0xFFFFFF90];
	v27 =	vmul.f32 v49, v31;
	v28 =	vmul.f32 v50, v32  }
0x16f: {  	v42 =	vld [tilespmem:s28+$0xFFFFFF00];
	v26 =	vand.u32 $0xFFFF0000, v58;
	v31 =	vmul.f32 v52, v33;
	v16 =	vmul.f32 v53, v34  }
0x170: {  	s29 =	simm.s32 $0x4;
	v45 =	vshll.u32 v60, $0x10;
	v44 =	vld [tilespmem:s28+$0xFFFFFF40];
	v32 =	vmul.f32 v54, v36;
	v33 =	vmul.f32 v55, v43  }
0x171: {  	s5 =	smov.u32 s28;
	s30 =	smov.u32 s26;
	s22 =	simm.s32 $0x0;
	v46 =	vand.u32 $0xFFFF0000, v60;
	v43 =	vld [tilespmem:s28+$0xFFFFFF10];
	v34 =	vmul.f32 v57, v47;
	v36 =	vmul.f32 v59, v51  }
.LBB2_17:
0x172: {  	p1 =	slt.u32 s29, $0xC;
	v47 =	vshll.u32 v38, $0x10;
	v48 =	vld [tilespmem:s5+$0xFFFFFF50];
	v29 =	vmul.f32 v37, v29;
	v24 =	vmul.f32 v30, v24  }
0x173: {  	v30 =	vand.u32 $0xFFFF0000, v38;
	v35 =	vmul.f32 v39, v35;
	v37 =	vld [tilespmem:s5+$0xFFFFFFD0];
	v38 =	vmul.f32 v40, v41  }
0x174: {  	v23 =	vadd.f32 v23, v13;
	v41 =	vadd.f32 v11, v10;
	v39 =	vmul.f32 v45, v42;
	v40 =	vld [tilespmem:s5+$0x50]  }
0x175: {  	v22 =	vadd.f32 v22, v15;
	v25 =	vadd.f32 v25, v17;
	v42 =	vmul.f32 v46, v44;
	v15 =	vld [tilespmem:s5+$0xD0];
	s5 =	sadd.s32 $0x200, s5  }
0x176: {  	v18 =	vadd.f32 v18, v12;
	v19 =	vadd.f32 v21, v19;
	v10 =	vld [tilespmem:s5+$0xB0];
	v17 =	vmul.f32 v47, v43  }
0x177: {  	v20 =	vadd.f32 v27, v20;
	v27 =	vadd.f32 v31, v28;
	v11 =	vld [tilespmem:s5+$0xF0];
	v21 =	vmul.f32 v30, v48  }
0x178: {  	v28 =	vadd.f32 v33, v32;
	v30 =	vadd.f32 v36, v34;
	v13 =	vld [tilespmem:s5+$0x30];
	v26 =	vmul.f32 v26, v37  }
0x179: {  	s30 =	sadd.s32 $0x100, s30;
	v31 =	vadd.f32 v42, v39;
	v12 =	vld [tilespmem:s5+$0x70];
	v17 =	vadd.f32 v21, v17;
	v14 =	vmul.f32 v14, v40  }
0x17a: {  	v21 =	vadd.f32 v35, v29;
	v32 =	vld [tilespmem:s30+$0x70];
	v26 =	vadd.f32 v26, v38;
	v9 =	vmul.f32 v9, v15  }
0x17b: {  	v15 =	vld [tilespmem:s5+$0xFFFFFFB0];
	v17 =	vadd.f32 v17, v31;
	v24 =	vadd.f32 v14, v24  }
0x17c: {  	v14 =	vld [tilespmem:s5+$0xFFFFFFF0];
	v21 =	vadd.f32 v26, v21;
	v9 =	vadd.f32 v9, v16  }
0x17d: {  	v26 =	vld [tilespmem:s30+$0x30];
	v28 =	vadd.f32 v28, v17;
	v24 =	vadd.f32 v24, v30  }
0x17e: {  	v17 =	vld [tilespmem:s5+$0xA0];
	v20 =	vadd.f32 v20, v21;
	v9 =	vadd.f32 v9, v27  }
0x17f: {  	v16 =	vld [tilespmem:s5+$0xE0];
	v21 =	vadd.f32 v18, v28;
	v24 =	vadd.f32 v19, v24  }
0x180: {  	v18 =	vld [tilespmem:s5+$0xFFFFFF30];
	v22 =	vadd.f32 v22, v20;
	v9 =	vadd.f32 v25, v9  }
0x181: {  	v19 =	vld [tilespmem:s5+$0xFFFFFF70];
	v25 =	vperm.xlane v21, v2;
	v23 =	vadd.f32 v23, v24  }
0x182: {  	v24 =	vld [tilespmem:s30+$0xFFFFFFF0];
	v27 =	vperm.xlane v22, v2;
	v9 =	vadd.f32 v41, v9  }
0x183: {  	s17 =	sadd.s32 $0x3, s22;
	v28 =	vmov s22;
	v20 =	vld [tilespmem:s5+$0x20];
	v25 =	vadd.f32 v21, v25;
	v29 =	vperm.xlane v23, v2  }
0x184: {  	s31 =	sadd.s32 $0x2, s22;
	v21 =	vld [tilespmem:s5+$0x60];
	v22 =	vadd.f32 v22, v27;
	v27 =	vmov s17;
	v30 =	vperm.xlane v9, v2  }
0x185: {  	v34 =	vmov s31;
	v31 =	vld [tilespmem:s30+$0x60];
	v33 =	vperm.xlane v25, v3;
	v23 =	vadd.f32 v23, v29  }
0x186: {  	vm1 =	veq.s32 v28, v1;
	s17 =	sadd.s32 $0x1, s22;
	s22 =	smov.u32 s29;
	v29 =	vld [tilespmem:s30+$0xFFFFFFB0];
	v28 =	vperm.xlane v22, v3;
	v9 =	vadd.f32 v9, v30  }
0x187: {  	v30 =	vmov s17;
	v36 =	vld [tilespmem:s5+$0xFFFFFFA0];
	v25 =	vadd.f32 v25, v33;
	v33 =	vperm.xlane v23, v3  }
0x188: {  	vm0 =	veq.s32 v27, v1;
	v42 =	vld [tilespmem:s5+$0xFFFFFFE0];
	v22 =	vadd.f32 v22, v28;
	v27 =	vperm.xlane v9, v3  }
0x189: {  	vm2 =	veq.s32 v34, v1;
	v28 =	vld [tilespmem:s30+$0x20];
	v35 =	vperm.xlane v25, v4;
	v23 =	vadd.f32 v23, v33  }
0x18a: {  	vm3 =	veq.s32 v30, v1;
	v33 =	vld [tilespmem:s5+$0x80];
	v30 =	vperm.xlane v22, v4;
	v9 =	vadd.f32 v9, v27  }
0x18b: {  	v27 =	vshll.u32 v32, $0x10;
	v34 =	vld [tilespmem:s5+$0xC0];
	v25 =	vadd.f32 v25, v35;
	v35 =	vperm.xlane v23, v4  }
0x18c: {  	v32 =	vand.u32 $0xFFFF0000, v32;
	v43 =	vld [tilespmem:s5+$0x90];
	v22 =	vadd.f32 v22, v30;
	v30 =	vperm.xlane v9, v4  }
0x18d: {  	v37 =	vshll.u32 v26, $0x10;
	v46 =	vld [tilespmem:s5+$0xFFFFFF20];
	v38 =	vperm.xlane v25, v5;
	v23 =	vadd.f32 v23, v35  }
0x18e: {  	v26 =	vand.u32 $0xFFFF0000, v26;
	v47 =	vld [tilespmem:s5+$0xFFFFFF60];
	v35 =	vperm.xlane v22, v5;
	v9 =	vadd.f32 v9, v30  }
0x18f: {  	v39 =	vshll.u32 v24, $0x10;
	v30 =	vld [tilespmem:s30+$0xFFFFFFE0];
	v25 =	vadd.f32 v25, v38;
	v38 =	vperm.xlane v23, v5  }
0x190: {  	v40 =	vand.u32 $0xFFFF0000, v24;
	v24 =	vld [tilespmem:s30+$0x40];
	v22 =	vadd.f32 v22, v35;
	v35 =	vperm.xlane v9, v5  }
0x191: {  	v44 =	vshll.u32 v31, $0x10;
	v41 =	vld [tilespmem:s30+$0x50];
	v8 =	vsel vm1, v25, v8;
	v23 =	vadd.f32 v23, v38  }
0x192: {  	v31 =	vand.u32 $0xFFFF0000, v31;
	v25 =	vld [tilespmem:s30+$0xFFFFFFA0];
	v8 =	vsel vm3, v22, v8;
	v9 =	vadd.f32 v9, v35  }
0x193: {  	v38 =	vand.u32 $0xFFFF0000, v29;
	v35 =	vshll.u32 v29, $0x10;
	v22 =	vld [tilespmem:s30+$0x0];
	v8 =	vsel vm2, v23, v8  }
0x194: {  	v45 =	vshll.u32 v28, $0x10;
	v28 =	vand.u32 $0xFFFF0000, v28;
	v48 =	vld [tilespmem:s5+$0x0];
	v8 =	vsel vm0, v9, v8  }
0x195: {  	v49 =	vshll.u32 v30, $0x10;
	v50 =	vand.u32 $0xFFFF0000, v30;
	v51 =	vld [tilespmem:s30+$0x10];
	v52 =	vshll.u32 v24, $0x10  }
0x196: {  	v54 =	vand.u32 $0xFFFF0000, v24;
	v53 =	vld [tilespmem:s5+$0x40];
	v55 =	vshll.u32 v41, $0x10;
	v9 =	vand.u32 $0xFFFF0000, v41  }
0x197: {  	v10 =	vmul.f32 v27, v10;
	v56 =	vshll.u32 v25, $0x10;
	v57 =	vand.u32 $0xFFFF0000, v25;
	v41 =	vld [tilespmem:s30+$0xFFFFFFC0]  }
0x198: {  	v13 =	vmul.f32 v37, v13;
	v11 =	vmul.f32 v32, v11;
	v58 =	vshll.u32 v22, $0x10;
	v24 =	vld [tilespmem:s5+$0x10]  }
0x199: {  	v15 =	vmul.f32 v39, v15;
	v23 =	vmul.f32 v26, v12;
	v59 =	vand.u32 $0xFFFF0000, v22;
	v32 =	vld [tilespmem:s30+$0xFFFFFFD0]  }
0x19a: {  	v17 =	vmul.f32 v44, v17;
	v22 =	vmul.f32 v40, v14;
	v29 =	vld [tilespmem:s5+$0xFFFFFF80];
	v30 =	vshll.u32 v51, $0x10  }
0x19b: {  	v12 =	vmul.f32 v35, v18;
	v25 =	vmul.f32 v31, v16;
	v14 =	vand.u32 $0xFFFF0000, v51;
	v60 =	vld [tilespmem:s30+$0xFFFFFF80]  }
0x19c: {  	v18 =	vmul.f32 v38, v19;
	v19 =	vmul.f32 v45, v20;
	v37 =	vshll.u32 v41, $0x10;
	v35 =	vld [tilespmem:s5+$0xFFFFFFC0]  }
.Ltmp8:
0x19d: {  	v21 =	vmul.f32 v28, v21;
	v20 =	vmul.f32 v49, v36;
	v39 =	vand.u32 $0xFFFF0000, v41;
	v38 =	vld [tilespmem:s30+$0xFFFFFF90];
	(pc) =	sbr.rel @p1 .LBB2_17-.Ltmp8, $4  }
0x19e: {  	v27 =	vmul.f32 v50, v42;
	v28 =	vmul.f32 v52, v33;
	v40 =	vshll.u32 v32, $0x10;
	v41 =	vld [tilespmem:s5+$0xFFFFFF90]  }
0x19f: {  	v31 =	vmul.f32 v54, v34;
	v16 =	vmul.f32 v55, v43;
	v26 =	vand.u32 $0xFFFF0000, v32;
	v42 =	vld [tilespmem:s5+$0xFFFFFF00]  }
0x1a0: {  	v33 =	vmul.f32 v57, v47;
	v32 =	vmul.f32 v56, v46;
	v45 =	vshll.u32 v60, $0x10;
	v44 =	vld [tilespmem:s5+$0xFFFFFF40]  }
0x1a1: {  	s29 =	sadd.s32 $0x4, s29;
	v34 =	vmul.f32 v58, v48;
	v36 =	vmul.f32 v59, v53;
	v46 =	vand.u32 $0xFFFF0000, v60;
	v43 =	vld [tilespmem:s5+$0xFFFFFF10]  }
0x1a2: {  	v47 =	vshll.u32 v38, $0x10;
	v48 =	vld [tilespmem:s5+$0xFFFFFF50];
	v29 =	vmul.f32 v37, v29;
	v13 =	vadd.f32 v23, v13  }
0x1a3: {  	v24 =	vmul.f32 v30, v24;
	v56 =	vld [tilespmem:s5+$0xFFFFFFD0];
	v10 =	vadd.f32 v11, v10;
	v15 =	vadd.f32 v22, v15  }
0x1a4: {  	v55 =	vand.u32 $0xFFFF0000, v38;
	v59 =	vld [tilespmem:s5+$0x50];
	v17 =	vadd.f32 v25, v17;
	v12 =	vadd.f32 v18, v12  }
0x1a5: {  	v35 =	vmul.f32 v39, v35;
	v61 =	vld [tilespmem:s5+$0xD0];
	v63 =	vadd.f32 v21, v19;
	v20 =	vadd.f32 v27, v20  }
0x1a6: {  	v31 =	vadd.f32 v31, v28;
	v58 =	vmul.f32 v45, v42;
	v60 =	vmul.f32 v46, v44  }
0x1a7: {  	v33 =	vadd.f32 v33, v32;
	v62 =	vmul.f32 v47, v43;
	v30 =	vmul.f32 v55, v48  }
0x1a8: {  	v57 =	vmul.f32 v40, v41;
	v34 =	vadd.f32 v36, v34;
	v26 =	vmul.f32 v26, v56  }
0x1a9: {  	v11 =	vadd.f32 v60, v58;
	v14 =	vmul.f32 v14, v59;
	v19 =	vadd.f32 v30, v62  }
0x1aa: {  	v35 =	vadd.f32 v35, v29;
	v9 =	vmul.f32 v9, v61;
	v26 =	vadd.f32 v26, v57  }
0x1ab: {  	v14 =	vadd.f32 v14, v24;
	v11 =	vadd.f32 v19, v11  }
0x1ac: {  	v9 =	vadd.f32 v9, v16;
	v36 =	vadd.f32 v26, v35  }
0x1ad: {  	v14 =	vadd.f32 v14, v34;
	v11 =	vadd.f32 v33, v11  }
0x1ae: {  	v9 =	vadd.f32 v9, v31;
	v37 =	vadd.f32 v20, v36  }
0x1af: {  	v38 =	vadd.f32 v63, v14;
	v11 =	vadd.f32 v12, v11  }
0x1b0: {  	v9 =	vadd.f32 v17, v9;
	v39 =	vadd.f32 v15, v37  }
0x1b1: {  	v12 =	vadd.f32 v13, v38;
	v40 =	vperm.xlane v11, v2  }
0x1b2: {  	v9 =	vadd.f32 v10, v9;
	v41 =	vperm.xlane v39, v2  }
0x1b3: {  	v43 =	vperm.xlane v12, v2;
	v42 =	vadd.f32 v11, v40  }
0x1b4: {  	v44 =	vperm.xlane v9, v2;
	v13 =	vadd.f32 v39, v41  }
0x1b5: {  	v11 =	vadd.f32 v12, v43;
	v15 =	vperm.xlane v42, v3  }
0x1b6: {  	v9 =	vadd.f32 v9, v44;
	v45 =	vperm.xlane v13, v3  }
0x1b7: {  	v46 =	vperm.xlane v11, v3;
	v10 =	vadd.f32 v42, v15  }
0x1b8: {  	v47 =	vperm.xlane v9, v3;
	v12 =	vadd.f32 v13, v45  }
0x1b9: {  	v11 =	vadd.f32 v11, v46;
	v15 =	vperm.xlane v10, v4  }
0x1ba: {  	v9 =	vadd.f32 v9, v47;
	v48 =	vperm.xlane v12, v4  }
0x1bb: {  	v49 =	vperm.xlane v11, v4;
	v10 =	vadd.f32 v10, v15  }
0x1bc: {  	v50 =	vmov s22;
	s30 =	sadd.s32 $0x3, s22;
	v51 =	vperm.xlane v9, v4;
	v12 =	vadd.f32 v12, v48  }
0x1bd: {  	s17 =	sadd.s32 $0x2, s22;
	v52 =	vmov s30;
	v11 =	vadd.f32 v11, v49;
	v53 =	vperm.xlane v10, v5  }
0x1be: {  	v54 =	vmov s17;
	v9 =	vadd.f32 v9, v51;
	v55 =	vperm.xlane v12, v5  }
0x1bf: {  	s31 =	sadd.s32 $0x1, s22;
	vm0 =	veq.s32 v50, v1;
	v56 =	vperm.xlane v11, v5;
	v10 =	vadd.f32 v10, v53  }
0x1c0: {  	v57 =	vmov s31;
	v58 =	vperm.xlane v9, v5;
	v12 =	vadd.f32 v12, v55  }
0x1c1: {  	vm1 =	veq.s32 v57, v1;
	v59 =	vadd.f32 v11, v56;
	v8 =	vsel vm0, v10, v8  }
0x1c2: {  	vm13 =	veq.s32 v54, v1;
	v9 =	vadd.f32 v9, v58;
	v8 =	vsel vm1, v12, v8  }
0x1c3: {  	vm14 =	veq.s32 v52, v1;
	v8 =	vsel vm13, v59, v8  }
0x1c4: {  	v8 =	vsel vm14, v9, v8  }
0x1c5: {  	v8 =	vsub.f32 $-3.205452110e-03, v8;
	_ =	sdelay $0x1  }
0x1c6: {  	v8 =	vmul.f32 $1.442695020e+00, v8;
	_ =	sdelay $0x1  }
0x1c7: {  	(erf) = vpow2.f32 v8;
	_ =	sdelay $0x8  }
0x1c8: {  	v8 =	vpop (erf)  }
0x1c9: {  	v8 =	vsub.f32 $1.000000000e+00, v8;
	_ =	sdelay $0x1  }
0x1ca: {  	v60 =	vand.u32 $0x7FFFFF, v8  }
0x1cb: {  	v9 =	vor.u32 $0x3F800000, v60  }
0x1cc: {  	v61 =	vmul.f32 $5.000000000e-01, v9  }
0x1cd: {  	vm15 =	vgt.f32 v9, $1.414213540e+00  }
0x1ce: {  	v9 =	vsel vm15, v61, v9  }
0x1cf: {  	v10 =	vadd.f32 $1.000000000e+00, v9;
	_ =	sdelay $0x1  }
0x1d0: {  	(erf) = vrcp.f32 v10;
	_ =	sdelay $0x7  }
0x1d1: {  	v9 =	vadd.f32 $-1.000000000e+00, v9  }
0x1d2: {  	v10 =	vpop (erf)  }
0x1d3: {  	v9 =	vmul.f32 v10, v9;
	_ =	sdelay $0x1  }
0x1d4: {  	v10 =	vmul.f32 v9, v9;
	_ =	sdelay $0x1  }
0x1d5: {  	v62 =	vmul.f32 $2.857142980e-01, v10;
	_ =	sdelay $0x1  }
0x1d6: {  	v11 =	vadd.f32 $4.000000060e-01, v62;
	_ =	sdelay $0x1  }
0x1d7: {  	v11 =	vmul.f32 v11, v10;
	_ =	sdelay $0x1  }
0x1d8: {  	v11 =	vadd.f32 $6.666666860e-01, v11  }
0x1d9: {  	v8 =	vshrl.u32 v8, $0x17  }
0x1da: {  	v8 =	vand.u32 $0xFF, v8;
	v63 =	vsel vm15, $0xFFFFFF82, v6;
	v10 =	vmul.f32 v11, v10  }
0x1db: {  	v8 =	vadd.s32 v8, v63  }
0x1dc: {  	s25 =	sadd.s32 $0x1, s25;
	v8 =	vcvt.s32.f32 v8;
	v10 =	vadd.f32 $2.000000000e+00, v10  }
0x1dd: {  	p1 =	sne.s32 s25, $0x8  }
.Ltmp9:
0x1de: {  	v8 =	vmul.f32 $6.931471820e-01, v8;
	v9 =	vmul.f32 v10, v9;
	(pc) =	sbr.rel @p1 .LBB2_16-.Ltmp9, $3  }
0x1df: {  	_ = 	snop  }
0x1e0: {  	v8 =	vadd.f32 v9, v8;
	_ =	sdelay $0x1  }
0x1e1: {  	s26 =	sadd.s32 $0x400, s26;
	s28 =	sadd.s32 $0x800, s28;
	v7 =	vadd.f32 v8, v7  }
0x1e2: {  	s5 =	sadd.s32 $0x3, s24  }
0x1e3: {  	p1 =	sge.u32 s5, s11  }
0x1e4: {  	s17 =	simm.s32 @p1 $0x6  }
0x1e5: {  	_ =	swait.ge @p1 [sflag:s17], $0x2000  }
0x1e6: {  	[sflag:s17] =	ssyncset.done @p1 $0x0  }
0x1e7: {  	[sflag:s17] =	ssyncadd.s32 @p1 $0xFFFFE000;
	s17 =	sshll.u32 @!p1 s5, $0x7  }
0x1e8: {  	s22 =	simm.s32 @!p1 $0x80;
	s24 =	simm.s32 @!p1 $0x8200;
	s17 =	sand.u32 @!p1 $0xF80, s17  }
0x1e9: {  	[tilespmem:s24], [sflag:$0x2] =	stream.indirect.gather @!p1 [hbm4b:s2+s22], $0x80, s17, s22, $0xb8;
	[tilespmem:$0x1A210] =	vst v63  }
0x1ea: {  	s17 =	sor.u32 @!p1 $0x1000, s17;
	s24 =	simm.s32 @!p1 $0xC200  }
0x1eb: {  	[tilespmem:s24], [sflag:$0x2] =	stream.indirect.gather @!p1 [hbm4b:s12+s22], $0x40, s17, s22, $0xb8;
	[tilespmem:$0x1A210] =	vst v63  }
0x1ec: {  	s17 =	simm.s32 @!p1 $0x6  }
0x1ed: {  	s5 =	sadd.s32 @!p1 s10, s5;
	_ =	swait.ge @!p1 [sflag:s17], $0x2000  }
0x1ee: {  	s5 =	sshll.u32 @!p1 s5, $0x4;
	s22 =	simm.s32 @!p1 $0x0;
	[sflag:s17] =	ssyncset.done @!p1 $0x0  }
0x1ef: {  	s24 =	simm.s32 @!p1 $0x2100;
	[sflag:s17] =	ssyncadd.s32 @!p1 $0xFFFFE000;
	s17 =	sadd.s32 @!p1 s8, s5  }
0x1f0: {  	[tilespmem:s24], [sflag:$0x5] =	stream.linear.gather @!p1 [hbm4b:s17+s22], $0x80, $0x38;
	[tilespmem:$0x1A210] =	vst v63  }
0x1f1: {  	s5 =	sadd.s32 @!p1 s9, s5;
	s17 =	simm.s32 @!p1 $0x2180  }
0x1f2: {  	[tilespmem:s17], [sflag:$0x5] =	stream.linear.gather @!p1 [hbm4b:s5+s22], $0x80, $0x38;
	[tilespmem:$0x1A210] =	vst v63  }
0x1f3: {  	s5 =	simm.s32 @!p0 $0x4  }
0x1f4: {  	_ =	swait.ge @!p0 [sflag:s5], $0x80  }
0x1f5: {  	[sflag:s5] =	ssyncset.done @!p0 $0x0  }
0x1f6: {  	[sflag:s5] =	ssyncadd.s32 @!p0 $0xFFFFFF80  }
0x1f7: {  	_ =	swait.ge @!p0 [sflag:s5], $0x80  }
0x1f8: {  	s23 =	sadd.s32 $0x1, s23;
	s17 =	simm.s32 @!p0 $0x2080;
	[sflag:s5] =	ssyncset.done @!p0 $0x0  }
0x1f9: {  	s22 =	simm.s32 @!p0 $0xE200;
	[sflag:s5] =	ssyncadd.s32 @!p0 $0xFFFFFF80;
	s5 =	simm.s32 @!p0 $0x80  }
0x1fa: {  	[tilespmem:s22], [sflag:$0x3] =	stream.indirect.gather @!p0 [hbm4b:s1+s5], $0x40, s17, s5, $0xb8;
	[tilespmem:$0x1A210] =	vst v63  }
0x1fb: {  	p0 =	sne.s32 s23, s13  }
.Ltmp10:
0x1fc: {  	_ = 	snop;
	(pc) =	sbr.rel @p0 .LBB2_4-.Ltmp10, $1  }
0x1fd: {  	_ =	sdelay $0x3  }
0x1fe: {  	[bflag:$0x0] =	sbarrier.arrive $0xFFFF  }
0x1ff: {  	s17 =	simm.s32 $0x1A200;
	s28 =	stileid.u32;
	[tilespmem:$0x1A200] =	vst v7;
	s5 =	rddreg [dreg:$0x17]  }
0x200: {  	[hbm4b:s5+s4] =	stream.linear.scatter [tilespmem:s17], [sflag:$0x7], $0x10, $0x38;
	[tilespmem:$0x1A210] =	vst v63  }
0x201: {  	s5 =	sshll.u32 s28, $0x6;
	_ =	swait.ge [sflag:s15], $0x10  }
0x202: {  	s5 =	sor.u32 $0x1C07, s5;
	[sflag:s15] =	ssyncset.done $0x0;
	s29 =	rddreg [dreg:$0xf]  }
0x203: {  	s22 =	rddreg [dreg:$0x4];
	[sflag:s15] =	ssyncadd.s32 $0xFFFFFFF0;
	s17 =	sshrl.u32 s29, $0x3  }
0x204: {  	[hbm:s22], [sflag:s5] =	dma.local [spmem:s17], $0x400  }
0x205: {  	_ =	swait.ge [sflag:s15], $0x400  }
0x206: {  	[sflag:s15] =	ssyncset.done $0x0;
	s30 =	rddreg [dreg:$0x10]  }
0x207: {  	s31 =	rddreg [dreg:$0x5];
	[sflag:s15] =	ssyncadd.s32 $0xFFFFFC00;
	s17 =	sshrl.u32 s30, $0x3  }
0x208: {  	[hbm:s31], [sflag:s5] =	dma.local [spmem:s17], $0x400  }
0x209: {  	_ =	swait.ge [sflag:s15], $0x400  }
0x20a: {  	[sflag:s15] =	ssyncset.done $0x0;
	s23 =	rddreg [dreg:$0x11]  }
0x20b: {  	s24 =	rddreg [dreg:$0x6];
	[sflag:s15] =	ssyncadd.s32 $0xFFFFFC00;
	s17 =	sshrl.u32 s23, $0x3  }
0x20c: {  	[hbm:s24], [sflag:s5] =	dma.local [spmem:s17], $0x400  }
0x20d: {  	_ =	swait.ge [sflag:s15], $0x400  }
0x20e: {  	[sflag:s15] =	ssyncset.done $0x0;
	s25 =	rddreg [dreg:$0x12]  }
0x20f: {  	s26 =	rddreg [dreg:$0x7];
	[sflag:s15] =	ssyncadd.s32 $0xFFFFFC00;
	s17 =	sshrl.u32 s25, $0x3  }
0x210: {  	[hbm:s26], [sflag:s5] =	dma.local [spmem:s17], $0x400  }
0x211: {  	_ =	swait.ge [sflag:s15], $0x400  }
0x212: {  	[sflag:s15] =	ssyncset.done $0x0;
	s28 =	rddreg [dreg:$0x13]  }
0x213: {  	s29 =	rddreg [dreg:$0x8];
	[sflag:s15] =	ssyncadd.s32 $0xFFFFFC00;
	s17 =	sshrl.u32 s28, $0x3  }
0x214: {  	[hbm:s29], [sflag:s5] =	dma.local [spmem:s17], $0x400  }
0x215: {  	_ =	swait.ge [sflag:s15], $0x400  }
0x216: {  	s30 =	rddreg [dreg:$0x19]  }
0x217: {  	s31 =	rddreg [dreg:$0x18];
	s17 =	sadd.s32 $0x1, s30  }
0x218: {  	p0 =	sne.s32 s17, s31  }
.Ltmp11:
0x219: {  	_ = 	snop;
	(pc) =	sbr.rel @p0 .LBB2_1-.Ltmp11, $3  }
0x21a: {  	_ =	sdelay $0x1  }
0x21b: {  	[sflag:s15] =	ssyncset.done $0x0  }
0x21c: {  	[sflag:s15] =	ssyncadd.s32 $0xFFFFFC00  }
0x21d: {  	_ =	sfence.sel $0x180000  }
0x21e: {  	[bflag:$0x0] =	sbarrier.arrive $0xFFFF  }
0x21f: {  	_ =	strace $0x90000047  }
0x220: {  	s0 =	stileid.u32;
	[bflag:$0x2] =	sbarrier.arrive $0xFFFF  }
0x221: {  	p0 =	sne.s32 s0, $0x0;
	s0 =	rddreg [dreg:$0x3]  }
0x222: {  	s0 =	sadd.s32 @!p0 $0x100000, s0  }
0x223: {  	[sflag:s0] =	ssyncadd.tile.s32 @!p0 $0x1;
	_ =	shalt  }
.Lfunc_end2:
_tile_overlayer_lowered:
.L_overlay_start_2:
0x224: {  	(tag) =	ssettag $0x2  }
0x225: {  	s0 =	rddreg [dreg:$0x0];
	s2 =	stileid.u32  }
0x226: {  	s1 =	rddreg [dreg:$0x1];
	p0 =	sne.s32 s2, $0x0  }
0x227: {  	s3 =	rddreg [dreg:$0x2];
	[bflag:$0x3] =	sbarrier.arrive $0xFFFF;
	s2 =	simm.s32 @!p0 $0x1C07  }
0x228: {  	[timem:s3], [sflag:s2] =	dma.local @!p0 [hbm:s0], s1  }
0x229: {  	s0 =	simm.s32 @!p0 $0x7  }
0x22a: {  	_ =	swait.ge @!p0 [sflag:s0], s1  }
0x22b: {  	s1 =	ssub.s32 @!p0 $0x0, s1;
	[sflag:s0] =	ssyncset.done @!p0 $0x0  }
0x22c: {  	[sflag:s0] =	ssyncadd.s32 @!p0 s1  }
0x22d: {  	[bflag:$0x3] =	sbarrier.arrive $0xFFFF  }
0x22e: {  	_ =	shalt  }

</sc_bundles>
